<compile_context>
chip_gen: v7x
topology: tpu7x:2x2x1
jax: 0.10.2.dev20260603
libtpu: 0.0.44.dev20260713+nightly
codegen_flags: <defaults>
</compile_context>

<pallas_src>
import jax
import jax.numpy as jnp
from jax import lax
from jax.experimental import pallas as pl
from jax.experimental.pallas import tpu as pltpu
from jax.experimental.pallas import tpu_sc as plsc

_B = 16384
_NW = 32
_RW = _B // _NW
_G = 32
_NG = _RW // _G
_XW = 128


def _sc_gather_kernel(
    idx_h,
    pok_h, mv_h, ab_tab_h, it_tab_h, ty_h,
    x_o,
    pok_v, mv_v, ab_v, it_v, ty_v,
    idx_v, xball, isem, wsem,
):
  wid = lax.axis_index("c") * 16 + lax.axis_index("s")
  base = wid * _RW

  th = [pltpu.async_copy(h, v, isem) for h, v in
        ((pok_h, pok_v), (mv_h, mv_v), (ab_tab_h, ab_v), (it_tab_h, it_v),
         (ty_h, ty_v))]
  th += [pltpu.async_copy(idx_h.at[pl.ds(p * _B + base, _RW)],
                          idx_v.at[pl.ds(p * _RW, _RW)], isem)
         for p in range(5)]
  for h in th:
    h.wait()

  def z_body(i, _):
    xball[pl.ds(i * _XW + 112, 16)] = jnp.zeros((16,), jnp.float32)
    return 0

  lax.fori_loop(0, 2 * _G, z_body, 0)

  gsz = _G * _XW
  _iota16 = lax.iota(jnp.int32, 16)

  def grp_body(g, _):
    obase = (g % 2) * gsz

    @pl.when(g >= 2)
    def _reclaim():
      pltpu.make_async_copy(
          xball.at[pl.ds(0, gsz)],
          x_o.at[pl.ds(base * _XW, gsz)], wsem).wait()

    for sub in range(_G // 16):
      soff = (g * (_G // 16) + sub) * 16
      w0v = idx_v[pl.ds(soff, 16)]
      w1v = idx_v[pl.ds(_RW + soff, 16)]
      w2v = idx_v[pl.ds(2 * _RW + soff, 16)]
      w3v = idx_v[pl.ds(3 * _RW + soff, 16)]
      pkv = idx_v[pl.ds(4 * _RW + soff, 16)]
      rb = obase + (sub * 16 + _iota16) * _XW + 120
      plsc.store_scatter(xball, [rb], plsc.bitcast(pkv, jnp.float32))
      for j in range(16):
        o = obase + (sub * 16 + j) * _XW
        w0 = w0v[j]
        w1 = w1v[j]
        w2 = w2v[j]
        w3 = w3v[j]
        si = w0 & 0xFFFF
        i0 = lax.shift_right_logical(w0, 16)
        i1 = w1 & 0xFFFF
        i2 = lax.shift_right_logical(w1, 16)
        i3 = w2 & 0xFFFF
        ao = lax.shift_right_logical(w2, 16)
        io = w3 & 0xFFFF
        to = lax.shift_right_logical(w3, 16)
        for c in range(3):
          xball[pl.ds(o + c * 16, 16)] = pok_v[pl.ds(si + c * 16, 16)]
        for c in range(2):
          acc = (mv_v[pl.ds(i0 + c * 16, 16)] + mv_v[pl.ds(i1 + c * 16, 16)]
                 + mv_v[pl.ds(i2 + c * 16, 16)]
                 + mv_v[pl.ds(i3 + c * 16, 16)])
          xball[pl.ds(o + 48 + c * 16, 16)] = acc
        xball[pl.ds(o + 72, 16)] = ab_v[pl.ds(ao, 16)]
        xball[pl.ds(o + 88, 16)] = it_v[pl.ds(io, 16)]
        xball[pl.ds(o + 104, 16)] = ty_v[pl.ds(to, 16)]
    pltpu.async_copy(
        xball.at[pl.ds(obase, gsz)],
        x_o.at[pl.ds((base + g * _G) * _XW, gsz)], wsem)
    return 0

  lax.fori_loop(0, _NG, grp_body, 0)
  for _ in range(2):
    pltpu.make_async_copy(
        xball.at[pl.ds(0, gsz)],
        x_o.at[pl.ds(base * _XW, gsz)], wsem).wait()


def _make_sc_gather():
  f32 = jnp.float32
  i32 = jnp.int32
  out_type = [
      jax.ShapeDtypeStruct((_B * _XW,), f32),
  ]
  scratch = [
      pltpu.VMEM((1025 * 48,), f32),
      pltpu.VMEM((921 * 32,), f32),
      pltpu.VMEM((310 * 16,), f32),
      pltpu.VMEM((1200 * 16,), f32),
      pltpu.VMEM((19 * 16,), f32),
      pltpu.VMEM((5 * _RW,), i32),
      pltpu.VMEM((2 * _G * _XW,), f32),
      pltpu.SemaphoreType.DMA,
      pltpu.SemaphoreType.DMA,
  ]
  mesh = plsc.VectorSubcoreMesh(core_axis_name="c", subcore_axis_name="s")
  return pl.kernel(
      _sc_gather_kernel, out_type=out_type, mesh=mesh,
      scratch_types=scratch,
      compiler_params=pltpu.CompilerParams(use_tc_tiling_on_sc=False,
                                           disable_bounds_checks=True,
                                           needs_layout_passes=False))


_sc_gather = _make_sc_gather()

_BS = 1024


def _tc_mlp_kernel(x, ff, tytab, w1a, w1t2, w1mt, w1ff,
                   b1, w2, b2, out):
  f32 = jnp.float32
  xv = x[...]

  w = lax.bitcast_convert_type(xv[:, 120:121], jnp.int32)

  cnt = lax.shift_right_logical(w, 25).astype(f32)
  rm = 1.0 / jnp.maximum(cnt, 1.0)
  cols128 = lax.broadcasted_iota(jnp.int32, (_BS, _XW), 1)
  xs = xv * jnp.where((cols128 >= 48) & (cols128 < 72), rm, 1.0)

  cols = lax.broadcasted_iota(jnp.int32, (_BS, 32), 1)
  t2 = w & 31
  oh2 = (cols == t2).astype(f32)
  ohsum = jnp.zeros((_BS, 32), f32)
  ct = jnp.zeros((_BS, 1), f32)
  for j in range(4):
    c = lax.shift_right_logical(w, 5 + 5 * j) & 31
    nz = c != 0
    ohsum = ohsum + ((cols == c) & nz).astype(f32)
    ct = ct + nz.astype(f32)
  ohs = ohsum * (1.0 / jnp.maximum(ct, 1.0))

  p2 = jnp.dot(tytab[...], w1t2[...], preferred_element_type=f32)
  pt = jnp.dot(tytab[...], w1mt[...], preferred_element_type=f32)
  h = (jnp.dot(xs, w1a[...], preferred_element_type=f32)
       + jnp.dot(oh2, p2, preferred_element_type=f32)
       + jnp.dot(ohs, pt, preferred_element_type=f32)
       + jnp.dot(ff[...], w1ff[...], preferred_element_type=f32)
       + b1[...])
  h = jnp.maximum(h, 0.0)
  out[...] = jnp.maximum(
      jnp.dot(h, w2[...], preferred_element_type=f32) + b2[...], 0.0)


def _make_tc_mlp():
  def bspec(cols):
    return pl.BlockSpec((_BS, cols), lambda i: (i, 0))
  in_specs = [
      bspec(_XW),
      bspec(31),
      pl.BlockSpec((32, 16), lambda i: (0, 0)),
      pl.BlockSpec((128, 256), lambda i: (0, 0)),
      pl.BlockSpec((16, 256), lambda i: (0, 0)),
      pl.BlockSpec((16, 256), lambda i: (0, 0)),
      pl.BlockSpec((31, 256), lambda i: (0, 0)),
      pl.BlockSpec((1, 256), lambda i: (0, 0)),
      pl.BlockSpec((256, 128), lambda i: (0, 0)),
      pl.BlockSpec((1, 128), lambda i: (0, 0)),
  ]
  return pl.pallas_call(
      _tc_mlp_kernel,
      grid=(_B // _BS,),
      in_specs=in_specs,
      out_specs=pl.BlockSpec((_BS, 128), lambda i: (i, 0)),
      out_shape=jax.ShapeDtypeStruct((_B, 128), jnp.float32),
  )


_tc_mlp = _make_tc_mlp()


def kernel(species_idx, move_indices, ability_idx, item_idx, type_indices,
           move_type_indices, float_features, pokemon_table, move_table,
           ability_table, item_table, type_table, W1, b1, W2, b2):
  f32 = jnp.float32
  mv_tab = jnp.pad(
      jnp.concatenate([move_table, jnp.zeros((1, 24), f32)], axis=0),
      ((0, 0), (0, 8)))
  ty_pad = jnp.pad(type_table, ((0, 13), (0, 0)))
  w1a = jnp.concatenate([W1[:120], jnp.zeros((8, 256), f32)], axis=0)
  w1t2 = W1[120:136]
  w1mt = W1[136:152]
  w1ff = W1[152:183]

  mvo = jnp.where(move_indices == 0, 920, move_indices) * 32
  pk = (type_indices[:, 1]
        | (move_type_indices[:, 0] << 5)
        | (move_type_indices[:, 1] << 10)
        | (move_type_indices[:, 2] << 15)
        | (move_type_indices[:, 3] << 20)
        | (jnp.sum((move_indices != 0).astype(jnp.int32), axis=1) << 25))
  idx_pk = jnp.concatenate([
      (species_idx * 48 | mvo[:, 0] << 16)[None, :],
      (mvo[:, 1] | mvo[:, 2] << 16)[None, :],
      (mvo[:, 3] | ability_idx * 16 << 16)[None, :],
      (item_idx * 16 | type_indices[:, 0] * 16 << 16)[None, :],
      pk[None, :],
  ], axis=0)

  (x,) = _sc_gather(
      idx_pk.reshape(-1),
      pokemon_table.reshape(-1), mv_tab.reshape(-1),
      ability_table.reshape(-1), item_table.reshape(-1),
      type_table.reshape(-1))

  return _tc_mlp(x.reshape(_B, _XW), float_features, ty_pad, w1a, w1t2,
                 w1mt, w1ff, b1.reshape(1, 256), W2, b2.reshape(1, 128))

# --- scband reference (transcript-rebuilt; emitter-appended) ---
"""Pipeline reference for scband-shared-pokemon-encoder-76072460747008 (READ-ONLY COPY).

The authoritative reference and input builder live on the scoring server;
editing this copy changes nothing except your own understanding.
"""

import jax, jax.numpy as jnp
import numpy as np

B = 16384
TOTAL = 48 + 24 + 16 + 16 + 16 * 2 + 16 + 31  # 183


def setup_inputs(seed: int = 0) -> dict:
    key = jax.random.key(seed)
    ks = jax.random.split(key, 16)
    species_idx = jax.random.randint(ks[0], (B,), 0, 1025)
    move_indices = jax.random.randint(ks[1], (B, 4), 0, 920)
    ability_idx = jax.random.randint(ks[2], (B,), 0, 310)
    item_idx = jax.random.randint(ks[3], (B,), 0, 1200)
    type_indices = jax.random.randint(ks[4], (B, 2), 0, 19)
    move_type_indices = jax.random.randint(ks[5], (B, 4), 0, 19)
    float_features = jax.random.normal(ks[6], (B, 31), dtype=jnp.float32)
    pokemon_table = jax.random.normal(ks[7], (1025, 48), dtype=jnp.float32) * 0.02
    move_table = jax.random.normal(ks[8], (920, 24), dtype=jnp.float32) * 0.02
    ability_table = jax.random.normal(ks[9], (310, 16), dtype=jnp.float32) * 0.02
    item_table = jax.random.normal(ks[10], (1200, 16), dtype=jnp.float32) * 0.02
    type_table = jax.random.normal(ks[11], (19, 16), dtype=jnp.float32) * 0.02
    W1 = jax.random.normal(ks[12], (TOTAL, 256), dtype=jnp.float32) * (1.0 / np.sqrt(TOTAL))
    b1 = jnp.zeros((256,), dtype=jnp.float32)
    W2 = jax.random.normal(ks[13], (256, 128), dtype=jnp.float32) * (1.0 / np.sqrt(256.0))
    b2 = jnp.zeros((128,), dtype=jnp.float32)
    return {
        "species_idx": species_idx,
        "move_indices": move_indices,
        "ability_idx": ability_idx,
        "item_idx": item_idx,
        "type_indices": type_indices,
        "move_type_indices": move_type_indices,
        "float_features": float_features,
        "pokemon_table": pokemon_table,
        "move_table": move_table,
        "ability_table": ability_table,
        "item_table": item_table,
        "type_table": type_table,
        "W1": W1,
        "b1": b1,
        "W2": W2,
        "b2": b2,
    }


def reference(species_idx, move_indices, ability_idx, item_idx, type_indices,
              move_type_indices, float_features, pokemon_table, move_table,
              ability_table, item_table, type_table, W1, b1, W2, b2):
    se = jnp.take(pokemon_table, species_idx, axis=0)
    me = jnp.take(move_table, move_indices, axis=0)            # [B, 4, 24]
    mm = (move_indices != 0)[..., None].astype(jnp.float32)    # [B, 4, 1]
    me = (me * mm).sum(axis=1) / jnp.clip(mm.sum(axis=1), 1.0, None)
    ae = jnp.take(ability_table, ability_idx, axis=0)
    ie = jnp.take(item_table, item_idx, axis=0)
    t1e = jnp.take(type_table, type_indices[:, 0], axis=0)
    t2e = jnp.take(type_table, type_indices[:, 1], axis=0)
    mte = jnp.take(type_table, move_type_indices, axis=0)      # [B, 4, 16]
    mtm = (move_type_indices != 0)[..., None].astype(jnp.float32)
    mte = (mte * mtm).sum(axis=1) / jnp.clip(mtm.sum(axis=1), 1.0, None)
    x = jnp.concatenate([se, me, ae, ie, t1e, t2e, mte, float_features], axis=-1)
    h = jax.nn.relu(x @ W1 + b1)
    return jax.nn.relu(h @ W2 + b2)

if __name__ == "__main__":
    import jax
    _d = setup_inputs()
    print(jax.jit(kernel)(*tuple(_d.values())))

</pallas_src>

<mosaic_0001>
#map = affine_map<(d0, d1) -> (0)>
module attributes {stable_mosaic.version = 14 : i64} {
  func.func @_sc_gather_kernel(%arg0: i32, %arg1: i32, %arg2: memref<81920xi32, #tpu.memory_space<hbm>>, %arg3: memref<49200xf32, #tpu.memory_space<hbm>>, %arg4: memref<29472xf32, #tpu.memory_space<hbm>>, %arg5: memref<4960xf32, #tpu.memory_space<hbm>>, %arg6: memref<19200xf32, #tpu.memory_space<hbm>>, %arg7: memref<304xf32, #tpu.memory_space<hbm>>, %arg8: memref<2097152xf32, #tpu.memory_space<hbm>>, %arg9: memref<49200xf32, #tpu.memory_space<vmem>>, %arg10: memref<29472xf32, #tpu.memory_space<vmem>>, %arg11: memref<4960xf32, #tpu.memory_space<vmem>>, %arg12: memref<19200xf32, #tpu.memory_space<vmem>>, %arg13: memref<304xf32, #tpu.memory_space<vmem>>, %arg14: memref<2560xi32, #tpu.memory_space<vmem>>, %arg15: memref<8192xf32, #tpu.memory_space<vmem>>, %arg16: memref<!tpu.dma_semaphore, #tpu.memory_space<semaphore_mem>>, %arg17: memref<!tpu.dma_semaphore, #tpu.memory_space<semaphore_mem>>) attributes {dimension_semantics = [#tpu.dimension_semantics<core_parallel>, #tpu.dimension_semantics<subcore_parallel>], iteration_bounds = array<i64: 2, 16>, scalar_prefetch = 0 : i64, scratch_operands = 9 : i64, tpu.core_type = #tpu.core_type<sc_vector_subcore>, window_params = [{transform_indices = #map}, {transform_indices = #map}, {transform_indices = #map}, {transform_indices = #map}, {transform_indices = #map}, {transform_indices = #map}, {transform_indices = #map}]} {
    %mul3A = arith.constant 16 : i32
    %mul3A_0 = arith.muli %arg0, %mul3A : i32
    %add3A = arith.addi %mul3A_0, %arg1 : i32
    %mul3A_1 = arith.constant 512 : i32
    %mul3A_2 = arith.muli %add3A, %mul3A_1 : i32
    tpu.enqueue_dma source(%arg3 : memref<49200xf32, #tpu.memory_space<hbm>>) target(%arg9 : memref<49200xf32, #tpu.memory_space<vmem>>) target_semaphore(%arg16 : memref<!tpu.dma_semaphore, #tpu.memory_space<semaphore_mem>>)
    tpu.enqueue_dma source(%arg4 : memref<29472xf32, #tpu.memory_space<hbm>>) target(%arg10 : memref<29472xf32, #tpu.memory_space<vmem>>) target_semaphore(%arg16 : memref<!tpu.dma_semaphore, #tpu.memory_space<semaphore_mem>>)
    tpu.enqueue_dma source(%arg5 : memref<4960xf32, #tpu.memory_space<hbm>>) target(%arg11 : memref<4960xf32, #tpu.memory_space<vmem>>) target_semaphore(%arg16 : memref<!tpu.dma_semaphore, #tpu.memory_space<semaphore_mem>>)
    tpu.enqueue_dma source(%arg6 : memref<19200xf32, #tpu.memory_space<hbm>>) target(%arg12 : memref<19200xf32, #tpu.memory_space<vmem>>) target_semaphore(%arg16 : memref<!tpu.dma_semaphore, #tpu.memory_space<semaphore_mem>>)
    tpu.enqueue_dma source(%arg7 : memref<304xf32, #tpu.memory_space<hbm>>) target(%arg13 : memref<304xf32, #tpu.memory_space<vmem>>) target_semaphore(%arg16 : memref<!tpu.dma_semaphore, #tpu.memory_space<semaphore_mem>>)
    %add3A_3 = arith.constant 0 : i32
    %add3A_4 = arith.addi %add3A_3, %mul3A_2 : i32
    %dma_start3A = arith.constant 0 : i32
    %dma_start3A_5 = tpu.memref_slice %arg14[%dma_start3A] : memref<2560xi32, #tpu.memory_space<vmem>> -> memref<512xi32, #tpu.memory_space<vmem>>
    %dma_start3A_6 = tpu.memref_slice %arg2[%add3A_4] : memref<81920xi32, #tpu.memory_space<hbm>> -> memref<512xi32, #tpu.memory_space<hbm>>
    %dma_start3A_7 = arith.constant 0 : i32
    %dma_start3A_8 = tpu.memref_slice %arg14[%dma_start3A_7] : memref<2560xi32, #tpu.memory_space<vmem>> -> memref<512xi32, #tpu.memory_space<vmem>>
    %dma_start3A_9 = tpu.memref_slice %arg2[%add3A_4] : memref<81920xi32, #tpu.memory_space<hbm>> -> memref<512xi32, #tpu.memory_space<hbm>>
    tpu.enqueue_dma source(%dma_start3A_9 : memref<512xi32, #tpu.memory_space<hbm>>) target(%dma_start3A_8 : memref<512xi32, #tpu.memory_space<vmem>>) target_semaphore(%arg16 : memref<!tpu.dma_semaphore, #tpu.memory_space<semaphore_mem>>)
    %add3A_10 = arith.constant 16384 : i32
    %add3A_11 = arith.addi %add3A_10, %mul3A_2 : i32
    %dma_start3A_12 = arith.constant 512 : i32
    %dma_start3A_13 = tpu.memref_slice %arg14[%dma_start3A_12] : memref<2560xi32, #tpu.memory_space<vmem>> -> memref<512xi32, #tpu.memory_space<vmem>>
    %dma_start3A_14 = tpu.memref_slice %arg2[%add3A_11] : memref<81920xi32, #tpu.memory_space<hbm>> -> memref<512xi32, #tpu.memory_space<hbm>>
    %dma_start3A_15 = arith.constant 512 : i32
    %dma_start3A_16 = tpu.memref_slice %arg14[%dma_start3A_15] : memref<2560xi32, #tpu.memory_space<vmem>> -> memref<512xi32, #tpu.memory_space<vmem>>
    %dma_start3A_17 = tpu.memref_slice %arg2[%add3A_11] : memref<81920xi32, #tpu.memory_space<hbm>> -> memref<512xi32, #tpu.memory_space<hbm>>
    tpu.enqueue_dma source(%dma_start3A_17 : memref<512xi32, #tpu.memory_space<hbm>>) target(%dma_start3A_16 : memref<512xi32, #tpu.memory_space<vmem>>) target_semaphore(%arg16 : memref<!tpu.dma_semaphore, #tpu.memory_space<semaphore_mem>>)
    %add3A_18 = arith.constant 32768 : i32
    %add3A_19 = arith.addi %add3A_18, %mul3A_2 : i32
    %dma_start3A_20 = arith.constant 1024 : i32
    %dma_start3A_21 = tpu.memref_slice %arg14[%dma_start3A_20] : memref<2560xi32, #tpu.memory_space<vmem>> -> memref<512xi32, #tpu.memory_space<vmem>>
    %dma_start3A_22 = tpu.memref_slice %arg2[%add3A_19] : memref<81920xi32, #tpu.memory_space<hbm>> -> memref<512xi32, #tpu.memory_space<hbm>>
    %dma_start3A_23 = arith.constant 1024 : i32
    %dma_start3A_24 = tpu.memref_slice %arg14[%dma_start3A_23] : memref<2560xi32, #tpu.memory_space<vmem>> -> memref<512xi32, #tpu.memory_space<vmem>>
    %dma_start3A_25 = tpu.memref_slice %arg2[%add3A_19] : memref<81920xi32, #tpu.memory_space<hbm>> -> memref<512xi32, #tpu.memory_space<hbm>>
    tpu.enqueue_dma source(%dma_start3A_25 : memref<512xi32, #tpu.memory_space<hbm>>) target(%dma_start3A_24 : memref<512xi32, #tpu.memory_space<vmem>>) target_semaphore(%arg16 : memref<!tpu.dma_semaphore, #tpu.memory_space<semaphore_mem>>)
    %add3A_26 = arith.constant 49152 : i32
    %add3A_27 = arith.addi %add3A_26, %mul3A_2 : i32
    %dma_start3A_28 = arith.constant 1536 : i32
    %dma_start3A_29 = tpu.memref_slice %arg14[%dma_start3A_28] : memref<2560xi32, #tpu.memory_space<vmem>> -> memref<512xi32, #tpu.memory_space<vmem>>
    %dma_start3A_30 = tpu.memref_slice %arg2[%add3A_27] : memref<81920xi32, #tpu.memory_space<hbm>> -> memref<512xi32, #tpu.memory_space<hbm>>
    %dma_start3A_31 = arith.constant 1536 : i32
    %dma_start3A_32 = tpu.memref_slice %arg14[%dma_start3A_31] : memref<2560xi32, #tpu.memory_space<vmem>> -> memref<512xi32, #tpu.memory_space<vmem>>
    %dma_start3A_33 = tpu.memref_slice %arg2[%add3A_27] : memref<81920xi32, #tpu.memory_space<hbm>> -> memref<512xi32, #tpu.memory_space<hbm>>
    tpu.enqueue_dma source(%dma_start3A_33 : memref<512xi32, #tpu.memory_space<hbm>>) target(%dma_start3A_32 : memref<512xi32, #tpu.memory_space<vmem>>) target_semaphore(%arg16 : memref<!tpu.dma_semaphore, #tpu.memory_space<semaphore_mem>>)
    %add3A_34 = arith.constant 65536 : i32
    %add3A_35 = arith.addi %add3A_34, %mul3A_2 : i32
    %dma_start3A_36 = arith.constant 2048 : i32
    %dma_start3A_37 = tpu.memref_slice %arg14[%dma_start3A_36] : memref<2560xi32, #tpu.memory_space<vmem>> -> memref<512xi32, #tpu.memory_space<vmem>>
    %dma_start3A_38 = tpu.memref_slice %arg2[%add3A_35] : memref<81920xi32, #tpu.memory_space<hbm>> -> memref<512xi32, #tpu.memory_space<hbm>>
    %dma_start3A_39 = arith.constant 2048 : i32
    %dma_start3A_40 = tpu.memref_slice %arg14[%dma_start3A_39] : memref<2560xi32, #tpu.memory_space<vmem>> -> memref<512xi32, #tpu.memory_space<vmem>>
    %dma_start3A_41 = tpu.memref_slice %arg2[%add3A_35] : memref<81920xi32, #tpu.memory_space<hbm>> -> memref<512xi32, #tpu.memory_space<hbm>>
    tpu.enqueue_dma source(%dma_start3A_41 : memref<512xi32, #tpu.memory_space<hbm>>) target(%dma_start3A_40 : memref<512xi32, #tpu.memory_space<vmem>>) target_semaphore(%arg16 : memref<!tpu.dma_semaphore, #tpu.memory_space<semaphore_mem>>)
    tpu.wait_dma2 semaphore(%arg16 : memref<!tpu.dma_semaphore, #tpu.memory_space<semaphore_mem>>) src(%arg3 : memref<49200xf32, #tpu.memory_space<hbm>>) dst(%arg9 : memref<49200xf32, #tpu.memory_space<vmem>>)
    tpu.wait_dma2 semaphore(%arg16 : memref<!tpu.dma_semaphore, #tpu.memory_space<semaphore_mem>>) src(%arg4 : memref<29472xf32, #tpu.memory_space<hbm>>) dst(%arg10 : memref<29472xf32, #tpu.memory_space<vmem>>)
    tpu.wait_dma2 semaphore(%arg16 : memref<!tpu.dma_semaphore, #tpu.memory_space<semaphore_mem>>) src(%arg5 : memref<4960xf32, #tpu.memory_space<hbm>>) dst(%arg11 : memref<4960xf32, #tpu.memory_space<vmem>>)
    tpu.wait_dma2 semaphore(%arg16 : memref<!tpu.dma_semaphore, #tpu.memory_space<semaphore_mem>>) src(%arg6 : memref<19200xf32, #tpu.memory_space<hbm>>) dst(%arg12 : memref<19200xf32, #tpu.memory_space<vmem>>)
    tpu.wait_dma2 semaphore(%arg16 : memref<!tpu.dma_semaphore, #tpu.memory_space<semaphore_mem>>) src(%arg7 : memref<304xf32, #tpu.memory_space<hbm>>) dst(%arg13 : memref<304xf32, #tpu.memory_space<vmem>>)
    %dma_wait3A = arith.constant 0 : i32
    %dma_wait3A_42 = tpu.memref_slice %arg14[%dma_wait3A] : memref<2560xi32, #tpu.memory_space<vmem>> -> memref<512xi32, #tpu.memory_space<vmem>>
    %dma_wait3A_43 = tpu.memref_slice %arg2[%add3A_4] : memref<81920xi32, #tpu.memory_space<hbm>> -> memref<512xi32, #tpu.memory_space<hbm>>
    %dma_wait3A_44 = arith.constant 0 : i32
    %dma_wait3A_45 = tpu.memref_slice %arg14[%dma_wait3A_44] : memref<2560xi32, #tpu.memory_space<vmem>> -> memref<512xi32, #tpu.memory_space<vmem>>
    %dma_wait3A_46 = tpu.memref_slice %arg2[%add3A_4] : memref<81920xi32, #tpu.memory_space<hbm>> -> memref<512xi32, #tpu.memory_space<hbm>>
    tpu.wait_dma2 semaphore(%arg16 : memref<!tpu.dma_semaphore, #tpu.memory_space<semaphore_mem>>) src(%dma_wait3A_46 : memref<512xi32, #tpu.memory_space<hbm>>) dst(%dma_wait3A_45 : memref<512xi32, #tpu.memory_space<vmem>>)
    %dma_wait3A_47 = arith.constant 512 : i32
    %dma_wait3A_48 = tpu.memref_slice %arg14[%dma_wait3A_47] : memref<2560xi32, #tpu.memory_space<vmem>> -> memref<512xi32, #tpu.memory_space<vmem>>
    %dma_wait3A_49 = tpu.memref_slice %arg2[%add3A_11] : memref<81920xi32, #tpu.memory_space<hbm>> -> memref<512xi32, #tpu.memory_space<hbm>>
    %dma_wait3A_50 = arith.constant 512 : i32
    %dma_wait3A_51 = tpu.memref_slice %arg14[%dma_wait3A_50] : memref<2560xi32, #tpu.memory_space<vmem>> -> memref<512xi32, #tpu.memory_space<vmem>>
    %dma_wait3A_52 = tpu.memref_slice %arg2[%add3A_11] : memref<81920xi32, #tpu.memory_space<hbm>> -> memref<512xi32, #tpu.memory_space<hbm>>
    tpu.wait_dma2 semaphore(%arg16 : memref<!tpu.dma_semaphore, #tpu.memory_space<semaphore_mem>>) src(%dma_wait3A_52 : memref<512xi32, #tpu.memory_space<hbm>>) dst(%dma_wait3A_51 : memref<512xi32, #tpu.memory_space<vmem>>)
    %dma_wait3A_53 = arith.constant 1024 : i32
    %dma_wait3A_54 = tpu.memref_slice %arg14[%dma_wait3A_53] : memref<2560xi32, #tpu.memory_space<vmem>> -> memref<512xi32, #tpu.memory_space<vmem>>
    %dma_wait3A_55 = tpu.memref_slice %arg2[%add3A_19] : memref<81920xi32, #tpu.memory_space<hbm>> -> memref<512xi32, #tpu.memory_space<hbm>>
    %dma_wait3A_56 = arith.constant 1024 : i32
    %dma_wait3A_57 = tpu.memref_slice %arg14[%dma_wait3A_56] : memref<2560xi32, #tpu.memory_space<vmem>> -> memref<512xi32, #tpu.memory_space<vmem>>
    %dma_wait3A_58 = tpu.memref_slice %arg2[%add3A_19] : memref<81920xi32, #tpu.memory_space<hbm>> -> memref<512xi32, #tpu.memory_space<hbm>>
    tpu.wait_dma2 semaphore(%arg16 : memref<!tpu.dma_semaphore, #tpu.memory_space<semaphore_mem>>) src(%dma_wait3A_58 : memref<512xi32, #tpu.memory_space<hbm>>) dst(%dma_wait3A_57 : memref<512xi32, #tpu.memory_space<vmem>>)
    %dma_wait3A_59 = arith.constant 1536 : i32
    %dma_wait3A_60 = tpu.memref_slice %arg14[%dma_wait3A_59] : memref<2560xi32, #tpu.memory_space<vmem>> -> memref<512xi32, #tpu.memory_space<vmem>>
    %dma_wait3A_61 = tpu.memref_slice %arg2[%add3A_27] : memref<81920xi32, #tpu.memory_space<hbm>> -> memref<512xi32, #tpu.memory_space<hbm>>
    %dma_wait3A_62 = arith.constant 1536 : i32
    %dma_wait3A_63 = tpu.memref_slice %arg14[%dma_wait3A_62] : memref<2560xi32, #tpu.memory_space<vmem>> -> memref<512xi32, #tpu.memory_space<vmem>>
    %dma_wait3A_64 = tpu.memref_slice %arg2[%add3A_27] : memref<81920xi32, #tpu.memory_space<hbm>> -> memref<512xi32, #tpu.memory_space<hbm>>
    tpu.wait_dma2 semaphore(%arg16 : memref<!tpu.dma_semaphore, #tpu.memory_space<semaphore_mem>>) src(%dma_wait3A_64 : memref<512xi32, #tpu.memory_space<hbm>>) dst(%dma_wait3A_63 : memref<512xi32, #tpu.memory_space<vmem>>)
    %dma_wait3A_65 = arith.constant 2048 : i32
    %dma_wait3A_66 = tpu.memref_slice %arg14[%dma_wait3A_65] : memref<2560xi32, #tpu.memory_space<vmem>> -> memref<512xi32, #tpu.memory_space<vmem>>
    %dma_wait3A_67 = tpu.memref_slice %arg2[%add3A_35] : memref<81920xi32, #tpu.memory_space<hbm>> -> memref<512xi32, #tpu.memory_space<hbm>>
    %dma_wait3A_68 = arith.constant 2048 : i32
    %dma_wait3A_69 = tpu.memref_slice %arg14[%dma_wait3A_68] : memref<2560xi32, #tpu.memory_space<vmem>> -> memref<512xi32, #tpu.memory_space<vmem>>
    %dma_wait3A_70 = tpu.memref_slice %arg2[%add3A_35] : memref<81920xi32, #tpu.memory_space<hbm>> -> memref<512xi32, #tpu.memory_space<hbm>>
    tpu.wait_dma2 semaphore(%arg16 : memref<!tpu.dma_semaphore, #tpu.memory_space<semaphore_mem>>) src(%dma_wait3A_70 : memref<512xi32, #tpu.memory_space<hbm>>) dst(%dma_wait3A_69 : memref<512xi32, #tpu.memory_space<vmem>>)
    %scan3A = arith.constant 0 : i32
    %scan3A_71 = arith.constant 0 : i32
    %scan3A_72 = arith.constant 64 : i32
    %scan3A_73 = arith.addi %scan3A_71, %scan3A_72 : i32
    %scan3A_74 = arith.constant 1 : i32
    %scan3A_75 = scf.for %scan3A_100 = %scan3A_71 to %scan3A_73 step %scan3A_74 iter_args(%scan3A_101 = %scan3A) -> (i32)  : i32 {
      %broadcast_in_dim3A = arith.constant 0.000000e+00 : f32
      %broadcast_in_dim3A_102 = vector.broadcast %broadcast_in_dim3A : f32 to vector<16xf32>
      %mul3A_103 = arith.constant 128 : i32
      %mul3A_104 = arith.muli %scan3A_100, %mul3A_103 : i32
      %add3A_105 = arith.constant 112 : i32
      %add3A_106 = arith.addi %mul3A_104, %add3A_105 : i32
      %swap3A = arith.index_cast %add3A_106 : i32 to index
      %swap3A_107 = tpu.vector_load %arg15[%swap3A] {strides = array<i32>} : memref<8192xf32, #tpu.memory_space<vmem>>, vector<16xf32>,
      tpu.vector_store %arg15[%swap3A], %broadcast_in_dim3A_102 {strides = array<i32>} : memref<8192xf32, #tpu.memory_space<vmem>>, vector<16xf32>,
      %scan3A_108 = arith.constant 0 : i32
      scf.yield %scan3A_108 : i32
    }
    %scan3A_76 = arith.constant 64 : i32
    %iota3A = tpu.iota {dimensions = array<i32: 0>} : vector<16xi32>
    %scan3A_77 = arith.constant 0 : i32
    %scan3A_78 = arith.constant 0 : i32
    %scan3A_79 = arith.constant 16 : i32
    %scan3A_80 = arith.addi %scan3A_78, %scan3A_79 : i32
    %scan3A_81 = arith.constant 1 : i32
    %scan3A_82 = scf.for %scan3A_100 = %scan3A_78 to %scan3A_80 step %scan3A_81 iter_args(%scan3A_101 = %scan3A_77) -> (i32)  : i32 {
      %jit3A = arith.constant 2 : i32
      %eq3A = arith.constant 0 : i32
      %eq3A_102 = arith.cmpi eq, %jit3A, %eq3A : i32
      %jit3A_103 = arith.constant 1 : i32
      %select_n3A = arith.select %eq3A_102, %jit3A_103, %jit3A : i32
      %rem3A = arith.remsi %scan3A_100, %select_n3A : i32
      %ne3A = arith.constant 0 : i32
      %ne3A_104 = arith.cmpi ne, %rem3A, %ne3A : i32
      %lt3A = arith.constant 0 : i32
      %lt3A_105 = arith.cmpi slt, %rem3A, %lt3A : i32
      %lt3A_106 = arith.constant 0 : i32
      %lt3A_107 = arith.cmpi slt, %select_n3A, %lt3A_106 : i32
      %ne3A_108 = arith.xori %lt3A_105, %lt3A_107 : i1
      %and3A = arith.andi %ne3A_108, %ne3A_104 : i1
      %add3A_109 = arith.addi %rem3A, %select_n3A : i32
      %select_n3A_110 = arith.select %and3A, %add3A_109, %rem3A : i32
      %mul3A_111 = arith.constant 4096 : i32
      %mul3A_112 = arith.muli %select_n3A_110, %mul3A_111 : i32
      %ge3A = arith.constant 2 : i32
      %ge3A_113 = arith.cmpi sge, %scan3A_100, %ge3A : i32
      %convert_element_type3A = arith.extui %ge3A_113 : i1 to i32
      %cond3A = arith.constant 0 : i32
      %cond3A_114 = arith.cmpi ne, %convert_element_type3A, %cond3A : i32
      scf.if %cond3A_114 {
        %mul3A_3967 = arith.constant 128 : i32
        %mul3A_3968 = arith.muli %mul3A_2, %mul3A_3967 : i32
        %dma_wait3A_3969 = arith.constant 0 : i32
        %dma_wait3A_3970 = tpu.memref_slice %arg15[%dma_wait3A_3969] : memref<8192xf32, #tpu.memory_space<vmem>> -> memref<4096xf32, #tpu.memory_space<vmem>>
        %dma_wait3A_3971 = tpu.memref_slice %arg8[%mul3A_3968] : memref<2097152xf32, #tpu.memory_space<hbm>> -> memref<4096xf32, #tpu.memory_space<hbm>>
        %dma_wait3A_3972 = tpu.memref_slice %arg8[%mul3A_3968] : memref<2097152xf32, #tpu.memory_space<hbm>> -> memref<4096xf32, #tpu.memory_space<hbm>>
        %dma_wait3A_3973 = arith.constant 0 : i32
        %dma_wait3A_3974 = tpu.memref_slice %arg15[%dma_wait3A_3973] : memref<8192xf32, #tpu.memory_space<vmem>> -> memref<4096xf32, #tpu.memory_space<vmem>>
        tpu.wait_dma2 semaphore(%arg17 : memref<!tpu.dma_semaphore, #tpu.memory_space<semaphore_mem>>) src(%dma_wait3A_3974 : memref<4096xf32, #tpu.memory_space<vmem>>) dst(%dma_wait3A_3972 : memref<4096xf32, #tpu.memory_space<hbm>>)
      } else {
      }
      %mul3A_115 = arith.constant 2 : i32
      %mul3A_116 = arith.muli %scan3A_100, %mul3A_115 : i32
      %add3A_117 = arith.constant 0 : i32
      %add3A_118 = arith.addi %mul3A_116, %add3A_117 : i32
      %mul3A_119 = arith.constant 16 : i32
      %mul3A_120 = arith.muli %add3A_118, %mul3A_119 : i32
      %get3A = arith.index_cast %mul3A_120 : i32 to index
      %get3A_121 = tpu.vector_load %arg14[%get3A] {strides = array<i32>} : memref<2560xi32, #tpu.memory_space<vmem>>, vector<16xi32>,
      %add3A_122 = arith.constant 512 : i32
      %add3A_123 = arith.addi %add3A_122, %mul3A_120 : i32
      %get3A_124 = arith.index_cast %add3A_123 : i32 to index
      %get3A_125 = tpu.vector_load %arg14[%get3A_124] {strides = array<i32>} : memref<2560xi32, #tpu.memory_space<vmem>>, vector<16xi32>,
      %add3A_126 = arith.constant 1024 : i32
      %add3A_127 = arith.addi %add3A_126, %mul3A_120 : i32
      %get3A_128 = arith.index_cast %add3A_127 : i32 to index
      %get3A_129 = tpu.vector_load %arg14[%get3A_128] {strides = array<i32>} : memref<2560xi32, #tpu.memory_space<vmem>>, vector<16xi32>,
      %add3A_130 = arith.constant 1536 : i32
      %add3A_131 = arith.addi %add3A_130, %mul3A_120 : i32
      %get3A_132 = arith.index_cast %add3A_131 : i32 to index
      %get3A_133 = tpu.vector_load %arg14[%get3A_132] {strides = array<i32>} : memref<2560xi32, #tpu.memory_space<vmem>>, vector<16xi32>,
      %add3A_134 = arith.constant 2048 : i32
      %add3A_135 = arith.addi %add3A_134, %mul3A_120 : i32
      %get3A_136 = arith.index_cast %add3A_135 : i32 to index
      %get3A_137 = tpu.vector_load %arg14[%get3A_136] {strides = array<i32>} : memref<2560xi32, #tpu.memory_space<vmem>>, vector<16xi32>,
      %add3A_138 = arith.constant 0 : i32
      %add3A_139 = vector.broadcast %add3A_138 : i32 to vector<16xi32>
      %add3A_140 = arith.addi %add3A_139, %iota3A : vector<16xi32>
      %mul3A_141 = arith.constant 128 : i32
      %mul3A_142 = vector.broadcast %mul3A_141 : i32 to vector<16xi32>
      %mul3A_143 = arith.muli %add3A_140, %mul3A_142 : vector<16xi32>
      %add3A_144 = vector.broadcast %mul3A_112 : i32 to vector<16xi32>
      %add3A_145 = arith.addi %add3A_144, %mul3A_143 : vector<16xi32>
      %add3A_146 = arith.constant 120 : i32
      %add3A_147 = vector.broadcast %add3A_146 : i32 to vector<16xi32>
      %add3A_148 = arith.addi %add3A_145, %add3A_147 : vector<16xi32>
      %bitcast3A = vector.bitcast %get3A_137 : vector<16xi32> to vector<16xf32>
      tpu.vector_store_idx %arg15[%add3A_148], %bitcast3A : memref<8192xf32, #tpu.memory_space<vmem>>[vector<16xi32>], vector<16xf32>,
      %add3A_149 = arith.constant 0 : i32
      %add3A_150 = arith.addi %mul3A_112, %add3A_149 : i32
      %slice3A = vector.extract_strided_slice %get3A_121 {offsets = [0], sizes = [1], strides = [1]} : vector<16xi32> to vector<1xi32>
      %squeeze3A = vector.extract %slice3A[0] : i32 from vector<1xi32>
      %slice3A_151 = vector.extract_strided_slice %get3A_125 {offsets = [0], sizes = [1], strides = [1]} : vector<16xi32> to vector<1xi32>
      %squeeze3A_152 = vector.extract %slice3A_151[0] : i32 from vector<1xi32>
      %slice3A_153 = vector.extract_strided_slice %get3A_129 {offsets = [0], sizes = [1], strides = [1]} : vector<16xi32> to vector<1xi32>
      %squeeze3A_154 = vector.extract %slice3A_153[0] : i32 from vector<1xi32>
      %slice3A_155 = vector.extract_strided_slice %get3A_133 {offsets = [0], sizes = [1], strides = [1]} : vector<16xi32> to vector<1xi32>
      %squeeze3A_156 = vector.extract %slice3A_155[0] : i32 from vector<1xi32>
      %and3A_157 = arith.constant 65535 : i32
      %and3A_158 = arith.andi %squeeze3A, %and3A_157 : i32
      %shift_right_logical3A = arith.constant 16 : i32
      %shift_right_logical3A_159 = arith.shrui %squeeze3A, %shift_right_logical3A : i32
      %and3A_160 = arith.constant 65535 : i32
      %and3A_161 = arith.andi %squeeze3A_152, %and3A_160 : i32
      %shift_right_logical3A_162 = arith.constant 16 : i32
      %shift_right_logical3A_163 = arith.shrui %squeeze3A_152, %shift_right_logical3A_162 : i32
      %and3A_164 = arith.constant 65535 : i32
      %and3A_165 = arith.andi %squeeze3A_154, %and3A_164 : i32
      %shift_right_logical3A_166 = arith.constant 16 : i32
      %shift_right_logical3A_167 = arith.shrui %squeeze3A_154, %shift_right_logical3A_166 : i32
      %and3A_168 = arith.constant 65535 : i32
      %and3A_169 = arith.andi %squeeze3A_156, %and3A_168 : i32
      %shift_right_logical3A_170 = arith.constant 16 : i32
      %shift_right_logical3A_171 = arith.shrui %squeeze3A_156, %shift_right_logical3A_170 : i32
      %add3A_172 = arith.constant 0 : i32
      %add3A_173 = arith.addi %and3A_158, %add3A_172 : i32
      %get3A_174 = arith.index_cast %add3A_173 : i32 to index
      %get3A_175 = tpu.vector_load %arg9[%get3A_174] {strides = array<i32>} : memref<49200xf32, #tpu.memory_space<vmem>>, vector<16xf32>,
      %add3A_176 = arith.constant 0 : i32
      %add3A_177 = arith.addi %add3A_150, %add3A_176 : i32
      %swap3A = arith.index_cast %add3A_177 : i32 to index
      %swap3A_178 = tpu.vector_load %arg15[%swap3A] {strides = array<i32>} : memref<8192xf32, #tpu.memory_space<vmem>>, vector<16xf32>,
      tpu.vector_store %arg15[%swap3A], %get3A_175 {strides = array<i32>} : memref<8192xf32, #tpu.memory_space<vmem>>, vector<16xf32>,
      %add3A_179 = arith.constant 16 : i32
      %add3A_180 = arith.addi %and3A_158, %add3A_179 : i32
      %get3A_181 = arith.index_cast %add3A_180 : i32 to index
      %get3A_182 = tpu.vector_load %arg9[%get3A_181] {strides = array<i32>} : memref<49200xf32, #tpu.memory_space<vmem>>, vector<16xf32>,
      %add3A_183 = arith.constant 16 : i32
      %add3A_184 = arith.addi %add3A_150, %add3A_183 : i32
      %swap3A_185 = arith.index_cast %add3A_184 : i32 to index
      %swap3A_186 = tpu.vector_load %arg15[%swap3A_185] {strides = array<i32>} : memref<8192xf32, #tpu.memory_space<vmem>>, vector<16xf32>,
      tpu.vector_store %arg15[%swap3A_185], %get3A_182 {strides = array<i32>} : memref<8192xf32, #tpu.memory_space<vmem>>, vector<16xf32>,
      %add3A_187 = arith.constant 32 : i32
      %add3A_188 = arith.addi %and3A_158, %add3A_187 : i32
      %get3A_189 = arith.index_cast %add3A_188 : i32 to index
      %get3A_190 = tpu.vector_load %arg9[%get3A_189] {strides = array<i32>} : memref<49200xf32, #tpu.memory_space<vmem>>, vector<16xf32>,
      %add3A_191 = arith.constant 32 : i32
      %add3A_192 = arith.addi %add3A_150, %add3A_191 : i32
      %swap3A_193 = arith.index_cast %add3A_192 : i32 to index
      %swap3A_194 = tpu.vector_load %arg15[%swap3A_193] {strides = array<i32>} : memref<8192xf32, #tpu.memory_space<vmem>>, vector<16xf32>,
      tpu.vector_store %arg15[%swap3A_193], %get3A_190 {strides = array<i32>} : memref<8192xf32, #tpu.memory_space<vmem>>, vector<16xf32>,
      %add3A_195 = arith.constant 0 : i32
      %add3A_196 = arith.addi %shift_right_logical3A_159, %add3A_195 : i32
      %get3A_197 = arith.index_cast %add3A_196 : i32 to index
      %get3A_198 = tpu.vector_load %arg10[%get3A_197] {strides = array<i32>} : memref<29472xf32, #tpu.memory_space<vmem>>, vector<16xf32>,
      %add3A_199 = arith.constant 0 : i32
      %add3A_200 = arith.addi %and3A_161, %add3A_199 : i32
      %get3A_201 = arith.index_cast %add3A_200 : i32 to index
      %get3A_202 = tpu.vector_load %arg10[%get3A_201] {strides = array<i32>} : memref<29472xf32, #tpu.memory_space<vmem>>, vector<16xf32>,
      %add3A_203 = arith.addf %get3A_198, %get3A_202 : vector<16xf32>
      %add3A_204 = arith.constant 0 : i32
      %add3A_205 = arith.addi %shift_right_logical3A_163, %add3A_204 : i32
      %get3A_206 = arith.index_cast %add3A_205 : i32 to index
      %get3A_207 = tpu.vector_load %arg10[%get3A_206] {strides = array<i32>} : memref<29472xf32, #tpu.memory_space<vmem>>, vector<16xf32>,
      %add3A_208 = arith.addf %add3A_203, %get3A_207 : vector<16xf32>
      %add3A_209 = arith.constant 0 : i32
      %add3A_210 = arith.addi %and3A_165, %add3A_209 : i32
      %get3A_211 = arith.index_cast %add3A_210 : i32 to index
      %get3A_212 = tpu.vector_load %arg10[%get3A_211] {strides = array<i32>} : memref<29472xf32, #tpu.memory_space<vmem>>, vector<16xf32>,
      %add3A_213 = arith.addf %add3A_208, %get3A_212 : vector<16xf32>
      %add3A_214 = arith.constant 48 : i32
      %add3A_215 = arith.addi %add3A_150, %add3A_214 : i32
      %add3A_216 = arith.constant 0 : i32
      %add3A_217 = arith.addi %add3A_215, %add3A_216 : i32
      %swap3A_218 = arith.index_cast %add3A_217 : i32 to index
      %swap3A_219 = tpu.vector_load %arg15[%swap3A_218] {strides = array<i32>} : memref<8192xf32, #tpu.memory_space<vmem>>, vector<16xf32>,
      tpu.vector_store %arg15[%swap3A_218], %add3A_213 {strides = array<i32>} : memref<8192xf32, #tpu.memory_space<vmem>>, vector<16xf32>,
      %add3A_220 = arith.constant 16 : i32
      %add3A_221 = arith.addi %shift_right_logical3A_159, %add3A_220 : i32
      %get3A_222 = arith.index_cast %add3A_221 : i32 to index
      %get3A_223 = tpu.vector_load %arg10[%get3A_222] {strides = array<i32>} : memref<29472xf32, #tpu.memory_space<vmem>>, vector<16xf32>,
      %add3A_224 = arith.constant 16 : i32
      %add3A_225 = arith.addi %and3A_161, %add3A_224 : i32
      %get3A_226 = arith.index_cast %add3A_225 : i32 to index
      %get3A_227 = tpu.vector_load %arg10[%get3A_226] {strides = array<i32>} : memref<29472xf32, #tpu.memory_space<vmem>>, vector<16xf32>,
      %add3A_228 = arith.addf %get3A_223, %get3A_227 : vector<16xf32>
      %add3A_229 = arith.constant 16 : i32
      %add3A_230 = arith.addi %shift_right_logical3A_163, %add3A_229 : i32
      %get3A_231 = arith.index_cast %add3A_230 : i32 to index
      %get3A_232 = tpu.vector_load %arg10[%get3A_231] {strides = array<i32>} : memref<29472xf32, #tpu.memory_space<vmem>>, vector<16xf32>,
      %add3A_233 = arith.addf %add3A_228, %get3A_232 : vector<16xf32>
      %add3A_234 = arith.constant 16 : i32
      %add3A_235 = arith.addi %and3A_165, %add3A_234 : i32
      %get3A_236 = arith.index_cast %add3A_235 : i32 to index
      %get3A_237 = tpu.vector_load %arg10[%get3A_236] {strides = array<i32>} : memref<29472xf32, #tpu.memory_space<vmem>>, vector<16xf32>,
      %add3A_238 = arith.addf %add3A_233, %get3A_237 : vector<16xf32>
      %add3A_239 = arith.constant 48 : i32
      %add3A_240 = arith.addi %add3A_150, %add3A_239 : i32
      %add3A_241 = arith.constant 16 : i32
      %add3A_242 = arith.addi %add3A_240, %add3A_241 : i32
      %swap3A_243 = arith.index_cast %add3A_242 : i32 to index
      %swap3A_244 = tpu.vector_load %arg15[%swap3A_243] {strides = array<i32>} : memref<8192xf32, #tpu.memory_space<vmem>>, vector<16xf32>,
      tpu.vector_store %arg15[%swap3A_243], %add3A_238 {strides = array<i32>} : memref<8192xf32, #tpu.memory_space<vmem>>, vector<16xf32>,
      %get3A_245 = arith.index_cast %shift_right_logical3A_167 : i32 to index
      %get3A_246 = tpu.vector_load %arg11[%get3A_245] {strides = array<i32>} : memref<4960xf32, #tpu.memory_space<vmem>>, vector<16xf32>,
      %add3A_247 = arith.constant 72 : i32
      %add3A_248 = arith.addi %add3A_150, %add3A_247 : i32
      %swap3A_249 = arith.index_cast %add3A_248 : i32 to index
      %swap3A_250 = tpu.vector_load %arg15[%swap3A_249] {strides = array<i32>} : memref<8192xf32, #tpu.memory_space<vmem>>, vector<16xf32>,
      tpu.vector_store %arg15[%swap3A_249], %get3A_246 {strides = array<i32>} : memref<8192xf32, #tpu.memory_space<vmem>>, vector<16xf32>,
      %get3A_251 = arith.index_cast %and3A_169 : i32 to index
      %get3A_252 = tpu.vector_load %arg12[%get3A_251] {strides = array<i32>} : memref<19200xf32, #tpu.memory_space<vmem>>, vector<16xf32>,
      %add3A_253 = arith.constant 88 : i32
      %add3A_254 = arith.addi %add3A_150, %add3A_253 : i32
      %swap3A_255 = arith.index_cast %add3A_254 : i32 to index
      %swap3A_256 = tpu.vector_load %arg15[%swap3A_255] {strides = array<i32>} : memref<8192xf32, #tpu.memory_space<vmem>>, vector<16xf32>,
      tpu.vector_store %arg15[%swap3A_255], %get3A_252 {strides = array<i32>} : memref<8192xf32, #tpu.memory_space<vmem>>, vector<16xf32>,
      %get3A_257 = arith.index_cast %shift_right_logical3A_171 : i32 to index
      %get3A_258 = tpu.vector_load %arg13[%get3A_257] {strides = array<i32>} : memref<304xf32, #tpu.memory_space<vmem>>, vector<16xf32>,
      %add3A_259 = arith.constant 104 : i32
      %add3A_260 = arith.addi %add3A_150, %add3A_259 : i32
      %swap3A_261 = arith.index_cast %add3A_260 : i32 to index
      %swap3A_262 = tpu.vector_load %arg15[%swap3A_261] {strides = array<i32>} : memref<8192xf32, #tpu.memory_space<vmem>>, vector<16xf32>,
      tpu.vector_store %arg15[%swap3A_261], %get3A_258 {strides = array<i32>} : memref<8192xf32, #tpu.memory_space<vmem>>, vector<16xf32>,
      %add3A_263 = arith.constant 128 : i32
      %add3A_264 = arith.addi %mul3A_112, %add3A_263 : i32
      %slice3A_265 = vector.extract_strided_slice %get3A_121 {offsets = [1], sizes = [1], strides = [1]} : vector<16xi32> to vector<1xi32>
      %squeeze3A_266 = vector.extract %slice3A_265[0] : i32 from vector<1xi32>
      %slice3A_267 = vector.extract_strided_slice %get3A_125 {offsets = [1], sizes = [1], strides = [1]} : vector<16xi32> to vector<1xi32>
      %squeeze3A_268 = vector.extract %slice3A_267[0] : i32 from vector<1xi32>
      %slice3A_269 = vector.extract_strided_slice %get3A_129 {offsets = [1], sizes = [1], strides = [1]} : vector<16xi32> to vector<1xi32>
      %squeeze3A_270 = vector.extract %slice3A_269[0] : i32 from vector<1xi32>
      %slice3A_271 = vector.extract_strided_slice %get3A_133 {offsets = [1], sizes = [1], strides = [1]} : vector<16xi32> to vector<1xi32>
      %squeeze3A_272 = vector.extract %slice3A_271[0] : i32 from vector<1xi32>
      %and3A_273 = arith.constant 65535 : i32
      %and3A_274 = arith.andi %squeeze3A_266, %and3A_273 : i32
      %shift_right_logical3A_275 = arith.constant 16 : i32
      %shift_right_logical3A_276 = arith.shrui %squeeze3A_266, %shift_right_logical3A_275 : i32
      %and3A_277 = arith.constant 65535 : i32
      %and3A_278 = arith.andi %squeeze3A_268, %and3A_277 : i32
      %shift_right_logical3A_279 = arith.constant 16 : i32
      %shift_right_logical3A_280 = arith.shrui %squeeze3A_268, %shift_right_logical3A_279 : i32
      %and3A_281 = arith.constant 65535 : i32
      %and3A_282 = arith.andi %squeeze3A_270, %and3A_281 : i32
      %shift_right_logical3A_283 = arith.constant 16 : i32
      %shift_right_logical3A_284 = arith.shrui %squeeze3A_270, %shift_right_logical3A_283 : i32
      %and3A_285 = arith.constant 65535 : i32
      %and3A_286 = arith.andi %squeeze3A_272, %and3A_285 : i32
      %shift_right_logical3A_287 = arith.constant 16 : i32
      %shift_right_logical3A_288 = arith.shrui %squeeze3A_272, %shift_right_logical3A_287 : i32
      %add3A_289 = arith.constant 0 : i32
      %add3A_290 = arith.addi %and3A_274, %add3A_289 : i32
      %get3A_291 = arith.index_cast %add3A_290 : i32 to index
      %get3A_292 = tpu.vector_load %arg9[%get3A_291] {strides = array<i32>} : memref<49200xf32, #tpu.memory_space<vmem>>, vector<16xf32>,
      %add3A_293 = arith.constant 0 : i32
      %add3A_294 = arith.addi %add3A_264, %add3A_293 : i32
      %swap3A_295 = arith.index_cast %add3A_294 : i32 to index
      %swap3A_296 = tpu.vector_load %arg15[%swap3A_295] {strides = array<i32>} : memref<8192xf32, #tpu.memory_space<vmem>>, vector<16xf32>,
      tpu.vector_store %arg15[%swap3A_295], %get3A_292 {strides = array<i32>} : memref<8192xf32, #tpu.memory_space<vmem>>, vector<16xf32>,
      %add3A_297 = arith.constant 16 : i32
      %add3A_298 = arith.addi %and3A_274, %add3A_297 : i32
      %get3A_299 = arith.index_cast %add3A_298 : i32 to index
      %get3A_300 = tpu.vector_load %arg9[%get3A_299] {strides = array<i32>} : memref<49200xf32, #tpu.memory_space<vmem>>, vector<16xf32>,
      %add3A_301 = arith.constant 16 : i32
      %add3A_302 = arith.addi %add3A_264, %add3A_301 : i32
      %swap3A_303 = arith.index_cast %add3A_302 : i32 to index
      %swap3A_304 = tpu.vector_load %arg15[%swap3A_303] {strides = array<i32>} : memref<8192xf32, #tpu.memory_space<vmem>>, vector<16xf32>,
      tpu.vector_store %arg15[%swap3A_303], %get3A_300 {strides = array<i32>} : memref<8192xf32, #tpu.memory_space<vmem>>, vector<16xf32>,
      %add3A_305 = arith.constant 32 : i32
      %add3A_306 = arith.addi %and3A_274, %add3A_305 : i32
      %get3A_307 = arith.index_cast %add3A_306 : i32 to index
      %get3A_308 = tpu.vector_load %arg9[%get3A_307] {strides = array<i32>} : memref<49200xf32, #tpu.memory_space<vmem>>, vector<16xf32>,
      %add3A_309 = arith.constant 32 : i32
      %add3A_310 = arith.addi %add3A_264, %add3A_309 : i32
      %swap3A_311 = arith.index_cast %add3A_310 : i32 to index
      %swap3A_312 = tpu.vector_load %arg15[%swap3A_311] {strides = array<i32>} : memref<8192xf32, #tpu.memory_space<vmem>>, vector<16xf32>,
      tpu.vector_store %arg15[%swap3A_311], %get3A_308 {strides = array<i32>} : memref<8192xf32, #tpu.memory_space<vmem>>, vector<16xf32>,
      %add3A_313 = arith.constant 0 : i32
      %add3A_314 = arith.addi %shift_right_logical3A_276, %add3A_313 : i32
      %get3A_315 = arith.index_cast %add3A_314 : i32 to index
      %get3A_316 = tpu.vector_load %arg10[%get3A_315] {strides = array<i32>} : memref<29472xf32, #tpu.memory_space<vmem>>, vector<16xf32>,
      %add3A_317 = arith.constant 0 : i32
      %add3A_318 = arith.addi %and3A_278, %add3A_317 : i32
      %get3A_319 = arith.index_cast %add3A_318 : i32 to index
      %get3A_320 = tpu.vector_load %arg10[%get3A_319] {strides = array<i32>} : memref<29472xf32, #tpu.memory_space<vmem>>, vector<16xf32>,
      %add3A_321 = arith.addf %get3A_316, %get3A_320 : vector<16xf32>
      %add3A_322 = arith.constant 0 : i32
      %add3A_323 = arith.addi %shift_right_logical3A_280, %add3A_322 : i32
      %get3A_324 = arith.index_cast %add3A_323 : i32 to index
      %get3A_325 = tpu.vector_load %arg10[%get3A_324] {strides = array<i32>} : memref<29472xf32, #tpu.memory_space<vmem>>, vector<16xf32>,
      %add3A_326 = arith.addf %add3A_321, %get3A_325 : vector<16xf32>
      %add3A_327 = arith.constant 0 : i32
      %add3A_328 = arith.addi %and3A_282, %add3A_327 : i32
      %get3A_329 = arith.index_cast %add3A_328 : i32 to index
      %get3A_330 = tpu.vector_load %arg10[%get3A_329] {strides = array<i32>} : memref<29472xf32, #tpu.memory_space<vmem>>, vector<16xf32>,
      %add3A_331 = arith.addf %add3A_326, %get3A_330 : vector<16xf32>
      %add3A_332 = arith.constant 48 : i32
      %add3A_333 = arith.addi %add3A_264, %add3A_332 : i32
      %add3A_334 = arith.constant 0 : i32
      %add3A_335 = arith.addi %add3A_333, %add3A_334 : i32
      %swap3A_336 = arith.index_cast %add3A_335 : i32 to index
      %swap3A_337 = tpu.vector_load %arg15[%swap3A_336] {strides = array<i32>} : memref<8192xf32, #tpu.memory_space<vmem>>, vector<16xf32>,
      tpu.vector_store %arg15[%swap3A_336], %add3A_331 {strides = array<i32>} : memref<8192xf32, #tpu.memory_space<vmem>>, vector<16xf32>,
      %add3A_338 = arith.constant 16 : i32
      %add3A_339 = arith.addi %shift_right_logical3A_276, %add3A_338 : i32
      %get3A_340 = arith.index_cast %add3A_339 : i32 to index
      %get3A_341 = tpu.vector_load %arg10[%get3A_340] {strides = array<i32>} : memref<29472xf32, #tpu.memory_space<vmem>>, vector<16xf32>,
      %add3A_342 = arith.constant 16 : i32
      %add3A_343 = arith.addi %and3A_278, %add3A_342 : i32
      %get3A_344 = arith.index_cast %add3A_343 : i32 to index
      %get3A_345 = tpu.vector_load %arg10[%get3A_344] {strides = array<i32>} : memref<29472xf32, #tpu.memory_space<vmem>>, vector<16xf32>,
      %add3A_346 = arith.addf %get3A_341, %get3A_345 : vector<16xf32>
      %add3A_347 = arith.constant 16 : i32
      %add3A_348 = arith.addi %shift_right_logical3A_280, %add3A_347 : i32
      %get3A_349 = arith.index_cast %add3A_348 : i32 to index
      %get3A_350 = tpu.vector_load %arg10[%get3A_349] {strides = array<i32>} : memref<29472xf32, #tpu.memory_space<vmem>>, vector<16xf32>,
      %add3A_351 = arith.addf %add3A_346, %get3A_350 : vector<16xf32>
      %add3A_352 = arith.constant 16 : i32
      %add3A_353 = arith.addi %and3A_282, %add3A_352 : i32
      %get3A_354 = arith.index_cast %add3A_353 : i32 to index
      %get3A_355 = tpu.vector_load %arg10[%get3A_354] {strides = array<i32>} : memref<29472xf32, #tpu.memory_space<vmem>>, vector<16xf32>,
      %add3A_356 = arith.addf %add3A_351, %get3A_355 : vector<16xf32>
      %add3A_357 = arith.constant 48 : i32
      %add3A_358 = arith.addi %add3A_264, %add3A_357 : i32
      %add3A_359 = arith.constant 16 : i32
      %add3A_360 = arith.addi %add3A_358, %add3A_359 : i32
      %swap3A_361 = arith.index_cast %add3A_360 : i32 to index
      %swap3A_362 = tpu.vector_load %arg15[%swap3A_361] {strides = array<i32>} : memref<8192xf32, #tpu.memory_space<vmem>>, vector<16xf32>,
      tpu.vector_store %arg15[%swap3A_361], %add3A_356 {strides = array<i32>} : memref<8192xf32, #tpu.memory_space<vmem>>, vector<16xf32>,
      %get3A_363 = arith.index_cast %shift_right_logical3A_284 : i32 to index
      %get3A_364 = tpu.vector_load %arg11[%get3A_363] {strides = array<i32>} : memref<4960xf32, #tpu.memory_space<vmem>>, vector<16xf32>,
      %add3A_365 = arith.constant 72 : i32
      %add3A_366 = arith.addi %add3A_264, %add3A_365 : i32
      %swap3A_367 = arith.index_cast %add3A_366 : i32 to index
      %swap3A_368 = tpu.vector_load %arg15[%swap3A_367] {strides = array<i32>} : memref<8192xf32, #tpu.memory_space<vmem>>, vector<16xf32>,
      tpu.vector_store %arg15[%swap3A_367], %get3A_364 {strides = array<i32>} : memref<8192xf32, #tpu.memory_space<vmem>>, vector<16xf32>,
      %get3A_369 = arith.index_cast %and3A_286 : i32 to index
      %get3A_370 = tpu.vector_load %arg12[%get3A_369] {strides = array<i32>} : memref<19200xf32, #tpu.memory_space<vmem>>, vector<16xf32>,
      %add3A_371 = arith.constant 88 : i32
      %add3A_372 = arith.addi %add3A_264, %add3A_371 : i32
      %swap3A_373 = arith.index_cast %add3A_372 : i32 to index
      %swap3A_374 = tpu.vector_load %arg15[%swap3A_373] {strides = array<i32>} : memref<8192xf32, #tpu.memory_space<vmem>>, vector<16xf32>,
      tpu.vector_store %arg15[%swap3A_373], %get3A_370 {strides = array<i32>} : memref<8192xf32, #tpu.memory_space<vmem>>, vector<16xf32>,
      %get3A_375 = arith.index_cast %shift_right_logical3A_288 : i32 to index
      %get3A_376 = tpu.vector_load %arg13[%get3A_375] {strides = array<i32>} : memref<304xf32, #tpu.memory_space<vmem>>, vector<16xf32>,
      %add3A_377 = arith.constant 104 : i32
      %add3A_378 = arith.addi %add3A_264, %add3A_377 : i32
      %swap3A_379 = arith.index_cast %add3A_378 : i32 to index
      %swap3A_380 = tpu.vector_load %arg15[%swap3A_379] {strides = array<i32>} : memref<8192xf32, #tpu.memory_space<vmem>>, vector<16xf32>,
      tpu.vector_store %arg15[%swap3A_379], %get3A_376 {strides = array<i32>} : memref<8192xf32, #tpu.memory_space<vmem>>, vector<16xf32>,
      %add3A_381 = arith.constant 256 : i32
      %add3A_382 = arith.addi %mul3A_112, %add3A_381 : i32
      %slice3A_383 = vector.extract_strided_slice %get3A_121 {offsets = [2], sizes = [1], strides = [1]} : vector<16xi32> to vector<1xi32>
      %squeeze3A_384 = vector.extract %slice3A_383[0] : i32 from vector<1xi32>
      %slice3A_385 = vector.extract_strided_slice %get3A_125 {offsets = [2], sizes = [1], strides = [1]} : vector<16xi32> to vector<1xi32>
      %squeeze3A_386 = vector.extract %slice3A_385[0] : i32 from vector<1xi32>
      %slice3A_387 = vector.extract_strided_slice %get3A_129 {offsets = [2], sizes = [1], strides = [1]} : vector<16xi32> to vector<1xi32>
      %squeeze3A_388 = vector.extract %slice3A_387[0] : i32 from vector<1xi32>
      %slice3A_389 = vector.extract_strided_slice %get3A_133 {offsets = [2], sizes = [1], strides = [1]} : vector<16xi32> to vector<1xi32>
      %squeeze3A_390 = vector.extract %slice3A_389[0] : i32 from vector<1xi32>
      %and3A_391 = arith.constant 65535 : i32
      %and3A_392 = arith.andi %squeeze3A_384, %and3A_391 : i32
      %shift_right_logical3A_393 = arith.constant 16 : i32
      %shift_right_logical3A_394 = arith.shrui %squeeze3A_384, %shift_right_logical3A_393 : i32
      %and3A_395 = arith.constant 65535 : i32
      %and3A_396 = arith.andi %squeeze3A_386, %and3A_395 : i32
      %shift_right_logical3A_397 = arith.constant 16 : i32
      %shift_right_logical3A_398 = arith.shrui %squeeze3A_386, %shift_right_logical3A_397 : i32
      %and3A_399 = arith.constant 65535 : i32
      %and3A_400 = arith.andi %squeeze3A_388, %and3A_399 : i32
      %shift_right_logical3A_401 = arith.constant 16 : i32
      %shift_right_logical3A_402 = arith.shrui %squeeze3A_388, %shift_right_logical3A_401 : i32
      %and3A_403 = arith.constant 65535 : i32
      %and3A_404 = arith.andi %squeeze3A_390, %and3A_403 : i32
      %shift_right_logical3A_405 = arith.constant 16 : i32
      %shift_right_logical3A_406 = arith.shrui %squeeze3A_390, %shift_right_logical3A_405 : i32
      %add3A_407 = arith.constant 0 : i32
      %add3A_408 = arith.addi %and3A_392, %add3A_407 : i32
      %get3A_409 = arith.index_cast %add3A_408 : i32 to index
      %get3A_410 = tpu.vector_load %arg9[%get3A_409] {strides = array<i32>} : memref<49200xf32, #tpu.memory_space<vmem>>, vector<16xf32>,
      %add3A_411 = arith.constant 0 : i32
      %add3A_412 = arith.addi %add3A_382, %add3A_411 : i32
      %swap3A_413 = arith.index_cast %add3A_412 : i32 to index
      %swap3A_414 = tpu.vector_load %arg15[%swap3A_413] {strides = array<i32>} : memref<8192xf32, #tpu.memory_space<vmem>>, vector<16xf32>,
      tpu.vector_store %arg15[%swap3A_413], %get3A_410 {strides = array<i32>} : memref<8192xf32, #tpu.memory_space<vmem>>, vector<16xf32>,
      %add3A_415 = arith.constant 16 : i32
      %add3A_416 = arith.addi %and3A_392, %add3A_415 : i32
      %get3A_417 = arith.index_cast %add3A_416 : i32 to index
      %get3A_418 = tpu.vector_load %arg9[%get3A_417] {strides = array<i32>} : memref<49200xf32, #tpu.memory_space<vmem>>, vector<16xf32>,
      %add3A_419 = arith.constant 16 : i32
      %add3A_420 = arith.addi %add3A_382, %add3A_419 : i32
      %swap3A_421 = arith.index_cast %add3A_420 : i32 to index
      %swap3A_422 = tpu.vector_load %arg15[%swap3A_421] {strides = array<i32>} : memref<8192xf32, #tpu.memory_space<vmem>>, vector<16xf32>,
      tpu.vector_store %arg15[%swap3A_421], %get3A_418 {strides = array<i32>} : memref<8192xf32, #tpu.memory_space<vmem>>, vector<16xf32>,
      %add3A_423 = arith.constant 32 : i32
      %add3A_424 = arith.addi %and3A_392, %add3A_423 : i32
      %get3A_425 = arith.index_cast %add3A_424 : i32 to index
      %get3A_426 = tpu.vector_load %arg9[%get3A_425] {strides = array<i32>} : memref<49200xf32, #tpu.memory_space<vmem>>, vector<16xf32>,
      %add3A_427 = arith.constant 32 : i32
      %add3A_428 = arith.addi %add3A_382, %add3A_427 : i32
      %swap3A_429 = arith.index_cast %add3A_428 : i32 to index
      %swap3A_430 = tpu.vector_load %arg15[%swap3A_429] {strides = array<i32>} : memref<8192xf32, #tpu.memory_space<vmem>>, vector<16xf32>,
      tpu.vector_store %arg15[%swap3A_429], %get3A_426 {strides = array<i32>} : memref<8192xf32, #tpu.memory_space<vmem>>, vector<16xf32>,
      %add3A_431 = arith.constant 0 : i32
      %add3A_432 = arith.addi %shift_right_logical3A_394, %add3A_431 : i32
      %get3A_433 = arith.index_cast %add3A_432 : i32 to index
      %get3A_434 = tpu.vector_load %arg10[%get3A_433] {strides = array<i32>} : memref<29472xf32, #tpu.memory_space<vmem>>, vector<16xf32>,
      %add3A_435 = arith.constant 0 : i32
      %add3A_436 = arith.addi %and3A_396, %add3A_435 : i32
      %get3A_437 = arith.index_cast %add3A_436 : i32 to index
      %get3A_438 = tpu.vector_load %arg10[%get3A_437] {strides = array<i32>} : memref<29472xf32, #tpu.memory_space<vmem>>, vector<16xf32>,
      %add3A_439 = arith.addf %get3A_434, %get3A_438 : vector<16xf32>
      %add3A_440 = arith.constant 0 : i32
      %add3A_441 = arith.addi %shift_right_logical3A_398, %add3A_440 : i32
      %get3A_442 = arith.index_cast %add3A_441 : i32 to index
      %get3A_443 = tpu.vector_load %arg10[%get3A_442] {strides = array<i32>} : memref<29472xf32, #tpu.memory_space<vmem>>, vector<16xf32>,
      %add3A_444 = arith.addf %add3A_439, %get3A_443 : vector<16xf32>
      %add3A_445 = arith.constant 0 : i32
      %add3A_446 = arith.addi %and3A_400, %add3A_445 : i32
      %get3A_447 = arith.index_cast %add3A_446 : i32 to index
      %get3A_448 = tpu.vector_load %arg10[%get3A_447] {strides = array<i32>} : memref<29472xf32, #tpu.memory_space<vmem>>, vector<16xf32>,
      %add3A_449 = arith.addf %add3A_444, %get3A_448 : vector<16xf32>
      %add3A_450 = arith.constant 48 : i32
      %add3A_451 = arith.addi %add3A_382, %add3A_450 : i32
      %add3A_452 = arith.constant 0 : i32
      %add3A_453 = arith.addi %add3A_451, %add3A_452 : i32
      %swap3A_454 = arith.index_cast %add3A_453 : i32 to index
      %swap3A_455 = tpu.vector_load %arg15[%swap3A_454] {strides = array<i32>} : memref<8192xf32, #tpu.memory_space<vmem>>, vector<16xf32>,
      tpu.vector_store %arg15[%swap3A_454], %add3A_449 {strides = array<i32>} : memref<8192xf32, #tpu.memory_space<vmem>>, vector<16xf32>,
      %add3A_456 = arith.constant 16 : i32
      %add3A_457 = arith.addi %shift_right_logical3A_394, %add3A_456 : i32
      %get3A_458 = arith.index_cast %add3A_457 : i32 to index
      %get3A_459 = tpu.vector_load %arg10[%get3A_458] {strides = array<i32>} : memref<29472xf32, #tpu.memory_space<vmem>>, vector<16xf32>,
      %add3A_460 = arith.constant 16 : i32
      %add3A_461 = arith.addi %and3A_396, %add3A_460 : i32
      %get3A_462 = arith.index_cast %add3A_461 : i32 to index
      %get3A_463 = tpu.vector_load %arg10[%get3A_462] {strides = array<i32>} : memref<29472xf32, #tpu.memory_space<vmem>>, vector<16xf32>,
      %add3A_464 = arith.addf %get3A_459, %get3A_463 : vector<16xf32>
      %add3A_465 = arith.constant 16 : i32
      %add3A_466 = arith.addi %shift_right_logical3A_398, %add3A_465 : i32
      %get3A_467 = arith.index_cast %add3A_466 : i32 to index
      %get3A_468 = tpu.vector_load %arg10[%get3A_467] {strides = array<i32>} : memref<29472xf32, #tpu.memory_space<vmem>>, vector<16xf32>,
      %add3A_469 = arith.addf %add3A_464, %get3A_468 : vector<16xf32>
      %add3A_470 = arith.constant 16 : i32
      %add3A_471 = arith.addi %and3A_400, %add3A_470 : i32
      %get3A_472 = arith.index_cast %add3A_471 : i32 to index
      %get3A_473 = tpu.vector_load %arg10[%get3A_472] {strides = array<i32>} : memref<29472xf32, #tpu.memory_space<vmem>>, vector<16xf32>,
      %add3A_474 = arith.addf %add3A_469, %get3A_473 : vector<16xf32>
      %add3A_475 = arith.constant 48 : i32
      %add3A_476 = arith.addi %add3A_382, %add3A_475 : i32
      %add3A_477 = arith.constant 16 : i32
      %add3A_478 = arith.addi %add3A_476, %add3A_477 : i32
      %swap3A_479 = arith.index_cast %add3A_478 : i32 to index
      %swap3A_480 = tpu.vector_load %arg15[%swap3A_479] {strides = array<i32>} : memref<8192xf32, #tpu.memory_space<vmem>>, vector<16xf32>,
      tpu.vector_store %arg15[%swap3A_479], %add3A_474 {strides = array<i32>} : memref<8192xf32, #tpu.memory_space<vmem>>, vector<16xf32>,
      %get3A_481 = arith.index_cast %shift_right_logical3A_402 : i32 to index
      %get3A_482 = tpu.vector_load %arg11[%get3A_481] {strides = array<i32>} : memref<4960xf32, #tpu.memory_space<vmem>>, vector<16xf32>,
      %add3A_483 = arith.constant 72 : i32
      %add3A_484 = arith.addi %add3A_382, %add3A_483 : i32
      %swap3A_485 = arith.index_cast %add3A_484 : i32 to index
      %swap3A_486 = tpu.vector_load %arg15[%swap3A_485] {strides = array<i32>} : memref<8192xf32, #tpu.memory_space<vmem>>, vector<16xf32>,
      tpu.vector_store %arg15[%swap3A_485], %get3A_482 {strides = array<i32>} : memref<8192xf32, #tpu.memory_space<vmem>>, vector<16xf32>,
      %get3A_487 = arith.index_cast %and3A_404 : i32 to index
      %get3A_488 = tpu.vector_load %arg12[%get3A_487] {strides = array<i32>} : memref<19200xf32, #tpu.memory_space<vmem>>, vector<16xf32>,
      %add3A_489 = arith.constant 88 : i32
      %add3A_490 = arith.addi %add3A_382, %add3A_489 : i32
      %swap3A_491 = arith.index_cast %add3A_490 : i32 to index
      %swap3A_492 = tpu.vector_load %arg15[%swap3A_491] {strides = array<i32>} : memref<8192xf32, #tpu.memory_space<vmem>>, vector<16xf32>,
      tpu.vector_store %arg15[%swap3A_491], %get3A_488 {strides = array<i32>} : memref<8192xf32, #tpu.memory_space<vmem>>, vector<16xf32>,
      %get3A_493 = arith.index_cast %shift_right_logical3A_406 : i32 to index
      %get3A_494 = tpu.vector_load %arg13[%get3A_493] {strides = array<i32>} : memref<304xf32, #tpu.memory_space<vmem>>, vector<16xf32>,
      %add3A_495 = arith.constant 104 : i32
      %add3A_496 = arith.addi %add3A_382, %add3A_495 : i32
      %swap3A_497 = arith.index_cast %add3A_496 : i32 to index
      %swap3A_498 = tpu.vector_load %arg15[%swap3A_497] {strides = array<i32>} : memref<8192xf32, #tpu.memory_space<vmem>>, vector<16xf32>,
      tpu.vector_store %arg15[%swap3A_497], %get3A_494 {strides = array<i32>} : memref<8192xf32, #tpu.memory_space<vmem>>, vector<16xf32>,
      %add3A_499 = arith.constant 384 : i32
      %add3A_500 = arith.addi %mul3A_112, %add3A_499 : i32
      %slice3A_501 = vector.extract_strided_slice %get3A_121 {offsets = [3], sizes = [1], strides = [1]} : vector<16xi32> to vector<1xi32>
      %squeeze3A_502 = vector.extract %slice3A_501[0] : i32 from vector<1xi32>
      %slice3A_503 = vector.extract_strided_slice %get3A_125 {offsets = [3], sizes = [1], strides = [1]} : vector<16xi32> to vector<1xi32>
      %squeeze3A_504 = vector.extract %slice3A_503[0] : i32 from vector<1xi32>
      %slice3A_505 = vector.extract_strided_slice %get3A_129 {offsets = [3], sizes = [1], strides = [1]} : vector<16xi32> to vector<1xi32>
      %squeeze3A_506 = vector.extract %slice3A_505[0] : i32 from vector<1xi32>
      %slice3A_507 = vector.extract_strided_slice %get3A_133 {offsets = [3], sizes = [1], strides = [1]} : vector<16xi32> to vector<1xi32>
      %squeeze3A_508 = vector.extract %slice3A_507[0] : i32 from vector<1xi32>
      %and3A_509 = arith.constant 65535 : i32
      %and3A_510 = arith.andi %squeeze3A_502, %and3A_509 : i32
      %shift_right_logical3A_511 = arith.constant 16 : i32
      %shift_right_logical3A_512 = arith.shrui %squeeze3A_502, %shift_right_logical3A_511 : i32
      %and3A_513 = arith.constant 65535 : i32
      %and3A_514 = arith.andi %squeeze3A_504, %and3A_513 : i32
      %shift_right_logical3A_515 = arith.constant 16 : i32
      %shift_right_logical3A_516 = arith.shrui %squeeze3A_504, %shift_right_logical3A_515 : i32
      %and3A_517 = arith.constant 65535 : i32
      %and3A_518 = arith.andi %squeeze3A_506, %and3A_517 : i32
      %shift_right_logical3A_519 = arith.constant 16 : i32
      %shift_right_logical3A_520 = arith.shrui %squeeze3A_506, %shift_right_logical3A_519 : i32
      %and3A_521 = arith.constant 65535 : i32
      %and3A_522 = arith.andi %squeeze3A_508, %and3A_521 : i32
      %shift_right_logical3A_523 = arith.constant 16 : i32
      %shift_right_logical3A_524 = arith.shrui %squeeze3A_508, %shift_right_logical3A_523 : i32
      %add3A_525 = arith.constant 0 : i32
      %add3A_526 = arith.addi %and3A_510, %add3A_525 : i32
      %get3A_527 = arith.index_cast %add3A_526 : i32 to index
      %get3A_528 = tpu.vector_load %arg9[%get3A_527] {strides = array<i32>} : memref<49200xf32, #tpu.memory_space<vmem>>, vector<16xf32>,
      %add3A_529 = arith.constant 0 : i32
      %add3A_530 = arith.addi %add3A_500, %add3A_529 : i32
      %swap3A_531 = arith.index_cast %add3A_530 : i32 to index
      %swap3A_532 = tpu.vector_load %arg15[%swap3A_531] {strides = array<i32>} : memref<8192xf32, #tpu.memory_space<vmem>>, vector<16xf32>,
      tpu.vector_store %arg15[%swap3A_531], %get3A_528 {strides = array<i32>} : memref<8192xf32, #tpu.memory_space<vmem>>, vector<16xf32>,
      %add3A_533 = arith.constant 16 : i32
      %add3A_534 = arith.addi %and3A_510, %add3A_533 : i32
      %get3A_535 = arith.index_cast %add3A_534 : i32 to index
      %get3A_536 = tpu.vector_load %arg9[%get3A_535] {strides = array<i32>} : memref<49200xf32, #tpu.memory_space<vmem>>, vector<16xf32>,
      %add3A_537 = arith.constant 16 : i32
      %add3A_538 = arith.addi %add3A_500, %add3A_537 : i32
      %swap3A_539 = arith.index_cast %add3A_538 : i32 to index
      %swap3A_540 = tpu.vector_load %arg15[%swap3A_539] {strides = array<i32>} : memref<8192xf32, #tpu.memory_space<vmem>>, vector<16xf32>,
      tpu.vector_store %arg15[%swap3A_539], %get3A_536 {strides = array<i32>} : memref<8192xf32, #tpu.memory_space<vmem>>, vector<16xf32>,
      %add3A_541 = arith.constant 32 : i32
      %add3A_542 = arith.addi %and3A_510, %add3A_541 : i32
      %get3A_543 = arith.index_cast %add3A_542 : i32 to index
      %get3A_544 = tpu.vector_load %arg9[%get3A_543] {strides = array<i32>} : memref<49200xf32, #tpu.memory_space<vmem>>, vector<16xf32>,
      %add3A_545 = arith.constant 32 : i32
      %add3A_546 = arith.addi %add3A_500, %add3A_545 : i32
      %swap3A_547 = arith.index_cast %add3A_546 : i32 to index
      %swap3A_548 = tpu.vector_load %arg15[%swap3A_547] {strides = array<i32>} : memref<8192xf32, #tpu.memory_space<vmem>>, vector<16xf32>,
      tpu.vector_store %arg15[%swap3A_547], %get3A_544 {strides = array<i32>} : memref<8192xf32, #tpu.memory_space<vmem>>, vector<16xf32>,
      %add3A_549 = arith.constant 0 : i32
      %add3A_550 = arith.addi %shift_right_logical3A_512, %add3A_549 : i32
      %get3A_551 = arith.index_cast %add3A_550 : i32 to index
      %get3A_552 = tpu.vector_load %arg10[%get3A_551] {strides = array<i32>} : memref<29472xf32, #tpu.memory_space<vmem>>, vector<16xf32>,
      %add3A_553 = arith.constant 0 : i32
      %add3A_554 = arith.addi %and3A_514, %add3A_553 : i32
      %get3A_555 = arith.index_cast %add3A_554 : i32 to index
      %get3A_556 = tpu.vector_load %arg10[%get3A_555] {strides = array<i32>} : memref<29472xf32, #tpu.memory_space<vmem>>, vector<16xf32>,
      %add3A_557 = arith.addf %get3A_552, %get3A_556 : vector<16xf32>
      %add3A_558 = arith.constant 0 : i32
      %add3A_559 = arith.addi %shift_right_logical3A_516, %add3A_558 : i32
      %get3A_560 = arith.index_cast %add3A_559 : i32 to index
      %get3A_561 = tpu.vector_load %arg10[%get3A_560] {strides = array<i32>} : memref<29472xf32, #tpu.memory_space<vmem>>, vector<16xf32>,
      %add3A_562 = arith.addf %add3A_557, %get3A_561 : vector<16xf32>
      %add3A_563 = arith.constant 0 : i32
      %add3A_564 = arith.addi %and3A_518, %add3A_563 : i32
      %get3A_565 = arith.index_cast %add3A_564 : i32 to index
      %get3A_566 = tpu.vector_load %arg10[%get3A_565] {strides = array<i32>} : memref<29472xf32, #tpu.memory_space<vmem>>, vector<16xf32>,
      %add3A_567 = arith.addf %add3A_562, %get3A_566 : vector<16xf32>
      %add3A_568 = arith.constant 48 : i32
      %add3A_569 = arith.addi %add3A_500, %add3A_568 : i32
      %add3A_570 = arith.constant 0 : i32
      %add3A_571 = arith.addi %add3A_569, %add3A_570 : i32
      %swap3A_572 = arith.index_cast %add3A_571 : i32 to index
      %swap3A_573 = tpu.vector_load %arg15[%swap3A_572] {strides = array<i32>} : memref<8192xf32, #tpu.memory_space<vmem>>, vector<16xf32>,
      tpu.vector_store %arg15[%swap3A_572], %add3A_567 {strides = array<i32>} : memref<8192xf32, #tpu.memory_space<vmem>>, vector<16xf32>,
      %add3A_574 = arith.constant 16 : i32
      %add3A_575 = arith.addi %shift_right_logical3A_512, %add3A_574 : i32
      %get3A_576 = arith.index_cast %add3A_575 : i32 to index
      %get3A_577 = tpu.vector_load %arg10[%get3A_576] {strides = array<i32>} : memref<29472xf32, #tpu.memory_space<vmem>>, vector<16xf32>,
      %add3A_578 = arith.constant 16 : i32
      %add3A_579 = arith.addi %and3A_514, %add3A_578 : i32
      %get3A_580 = arith.index_cast %add3A_579 : i32 to index
      %get3A_581 = tpu.vector_load %arg10[%get3A_580] {strides = array<i32>} : memref<29472xf32, #tpu.memory_space<vmem>>, vector<16xf32>,
      %add3A_582 = arith.addf %get3A_577, %get3A_581 : vector<16xf32>
      %add3A_583 = arith.constant 16 : i32
      %add3A_584 = arith.addi %shift_right_logical3A_516, %add3A_583 : i32
      %get3A_585 = arith.index_cast %add3A_584 : i32 to index
      %get3A_586 = tpu.vector_load %arg10[%get3A_585] {strides = array<i32>} : memref<29472xf32, #tpu.memory_space<vmem>>, vector<16xf32>,
      %add3A_587 = arith.addf %add3A_582, %get3A_586 : vector<16xf32>
      %add3A_588 = arith.constant 16 : i32
      %add3A_589 = arith.addi %and3A_518, %add3A_588 : i32
      %get3A_590 = arith.index_cast %add3A_589 : i32 to index
      %get3A_591 = tpu.vector_load %arg10[%get3A_590] {strides = array<i32>} : memref<29472xf32, #tpu.memory_space<vmem>>, vector<16xf32>,
      %add3A_592 = arith.addf %add3A_587, %get3A_591 : vector<16xf32>
      %add3A_593 = arith.constant 48 : i32
      %add3A_594 = arith.addi %add3A_500, %add3A_593 : i32
      %add3A_595 = arith.constant 16 : i32
      %add3A_596 = arith.addi %add3A_594, %add3A_595 : i32
      %swap3A_597 = arith.index_cast %add3A_596 : i32 to index
      %swap3A_598 = tpu.vector_load %arg15[%swap3A_597] {strides = array<i32>} : memref<8192xf32, #tpu.memory_space<vmem>>, vector<16xf32>,
      tpu.vector_store %arg15[%swap3A_597], %add3A_592 {strides = array<i32>} : memref<8192xf32, #tpu.memory_space<vmem>>, vector<16xf32>,
      %get3A_599 = arith.index_cast %shift_right_logical3A_520 : i32 to index
      %get3A_600 = tpu.vector_load %arg11[%get3A_599] {strides = array<i32>} : memref<4960xf32, #tpu.memory_space<vmem>>, vector<16xf32>,
      %add3A_601 = arith.constant 72 : i32
      %add3A_602 = arith.addi %add3A_500, %add3A_601 : i32
      %swap3A_603 = arith.index_cast %add3A_602 : i32 to index
      %swap3A_604 = tpu.vector_load %arg15[%swap3A_603] {strides = array<i32>} : memref<8192xf32, #tpu.memory_space<vmem>>, vector<16xf32>,
      tpu.vector_store %arg15[%swap3A_603], %get3A_600 {strides = array<i32>} : memref<8192xf32, #tpu.memory_space<vmem>>, vector<16xf32>,
      %get3A_605 = arith.index_cast %and3A_522 : i32 to index
      %get3A_606 = tpu.vector_load %arg12[%get3A_605] {strides = array<i32>} : memref<19200xf32, #tpu.memory_space<vmem>>, vector<16xf32>,
      %add3A_607 = arith.constant 88 : i32
      %add3A_608 = arith.addi %add3A_500, %add3A_607 : i32
      %swap3A_609 = arith.index_cast %add3A_608 : i32 to index
      %swap3A_610 = tpu.vector_load %arg15[%swap3A_609] {strides = array<i32>} : memref<8192xf32, #tpu.memory_space<vmem>>, vector<16xf32>,
      tpu.vector_store %arg15[%swap3A_609], %get3A_606 {strides = array<i32>} : memref<8192xf32, #tpu.memory_space<vmem>>, vector<16xf32>,
      %get3A_611 = arith.index_cast %shift_right_logical3A_524 : i32 to index
      %get3A_612 = tpu.vector_load %arg13[%get3A_611] {strides = array<i32>} : memref<304xf32, #tpu.memory_space<vmem>>, vector<16xf32>,
      %add3A_613 = arith.constant 104 : i32
      %add3A_614 = arith.addi %add3A_500, %add3A_613 : i32
      %swap3A_615 = arith.index_cast %add3A_614 : i32 to index
      %swap3A_616 = tpu.vector_load %arg15[%swap3A_615] {strides = array<i32>} : memref<8192xf32, #tpu.memory_space<vmem>>, vector<16xf32>,
      tpu.vector_store %arg15[%swap3A_615], %get3A_612 {strides = array<i32>} : memref<8192xf32, #tpu.memory_space<vmem>>, vector<16xf32>,
      %add3A_617 = arith.constant 512 : i32
      %add3A_618 = arith.addi %mul3A_112, %add3A_617 : i32
      %slice3A_619 = vector.extract_strided_slice %get3A_121 {offsets = [4], sizes = [1], strides = [1]} : vector<16xi32> to vector<1xi32>
      %squeeze3A_620 = vector.extract %slice3A_619[0] : i32 from vector<1xi32>
      %slice3A_621 = vector.extract_strided_slice %get3A_125 {offsets = [4], sizes = [1], strides = [1]} : vector<16xi32> to vector<1xi32>
      %squeeze3A_622 = vector.extract %slice3A_621[0] : i32 from vector<1xi32>
      %slice3A_623 = vector.extract_strided_slice %get3A_129 {offsets = [4], sizes = [1], strides = [1]} : vector<16xi32> to vector<1xi32>
      %squeeze3A_624 = vector.extract %slice3A_623[0] : i32 from vector<1xi32>
      %slice3A_625 = vector.extract_strided_slice %get3A_133 {offsets = [4], sizes = [1], strides = [1]} : vector<16xi32> to vector<1xi32>
      %squeeze3A_626 = vector.extract %slice3A_625[0] : i32 from vector<1xi32>
      %and3A_627 = arith.constant 65535 : i32
      %and3A_628 = arith.andi %squeeze3A_620, %and3A_627 : i32
      %shift_right_logical3A_629 = arith.constant 16 : i32
      %shift_right_logical3A_630 = arith.shrui %squeeze3A_620, %shift_right_logical3A_629 : i32
      %and3A_631 = arith.constant 65535 : i32
      %and3A_632 = arith.andi %squeeze3A_622, %and3A_631 : i32
      %shift_right_logical3A_633 = arith.constant 16 : i32
      %shift_right_logical3A_634 = arith.shrui %squeeze3A_622, %shift_right_logical3A_633 : i32
      %and3A_635 = arith.constant 65535 : i32
      %and3A_636 = arith.andi %squeeze3A_624, %and3A_635 : i32
      %shift_right_logical3A_637 = arith.constant 16 : i32
      %shift_right_logical3A_638 = arith.shrui %squeeze3A_624, %shift_right_logical3A_637 : i32
      %and3A_639 = arith.constant 65535 : i32
      %and3A_640 = arith.andi %squeeze3A_626, %and3A_639 : i32
      %shift_right_logical3A_641 = arith.constant 16 : i32
      %shift_right_logical3A_642 = arith.shrui %squeeze3A_626, %shift_right_logical3A_641 : i32
      %add3A_643 = arith.constant 0 : i32
      %add3A_644 = arith.addi %and3A_628, %add3A_643 : i32
      %get3A_645 = arith.index_cast %add3A_644 : i32 to index
      %get3A_646 = tpu.vector_load %arg9[%get3A_645] {strides = array<i32>} : memref<49200xf32, #tpu.memory_space<vmem>>, vector<16xf32>,
      %add3A_647 = arith.constant 0 : i32
      %add3A_648 = arith.addi %add3A_618, %add3A_647 : i32
      %swap3A_649 = arith.index_cast %add3A_648 : i32 to index
      %swap3A_650 = tpu.vector_load %arg15[%swap3A_649] {strides = array<i32>} : memref<8192xf32, #tpu.memory_space<vmem>>, vector<16xf32>,
      tpu.vector_store %arg15[%swap3A_649], %get3A_646 {strides = array<i32>} : memref<8192xf32, #tpu.memory_space<vmem>>, vector<16xf32>,
      %add3A_651 = arith.constant 16 : i32
      %add3A_652 = arith.addi %and3A_628, %add3A_651 : i32
      %get3A_653 = arith.index_cast %add3A_652 : i32 to index
      %get3A_654 = tpu.vector_load %arg9[%get3A_653] {strides = array<i32>} : memref<49200xf32, #tpu.memory_space<vmem>>, vector<16xf32>,
      %add3A_655 = arith.constant 16 : i32
      %add3A_656 = arith.addi %add3A_618, %add3A_655 : i32
      %swap3A_657 = arith.index_cast %add3A_656 : i32 to index
      %swap3A_658 = tpu.vector_load %arg15[%swap3A_657] {strides = array<i32>} : memref<8192xf32, #tpu.memory_space<vmem>>, vector<16xf32>,
      tpu.vector_store %arg15[%swap3A_657], %get3A_654 {strides = array<i32>} : memref<8192xf32, #tpu.memory_space<vmem>>, vector<16xf32>,
      %add3A_659 = arith.constant 32 : i32
      %add3A_660 = arith.addi %and3A_628, %add3A_659 : i32
      %get3A_661 = arith.index_cast %add3A_660 : i32 to index
      %get3A_662 = tpu.vector_load %arg9[%get3A_661] {strides = array<i32>} : memref<49200xf32, #tpu.memory_space<vmem>>, vector<16xf32>,
      %add3A_663 = arith.constant 32 : i32
      %add3A_664 = arith.addi %add3A_618, %add3A_663 : i32
      %swap3A_665 = arith.index_cast %add3A_664 : i32 to index
      %swap3A_666 = tpu.vector_load %arg15[%swap3A_665] {strides = array<i32>} : memref<8192xf32, #tpu.memory_space<vmem>>, vector<16xf32>,
      tpu.vector_store %arg15[%swap3A_665], %get3A_662 {strides = array<i32>} : memref<8192xf32, #tpu.memory_space<vmem>>, vector<16xf32>,
      %add3A_667 = arith.constant 0 : i32
      %add3A_668 = arith.addi %shift_right_logical3A_630, %add3A_667 : i32
      %get3A_669 = arith.index_cast %add3A_668 : i32 to index
      %get3A_670 = tpu.vector_load %arg10[%get3A_669] {strides = array<i32>} : memref<29472xf32, #tpu.memory_space<vmem>>, vector<16xf32>,
      %add3A_671 = arith.constant 0 : i32
      %add3A_672 = arith.addi %and3A_632, %add3A_671 : i32
      %get3A_673 = arith.index_cast %add3A_672 : i32 to index
      %get3A_674 = tpu.vector_load %arg10[%get3A_673] {strides = array<i32>} : memref<29472xf32, #tpu.memory_space<vmem>>, vector<16xf32>,
      %add3A_675 = arith.addf %get3A_670, %get3A_674 : vector<16xf32>
      %add3A_676 = arith.constant 0 : i32
      %add3A_677 = arith.addi %shift_right_logical3A_634, %add3A_676 : i32
      %get3A_678 = arith.index_cast %add3A_677 : i32 to index
      %get3A_679 = tpu.vector_load %arg10[%get3A_678] {strides = array<i32>} : memref<29472xf32, #tpu.memory_space<vmem>>, vector<16xf32>,
      %add3A_680 = arith.addf %add3A_675, %get3A_679 : vector<16xf32>
      %add3A_681 = arith.constant 0 : i32
      %add3A_682 = arith.addi %and3A_636, %add3A_681 : i32
      %get3A_683 = arith.index_cast %add3A_682 : i32 to index
      %get3A_684 = tpu.vector_load %arg10[%get3A_683] {strides = array<i32>} : memref<29472xf32, #tpu.memory_space<vmem>>, vector<16xf32>,
      %add3A_685 = arith.addf %add3A_680, %get3A_684 : vector<16xf32>
      %add3A_686 = arith.constant 48 : i32
      %add3A_687 = arith.addi %add3A_618, %add3A_686 : i32
      %add3A_688 = arith.constant 0 : i32
      %add3A_689 = arith.addi %add3A_687, %add3A_688 : i32
      %swap3A_690 = arith.index_cast %add3A_689 : i32 to index
      %swap3A_691 = tpu.vector_load %arg15[%swap3A_690] {strides = array<i32>} : memref<8192xf32, #tpu.memory_space<vmem>>, vector<16xf32>,
      tpu.vector_store %arg15[%swap3A_690], %add3A_685 {strides = array<i32>} : memref<8192xf32, #tpu.memory_space<vmem>>, vector<16xf32>,
      %add3A_692 = arith.constant 16 : i32
      %add3A_693 = arith.addi %shift_right_logical3A_630, %add3A_692 : i32
      %get3A_694 = arith.index_cast %add3A_693 : i32 to index
      %get3A_695 = tpu.vector_load %arg10[%get3A_694] {strides = array<i32>} : memref<29472xf32, #tpu.memory_space<vmem>>, vector<16xf32>,
      %add3A_696 = arith.constant 16 : i32
      %add3A_697 = arith.addi %and3A_632, %add3A_696 : i32
      %get3A_698 = arith.index_cast %add3A_697 : i32 to index
      %get3A_699 = tpu.vector_load %arg10[%get3A_698] {strides = array<i32>} : memref<29472xf32, #tpu.memory_space<vmem>>, vector<16xf32>,
      %add3A_700 = arith.addf %get3A_695, %get3A_699 : vector<16xf32>
      %add3A_701 = arith.constant 16 : i32
      %add3A_702 = arith.addi %shift_right_logical3A_634, %add3A_701 : i32
      %get3A_703 = arith.index_cast %add3A_702 : i32 to index
      %get3A_704 = tpu.vector_load %arg10[%get3A_703] {strides = array<i32>} : memref<29472xf32, #tpu.memory_space<vmem>>, vector<16xf32>,
      %add3A_705 = arith.addf %add3A_700, %get3A_704 : vector<16xf32>
      %add3A_706 = arith.constant 16 : i32
      %add3A_707 = arith.addi %and3A_636, %add3A_706 : i32
      %get3A_708 = arith.index_cast %add3A_707 : i32 to index
      %get3A_709 = tpu.vector_load %arg10[%get3A_708] {strides = array<i32>} : memref<29472xf32, #tpu.memory_space<vmem>>, vector<16xf32>,
      %add3A_710 = arith.addf %add3A_705, %get3A_709 : vector<16xf32>
      %add3A_711 = arith.constant 48 : i32
      %add3A_712 = arith.addi %add3A_618, %add3A_711 : i32
      %add3A_713 = arith.constant 16 : i32
      %add3A_714 = arith.addi %add3A_712, %add3A_713 : i32
      %swap3A_715 = arith.index_cast %add3A_714 : i32 to index
      %swap3A_716 = tpu.vector_load %arg15[%swap3A_715] {strides = array<i32>} : memref<8192xf32, #tpu.memory_space<vmem>>, vector<16xf32>,
      tpu.vector_store %arg15[%swap3A_715], %add3A_710 {strides = array<i32>} : memref<8192xf32, #tpu.memory_space<vmem>>, vector<16xf32>,
      %get3A_717 = arith.index_cast %shift_right_logical3A_638 : i32 to index
      %get3A_718 = tpu.vector_load %arg11[%get3A_717] {strides = array<i32>} : memref<4960xf32, #tpu.memory_space<vmem>>, vector<16xf32>,
      %add3A_719 = arith.constant 72 : i32
      %add3A_720 = arith.addi %add3A_618, %add3A_719 : i32
      %swap3A_721 = arith.index_cast %add3A_720 : i32 to index
      %swap3A_722 = tpu.vector_load %arg15[%swap3A_721] {strides = array<i32>} : memref<8192xf32, #tpu.memory_space<vmem>>, vector<16xf32>,
      tpu.vector_store %arg15[%swap3A_721], %get3A_718 {strides = array<i32>} : memref<8192xf32, #tpu.memory_space<vmem>>, vector<16xf32>,
      %get3A_723 = arith.index_cast %and3A_640 : i32 to index
      %get3A_724 = tpu.vector_load %arg12[%get3A_723] {strides = array<i32>} : memref<19200xf32, #tpu.memory_space<vmem>>, vector<16xf32>,
      %add3A_725 = arith.constant 88 : i32
      %add3A_726 = arith.addi %add3A_618, %add3A_725 : i32
      %swap3A_727 = arith.index_cast %add3A_726 : i32 to index
      %swap3A_728 = tpu.vector_load %arg15[%swap3A_727] {strides = array<i32>} : memref<8192xf32, #tpu.memory_space<vmem>>, vector<16xf32>,
      tpu.vector_store %arg15[%swap3A_727], %get3A_724 {strides = array<i32>} : memref<8192xf32, #tpu.memory_space<vmem>>, vector<16xf32>,
      %get3A_729 = arith.index_cast %shift_right_logical3A_642 : i32 to index
      %get3A_730 = tpu.vector_load %arg13[%get3A_729] {strides = array<i32>} : memref<304xf32, #tpu.memory_space<vmem>>, vector<16xf32>,
      %add3A_731 = arith.constant 104 : i32
      %add3A_732 = arith.addi %add3A_618, %add3A_731 : i32
      %swap3A_733 = arith.index_cast %add3A_732 : i32 to index
      %swap3A_734 = tpu.vector_load %arg15[%swap3A_733] {strides = array<i32>} : memref<8192xf32, #tpu.memory_space<vmem>>, vector<16xf32>,
      tpu.vector_store %arg15[%swap3A_733], %get3A_730 {strides = array<i32>} : memref<8192xf32, #tpu.memory_space<vmem>>, vector<16xf32>,
      %add3A_735 = arith.constant 640 : i32
      %add3A_736 = arith.addi %mul3A_112, %add3A_735 : i32
      %slice3A_737 = vector.extract_strided_slice %get3A_121 {offsets = [5], sizes = [1], strides = [1]} : vector<16xi32> to vector<1xi32>
      %squeeze3A_738 = vector.extract %slice3A_737[0] : i32 from vector<1xi32>
      %slice3A_739 = vector.extract_strided_slice %get3A_125 {offsets = [5], sizes = [1], strides = [1]} : vector<16xi32> to vector<1xi32>
      %squeeze3A_740 = vector.extract %slice3A_739[0] : i32 from vector<1xi32>
      %slice3A_741 = vector.extract_strided_slice %get3A_129 {offsets = [5], sizes = [1], strides = [1]} : vector<16xi32> to vector<1xi32>
      %squeeze3A_742 = vector.extract %slice3A_741[0] : i32 from vector<1xi32>
      %slice3A_743 = vector.extract_strided_slice %get3A_133 {offsets = [5], sizes = [1], strides = [1]} : vector<16xi32> to vector<1xi32>
      %squeeze3A_744 = vector.extract %slice3A_743[0] : i32 from vector<1xi32>
      %and3A_745 = arith.constant 65535 : i32
      %and3A_746 = arith.andi %squeeze3A_738, %and3A_745 : i32
      %shift_right_logical3A_747 = arith.constant 16 : i32
      %shift_right_logical3A_748 = arith.shrui %squeeze3A_738, %shift_right_logical3A_747 : i32
      %and3A_749 = arith.constant 65535 : i32
      %and3A_750 = arith.andi %squeeze3A_740, %and3A_749 : i32
      %shift_right_logical3A_751 = arith.constant 16 : i32
      %shift_right_logical3A_752 = arith.shrui %squeeze3A_740, %shift_right_logical3A_751 : i32
      %and3A_753 = arith.constant 65535 : i32
      %and3A_754 = arith.andi %squeeze3A_742, %and3A_753 : i32
      %shift_right_logical3A_755 = arith.constant 16 : i32
      %shift_right_logical3A_756 = arith.shrui %squeeze3A_742, %shift_right_logical3A_755 : i32
      %and3A_757 = arith.constant 65535 : i32
      %and3A_758 = arith.andi %squeeze3A_744, %and3A_757 : i32
      %shift_right_logical3A_759 = arith.constant 16 : i32
      %shift_right_logical3A_760 = arith.shrui %squeeze3A_744, %shift_right_logical3A_759 : i32
      %add3A_761 = arith.constant 0 : i32
      %add3A_762 = arith.addi %and3A_746, %add3A_761 : i32
      %get3A_763 = arith.index_cast %add3A_762 : i32 to index
      %get3A_764 = tpu.vector_load %arg9[%get3A_763] {strides = array<i32>} : memref<49200xf32, #tpu.memory_space<vmem>>, vector<16xf32>,
      %add3A_765 = arith.constant 0 : i32
      %add3A_766 = arith.addi %add3A_736, %add3A_765 : i32
      %swap3A_767 = arith.index_cast %add3A_766 : i32 to index
      %swap3A_768 = tpu.vector_load %arg15[%swap3A_767] {strides = array<i32>} : memref<8192xf32, #tpu.memory_space<vmem>>, vector<16xf32>,
      tpu.vector_store %arg15[%swap3A_767], %get3A_764 {strides = array<i32>} : memref<8192xf32, #tpu.memory_space<vmem>>, vector<16xf32>,
      %add3A_769 = arith.constant 16 : i32
      %add3A_770 = arith.addi %and3A_746, %add3A_769 : i32
      %get3A_771 = arith.index_cast %add3A_770 : i32 to index
      %get3A_772 = tpu.vector_load %arg9[%get3A_771] {strides = array<i32>} : memref<49200xf32, #tpu.memory_space<vmem>>, vector<16xf32>,
      %add3A_773 = arith.constant 16 : i32
      %add3A_774 = arith.addi %add3A_736, %add3A_773 : i32
      %swap3A_775 = arith.index_cast %add3A_774 : i32 to index
      %swap3A_776 = tpu.vector_load %arg15[%swap3A_775] {strides = array<i32>} : memref<8192xf32, #tpu.memory_space<vmem>>, vector<16xf32>,
      tpu.vector_store %arg15[%swap3A_775], %get3A_772 {strides = array<i32>} : memref<8192xf32, #tpu.memory_space<vmem>>, vector<16xf32>,
      %add3A_777 = arith.constant 32 : i32
      %add3A_778 = arith.addi %and3A_746, %add3A_777 : i32
      %get3A_779 = arith.index_cast %add3A_778 : i32 to index
      %get3A_780 = tpu.vector_load %arg9[%get3A_779] {strides = array<i32>} : memref<49200xf32, #tpu.memory_space<vmem>>, vector<16xf32>,
      %add3A_781 = arith.constant 32 : i32
      %add3A_782 = arith.addi %add3A_736, %add3A_781 : i32
      %swap3A_783 = arith.index_cast %add3A_782 : i32 to index
      %swap3A_784 = tpu.vector_load %arg15[%swap3A_783] {strides = array<i32>} : memref<8192xf32, #tpu.memory_space<vmem>>, vector<16xf32>,
      tpu.vector_store %arg15[%swap3A_783], %get3A_780 {strides = array<i32>} : memref<8192xf32, #tpu.memory_space<vmem>>, vector<16xf32>,
      %add3A_785 = arith.constant 0 : i32
      %add3A_786 = arith.addi %shift_right_logical3A_748, %add3A_785 : i32
      %get3A_787 = arith.index_cast %add3A_786 : i32 to index
      %get3A_788 = tpu.vector_load %arg10[%get3A_787] {strides = array<i32>} : memref<29472xf32, #tpu.memory_space<vmem>>, vector<16xf32>,
      %add3A_789 = arith.constant 0 : i32
      %add3A_790 = arith.addi %and3A_750, %add3A_789 : i32
      %get3A_791 = arith.index_cast %add3A_790 : i32 to index
      %get3A_792 = tpu.vector_load %arg10[%get3A_791] {strides = array<i32>} : memref<29472xf32, #tpu.memory_space<vmem>>, vector<16xf32>,
      %add3A_793 = arith.addf %get3A_788, %get3A_792 : vector<16xf32>
      %add3A_794 = arith.constant 0 : i32
      %add3A_795 = arith.addi %shift_right_logical3A_752, %add3A_794 : i32
      %get3A_796 = arith.index_cast %add3A_795 : i32 to index
      %get3A_797 = tpu.vector_load %arg10[%get3A_796] {strides = array<i32>} : memref<29472xf32, #tpu.memory_space<vmem>>, vector<16xf32>,
      %add3A_798 = arith.addf %add3A_793, %get3A_797 : vector<16xf32>
      %add3A_799 = arith.constant 0 : i32
      %add3A_800 = arith.addi %and3A_754, %add3A_799 : i32
      %get3A_801 = arith.index_cast %add3A_800 : i32 to index
      %get3A_802 = tpu.vector_load %arg10[%get3A_801] {strides = array<i32>} : memref<29472xf32, #tpu.memory_space<vmem>>, vector<16xf32>,
      %add3A_803 = arith.addf %add3A_798, %get3A_802 : vector<16xf32>
      %add3A_804 = arith.constant 48 : i32
      %add3A_805 = arith.addi %add3A_736, %add3A_804 : i32
      %add3A_806 = arith.constant 0 : i32
      %add3A_807 = arith.addi %add3A_805, %add3A_806 : i32
      %swap3A_808 = arith.index_cast %add3A_807 : i32 to index
      %swap3A_809 = tpu.vector_load %arg15[%swap3A_808] {strides = array<i32>} : memref<8192xf32, #tpu.memory_space<vmem>>, vector<16xf32>,
      tpu.vector_store %arg15[%swap3A_808], %add3A_803 {strides = array<i32>} : memref<8192xf32, #tpu.memory_space<vmem>>, vector<16xf32>,
      %add3A_810 = arith.constant 16 : i32
      %add3A_811 = arith.addi %shift_right_logical3A_748, %add3A_810 : i32
      %get3A_812 = arith.index_cast %add3A_811 : i32 to index
      %get3A_813 = tpu.vector_load %arg10[%get3A_812] {strides = array<i32>} : memref<29472xf32, #tpu.memory_space<vmem>>, vector<16xf32>,
      %add3A_814 = arith.constant 16 : i32
      %add3A_815 = arith.addi %and3A_750, %add3A_814 : i32
      %get3A_816 = arith.index_cast %add3A_815 : i32 to index
      %get3A_817 = tpu.vector_load %arg10[%get3A_816] {strides = array<i32>} : memref<29472xf32, #tpu.memory_space<vmem>>, vector<16xf32>,
      %add3A_818 = arith.addf %get3A_813, %get3A_817 : vector<16xf32>
      %add3A_819 = arith.constant 16 : i32
      %add3A_820 = arith.addi %shift_right_logical3A_752, %add3A_819 : i32
      %get3A_821 = arith.index_cast %add3A_820 : i32 to index
      %get3A_822 = tpu.vector_load %arg10[%get3A_821] {strides = array<i32>} : memref<29472xf32, #tpu.memory_space<vmem>>, vector<16xf32>,
      %add3A_823 = arith.addf %add3A_818, %get3A_822 : vector<16xf32>
      %add3A_824 = arith.constant 16 : i32
      %add3A_825 = arith.addi %and3A_754, %add3A_824 : i32
      %get3A_826 = arith.index_cast %add3A_825 : i32 to index
      %get3A_827 = tpu.vector_load %arg10[%get3A_826] {strides = array<i32>} : memref<29472xf32, #tpu.memory_space<vmem>>, vector<16xf32>,
      %add3A_828 = arith.addf %add3A_823, %get3A_827 : vector<16xf32>
      %add3A_829 = arith.constant 48 : i32
      %add3A_830 = arith.addi %add3A_736, %add3A_829 : i32
      %add3A_831 = arith.constant 16 : i32
      %add3A_832 = arith.addi %add3A_830, %add3A_831 : i32
      %swap3A_833 = arith.index_cast %add3A_832 : i32 to index
      %swap3A_834 = tpu.vector_load %arg15[%swap3A_833] {strides = array<i32>} : memref<8192xf32, #tpu.memory_space<vmem>>, vector<16xf32>,
      tpu.vector_store %arg15[%swap3A_833], %add3A_828 {strides = array<i32>} : memref<8192xf32, #tpu.memory_space<vmem>>, vector<16xf32>,
      %get3A_835 = arith.index_cast %shift_right_logical3A_756 : i32 to index
      %get3A_836 = tpu.vector_load %arg11[%get3A_835] {strides = array<i32>} : memref<4960xf32, #tpu.memory_space<vmem>>, vector<16xf32>,
      %add3A_837 = arith.constant 72 : i32
      %add3A_838 = arith.addi %add3A_736, %add3A_837 : i32
      %swap3A_839 = arith.index_cast %add3A_838 : i32 to index
      %swap3A_840 = tpu.vector_load %arg15[%swap3A_839] {strides = array<i32>} : memref<8192xf32, #tpu.memory_space<vmem>>, vector<16xf32>,
      tpu.vector_store %arg15[%swap3A_839], %get3A_836 {strides = array<i32>} : memref<8192xf32, #tpu.memory_space<vmem>>, vector<16xf32>,
      %get3A_841 = arith.index_cast %and3A_758 : i32 to index
      %get3A_842 = tpu.vector_load %arg12[%get3A_841] {strides = array<i32>} : memref<19200xf32, #tpu.memory_space<vmem>>, vector<16xf32>,
      %add3A_843 = arith.constant 88 : i32
      %add3A_844 = arith.addi %add3A_736, %add3A_843 : i32
      %swap3A_845 = arith.index_cast %add3A_844 : i32 to index
      %swap3A_846 = tpu.vector_load %arg15[%swap3A_845] {strides = array<i32>} : memref<8192xf32, #tpu.memory_space<vmem>>, vector<16xf32>,
      tpu.vector_store %arg15[%swap3A_845], %get3A_842 {strides = array<i32>} : memref<8192xf32, #tpu.memory_space<vmem>>, vector<16xf32>,
      %get3A_847 = arith.index_cast %shift_right_logical3A_760 : i32 to index
      %get3A_848 = tpu.vector_load %arg13[%get3A_847] {strides = array<i32>} : memref<304xf32, #tpu.memory_space<vmem>>, vector<16xf32>,
      %add3A_849 = arith.constant 104 : i32
      %add3A_850 = arith.addi %add3A_736, %add3A_849 : i32
      %swap3A_851 = arith.index_cast %add3A_850 : i32 to index
      %swap3A_852 = tpu.vector_load %arg15[%swap3A_851] {strides = array<i32>} : memref<8192xf32, #tpu.memory_space<vmem>>, vector<16xf32>,
      tpu.vector_store %arg15[%swap3A_851], %get3A_848 {strides = array<i32>} : memref<8192xf32, #tpu.memory_space<vmem>>, vector<16xf32>,
      %add3A_853 = arith.constant 768 : i32
      %add3A_854 = arith.addi %mul3A_112, %add3A_853 : i32
      %slice3A_855 = vector.extract_strided_slice %get3A_121 {offsets = [6], sizes = [1], strides = [1]} : vector<16xi32> to vector<1xi32>
      %squeeze3A_856 = vector.extract %slice3A_855[0] : i32 from vector<1xi32>
      %slice3A_857 = vector.extract_strided_slice %get3A_125 {offsets = [6], sizes = [1], strides = [1]} : vector<16xi32> to vector<1xi32>
      %squeeze3A_858 = vector.extract %slice3A_857[0] : i32 from vector<1xi32>
      %slice3A_859 = vector.extract_strided_slice %get3A_129 {offsets = [6], sizes = [1], strides = [1]} : vector<16xi32> to vector<1xi32>
      %squeeze3A_860 = vector.extract %slice3A_859[0] : i32 from vector<1xi32>
      %slice3A_861 = vector.extract_strided_slice %get3A_133 {offsets = [6], sizes = [1], strides = [1]} : vector<16xi32> to vector<1xi32>
      %squeeze3A_862 = vector.extract %slice3A_861[0] : i32 from vector<1xi32>
      %and3A_863 = arith.constant 65535 : i32
      %and3A_864 = arith.andi %squeeze3A_856, %and3A_863 : i32
      %shift_right_logical3A_865 = arith.constant 16 : i32
      %shift_right_logical3A_866 = arith.shrui %squeeze3A_856, %shift_right_logical3A_865 : i32
      %and3A_867 = arith.constant 65535 : i32
      %and3A_868 = arith.andi %squeeze3A_858, %and3A_867 : i32
      %shift_right_logical3A_869 = arith.constant 16 : i32
      %shift_right_logical3A_870 = arith.shrui %squeeze3A_858, %shift_right_logical3A_869 : i32
      %and3A_871 = arith.constant 65535 : i32
      %and3A_872 = arith.andi %squeeze3A_860, %and3A_871 : i32
      %shift_right_logical3A_873 = arith.constant 16 : i32
      %shift_right_logical3A_874 = arith.shrui %squeeze3A_860, %shift_right_logical3A_873 : i32
      %and3A_875 = arith.constant 65535 : i32
      %and3A_876 = arith.andi %squeeze3A_862, %and3A_875 : i32
      %shift_right_logical3A_877 = arith.constant 16 : i32
      %shift_right_logical3A_878 = arith.shrui %squeeze3A_862, %shift_right_logical3A_877 : i32
      %add3A_879 = arith.constant 0 : i32
      %add3A_880 = arith.addi %and3A_864, %add3A_879 : i32
      %get3A_881 = arith.index_cast %add3A_880 : i32 to index
      %get3A_882 = tpu.vector_load %arg9[%get3A_881] {strides = array<i32>} : memref<49200xf32, #tpu.memory_space<vmem>>, vector<16xf32>,
      %add3A_883 = arith.constant 0 : i32
      %add3A_884 = arith.addi %add3A_854, %add3A_883 : i32
      %swap3A_885 = arith.index_cast %add3A_884 : i32 to index
      %swap3A_886 = tpu.vector_load %arg15[%swap3A_885] {strides = array<i32>} : memref<8192xf32, #tpu.memory_space<vmem>>, vector<16xf32>,
      tpu.vector_store %arg15[%swap3A_885], %get3A_882 {strides = array<i32>} : memref<8192xf32, #tpu.memory_space<vmem>>, vector<16xf32>,
      %add3A_887 = arith.constant 16 : i32
      %add3A_888 = arith.addi %and3A_864, %add3A_887 : i32
      %get3A_889 = arith.index_cast %add3A_888 : i32 to index
      %get3A_890 = tpu.vector_load %arg9[%get3A_889] {strides = array<i32>} : memref<49200xf32, #tpu.memory_space<vmem>>, vector<16xf32>,
      %add3A_891 = arith.constant 16 : i32
      %add3A_892 = arith.addi %add3A_854, %add3A_891 : i32
      %swap3A_893 = arith.index_cast %add3A_892 : i32 to index
      %swap3A_894 = tpu.vector_load %arg15[%swap3A_893] {strides = array<i32>} : memref<8192xf32, #tpu.memory_space<vmem>>, vector<16xf32>,
      tpu.vector_store %arg15[%swap3A_893], %get3A_890 {strides = array<i32>} : memref<8192xf32, #tpu.memory_space<vmem>>, vector<16xf32>,
      %add3A_895 = arith.constant 32 : i32
      %add3A_896 = arith.addi %and3A_864, %add3A_895 : i32
      %get3A_897 = arith.index_cast %add3A_896 : i32 to index
      %get3A_898 = tpu.vector_load %arg9[%get3A_897] {strides = array<i32>} : memref<49200xf32, #tpu.memory_space<vmem>>, vector<16xf32>,
      %add3A_899 = arith.constant 32 : i32
      %add3A_900 = arith.addi %add3A_854, %add3A_899 : i32
      %swap3A_901 = arith.index_cast %add3A_900 : i32 to index
      %swap3A_902 = tpu.vector_load %arg15[%swap3A_901] {strides = array<i32>} : memref<8192xf32, #tpu.memory_space<vmem>>, vector<16xf32>,
      tpu.vector_store %arg15[%swap3A_901], %get3A_898 {strides = array<i32>} : memref<8192xf32, #tpu.memory_space<vmem>>, vector<16xf32>,
      %add3A_903 = arith.constant 0 : i32
      %add3A_904 = arith.addi %shift_right_logical3A_866, %add3A_903 : i32
      %get3A_905 = arith.index_cast %add3A_904 : i32 to index
      %get3A_906 = tpu.vector_load %arg10[%get3A_905] {strides = array<i32>} : memref<29472xf32, #tpu.memory_space<vmem>>, vector<16xf32>,
      %add3A_907 = arith.constant 0 : i32
      %add3A_908 = arith.addi %and3A_868, %add3A_907 : i32
      %get3A_909 = arith.index_cast %add3A_908 : i32 to index
      %get3A_910 = tpu.vector_load %arg10[%get3A_909] {strides = array<i32>} : memref<29472xf32, #tpu.memory_space<vmem>>, vector<16xf32>,
      %add3A_911 = arith.addf %get3A_906, %get3A_910 : vector<16xf32>
      %add3A_912 = arith.constant 0 : i32
      %add3A_913 = arith.addi %shift_right_logical3A_870, %add3A_912 : i32
      %get3A_914 = arith.index_cast %add3A_913 : i32 to index
      %get3A_915 = tpu.vector_load %arg10[%get3A_914] {strides = array<i32>} : memref<29472xf32, #tpu.memory_space<vmem>>, vector<16xf32>,
      %add3A_916 = arith.addf %add3A_911, %get3A_915 : vector<16xf32>
      %add3A_917 = arith.constant 0 : i32
      %add3A_918 = arith.addi %and3A_872, %add3A_917 : i32
      %get3A_919 = arith.index_cast %add3A_918 : i32 to index
      %get3A_920 = tpu.vector_load %arg10[%get3A_919] {strides = array<i32>} : memref<29472xf32, #tpu.memory_space<vmem>>, vector<16xf32>,
      %add3A_921 = arith.addf %add3A_916, %get3A_920 : vector<16xf32>
      %add3A_922 = arith.constant 48 : i32
      %add3A_923 = arith.addi %add3A_854, %add3A_922 : i32
      %add3A_924 = arith.constant 0 : i32
      %add3A_925 = arith.addi %add3A_923, %add3A_924 : i32
      %swap3A_926 = arith.index_cast %add3A_925 : i32 to index
      %swap3A_927 = tpu.vector_load %arg15[%swap3A_926] {strides = array<i32>} : memref<8192xf32, #tpu.memory_space<vmem>>, vector<16xf32>,
      tpu.vector_store %arg15[%swap3A_926], %add3A_921 {strides = array<i32>} : memref<8192xf32, #tpu.memory_space<vmem>>, vector<16xf32>,
      %add3A_928 = arith.constant 16 : i32
      %add3A_929 = arith.addi %shift_right_logical3A_866, %add3A_928 : i32
      %get3A_930 = arith.index_cast %add3A_929 : i32 to index
      %get3A_931 = tpu.vector_load %arg10[%get3A_930] {strides = array<i32>} : memref<29472xf32, #tpu.memory_space<vmem>>, vector<16xf32>,
      %add3A_932 = arith.constant 16 : i32
      %add3A_933 = arith.addi %and3A_868, %add3A_932 : i32
      %get3A_934 = arith.index_cast %add3A_933 : i32 to index
      %get3A_935 = tpu.vector_load %arg10[%get3A_934] {strides = array<i32>} : memref<29472xf32, #tpu.memory_space<vmem>>, vector<16xf32>,
      %add3A_936 = arith.addf %get3A_931, %get3A_935 : vector<16xf32>
      %add3A_937 = arith.constant 16 : i32
      %add3A_938 = arith.addi %shift_right_logical3A_870, %add3A_937 : i32
      %get3A_939 = arith.index_cast %add3A_938 : i32 to index
      %get3A_940 = tpu.vector_load %arg10[%get3A_939] {strides = array<i32>} : memref<29472xf32, #tpu.memory_space<vmem>>, vector<16xf32>,
      %add3A_941 = arith.addf %add3A_936, %get3A_940 : vector<16xf32>
      %add3A_942 = arith.constant 16 : i32
      %add3A_943 = arith.addi %and3A_872, %add3A_942 : i32
      %get3A_944 = arith.index_cast %add3A_943 : i32 to index
      %get3A_945 = tpu.vector_load %arg10[%get3A_944] {strides = array<i32>} : memref<29472xf32, #tpu.memory_space<vmem>>, vector<16xf32>,
      %add3A_946 = arith.addf %add3A_941, %get3A_945 : vector<16xf32>
      %add3A_947 = arith.constant 48 : i32
      %add3A_948 = arith.addi %add3A_854, %add3A_947 : i32
      %add3A_949 = arith.constant 16 : i32
      %add3A_950 = arith.addi %add3A_948, %add3A_949 : i32
      %swap3A_951 = arith.index_cast %add3A_950 : i32 to index
      %swap3A_952 = tpu.vector_load %arg15[%swap3A_951] {strides = array<i32>} : memref<8192xf32, #tpu.memory_space<vmem>>, vector<16xf32>,
      tpu.vector_store %arg15[%swap3A_951], %add3A_946 {strides = array<i32>} : memref<8192xf32, #tpu.memory_space<vmem>>, vector<16xf32>,
      %get3A_953 = arith.index_cast %shift_right_logical3A_874 : i32 to index
      %get3A_954 = tpu.vector_load %arg11[%get3A_953] {strides = array<i32>} : memref<4960xf32, #tpu.memory_space<vmem>>, vector<16xf32>,
      %add3A_955 = arith.constant 72 : i32
      %add3A_956 = arith.addi %add3A_854, %add3A_955 : i32
      %swap3A_957 = arith.index_cast %add3A_956 : i32 to index
      %swap3A_958 = tpu.vector_load %arg15[%swap3A_957] {strides = array<i32>} : memref<8192xf32, #tpu.memory_space<vmem>>, vector<16xf32>,
      tpu.vector_store %arg15[%swap3A_957], %get3A_954 {strides = array<i32>} : memref<8192xf32, #tpu.memory_space<vmem>>, vector<16xf32>,
      %get3A_959 = arith.index_cast %and3A_876 : i32 to index
      %get3A_960 = tpu.vector_load %arg12[%get3A_959] {strides = array<i32>} : memref<19200xf32, #tpu.memory_space<vmem>>, vector<16xf32>,
      %add3A_961 = arith.constant 88 : i32
      %add3A_962 = arith.addi %add3A_854, %add3A_961 : i32
      %swap3A_963 = arith.index_cast %add3A_962 : i32 to index
      %swap3A_964 = tpu.vector_load %arg15[%swap3A_963] {strides = array<i32>} : memref<8192xf32, #tpu.memory_space<vmem>>, vector<16xf32>,
      tpu.vector_store %arg15[%swap3A_963], %get3A_960 {strides = array<i32>} : memref<8192xf32, #tpu.memory_space<vmem>>, vector<16xf32>,
      %get3A_965 = arith.index_cast %shift_right_logical3A_878 : i32 to index
      %get3A_966 = tpu.vector_load %arg13[%get3A_965] {strides = array<i32>} : memref<304xf32, #tpu.memory_space<vmem>>, vector<16xf32>,
      %add3A_967 = arith.constant 104 : i32
      %add3A_968 = arith.addi %add3A_854, %add3A_967 : i32
      %swap3A_969 = arith.index_cast %add3A_968 : i32 to index
      %swap3A_970 = tpu.vector_load %arg15[%swap3A_969] {strides = array<i32>} : memref<8192xf32, #tpu.memory_space<vmem>>, vector<16xf32>,
      tpu.vector_store %arg15[%swap3A_969], %get3A_966 {strides = array<i32>} : memref<8192xf32, #tpu.memory_space<vmem>>, vector<16xf32>,
      %add3A_971 = arith.constant 896 : i32
      %add3A_972 = arith.addi %mul3A_112, %add3A_971 : i32
      %slice3A_973 = vector.extract_strided_slice %get3A_121 {offsets = [7], sizes = [1], strides = [1]} : vector<16xi32> to vector<1xi32>
      %squeeze3A_974 = vector.extract %slice3A_973[0] : i32 from vector<1xi32>
      %slice3A_975 = vector.extract_strided_slice %get3A_125 {offsets = [7], sizes = [1], strides = [1]} : vector<16xi32> to vector<1xi32>
      %squeeze3A_976 = vector.extract %slice3A_975[0] : i32 from vector<1xi32>
      %slice3A_977 = vector.extract_strided_slice %get3A_129 {offsets = [7], sizes = [1], strides = [1]} : vector<16xi32> to vector<1xi32>
      %squeeze3A_978 = vector.extract %slice3A_977[0] : i32 from vector<1xi32>
      %slice3A_979 = vector.extract_strided_slice %get3A_133 {offsets = [7], sizes = [1], strides = [1]} : vector<16xi32> to vector<1xi32>
      %squeeze3A_980 = vector.extract %slice3A_979[0] : i32 from vector<1xi32>
      %and3A_981 = arith.constant 65535 : i32
      %and3A_982 = arith.andi %squeeze3A_974, %and3A_981 : i32
      %shift_right_logical3A_983 = arith.constant 16 : i32
      %shift_right_logical3A_984 = arith.shrui %squeeze3A_974, %shift_right_logical3A_983 : i32
      %and3A_985 = arith.constant 65535 : i32
      %and3A_986 = arith.andi %squeeze3A_976, %and3A_985 : i32
      %shift_right_logical3A_987 = arith.constant 16 : i32
      %shift_right_logical3A_988 = arith.shrui %squeeze3A_976, %shift_right_logical3A_987 : i32
      %and3A_989 = arith.constant 65535 : i32
      %and3A_990 = arith.andi %squeeze3A_978, %and3A_989 : i32
      %shift_right_logical3A_991 = arith.constant 16 : i32
      %shift_right_logical3A_992 = arith.shrui %squeeze3A_978, %shift_right_logical3A_991 : i32
      %and3A_993 = arith.constant 65535 : i32
      %and3A_994 = arith.andi %squeeze3A_980, %and3A_993 : i32
      %shift_right_logical3A_995 = arith.constant 16 : i32
      %shift_right_logical3A_996 = arith.shrui %squeeze3A_980, %shift_right_logical3A_995 : i32
      %add3A_997 = arith.constant 0 : i32
      %add3A_998 = arith.addi %and3A_982, %add3A_997 : i32
      %get3A_999 = arith.index_cast %add3A_998 : i32 to index
      %get3A_1000 = tpu.vector_load %arg9[%get3A_999] {strides = array<i32>} : memref<49200xf32, #tpu.memory_space<vmem>>, vector<16xf32>,
      %add3A_1001 = arith.constant 0 : i32
      %add3A_1002 = arith.addi %add3A_972, %add3A_1001 : i32
      %swap3A_1003 = arith.index_cast %add3A_1002 : i32 to index
      %swap3A_1004 = tpu.vector_load %arg15[%swap3A_1003] {strides = array<i32>} : memref<8192xf32, #tpu.memory_space<vmem>>, vector<16xf32>,
      tpu.vector_store %arg15[%swap3A_1003], %get3A_1000 {strides = array<i32>} : memref<8192xf32, #tpu.memory_space<vmem>>, vector<16xf32>,
      %add3A_1005 = arith.constant 16 : i32
      %add3A_1006 = arith.addi %and3A_982, %add3A_1005 : i32
      %get3A_1007 = arith.index_cast %add3A_1006 : i32 to index
      %get3A_1008 = tpu.vector_load %arg9[%get3A_1007] {strides = array<i32>} : memref<49200xf32, #tpu.memory_space<vmem>>, vector<16xf32>,
      %add3A_1009 = arith.constant 16 : i32
      %add3A_1010 = arith.addi %add3A_972, %add3A_1009 : i32
      %swap3A_1011 = arith.index_cast %add3A_1010 : i32 to index
      %swap3A_1012 = tpu.vector_load %arg15[%swap3A_1011] {strides = array<i32>} : memref<8192xf32, #tpu.memory_space<vmem>>, vector<16xf32>,
      tpu.vector_store %arg15[%swap3A_1011], %get3A_1008 {strides = array<i32>} : memref<8192xf32, #tpu.memory_space<vmem>>, vector<16xf32>,
      %add3A_1013 = arith.constant 32 : i32
      %add3A_1014 = arith.addi %and3A_982, %add3A_1013 : i32
      %get3A_1015 = arith.index_cast %add3A_1014 : i32 to index
      %get3A_1016 = tpu.vector_load %arg9[%get3A_1015] {strides = array<i32>} : memref<49200xf32, #tpu.memory_space<vmem>>, vector<16xf32>,
      %add3A_1017 = arith.constant 32 : i32
      %add3A_1018 = arith.addi %add3A_972, %add3A_1017 : i32
      %swap3A_1019 = arith.index_cast %add3A_1018 : i32 to index
      %swap3A_1020 = tpu.vector_load %arg15[%swap3A_1019] {strides = array<i32>} : memref<8192xf32, #tpu.memory_space<vmem>>, vector<16xf32>,
      tpu.vector_store %arg15[%swap3A_1019], %get3A_1016 {strides = array<i32>} : memref<8192xf32, #tpu.memory_space<vmem>>, vector<16xf32>,
      %add3A_1021 = arith.constant 0 : i32
      %add3A_1022 = arith.addi %shift_right_logical3A_984, %add3A_1021 : i32
      %get3A_1023 = arith.index_cast %add3A_1022 : i32 to index
      %get3A_1024 = tpu.vector_load %arg10[%get3A_1023] {strides = array<i32>} : memref<29472xf32, #tpu.memory_space<vmem>>, vector<16xf32>,
      %add3A_1025 = arith.constant 0 : i32
      %add3A_1026 = arith.addi %and3A_986, %add3A_1025 : i32
      %get3A_1027 = arith.index_cast %add3A_1026 : i32 to index
      %get3A_1028 = tpu.vector_load %arg10[%get3A_1027] {strides = array<i32>} : memref<29472xf32, #tpu.memory_space<vmem>>, vector<16xf32>,
      %add3A_1029 = arith.addf %get3A_1024, %get3A_1028 : vector<16xf32>
      %add3A_1030 = arith.constant 0 : i32
      %add3A_1031 = arith.addi %shift_right_logical3A_988, %add3A_1030 : i32
      %get3A_1032 = arith.index_cast %add3A_1031 : i32 to index
      %get3A_1033 = tpu.vector_load %arg10[%get3A_1032] {strides = array<i32>} : memref<29472xf32, #tpu.memory_space<vmem>>, vector<16xf32>,
      %add3A_1034 = arith.addf %add3A_1029, %get3A_1033 : vector<16xf32>
      %add3A_1035 = arith.constant 0 : i32
      %add3A_1036 = arith.addi %and3A_990, %add3A_1035 : i32
      %get3A_1037 = arith.index_cast %add3A_1036 : i32 to index
      %get3A_1038 = tpu.vector_load %arg10[%get3A_1037] {strides = array<i32>} : memref<29472xf32, #tpu.memory_space<vmem>>, vector<16xf32>,
      %add3A_1039 = arith.addf %add3A_1034, %get3A_1038 : vector<16xf32>
      %add3A_1040 = arith.constant 48 : i32
      %add3A_1041 = arith.addi %add3A_972, %add3A_1040 : i32
      %add3A_1042 = arith.constant 0 : i32
      %add3A_1043 = arith.addi %add3A_1041, %add3A_1042 : i32
      %swap3A_1044 = arith.index_cast %add3A_1043 : i32 to index
      %swap3A_1045 = tpu.vector_load %arg15[%swap3A_1044] {strides = array<i32>} : memref<8192xf32, #tpu.memory_space<vmem>>, vector<16xf32>,
      tpu.vector_store %arg15[%swap3A_1044], %add3A_1039 {strides = array<i32>} : memref<8192xf32, #tpu.memory_space<vmem>>, vector<16xf32>,
      %add3A_1046 = arith.constant 16 : i32
      %add3A_1047 = arith.addi %shift_right_logical3A_984, %add3A_1046 : i32
      %get3A_1048 = arith.index_cast %add3A_1047 : i32 to index
      %get3A_1049 = tpu.vector_load %arg10[%get3A_1048] {strides = array<i32>} : memref<29472xf32, #tpu.memory_space<vmem>>, vector<16xf32>,
      %add3A_1050 = arith.constant 16 : i32
      %add3A_1051 = arith.addi %and3A_986, %add3A_1050 : i32
      %get3A_1052 = arith.index_cast %add3A_1051 : i32 to index
      %get3A_1053 = tpu.vector_load %arg10[%get3A_1052] {strides = array<i32>} : memref<29472xf32, #tpu.memory_space<vmem>>, vector<16xf32>,
      %add3A_1054 = arith.addf %get3A_1049, %get3A_1053 : vector<16xf32>
      %add3A_1055 = arith.constant 16 : i32
      %add3A_1056 = arith.addi %shift_right_logical3A_988, %add3A_1055 : i32
      %get3A_1057 = arith.index_cast %add3A_1056 : i32 to index
      %get3A_1058 = tpu.vector_load %arg10[%get3A_1057] {strides = array<i32>} : memref<29472xf32, #tpu.memory_space<vmem>>, vector<16xf32>,
      %add3A_1059 = arith.addf %add3A_1054, %get3A_1058 : vector<16xf32>
      %add3A_1060 = arith.constant 16 : i32
      %add3A_1061 = arith.addi %and3A_990, %add3A_1060 : i32
      %get3A_1062 = arith.index_cast %add3A_1061 : i32 to index
      %get3A_1063 = tpu.vector_load %arg10[%get3A_1062] {strides = array<i32>} : memref<29472xf32, #tpu.memory_space<vmem>>, vector<16xf32>,
      %add3A_1064 = arith.addf %add3A_1059, %get3A_1063 : vector<16xf32>
      %add3A_1065 = arith.constant 48 : i32
      %add3A_1066 = arith.addi %add3A_972, %add3A_1065 : i32
      %add3A_1067 = arith.constant 16 : i32
      %add3A_1068 = arith.addi %add3A_1066, %add3A_1067 : i32
      %swap3A_1069 = arith.index_cast %add3A_1068 : i32 to index
      %swap3A_1070 = tpu.vector_load %arg15[%swap3A_1069] {strides = array<i32>} : memref<8192xf32, #tpu.memory_space<vmem>>, vector<16xf32>,
      tpu.vector_store %arg15[%swap3A_1069], %add3A_1064 {strides = array<i32>} : memref<8192xf32, #tpu.memory_space<vmem>>, vector<16xf32>,
      %get3A_1071 = arith.index_cast %shift_right_logical3A_992 : i32 to index
      %get3A_1072 = tpu.vector_load %arg11[%get3A_1071] {strides = array<i32>} : memref<4960xf32, #tpu.memory_space<vmem>>, vector<16xf32>,
      %add3A_1073 = arith.constant 72 : i32
      %add3A_1074 = arith.addi %add3A_972, %add3A_1073 : i32
      %swap3A_1075 = arith.index_cast %add3A_1074 : i32 to index
      %swap3A_1076 = tpu.vector_load %arg15[%swap3A_1075] {strides = array<i32>} : memref<8192xf32, #tpu.memory_space<vmem>>, vector<16xf32>,
      tpu.vector_store %arg15[%swap3A_1075], %get3A_1072 {strides = array<i32>} : memref<8192xf32, #tpu.memory_space<vmem>>, vector<16xf32>,
      %get3A_1077 = arith.index_cast %and3A_994 : i32 to index
      %get3A_1078 = tpu.vector_load %arg12[%get3A_1077] {strides = array<i32>} : memref<19200xf32, #tpu.memory_space<vmem>>, vector<16xf32>,
      %add3A_1079 = arith.constant 88 : i32
      %add3A_1080 = arith.addi %add3A_972, %add3A_1079 : i32
      %swap3A_1081 = arith.index_cast %add3A_1080 : i32 to index
      %swap3A_1082 = tpu.vector_load %arg15[%swap3A_1081] {strides = array<i32>} : memref<8192xf32, #tpu.memory_space<vmem>>, vector<16xf32>,
      tpu.vector_store %arg15[%swap3A_1081], %get3A_1078 {strides = array<i32>} : memref<8192xf32, #tpu.memory_space<vmem>>, vector<16xf32>,
      %get3A_1083 = arith.index_cast %shift_right_logical3A_996 : i32 to index
      %get3A_1084 = tpu.vector_load %arg13[%get3A_1083] {strides = array<i32>} : memref<304xf32, #tpu.memory_space<vmem>>, vector<16xf32>,
      %add3A_1085 = arith.constant 104 : i32
      %add3A_1086 = arith.addi %add3A_972, %add3A_1085 : i32
      %swap3A_1087 = arith.index_cast %add3A_1086 : i32 to index
      %swap3A_1088 = tpu.vector_load %arg15[%swap3A_1087] {strides = array<i32>} : memref<8192xf32, #tpu.memory_space<vmem>>, vector<16xf32>,
      tpu.vector_store %arg15[%swap3A_1087], %get3A_1084 {strides = array<i32>} : memref<8192xf32, #tpu.memory_space<vmem>>, vector<16xf32>,
      %add3A_1089 = arith.constant 1024 : i32
      %add3A_1090 = arith.addi %mul3A_112, %add3A_1089 : i32
      %slice3A_1091 = vector.extract_strided_slice %get3A_121 {offsets = [8], sizes = [1], strides = [1]} : vector<16xi32> to vector<1xi32>
      %squeeze3A_1092 = vector.extract %slice3A_1091[0] : i32 from vector<1xi32>
      %slice3A_1093 = vector.extract_strided_slice %get3A_125 {offsets = [8], sizes = [1], strides = [1]} : vector<16xi32> to vector<1xi32>
      %squeeze3A_1094 = vector.extract %slice3A_1093[0] : i32 from vector<1xi32>
      %slice3A_1095 = vector.extract_strided_slice %get3A_129 {offsets = [8], sizes = [1], strides = [1]} : vector<16xi32> to vector<1xi32>
      %squeeze3A_1096 = vector.extract %slice3A_1095[0] : i32 from vector<1xi32>
      %slice3A_1097 = vector.extract_strided_slice %get3A_133 {offsets = [8], sizes = [1], strides = [1]} : vector<16xi32> to vector<1xi32>
      %squeeze3A_1098 = vector.extract %slice3A_1097[0] : i32 from vector<1xi32>
      %and3A_1099 = arith.constant 65535 : i32
      %and3A_1100 = arith.andi %squeeze3A_1092, %and3A_1099 : i32
      %shift_right_logical3A_1101 = arith.constant 16 : i32
      %shift_right_logical3A_1102 = arith.shrui %squeeze3A_1092, %shift_right_logical3A_1101 : i32
      %and3A_1103 = arith.constant 65535 : i32
      %and3A_1104 = arith.andi %squeeze3A_1094, %and3A_1103 : i32
      %shift_right_logical3A_1105 = arith.constant 16 : i32
      %shift_right_logical3A_1106 = arith.shrui %squeeze3A_1094, %shift_right_logical3A_1105 : i32
      %and3A_1107 = arith.constant 65535 : i32
      %and3A_1108 = arith.andi %squeeze3A_1096, %and3A_1107 : i32
      %shift_right_logical3A_1109 = arith.constant 16 : i32
      %shift_right_logical3A_1110 = arith.shrui %squeeze3A_1096, %shift_right_logical3A_1109 : i32
      %and3A_1111 = arith.constant 65535 : i32
      %and3A_1112 = arith.andi %squeeze3A_1098, %and3A_1111 : i32
      %shift_right_logical3A_1113 = arith.constant 16 : i32
      %shift_right_logical3A_1114 = arith.shrui %squeeze3A_1098, %shift_right_logical3A_1113 : i32
      %add3A_1115 = arith.constant 0 : i32
      %add3A_1116 = arith.addi %and3A_1100, %add3A_1115 : i32
      %get3A_1117 = arith.index_cast %add3A_1116 : i32 to index
      %get3A_1118 = tpu.vector_load %arg9[%get3A_1117] {strides = array<i32>} : memref<49200xf32, #tpu.memory_space<vmem>>, vector<16xf32>,
      %add3A_1119 = arith.constant 0 : i32
      %add3A_1120 = arith.addi %add3A_1090, %add3A_1119 : i32
      %swap3A_1121 = arith.index_cast %add3A_1120 : i32 to index
      %swap3A_1122 = tpu.vector_load %arg15[%swap3A_1121] {strides = array<i32>} : memref<8192xf32, #tpu.memory_space<vmem>>, vector<16xf32>,
      tpu.vector_store %arg15[%swap3A_1121], %get3A_1118 {strides = array<i32>} : memref<8192xf32, #tpu.memory_space<vmem>>, vector<16xf32>,
      %add3A_1123 = arith.constant 16 : i32
      %add3A_1124 = arith.addi %and3A_1100, %add3A_1123 : i32
      %get3A_1125 = arith.index_cast %add3A_1124 : i32 to index
      %get3A_1126 = tpu.vector_load %arg9[%get3A_1125] {strides = array<i32>} : memref<49200xf32, #tpu.memory_space<vmem>>, vector<16xf32>,
      %add3A_1127 = arith.constant 16 : i32
      %add3A_1128 = arith.addi %add3A_1090, %add3A_1127 : i32
      %swap3A_1129 = arith.index_cast %add3A_1128 : i32 to index
      %swap3A_1130 = tpu.vector_load %arg15[%swap3A_1129] {strides = array<i32>} : memref<8192xf32, #tpu.memory_space<vmem>>, vector<16xf32>,
      tpu.vector_store %arg15[%swap3A_1129], %get3A_1126 {strides = array<i32>} : memref<8192xf32, #tpu.memory_space<vmem>>, vector<16xf32>,
      %add3A_1131 = arith.constant 32 : i32
      %add3A_1132 = arith.addi %and3A_1100, %add3A_1131 : i32
      %get3A_1133 = arith.index_cast %add3A_1132 : i32 to index
      %get3A_1134 = tpu.vector_load %arg9[%get3A_1133] {strides = array<i32>} : memref<49200xf32, #tpu.memory_space<vmem>>, vector<16xf32>,
      %add3A_1135 = arith.constant 32 : i32
      %add3A_1136 = arith.addi %add3A_1090, %add3A_1135 : i32
      %swap3A_1137 = arith.index_cast %add3A_1136 : i32 to index
      %swap3A_1138 = tpu.vector_load %arg15[%swap3A_1137] {strides = array<i32>} : memref<8192xf32, #tpu.memory_space<vmem>>, vector<16xf32>,
      tpu.vector_store %arg15[%swap3A_1137], %get3A_1134 {strides = array<i32>} : memref<8192xf32, #tpu.memory_space<vmem>>, vector<16xf32>,
      %add3A_1139 = arith.constant 0 : i32
      %add3A_1140 = arith.addi %shift_right_logical3A_1102, %add3A_1139 : i32
      %get3A_1141 = arith.index_cast %add3A_1140 : i32 to index
      %get3A_1142 = tpu.vector_load %arg10[%get3A_1141] {strides = array<i32>} : memref<29472xf32, #tpu.memory_space<vmem>>, vector<16xf32>,
      %add3A_1143 = arith.constant 0 : i32
      %add3A_1144 = arith.addi %and3A_1104, %add3A_1143 : i32
      %get3A_1145 = arith.index_cast %add3A_1144 : i32 to index
      %get3A_1146 = tpu.vector_load %arg10[%get3A_1145] {strides = array<i32>} : memref<29472xf32, #tpu.memory_space<vmem>>, vector<16xf32>,
      %add3A_1147 = arith.addf %get3A_1142, %get3A_1146 : vector<16xf32>
      %add3A_1148 = arith.constant 0 : i32
      %add3A_1149 = arith.addi %shift_right_logical3A_1106, %add3A_1148 : i32
      %get3A_1150 = arith.index_cast %add3A_1149 : i32 to index
      %get3A_1151 = tpu.vector_load %arg10[%get3A_1150] {strides = array<i32>} : memref<29472xf32, #tpu.memory_space<vmem>>, vector<16xf32>,
      %add3A_1152 = arith.addf %add3A_1147, %get3A_1151 : vector<16xf32>
      %add3A_1153 = arith.constant 0 : i32
      %add3A_1154 = arith.addi %and3A_1108, %add3A_1153 : i32
      %get3A_1155 = arith.index_cast %add3A_1154 : i32 to index
      %get3A_1156 = tpu.vector_load %arg10[%get3A_1155] {strides = array<i32>} : memref<29472xf32, #tpu.memory_space<vmem>>, vector<16xf32>,
      %add3A_1157 = arith.addf %add3A_1152, %get3A_1156 : vector<16xf32>
      %add3A_1158 = arith.constant 48 : i32
      %add3A_1159 = arith.addi %add3A_1090, %add3A_1158 : i32
      %add3A_1160 = arith.constant 0 : i32
      %add3A_1161 = arith.addi %add3A_1159, %add3A_1160 : i32
      %swap3A_1162 = arith.index_cast %add3A_1161 : i32 to index
      %swap3A_1163 = tpu.vector_load %arg15[%swap3A_1162] {strides = array<i32>} : memref<8192xf32, #tpu.memory_space<vmem>>, vector<16xf32>,
      tpu.vector_store %arg15[%swap3A_1162], %add3A_1157 {strides = array<i32>} : memref<8192xf32, #tpu.memory_space<vmem>>, vector<16xf32>,
      %add3A_1164 = arith.constant 16 : i32
      %add3A_1165 = arith.addi %shift_right_logical3A_1102, %add3A_1164 : i32
      %get3A_1166 = arith.index_cast %add3A_1165 : i32 to index
      %get3A_1167 = tpu.vector_load %arg10[%get3A_1166] {strides = array<i32>} : memref<29472xf32, #tpu.memory_space<vmem>>, vector<16xf32>,
      %add3A_1168 = arith.constant 16 : i32
      %add3A_1169 = arith.addi %and3A_1104, %add3A_1168 : i32
      %get3A_1170 = arith.index_cast %add3A_1169 : i32 to index
      %get3A_1171 = tpu.vector_load %arg10[%get3A_1170] {strides = array<i32>} : memref<29472xf32, #tpu.memory_space<vmem>>, vector<16xf32>,
      %add3A_1172 = arith.addf %get3A_1167, %get3A_1171 : vector<16xf32>
      %add3A_1173 = arith.constant 16 : i32
      %add3A_1174 = arith.addi %shift_right_logical3A_1106, %add3A_1173 : i32
      %get3A_1175 = arith.index_cast %add3A_1174 : i32 to index
      %get3A_1176 = tpu.vector_load %arg10[%get3A_1175] {strides = array<i32>} : memref<29472xf32, #tpu.memory_space<vmem>>, vector<16xf32>,
      %add3A_1177 = arith.addf %add3A_1172, %get3A_1176 : vector<16xf32>
      %add3A_1178 = arith.constant 16 : i32
      %add3A_1179 = arith.addi %and3A_1108, %add3A_1178 : i32
      %get3A_1180 = arith.index_cast %add3A_1179 : i32 to index
      %get3A_1181 = tpu.vector_load %arg10[%get3A_1180] {strides = array<i32>} : memref<29472xf32, #tpu.memory_space<vmem>>, vector<16xf32>,
      %add3A_1182 = arith.addf %add3A_1177, %get3A_1181 : vector<16xf32>
      %add3A_1183 = arith.constant 48 : i32
      %add3A_1184 = arith.addi %add3A_1090, %add3A_1183 : i32
      %add3A_1185 = arith.constant 16 : i32
      %add3A_1186 = arith.addi %add3A_1184, %add3A_1185 : i32
      %swap3A_1187 = arith.index_cast %add3A_1186 : i32 to index
      %swap3A_1188 = tpu.vector_load %arg15[%swap3A_1187] {strides = array<i32>} : memref<8192xf32, #tpu.memory_space<vmem>>, vector<16xf32>,
      tpu.vector_store %arg15[%swap3A_1187], %add3A_1182 {strides = array<i32>} : memref<8192xf32, #tpu.memory_space<vmem>>, vector<16xf32>,
      %get3A_1189 = arith.index_cast %shift_right_logical3A_1110 : i32 to index
      %get3A_1190 = tpu.vector_load %arg11[%get3A_1189] {strides = array<i32>} : memref<4960xf32, #tpu.memory_space<vmem>>, vector<16xf32>,
      %add3A_1191 = arith.constant 72 : i32
      %add3A_1192 = arith.addi %add3A_1090, %add3A_1191 : i32
      %swap3A_1193 = arith.index_cast %add3A_1192 : i32 to index
      %swap3A_1194 = tpu.vector_load %arg15[%swap3A_1193] {strides = array<i32>} : memref<8192xf32, #tpu.memory_space<vmem>>, vector<16xf32>,
      tpu.vector_store %arg15[%swap3A_1193], %get3A_1190 {strides = array<i32>} : memref<8192xf32, #tpu.memory_space<vmem>>, vector<16xf32>,
      %get3A_1195 = arith.index_cast %and3A_1112 : i32 to index
      %get3A_1196 = tpu.vector_load %arg12[%get3A_1195] {strides = array<i32>} : memref<19200xf32, #tpu.memory_space<vmem>>, vector<16xf32>,
      %add3A_1197 = arith.constant 88 : i32
      %add3A_1198 = arith.addi %add3A_1090, %add3A_1197 : i32
      %swap3A_1199 = arith.index_cast %add3A_1198 : i32 to index
      %swap3A_1200 = tpu.vector_load %arg15[%swap3A_1199] {strides = array<i32>} : memref<8192xf32, #tpu.memory_space<vmem>>, vector<16xf32>,
      tpu.vector_store %arg15[%swap3A_1199], %get3A_1196 {strides = array<i32>} : memref<8192xf32, #tpu.memory_space<vmem>>, vector<16xf32>,
      %get3A_1201 = arith.index_cast %shift_right_logical3A_1114 : i32 to index
      %get3A_1202 = tpu.vector_load %arg13[%get3A_1201] {strides = array<i32>} : memref<304xf32, #tpu.memory_space<vmem>>, vector<16xf32>,
      %add3A_1203 = arith.constant 104 : i32
      %add3A_1204 = arith.addi %add3A_1090, %add3A_1203 : i32
      %swap3A_1205 = arith.index_cast %add3A_1204 : i32 to index
      %swap3A_1206 = tpu.vector_load %arg15[%swap3A_1205] {strides = array<i32>} : memref<8192xf32, #tpu.memory_space<vmem>>, vector<16xf32>,
      tpu.vector_store %arg15[%swap3A_1205], %get3A_1202 {strides = array<i32>} : memref<8192xf32, #tpu.memory_space<vmem>>, vector<16xf32>,
      %add3A_1207 = arith.constant 1152 : i32
      %add3A_1208 = arith.addi %mul3A_112, %add3A_1207 : i32
      %slice3A_1209 = vector.extract_strided_slice %get3A_121 {offsets = [9], sizes = [1], strides = [1]} : vector<16xi32> to vector<1xi32>
      %squeeze3A_1210 = vector.extract %slice3A_1209[0] : i32 from vector<1xi32>
      %slice3A_1211 = vector.extract_strided_slice %get3A_125 {offsets = [9], sizes = [1], strides = [1]} : vector<16xi32> to vector<1xi32>
      %squeeze3A_1212 = vector.extract %slice3A_1211[0] : i32 from vector<1xi32>
      %slice3A_1213 = vector.extract_strided_slice %get3A_129 {offsets = [9], sizes = [1], strides = [1]} : vector<16xi32> to vector<1xi32>
      %squeeze3A_1214 = vector.extract %slice3A_1213[0] : i32 from vector<1xi32>
      %slice3A_1215 = vector.extract_strided_slice %get3A_133 {offsets = [9], sizes = [1], strides = [1]} : vector<16xi32> to vector<1xi32>
      %squeeze3A_1216 = vector.extract %slice3A_1215[0] : i32 from vector<1xi32>
      %and3A_1217 = arith.constant 65535 : i32
      %and3A_1218 = arith.andi %squeeze3A_1210, %and3A_1217 : i32
      %shift_right_logical3A_1219 = arith.constant 16 : i32
      %shift_right_logical3A_1220 = arith.shrui %squeeze3A_1210, %shift_right_logical3A_1219 : i32
      %and3A_1221 = arith.constant 65535 : i32
      %and3A_1222 = arith.andi %squeeze3A_1212, %and3A_1221 : i32
      %shift_right_logical3A_1223 = arith.constant 16 : i32
      %shift_right_logical3A_1224 = arith.shrui %squeeze3A_1212, %shift_right_logical3A_1223 : i32
      %and3A_1225 = arith.constant 65535 : i32
      %and3A_1226 = arith.andi %squeeze3A_1214, %and3A_1225 : i32
      %shift_right_logical3A_1227 = arith.constant 16 : i32
      %shift_right_logical3A_1228 = arith.shrui %squeeze3A_1214, %shift_right_logical3A_1227 : i32
      %and3A_1229 = arith.constant 65535 : i32
      %and3A_1230 = arith.andi %squeeze3A_1216, %and3A_1229 : i32
      %shift_right_logical3A_1231 = arith.constant 16 : i32
      %shift_right_logical3A_1232 = arith.shrui %squeeze3A_1216, %shift_right_logical3A_1231 : i32
      %add3A_1233 = arith.constant 0 : i32
      %add3A_1234 = arith.addi %and3A_1218, %add3A_1233 : i32
      %get3A_1235 = arith.index_cast %add3A_1234 : i32 to index
      %get3A_1236 = tpu.vector_load %arg9[%get3A_1235] {strides = array<i32>} : memref<49200xf32, #tpu.memory_space<vmem>>, vector<16xf32>,
      %add3A_1237 = arith.constant 0 : i32
      %add3A_1238 = arith.addi %add3A_1208, %add3A_1237 : i32
      %swap3A_1239 = arith.index_cast %add3A_1238 : i32 to index
      %swap3A_1240 = tpu.vector_load %arg15[%swap3A_1239] {strides = array<i32>} : memref<8192xf32, #tpu.memory_space<vmem>>, vector<16xf32>,
      tpu.vector_store %arg15[%swap3A_1239], %get3A_1236 {strides = array<i32>} : memref<8192xf32, #tpu.memory_space<vmem>>, vector<16xf32>,
      %add3A_1241 = arith.constant 16 : i32
      %add3A_1242 = arith.addi %and3A_1218, %add3A_1241 : i32
      %get3A_1243 = arith.index_cast %add3A_1242 : i32 to index
      %get3A_1244 = tpu.vector_load %arg9[%get3A_1243] {strides = array<i32>} : memref<49200xf32, #tpu.memory_space<vmem>>, vector<16xf32>,
      %add3A_1245 = arith.constant 16 : i32
      %add3A_1246 = arith.addi %add3A_1208, %add3A_1245 : i32
      %swap3A_1247 = arith.index_cast %add3A_1246 : i32 to index
      %swap3A_1248 = tpu.vector_load %arg15[%swap3A_1247] {strides = array<i32>} : memref<8192xf32, #tpu.memory_space<vmem>>, vector<16xf32>,
      tpu.vector_store %arg15[%swap3A_1247], %get3A_1244 {strides = array<i32>} : memref<8192xf32, #tpu.memory_space<vmem>>, vector<16xf32>,
      %add3A_1249 = arith.constant 32 : i32
      %add3A_1250 = arith.addi %and3A_1218, %add3A_1249 : i32
      %get3A_1251 = arith.index_cast %add3A_1250 : i32 to index
      %get3A_1252 = tpu.vector_load %arg9[%get3A_1251] {strides = array<i32>} : memref<49200xf32, #tpu.memory_space<vmem>>, vector<16xf32>,
      %add3A_1253 = arith.constant 32 : i32
      %add3A_1254 = arith.addi %add3A_1208, %add3A_1253 : i32
      %swap3A_1255 = arith.index_cast %add3A_1254 : i32 to index
      %swap3A_1256 = tpu.vector_load %arg15[%swap3A_1255] {strides = array<i32>} : memref<8192xf32, #tpu.memory_space<vmem>>, vector<16xf32>,
      tpu.vector_store %arg15[%swap3A_1255], %get3A_1252 {strides = array<i32>} : memref<8192xf32, #tpu.memory_space<vmem>>, vector<16xf32>,
      %add3A_1257 = arith.constant 0 : i32
      %add3A_1258 = arith.addi %shift_right_logical3A_1220, %add3A_1257 : i32
      %get3A_1259 = arith.index_cast %add3A_1258 : i32 to index
      %get3A_1260 = tpu.vector_load %arg10[%get3A_1259] {strides = array<i32>} : memref<29472xf32, #tpu.memory_space<vmem>>, vector<16xf32>,
      %add3A_1261 = arith.constant 0 : i32
      %add3A_1262 = arith.addi %and3A_1222, %add3A_1261 : i32
      %get3A_1263 = arith.index_cast %add3A_1262 : i32 to index
      %get3A_1264 = tpu.vector_load %arg10[%get3A_1263] {strides = array<i32>} : memref<29472xf32, #tpu.memory_space<vmem>>, vector<16xf32>,
      %add3A_1265 = arith.addf %get3A_1260, %get3A_1264 : vector<16xf32>
      %add3A_1266 = arith.constant 0 : i32
      %add3A_1267 = arith.addi %shift_right_logical3A_1224, %add3A_1266 : i32
      %get3A_1268 = arith.index_cast %add3A_1267 : i32 to index
      %get3A_1269 = tpu.vector_load %arg10[%get3A_1268] {strides = array<i32>} : memref<29472xf32, #tpu.memory_space<vmem>>, vector<16xf32>,
      %add3A_1270 = arith.addf %add3A_1265, %get3A_1269 : vector<16xf32>
      %add3A_1271 = arith.constant 0 : i32
      %add3A_1272 = arith.addi %and3A_1226, %add3A_1271 : i32
      %get3A_1273 = arith.index_cast %add3A_1272 : i32 to index
      %get3A_1274 = tpu.vector_load %arg10[%get3A_1273] {strides = array<i32>} : memref<29472xf32, #tpu.memory_space<vmem>>, vector<16xf32>,
      %add3A_1275 = arith.addf %add3A_1270, %get3A_1274 : vector<16xf32>
      %add3A_1276 = arith.constant 48 : i32
      %add3A_1277 = arith.addi %add3A_1208, %add3A_1276 : i32
      %add3A_1278 = arith.constant 0 : i32
      %add3A_1279 = arith.addi %add3A_1277, %add3A_1278 : i32
      %swap3A_1280 = arith.index_cast %add3A_1279 : i32 to index
      %swap3A_1281 = tpu.vector_load %arg15[%swap3A_1280] {strides = array<i32>} : memref<8192xf32, #tpu.memory_space<vmem>>, vector<16xf32>,
      tpu.vector_store %arg15[%swap3A_1280], %add3A_1275 {strides = array<i32>} : memref<8192xf32, #tpu.memory_space<vmem>>, vector<16xf32>,
      %add3A_1282 = arith.constant 16 : i32
      %add3A_1283 = arith.addi %shift_right_logical3A_1220, %add3A_1282 : i32
      %get3A_1284 = arith.index_cast %add3A_1283 : i32 to index
      %get3A_1285 = tpu.vector_load %arg10[%get3A_1284] {strides = array<i32>} : memref<29472xf32, #tpu.memory_space<vmem>>, vector<16xf32>,
      %add3A_1286 = arith.constant 16 : i32
      %add3A_1287 = arith.addi %and3A_1222, %add3A_1286 : i32
      %get3A_1288 = arith.index_cast %add3A_1287 : i32 to index
      %get3A_1289 = tpu.vector_load %arg10[%get3A_1288] {strides = array<i32>} : memref<29472xf32, #tpu.memory_space<vmem>>, vector<16xf32>,
      %add3A_1290 = arith.addf %get3A_1285, %get3A_1289 : vector<16xf32>
      %add3A_1291 = arith.constant 16 : i32
      %add3A_1292 = arith.addi %shift_right_logical3A_1224, %add3A_1291 : i32
      %get3A_1293 = arith.index_cast %add3A_1292 : i32 to index
      %get3A_1294 = tpu.vector_load %arg10[%get3A_1293] {strides = array<i32>} : memref<29472xf32, #tpu.memory_space<vmem>>, vector<16xf32>,
      %add3A_1295 = arith.addf %add3A_1290, %get3A_1294 : vector<16xf32>
      %add3A_1296 = arith.constant 16 : i32
      %add3A_1297 = arith.addi %and3A_1226, %add3A_1296 : i32
      %get3A_1298 = arith.index_cast %add3A_1297 : i32 to index
      %get3A_1299 = tpu.vector_load %arg10[%get3A_1298] {strides = array<i32>} : memref<29472xf32, #tpu.memory_space<vmem>>, vector<16xf32>,
      %add3A_1300 = arith.addf %add3A_1295, %get3A_1299 : vector<16xf32>
      %add3A_1301 = arith.constant 48 : i32
      %add3A_1302 = arith.addi %add3A_1208, %add3A_1301 : i32
      %add3A_1303 = arith.constant 16 : i32
      %add3A_1304 = arith.addi %add3A_1302, %add3A_1303 : i32
      %swap3A_1305 = arith.index_cast %add3A_1304 : i32 to index
      %swap3A_1306 = tpu.vector_load %arg15[%swap3A_1305] {strides = array<i32>} : memref<8192xf32, #tpu.memory_space<vmem>>, vector<16xf32>,
      tpu.vector_store %arg15[%swap3A_1305], %add3A_1300 {strides = array<i32>} : memref<8192xf32, #tpu.memory_space<vmem>>, vector<16xf32>,
      %get3A_1307 = arith.index_cast %shift_right_logical3A_1228 : i32 to index
      %get3A_1308 = tpu.vector_load %arg11[%get3A_1307] {strides = array<i32>} : memref<4960xf32, #tpu.memory_space<vmem>>, vector<16xf32>,
      %add3A_1309 = arith.constant 72 : i32
      %add3A_1310 = arith.addi %add3A_1208, %add3A_1309 : i32
      %swap3A_1311 = arith.index_cast %add3A_1310 : i32 to index
      %swap3A_1312 = tpu.vector_load %arg15[%swap3A_1311] {strides = array<i32>} : memref<8192xf32, #tpu.memory_space<vmem>>, vector<16xf32>,
      tpu.vector_store %arg15[%swap3A_1311], %get3A_1308 {strides = array<i32>} : memref<8192xf32, #tpu.memory_space<vmem>>, vector<16xf32>,
      %get3A_1313 = arith.index_cast %and3A_1230 : i32 to index
      %get3A_1314 = tpu.vector_load %arg12[%get3A_1313] {strides = array<i32>} : memref<19200xf32, #tpu.memory_space<vmem>>, vector<16xf32>,
      %add3A_1315 = arith.constant 88 : i32
      %add3A_1316 = arith.addi %add3A_1208, %add3A_1315 : i32
      %swap3A_1317 = arith.index_cast %add3A_1316 : i32 to index
      %swap3A_1318 = tpu.vector_load %arg15[%swap3A_1317] {strides = array<i32>} : memref<8192xf32, #tpu.memory_space<vmem>>, vector<16xf32>,
      tpu.vector_store %arg15[%swap3A_1317], %get3A_1314 {strides = array<i32>} : memref<8192xf32, #tpu.memory_space<vmem>>, vector<16xf32>,
      %get3A_1319 = arith.index_cast %shift_right_logical3A_1232 : i32 to index
      %get3A_1320 = tpu.vector_load %arg13[%get3A_1319] {strides = array<i32>} : memref<304xf32, #tpu.memory_space<vmem>>, vector<16xf32>,
      %add3A_1321 = arith.constant 104 : i32
      %add3A_1322 = arith.addi %add3A_1208, %add3A_1321 : i32
      %swap3A_1323 = arith.index_cast %add3A_1322 : i32 to index
      %swap3A_1324 = tpu.vector_load %arg15[%swap3A_1323] {strides = array<i32>} : memref<8192xf32, #tpu.memory_space<vmem>>, vector<16xf32>,
      tpu.vector_store %arg15[%swap3A_1323], %get3A_1320 {strides = array<i32>} : memref<8192xf32, #tpu.memory_space<vmem>>, vector<16xf32>,
      %add3A_1325 = arith.constant 1280 : i32
      %add3A_1326 = arith.addi %mul3A_112, %add3A_1325 : i32
      %slice3A_1327 = vector.extract_strided_slice %get3A_121 {offsets = [10], sizes = [1], strides = [1]} : vector<16xi32> to vector<1xi32>
      %squeeze3A_1328 = vector.extract %slice3A_1327[0] : i32 from vector<1xi32>
      %slice3A_1329 = vector.extract_strided_slice %get3A_125 {offsets = [10], sizes = [1], strides = [1]} : vector<16xi32> to vector<1xi32>
      %squeeze3A_1330 = vector.extract %slice3A_1329[0] : i32 from vector<1xi32>
      %slice3A_1331 = vector.extract_strided_slice %get3A_129 {offsets = [10], sizes = [1], strides = [1]} : vector<16xi32> to vector<1xi32>
      %squeeze3A_1332 = vector.extract %slice3A_1331[0] : i32 from vector<1xi32>
      %slice3A_1333 = vector.extract_strided_slice %get3A_133 {offsets = [10], sizes = [1], strides = [1]} : vector<16xi32> to vector<1xi32>
      %squeeze3A_1334 = vector.extract %slice3A_1333[0] : i32 from vector<1xi32>
      %and3A_1335 = arith.constant 65535 : i32
      %and3A_1336 = arith.andi %squeeze3A_1328, %and3A_1335 : i32
      %shift_right_logical3A_1337 = arith.constant 16 : i32
      %shift_right_logical3A_1338 = arith.shrui %squeeze3A_1328, %shift_right_logical3A_1337 : i32
      %and3A_1339 = arith.constant 65535 : i32
      %and3A_1340 = arith.andi %squeeze3A_1330, %and3A_1339 : i32
      %shift_right_logical3A_1341 = arith.constant 16 : i32
      %shift_right_logical3A_1342 = arith.shrui %squeeze3A_1330, %shift_right_logical3A_1341 : i32
      %and3A_1343 = arith.constant 65535 : i32
      %and3A_1344 = arith.andi %squeeze3A_1332, %and3A_1343 : i32
      %shift_right_logical3A_1345 = arith.constant 16 : i32
      %shift_right_logical3A_1346 = arith.shrui %squeeze3A_1332, %shift_right_logical3A_1345 : i32
      %and3A_1347 = arith.constant 65535 : i32
      %and3A_1348 = arith.andi %squeeze3A_1334, %and3A_1347 : i32
      %shift_right_logical3A_1349 = arith.constant 16 : i32
      %shift_right_logical3A_1350 = arith.shrui %squeeze3A_1334, %shift_right_logical3A_1349 : i32
      %add3A_1351 = arith.constant 0 : i32
      %add3A_1352 = arith.addi %and3A_1336, %add3A_1351 : i32
      %get3A_1353 = arith.index_cast %add3A_1352 : i32 to index
      %get3A_1354 = tpu.vector_load %arg9[%get3A_1353] {strides = array<i32>} : memref<49200xf32, #tpu.memory_space<vmem>>, vector<16xf32>,
      %add3A_1355 = arith.constant 0 : i32
      %add3A_1356 = arith.addi %add3A_1326, %add3A_1355 : i32
      %swap3A_1357 = arith.index_cast %add3A_1356 : i32 to index
      %swap3A_1358 = tpu.vector_load %arg15[%swap3A_1357] {strides = array<i32>} : memref<8192xf32, #tpu.memory_space<vmem>>, vector<16xf32>,
      tpu.vector_store %arg15[%swap3A_1357], %get3A_1354 {strides = array<i32>} : memref<8192xf32, #tpu.memory_space<vmem>>, vector<16xf32>,
      %add3A_1359 = arith.constant 16 : i32
      %add3A_1360 = arith.addi %and3A_1336, %add3A_1359 : i32
      %get3A_1361 = arith.index_cast %add3A_1360 : i32 to index
      %get3A_1362 = tpu.vector_load %arg9[%get3A_1361] {strides = array<i32>} : memref<49200xf32, #tpu.memory_space<vmem>>, vector<16xf32>,
      %add3A_1363 = arith.constant 16 : i32
      %add3A_1364 = arith.addi %add3A_1326, %add3A_1363 : i32
      %swap3A_1365 = arith.index_cast %add3A_1364 : i32 to index
      %swap3A_1366 = tpu.vector_load %arg15[%swap3A_1365] {strides = array<i32>} : memref<8192xf32, #tpu.memory_space<vmem>>, vector<16xf32>,
      tpu.vector_store %arg15[%swap3A_1365], %get3A_1362 {strides = array<i32>} : memref<8192xf32, #tpu.memory_space<vmem>>, vector<16xf32>,
      %add3A_1367 = arith.constant 32 : i32
      %add3A_1368 = arith.addi %and3A_1336, %add3A_1367 : i32
      %get3A_1369 = arith.index_cast %add3A_1368 : i32 to index
      %get3A_1370 = tpu.vector_load %arg9[%get3A_1369] {strides = array<i32>} : memref<49200xf32, #tpu.memory_space<vmem>>, vector<16xf32>,
      %add3A_1371 = arith.constant 32 : i32
      %add3A_1372 = arith.addi %add3A_1326, %add3A_1371 : i32
      %swap3A_1373 = arith.index_cast %add3A_1372 : i32 to index
      %swap3A_1374 = tpu.vector_load %arg15[%swap3A_1373] {strides = array<i32>} : memref<8192xf32, #tpu.memory_space<vmem>>, vector<16xf32>,
      tpu.vector_store %arg15[%swap3A_1373], %get3A_1370 {strides = array<i32>} : memref<8192xf32, #tpu.memory_space<vmem>>, vector<16xf32>,
      %add3A_1375 = arith.constant 0 : i32
      %add3A_1376 = arith.addi %shift_right_logical3A_1338, %add3A_1375 : i32
      %get3A_1377 = arith.index_cast %add3A_1376 : i32 to index
      %get3A_1378 = tpu.vector_load %arg10[%get3A_1377] {strides = array<i32>} : memref<29472xf32, #tpu.memory_space<vmem>>, vector<16xf32>,
      %add3A_1379 = arith.constant 0 : i32
      %add3A_1380 = arith.addi %and3A_1340, %add3A_1379 : i32
      %get3A_1381 = arith.index_cast %add3A_1380 : i32 to index
      %get3A_1382 = tpu.vector_load %arg10[%get3A_1381] {strides = array<i32>} : memref<29472xf32, #tpu.memory_space<vmem>>, vector<16xf32>,
      %add3A_1383 = arith.addf %get3A_1378, %get3A_1382 : vector<16xf32>
      %add3A_1384 = arith.constant 0 : i32
      %add3A_1385 = arith.addi %shift_right_logical3A_1342, %add3A_1384 : i32
      %get3A_1386 = arith.index_cast %add3A_1385 : i32 to index
      %get3A_1387 = tpu.vector_load %arg10[%get3A_1386] {strides = array<i32>} : memref<29472xf32, #tpu.memory_space<vmem>>, vector<16xf32>,
      %add3A_1388 = arith.addf %add3A_1383, %get3A_1387 : vector<16xf32>
      %add3A_1389 = arith.constant 0 : i32
      %add3A_1390 = arith.addi %and3A_1344, %add3A_1389 : i32
      %get3A_1391 = arith.index_cast %add3A_1390 : i32 to index
      %get3A_1392 = tpu.vector_load %arg10[%get3A_1391] {strides = array<i32>} : memref<29472xf32, #tpu.memory_space<vmem>>, vector<16xf32>,
      %add3A_1393 = arith.addf %add3A_1388, %get3A_1392 : vector<16xf32>
      %add3A_1394 = arith.constant 48 : i32
      %add3A_1395 = arith.addi %add3A_1326, %add3A_1394 : i32
      %add3A_1396 = arith.constant 0 : i32
      %add3A_1397 = arith.addi %add3A_1395, %add3A_1396 : i32
      %swap3A_1398 = arith.index_cast %add3A_1397 : i32 to index
      %swap3A_1399 = tpu.vector_load %arg15[%swap3A_1398] {strides = array<i32>} : memref<8192xf32, #tpu.memory_space<vmem>>, vector<16xf32>,
      tpu.vector_store %arg15[%swap3A_1398], %add3A_1393 {strides = array<i32>} : memref<8192xf32, #tpu.memory_space<vmem>>, vector<16xf32>,
      %add3A_1400 = arith.constant 16 : i32
      %add3A_1401 = arith.addi %shift_right_logical3A_1338, %add3A_1400 : i32
      %get3A_1402 = arith.index_cast %add3A_1401 : i32 to index
      %get3A_1403 = tpu.vector_load %arg10[%get3A_1402] {strides = array<i32>} : memref<29472xf32, #tpu.memory_space<vmem>>, vector<16xf32>,
      %add3A_1404 = arith.constant 16 : i32
      %add3A_1405 = arith.addi %and3A_1340, %add3A_1404 : i32
      %get3A_1406 = arith.index_cast %add3A_1405 : i32 to index
      %get3A_1407 = tpu.vector_load %arg10[%get3A_1406] {strides = array<i32>} : memref<29472xf32, #tpu.memory_space<vmem>>, vector<16xf32>,
      %add3A_1408 = arith.addf %get3A_1403, %get3A_1407 : vector<16xf32>
      %add3A_1409 = arith.constant 16 : i32
      %add3A_1410 = arith.addi %shift_right_logical3A_1342, %add3A_1409 : i32
      %get3A_1411 = arith.index_cast %add3A_1410 : i32 to index
      %get3A_1412 = tpu.vector_load %arg10[%get3A_1411] {strides = array<i32>} : memref<29472xf32, #tpu.memory_space<vmem>>, vector<16xf32>,
      %add3A_1413 = arith.addf %add3A_1408, %get3A_1412 : vector<16xf32>
      %add3A_1414 = arith.constant 16 : i32
      %add3A_1415 = arith.addi %and3A_1344, %add3A_1414 : i32
      %get3A_1416 = arith.index_cast %add3A_1415 : i32 to index
      %get3A_1417 = tpu.vector_load %arg10[%get3A_1416] {strides = array<i32>} : memref<29472xf32, #tpu.memory_space<vmem>>, vector<16xf32>,
      %add3A_1418 = arith.addf %add3A_1413, %get3A_1417 : vector<16xf32>
      %add3A_1419 = arith.constant 48 : i32
      %add3A_1420 = arith.addi %add3A_1326, %add3A_1419 : i32
      %add3A_1421 = arith.constant 16 : i32
      %add3A_1422 = arith.addi %add3A_1420, %add3A_1421 : i32
      %swap3A_1423 = arith.index_cast %add3A_1422 : i32 to index
      %swap3A_1424 = tpu.vector_load %arg15[%swap3A_1423] {strides = array<i32>} : memref<8192xf32, #tpu.memory_space<vmem>>, vector<16xf32>,
      tpu.vector_store %arg15[%swap3A_1423], %add3A_1418 {strides = array<i32>} : memref<8192xf32, #tpu.memory_space<vmem>>, vector<16xf32>,
      %get3A_1425 = arith.index_cast %shift_right_logical3A_1346 : i32 to index
      %get3A_1426 = tpu.vector_load %arg11[%get3A_1425] {strides = array<i32>} : memref<4960xf32, #tpu.memory_space<vmem>>, vector<16xf32>,
      %add3A_1427 = arith.constant 72 : i32
      %add3A_1428 = arith.addi %add3A_1326, %add3A_1427 : i32
      %swap3A_1429 = arith.index_cast %add3A_1428 : i32 to index
      %swap3A_1430 = tpu.vector_load %arg15[%swap3A_1429] {strides = array<i32>} : memref<8192xf32, #tpu.memory_space<vmem>>, vector<16xf32>,
      tpu.vector_store %arg15[%swap3A_1429], %get3A_1426 {strides = array<i32>} : memref<8192xf32, #tpu.memory_space<vmem>>, vector<16xf32>,
      %get3A_1431 = arith.index_cast %and3A_1348 : i32 to index
      %get3A_1432 = tpu.vector_load %arg12[%get3A_1431] {strides = array<i32>} : memref<19200xf32, #tpu.memory_space<vmem>>, vector<16xf32>,
      %add3A_1433 = arith.constant 88 : i32
      %add3A_1434 = arith.addi %add3A_1326, %add3A_1433 : i32
      %swap3A_1435 = arith.index_cast %add3A_1434 : i32 to index
      %swap3A_1436 = tpu.vector_load %arg15[%swap3A_1435] {strides = array<i32>} : memref<8192xf32, #tpu.memory_space<vmem>>, vector<16xf32>,
      tpu.vector_store %arg15[%swap3A_1435], %get3A_1432 {strides = array<i32>} : memref<8192xf32, #tpu.memory_space<vmem>>, vector<16xf32>,
      %get3A_1437 = arith.index_cast %shift_right_logical3A_1350 : i32 to index
      %get3A_1438 = tpu.vector_load %arg13[%get3A_1437] {strides = array<i32>} : memref<304xf32, #tpu.memory_space<vmem>>, vector<16xf32>,
      %add3A_1439 = arith.constant 104 : i32
      %add3A_1440 = arith.addi %add3A_1326, %add3A_1439 : i32
      %swap3A_1441 = arith.index_cast %add3A_1440 : i32 to index
      %swap3A_1442 = tpu.vector_load %arg15[%swap3A_1441] {strides = array<i32>} : memref<8192xf32, #tpu.memory_space<vmem>>, vector<16xf32>,
      tpu.vector_store %arg15[%swap3A_1441], %get3A_1438 {strides = array<i32>} : memref<8192xf32, #tpu.memory_space<vmem>>, vector<16xf32>,
      %add3A_1443 = arith.constant 1408 : i32
      %add3A_1444 = arith.addi %mul3A_112, %add3A_1443 : i32
      %slice3A_1445 = vector.extract_strided_slice %get3A_121 {offsets = [11], sizes = [1], strides = [1]} : vector<16xi32> to vector<1xi32>
      %squeeze3A_1446 = vector.extract %slice3A_1445[0] : i32 from vector<1xi32>
      %slice3A_1447 = vector.extract_strided_slice %get3A_125 {offsets = [11], sizes = [1], strides = [1]} : vector<16xi32> to vector<1xi32>
      %squeeze3A_1448 = vector.extract %slice3A_1447[0] : i32 from vector<1xi32>
      %slice3A_1449 = vector.extract_strided_slice %get3A_129 {offsets = [11], sizes = [1], strides = [1]} : vector<16xi32> to vector<1xi32>
      %squeeze3A_1450 = vector.extract %slice3A_1449[0] : i32 from vector<1xi32>
      %slice3A_1451 = vector.extract_strided_slice %get3A_133 {offsets = [11], sizes = [1], strides = [1]} : vector<16xi32> to vector<1xi32>
      %squeeze3A_1452 = vector.extract %slice3A_1451[0] : i32 from vector<1xi32>
      %and3A_1453 = arith.constant 65535 : i32
      %and3A_1454 = arith.andi %squeeze3A_1446, %and3A_1453 : i32
      %shift_right_logical3A_1455 = arith.constant 16 : i32
      %shift_right_logical3A_1456 = arith.shrui %squeeze3A_1446, %shift_right_logical3A_1455 : i32
      %and3A_1457 = arith.constant 65535 : i32
      %and3A_1458 = arith.andi %squeeze3A_1448, %and3A_1457 : i32
      %shift_right_logical3A_1459 = arith.constant 16 : i32
      %shift_right_logical3A_1460 = arith.shrui %squeeze3A_1448, %shift_right_logical3A_1459 : i32
      %and3A_1461 = arith.constant 65535 : i32
      %and3A_1462 = arith.andi %squeeze3A_1450, %and3A_1461 : i32
      %shift_right_logical3A_1463 = arith.constant 16 : i32
      %shift_right_logical3A_1464 = arith.shrui %squeeze3A_1450, %shift_right_logical3A_1463 : i32
      %and3A_1465 = arith.constant 65535 : i32
      %and3A_1466 = arith.andi %squeeze3A_1452, %and3A_1465 : i32
      %shift_right_logical3A_1467 = arith.constant 16 : i32
      %shift_right_logical3A_1468 = arith.shrui %squeeze3A_1452, %shift_right_logical3A_1467 : i32
      %add3A_1469 = arith.constant 0 : i32
      %add3A_1470 = arith.addi %and3A_1454, %add3A_1469 : i32
      %get3A_1471 = arith.index_cast %add3A_1470 : i32 to index
      %get3A_1472 = tpu.vector_load %arg9[%get3A_1471] {strides = array<i32>} : memref<49200xf32, #tpu.memory_space<vmem>>, vector<16xf32>,
      %add3A_1473 = arith.constant 0 : i32
      %add3A_1474 = arith.addi %add3A_1444, %add3A_1473 : i32
      %swap3A_1475 = arith.index_cast %add3A_1474 : i32 to index
      %swap3A_1476 = tpu.vector_load %arg15[%swap3A_1475] {strides = array<i32>} : memref<8192xf32, #tpu.memory_space<vmem>>, vector<16xf32>,
      tpu.vector_store %arg15[%swap3A_1475], %get3A_1472 {strides = array<i32>} : memref<8192xf32, #tpu.memory_space<vmem>>, vector<16xf32>,
      %add3A_1477 = arith.constant 16 : i32
      %add3A_1478 = arith.addi %and3A_1454, %add3A_1477 : i32
      %get3A_1479 = arith.index_cast %add3A_1478 : i32 to index
      %get3A_1480 = tpu.vector_load %arg9[%get3A_1479] {strides = array<i32>} : memref<49200xf32, #tpu.memory_space<vmem>>, vector<16xf32>,
      %add3A_1481 = arith.constant 16 : i32
      %add3A_1482 = arith.addi %add3A_1444, %add3A_1481 : i32
      %swap3A_1483 = arith.index_cast %add3A_1482 : i32 to index
      %swap3A_1484 = tpu.vector_load %arg15[%swap3A_1483] {strides = array<i32>} : memref<8192xf32, #tpu.memory_space<vmem>>, vector<16xf32>,
      tpu.vector_store %arg15[%swap3A_1483], %get3A_1480 {strides = array<i32>} : memref<8192xf32, #tpu.memory_space<vmem>>, vector<16xf32>,
      %add3A_1485 = arith.constant 32 : i32
      %add3A_1486 = arith.addi %and3A_1454, %add3A_1485 : i32
      %get3A_1487 = arith.index_cast %add3A_1486 : i32 to index
      %get3A_1488 = tpu.vector_load %arg9[%get3A_1487] {strides = array<i32>} : memref<49200xf32, #tpu.memory_space<vmem>>, vector<16xf32>,
      %add3A_1489 = arith.constant 32 : i32
      %add3A_1490 = arith.addi %add3A_1444, %add3A_1489 : i32
      %swap3A_1491 = arith.index_cast %add3A_1490 : i32 to index
      %swap3A_1492 = tpu.vector_load %arg15[%swap3A_1491] {strides = array<i32>} : memref<8192xf32, #tpu.memory_space<vmem>>, vector<16xf32>,
      tpu.vector_store %arg15[%swap3A_1491], %get3A_1488 {strides = array<i32>} : memref<8192xf32, #tpu.memory_space<vmem>>, vector<16xf32>,
      %add3A_1493 = arith.constant 0 : i32
      %add3A_1494 = arith.addi %shift_right_logical3A_1456, %add3A_1493 : i32
      %get3A_1495 = arith.index_cast %add3A_1494 : i32 to index
      %get3A_1496 = tpu.vector_load %arg10[%get3A_1495] {strides = array<i32>} : memref<29472xf32, #tpu.memory_space<vmem>>, vector<16xf32>,
      %add3A_1497 = arith.constant 0 : i32
      %add3A_1498 = arith.addi %and3A_1458, %add3A_1497 : i32
      %get3A_1499 = arith.index_cast %add3A_1498 : i32 to index
      %get3A_1500 = tpu.vector_load %arg10[%get3A_1499] {strides = array<i32>} : memref<29472xf32, #tpu.memory_space<vmem>>, vector<16xf32>,
      %add3A_1501 = arith.addf %get3A_1496, %get3A_1500 : vector<16xf32>
      %add3A_1502 = arith.constant 0 : i32
      %add3A_1503 = arith.addi %shift_right_logical3A_1460, %add3A_1502 : i32
      %get3A_1504 = arith.index_cast %add3A_1503 : i32 to index
      %get3A_1505 = tpu.vector_load %arg10[%get3A_1504] {strides = array<i32>} : memref<29472xf32, #tpu.memory_space<vmem>>, vector<16xf32>,
      %add3A_1506 = arith.addf %add3A_1501, %get3A_1505 : vector<16xf32>
      %add3A_1507 = arith.constant 0 : i32
      %add3A_1508 = arith.addi %and3A_1462, %add3A_1507 : i32
      %get3A_1509 = arith.index_cast %add3A_1508 : i32 to index
      %get3A_1510 = tpu.vector_load %arg10[%get3A_1509] {strides = array<i32>} : memref<29472xf32, #tpu.memory_space<vmem>>, vector<16xf32>,
      %add3A_1511 = arith.addf %add3A_1506, %get3A_1510 : vector<16xf32>
      %add3A_1512 = arith.constant 48 : i32
      %add3A_1513 = arith.addi %add3A_1444, %add3A_1512 : i32
      %add3A_1514 = arith.constant 0 : i32
      %add3A_1515 = arith.addi %add3A_1513, %add3A_1514 : i32
      %swap3A_1516 = arith.index_cast %add3A_1515 : i32 to index
      %swap3A_1517 = tpu.vector_load %arg15[%swap3A_1516] {strides = array<i32>} : memref<8192xf32, #tpu.memory_space<vmem>>, vector<16xf32>,
      tpu.vector_store %arg15[%swap3A_1516], %add3A_1511 {strides = array<i32>} : memref<8192xf32, #tpu.memory_space<vmem>>, vector<16xf32>,
      %add3A_1518 = arith.constant 16 : i32
      %add3A_1519 = arith.addi %shift_right_logical3A_1456, %add3A_1518 : i32
      %get3A_1520 = arith.index_cast %add3A_1519 : i32 to index
      %get3A_1521 = tpu.vector_load %arg10[%get3A_1520] {strides = array<i32>} : memref<29472xf32, #tpu.memory_space<vmem>>, vector<16xf32>,
      %add3A_1522 = arith.constant 16 : i32
      %add3A_1523 = arith.addi %and3A_1458, %add3A_1522 : i32
      %get3A_1524 = arith.index_cast %add3A_1523 : i32 to index
      %get3A_1525 = tpu.vector_load %arg10[%get3A_1524] {strides = array<i32>} : memref<29472xf32, #tpu.memory_space<vmem>>, vector<16xf32>,
      %add3A_1526 = arith.addf %get3A_1521, %get3A_1525 : vector<16xf32>
      %add3A_1527 = arith.constant 16 : i32
      %add3A_1528 = arith.addi %shift_right_logical3A_1460, %add3A_1527 : i32
      %get3A_1529 = arith.index_cast %add3A_1528 : i32 to index
      %get3A_1530 = tpu.vector_load %arg10[%get3A_1529] {strides = array<i32>} : memref<29472xf32, #tpu.memory_space<vmem>>, vector<16xf32>,
      %add3A_1531 = arith.addf %add3A_1526, %get3A_1530 : vector<16xf32>
      %add3A_1532 = arith.constant 16 : i32
      %add3A_1533 = arith.addi %and3A_1462, %add3A_1532 : i32
      %get3A_1534 = arith.index_cast %add3A_1533 : i32 to index
      %get3A_1535 = tpu.vector_load %arg10[%get3A_1534] {strides = array<i32>} : memref<29472xf32, #tpu.memory_space<vmem>>, vector<16xf32>,
      %add3A_1536 = arith.addf %add3A_1531, %get3A_1535 : vector<16xf32>
      %add3A_1537 = arith.constant 48 : i32
      %add3A_1538 = arith.addi %add3A_1444, %add3A_1537 : i32
      %add3A_1539 = arith.constant 16 : i32
      %add3A_1540 = arith.addi %add3A_1538, %add3A_1539 : i32
      %swap3A_1541 = arith.index_cast %add3A_1540 : i32 to index
      %swap3A_1542 = tpu.vector_load %arg15[%swap3A_1541] {strides = array<i32>} : memref<8192xf32, #tpu.memory_space<vmem>>, vector<16xf32>,
      tpu.vector_store %arg15[%swap3A_1541], %add3A_1536 {strides = array<i32>} : memref<8192xf32, #tpu.memory_space<vmem>>, vector<16xf32>,
      %get3A_1543 = arith.index_cast %shift_right_logical3A_1464 : i32 to index
      %get3A_1544 = tpu.vector_load %arg11[%get3A_1543] {strides = array<i32>} : memref<4960xf32, #tpu.memory_space<vmem>>, vector<16xf32>,
      %add3A_1545 = arith.constant 72 : i32
      %add3A_1546 = arith.addi %add3A_1444, %add3A_1545 : i32
      %swap3A_1547 = arith.index_cast %add3A_1546 : i32 to index
      %swap3A_1548 = tpu.vector_load %arg15[%swap3A_1547] {strides = array<i32>} : memref<8192xf32, #tpu.memory_space<vmem>>, vector<16xf32>,
      tpu.vector_store %arg15[%swap3A_1547], %get3A_1544 {strides = array<i32>} : memref<8192xf32, #tpu.memory_space<vmem>>, vector<16xf32>,
      %get3A_1549 = arith.index_cast %and3A_1466 : i32 to index
      %get3A_1550 = tpu.vector_load %arg12[%get3A_1549] {strides = array<i32>} : memref<19200xf32, #tpu.memory_space<vmem>>, vector<16xf32>,
      %add3A_1551 = arith.constant 88 : i32
      %add3A_1552 = arith.addi %add3A_1444, %add3A_1551 : i32
      %swap3A_1553 = arith.index_cast %add3A_1552 : i32 to index
      %swap3A_1554 = tpu.vector_load %arg15[%swap3A_1553] {strides = array<i32>} : memref<8192xf32, #tpu.memory_space<vmem>>, vector<16xf32>,
      tpu.vector_store %arg15[%swap3A_1553], %get3A_1550 {strides = array<i32>} : memref<8192xf32, #tpu.memory_space<vmem>>, vector<16xf32>,
      %get3A_1555 = arith.index_cast %shift_right_logical3A_1468 : i32 to index
      %get3A_1556 = tpu.vector_load %arg13[%get3A_1555] {strides = array<i32>} : memref<304xf32, #tpu.memory_space<vmem>>, vector<16xf32>,
      %add3A_1557 = arith.constant 104 : i32
      %add3A_1558 = arith.addi %add3A_1444, %add3A_1557 : i32
      %swap3A_1559 = arith.index_cast %add3A_1558 : i32 to index
      %swap3A_1560 = tpu.vector_load %arg15[%swap3A_1559] {strides = array<i32>} : memref<8192xf32, #tpu.memory_space<vmem>>, vector<16xf32>,
      tpu.vector_store %arg15[%swap3A_1559], %get3A_1556 {strides = array<i32>} : memref<8192xf32, #tpu.memory_space<vmem>>, vector<16xf32>,
      %add3A_1561 = arith.constant 1536 : i32
      %add3A_1562 = arith.addi %mul3A_112, %add3A_1561 : i32
      %slice3A_1563 = vector.extract_strided_slice %get3A_121 {offsets = [12], sizes = [1], strides = [1]} : vector<16xi32> to vector<1xi32>
      %squeeze3A_1564 = vector.extract %slice3A_1563[0] : i32 from vector<1xi32>
      %slice3A_1565 = vector.extract_strided_slice %get3A_125 {offsets = [12], sizes = [1], strides = [1]} : vector<16xi32> to vector<1xi32>
      %squeeze3A_1566 = vector.extract %slice3A_1565[0] : i32 from vector<1xi32>
      %slice3A_1567 = vector.extract_strided_slice %get3A_129 {offsets = [12], sizes = [1], strides = [1]} : vector<16xi32> to vector<1xi32>
      %squeeze3A_1568 = vector.extract %slice3A_1567[0] : i32 from vector<1xi32>
      %slice3A_1569 = vector.extract_strided_slice %get3A_133 {offsets = [12], sizes = [1], strides = [1]} : vector<16xi32> to vector<1xi32>
      %squeeze3A_1570 = vector.extract %slice3A_1569[0] : i32 from vector<1xi32>
      %and3A_1571 = arith.constant 65535 : i32
      %and3A_1572 = arith.andi %squeeze3A_1564, %and3A_1571 : i32
      %shift_right_logical3A_1573 = arith.constant 16 : i32
      %shift_right_logical3A_1574 = arith.shrui %squeeze3A_1564, %shift_right_logical3A_1573 : i32
      %and3A_1575 = arith.constant 65535 : i32
      %and3A_1576 = arith.andi %squeeze3A_1566, %and3A_1575 : i32
      %shift_right_logical3A_1577 = arith.constant 16 : i32
      %shift_right_logical3A_1578 = arith.shrui %squeeze3A_1566, %shift_right_logical3A_1577 : i32
      %and3A_1579 = arith.constant 65535 : i32
      %and3A_1580 = arith.andi %squeeze3A_1568, %and3A_1579 : i32
      %shift_right_logical3A_1581 = arith.constant 16 : i32
      %shift_right_logical3A_1582 = arith.shrui %squeeze3A_1568, %shift_right_logical3A_1581 : i32
      %and3A_1583 = arith.constant 65535 : i32
      %and3A_1584 = arith.andi %squeeze3A_1570, %and3A_1583 : i32
      %shift_right_logical3A_1585 = arith.constant 16 : i32
      %shift_right_logical3A_1586 = arith.shrui %squeeze3A_1570, %shift_right_logical3A_1585 : i32
      %add3A_1587 = arith.constant 0 : i32
      %add3A_1588 = arith.addi %and3A_1572, %add3A_1587 : i32
      %get3A_1589 = arith.index_cast %add3A_1588 : i32 to index
      %get3A_1590 = tpu.vector_load %arg9[%get3A_1589] {strides = array<i32>} : memref<49200xf32, #tpu.memory_space<vmem>>, vector<16xf32>,
      %add3A_1591 = arith.constant 0 : i32
      %add3A_1592 = arith.addi %add3A_1562, %add3A_1591 : i32
      %swap3A_1593 = arith.index_cast %add3A_1592 : i32 to index
      %swap3A_1594 = tpu.vector_load %arg15[%swap3A_1593] {strides = array<i32>} : memref<8192xf32, #tpu.memory_space<vmem>>, vector<16xf32>,
      tpu.vector_store %arg15[%swap3A_1593], %get3A_1590 {strides = array<i32>} : memref<8192xf32, #tpu.memory_space<vmem>>, vector<16xf32>,
      %add3A_1595 = arith.constant 16 : i32
      %add3A_1596 = arith.addi %and3A_1572, %add3A_1595 : i32
      %get3A_1597 = arith.index_cast %add3A_1596 : i32 to index
      %get3A_1598 = tpu.vector_load %arg9[%get3A_1597] {strides = array<i32>} : memref<49200xf32, #tpu.memory_space<vmem>>, vector<16xf32>,
      %add3A_1599 = arith.constant 16 : i32
      %add3A_1600 = arith.addi %add3A_1562, %add3A_1599 : i32
      %swap3A_1601 = arith.index_cast %add3A_1600 : i32 to index
      %swap3A_1602 = tpu.vector_load %arg15[%swap3A_1601] {strides = array<i32>} : memref<8192xf32, #tpu.memory_space<vmem>>, vector<16xf32>,
      tpu.vector_store %arg15[%swap3A_1601], %get3A_1598 {strides = array<i32>} : memref<8192xf32, #tpu.memory_space<vmem>>, vector<16xf32>,
      %add3A_1603 = arith.constant 32 : i32
      %add3A_1604 = arith.addi %and3A_1572, %add3A_1603 : i32
      %get3A_1605 = arith.index_cast %add3A_1604 : i32 to index
      %get3A_1606 = tpu.vector_load %arg9[%get3A_1605] {strides = array<i32>} : memref<49200xf32, #tpu.memory_space<vmem>>, vector<16xf32>,
      %add3A_1607 = arith.constant 32 : i32
      %add3A_1608 = arith.addi %add3A_1562, %add3A_1607 : i32
      %swap3A_1609 = arith.index_cast %add3A_1608 : i32 to index
      %swap3A_1610 = tpu.vector_load %arg15[%swap3A_1609] {strides = array<i32>} : memref<8192xf32, #tpu.memory_space<vmem>>, vector<16xf32>,
      tpu.vector_store %arg15[%swap3A_1609], %get3A_1606 {strides = array<i32>} : memref<8192xf32, #tpu.memory_space<vmem>>, vector<16xf32>,
      %add3A_1611 = arith.constant 0 : i32
      %add3A_1612 = arith.addi %shift_right_logical3A_1574, %add3A_1611 : i32
      %get3A_1613 = arith.index_cast %add3A_1612 : i32 to index
      %get3A_1614 = tpu.vector_load %arg10[%get3A_1613] {strides = array<i32>} : memref<29472xf32, #tpu.memory_space<vmem>>, vector<16xf32>,
      %add3A_1615 = arith.constant 0 : i32
      %add3A_1616 = arith.addi %and3A_1576, %add3A_1615 : i32
      %get3A_1617 = arith.index_cast %add3A_1616 : i32 to index
      %get3A_1618 = tpu.vector_load %arg10[%get3A_1617] {strides = array<i32>} : memref<29472xf32, #tpu.memory_space<vmem>>, vector<16xf32>,
      %add3A_1619 = arith.addf %get3A_1614, %get3A_1618 : vector<16xf32>
      %add3A_1620 = arith.constant 0 : i32
      %add3A_1621 = arith.addi %shift_right_logical3A_1578, %add3A_1620 : i32
      %get3A_1622 = arith.index_cast %add3A_1621 : i32 to index
      %get3A_1623 = tpu.vector_load %arg10[%get3A_1622] {strides = array<i32>} : memref<29472xf32, #tpu.memory_space<vmem>>, vector<16xf32>,
      %add3A_1624 = arith.addf %add3A_1619, %get3A_1623 : vector<16xf32>
      %add3A_1625 = arith.constant 0 : i32
      %add3A_1626 = arith.addi %and3A_1580, %add3A_1625 : i32
      %get3A_1627 = arith.index_cast %add3A_1626 : i32 to index
      %get3A_1628 = tpu.vector_load %arg10[%get3A_1627] {strides = array<i32>} : memref<29472xf32, #tpu.memory_space<vmem>>, vector<16xf32>,
      %add3A_1629 = arith.addf %add3A_1624, %get3A_1628 : vector<16xf32>
      %add3A_1630 = arith.constant 48 : i32
      %add3A_1631 = arith.addi %add3A_1562, %add3A_1630 : i32
      %add3A_1632 = arith.constant 0 : i32
      %add3A_1633 = arith.addi %add3A_1631, %add3A_1632 : i32
      %swap3A_1634 = arith.index_cast %add3A_1633 : i32 to index
      %swap3A_1635 = tpu.vector_load %arg15[%swap3A_1634] {strides = array<i32>} : memref<8192xf32, #tpu.memory_space<vmem>>, vector<16xf32>,
      tpu.vector_store %arg15[%swap3A_1634], %add3A_1629 {strides = array<i32>} : memref<8192xf32, #tpu.memory_space<vmem>>, vector<16xf32>,
      %add3A_1636 = arith.constant 16 : i32
      %add3A_1637 = arith.addi %shift_right_logical3A_1574, %add3A_1636 : i32
      %get3A_1638 = arith.index_cast %add3A_1637 : i32 to index
      %get3A_1639 = tpu.vector_load %arg10[%get3A_1638] {strides = array<i32>} : memref<29472xf32, #tpu.memory_space<vmem>>, vector<16xf32>,
      %add3A_1640 = arith.constant 16 : i32
      %add3A_1641 = arith.addi %and3A_1576, %add3A_1640 : i32
      %get3A_1642 = arith.index_cast %add3A_1641 : i32 to index
      %get3A_1643 = tpu.vector_load %arg10[%get3A_1642] {strides = array<i32>} : memref<29472xf32, #tpu.memory_space<vmem>>, vector<16xf32>,
      %add3A_1644 = arith.addf %get3A_1639, %get3A_1643 : vector<16xf32>
      %add3A_1645 = arith.constant 16 : i32
      %add3A_1646 = arith.addi %shift_right_logical3A_1578, %add3A_1645 : i32
      %get3A_1647 = arith.index_cast %add3A_1646 : i32 to index
      %get3A_1648 = tpu.vector_load %arg10[%get3A_1647] {strides = array<i32>} : memref<29472xf32, #tpu.memory_space<vmem>>, vector<16xf32>,
      %add3A_1649 = arith.addf %add3A_1644, %get3A_1648 : vector<16xf32>
      %add3A_1650 = arith.constant 16 : i32
      %add3A_1651 = arith.addi %and3A_1580, %add3A_1650 : i32
      %get3A_1652 = arith.index_cast %add3A_1651 : i32 to index
      %get3A_1653 = tpu.vector_load %arg10[%get3A_1652] {strides = array<i32>} : memref<29472xf32, #tpu.memory_space<vmem>>, vector<16xf32>,
      %add3A_1654 = arith.addf %add3A_1649, %get3A_1653 : vector<16xf32>
      %add3A_1655 = arith.constant 48 : i32
      %add3A_1656 = arith.addi %add3A_1562, %add3A_1655 : i32
      %add3A_1657 = arith.constant 16 : i32
      %add3A_1658 = arith.addi %add3A_1656, %add3A_1657 : i32
      %swap3A_1659 = arith.index_cast %add3A_1658 : i32 to index
      %swap3A_1660 = tpu.vector_load %arg15[%swap3A_1659] {strides = array<i32>} : memref<8192xf32, #tpu.memory_space<vmem>>, vector<16xf32>,
      tpu.vector_store %arg15[%swap3A_1659], %add3A_1654 {strides = array<i32>} : memref<8192xf32, #tpu.memory_space<vmem>>, vector<16xf32>,
      %get3A_1661 = arith.index_cast %shift_right_logical3A_1582 : i32 to index
      %get3A_1662 = tpu.vector_load %arg11[%get3A_1661] {strides = array<i32>} : memref<4960xf32, #tpu.memory_space<vmem>>, vector<16xf32>,
      %add3A_1663 = arith.constant 72 : i32
      %add3A_1664 = arith.addi %add3A_1562, %add3A_1663 : i32
      %swap3A_1665 = arith.index_cast %add3A_1664 : i32 to index
      %swap3A_1666 = tpu.vector_load %arg15[%swap3A_1665] {strides = array<i32>} : memref<8192xf32, #tpu.memory_space<vmem>>, vector<16xf32>,
      tpu.vector_store %arg15[%swap3A_1665], %get3A_1662 {strides = array<i32>} : memref<8192xf32, #tpu.memory_space<vmem>>, vector<16xf32>,
      %get3A_1667 = arith.index_cast %and3A_1584 : i32 to index
      %get3A_1668 = tpu.vector_load %arg12[%get3A_1667] {strides = array<i32>} : memref<19200xf32, #tpu.memory_space<vmem>>, vector<16xf32>,
      %add3A_1669 = arith.constant 88 : i32
      %add3A_1670 = arith.addi %add3A_1562, %add3A_1669 : i32
      %swap3A_1671 = arith.index_cast %add3A_1670 : i32 to index
      %swap3A_1672 = tpu.vector_load %arg15[%swap3A_1671] {strides = array<i32>} : memref<8192xf32, #tpu.memory_space<vmem>>, vector<16xf32>,
      tpu.vector_store %arg15[%swap3A_1671], %get3A_1668 {strides = array<i32>} : memref<8192xf32, #tpu.memory_space<vmem>>, vector<16xf32>,
      %get3A_1673 = arith.index_cast %shift_right_logical3A_1586 : i32 to index
      %get3A_1674 = tpu.vector_load %arg13[%get3A_1673] {strides = array<i32>} : memref<304xf32, #tpu.memory_space<vmem>>, vector<16xf32>,
      %add3A_1675 = arith.constant 104 : i32
      %add3A_1676 = arith.addi %add3A_1562, %add3A_1675 : i32
      %swap3A_1677 = arith.index_cast %add3A_1676 : i32 to index
      %swap3A_1678 = tpu.vector_load %arg15[%swap3A_1677] {strides = array<i32>} : memref<8192xf32, #tpu.memory_space<vmem>>, vector<16xf32>,
      tpu.vector_store %arg15[%swap3A_1677], %get3A_1674 {strides = array<i32>} : memref<8192xf32, #tpu.memory_space<vmem>>, vector<16xf32>,
      %add3A_1679 = arith.constant 1664 : i32
      %add3A_1680 = arith.addi %mul3A_112, %add3A_1679 : i32
      %slice3A_1681 = vector.extract_strided_slice %get3A_121 {offsets = [13], sizes = [1], strides = [1]} : vector<16xi32> to vector<1xi32>
      %squeeze3A_1682 = vector.extract %slice3A_1681[0] : i32 from vector<1xi32>
      %slice3A_1683 = vector.extract_strided_slice %get3A_125 {offsets = [13], sizes = [1], strides = [1]} : vector<16xi32> to vector<1xi32>
      %squeeze3A_1684 = vector.extract %slice3A_1683[0] : i32 from vector<1xi32>
      %slice3A_1685 = vector.extract_strided_slice %get3A_129 {offsets = [13], sizes = [1], strides = [1]} : vector<16xi32> to vector<1xi32>
      %squeeze3A_1686 = vector.extract %slice3A_1685[0] : i32 from vector<1xi32>
      %slice3A_1687 = vector.extract_strided_slice %get3A_133 {offsets = [13], sizes = [1], strides = [1]} : vector<16xi32> to vector<1xi32>
      %squeeze3A_1688 = vector.extract %slice3A_1687[0] : i32 from vector<1xi32>
      %and3A_1689 = arith.constant 65535 : i32
      %and3A_1690 = arith.andi %squeeze3A_1682, %and3A_1689 : i32
      %shift_right_logical3A_1691 = arith.constant 16 : i32
      %shift_right_logical3A_1692 = arith.shrui %squeeze3A_1682, %shift_right_logical3A_1691 : i32
      %and3A_1693 = arith.constant 65535 : i32
      %and3A_1694 = arith.andi %squeeze3A_1684, %and3A_1693 : i32
      %shift_right_logical3A_1695 = arith.constant 16 : i32
      %shift_right_logical3A_1696 = arith.shrui %squeeze3A_1684, %shift_right_logical3A_1695 : i32
      %and3A_1697 = arith.constant 65535 : i32
      %and3A_1698 = arith.andi %squeeze3A_1686, %and3A_1697 : i32
      %shift_right_logical3A_1699 = arith.constant 16 : i32
      %shift_right_logical3A_1700 = arith.shrui %squeeze3A_1686, %shift_right_logical3A_1699 : i32
      %and3A_1701 = arith.constant 65535 : i32
      %and3A_1702 = arith.andi %squeeze3A_1688, %and3A_1701 : i32
      %shift_right_logical3A_1703 = arith.constant 16 : i32
      %shift_right_logical3A_1704 = arith.shrui %squeeze3A_1688, %shift_right_logical3A_1703 : i32
      %add3A_1705 = arith.constant 0 : i32
      %add3A_1706 = arith.addi %and3A_1690, %add3A_1705 : i32
      %get3A_1707 = arith.index_cast %add3A_1706 : i32 to index
      %get3A_1708 = tpu.vector_load %arg9[%get3A_1707] {strides = array<i32>} : memref<49200xf32, #tpu.memory_space<vmem>>, vector<16xf32>,
      %add3A_1709 = arith.constant 0 : i32
      %add3A_1710 = arith.addi %add3A_1680, %add3A_1709 : i32
      %swap3A_1711 = arith.index_cast %add3A_1710 : i32 to index
      %swap3A_1712 = tpu.vector_load %arg15[%swap3A_1711] {strides = array<i32>} : memref<8192xf32, #tpu.memory_space<vmem>>, vector<16xf32>,
      tpu.vector_store %arg15[%swap3A_1711], %get3A_1708 {strides = array<i32>} : memref<8192xf32, #tpu.memory_space<vmem>>, vector<16xf32>,
      %add3A_1713 = arith.constant 16 : i32
      %add3A_1714 = arith.addi %and3A_1690, %add3A_1713 : i32
      %get3A_1715 = arith.index_cast %add3A_1714 : i32 to index
      %get3A_1716 = tpu.vector_load %arg9[%get3A_1715] {strides = array<i32>} : memref<49200xf32, #tpu.memory_space<vmem>>, vector<16xf32>,
      %add3A_1717 = arith.constant 16 : i32
      %add3A_1718 = arith.addi %add3A_1680, %add3A_1717 : i32
      %swap3A_1719 = arith.index_cast %add3A_1718 : i32 to index
      %swap3A_1720 = tpu.vector_load %arg15[%swap3A_1719] {strides = array<i32>} : memref<8192xf32, #tpu.memory_space<vmem>>, vector<16xf32>,
      tpu.vector_store %arg15[%swap3A_1719], %get3A_1716 {strides = array<i32>} : memref<8192xf32, #tpu.memory_space<vmem>>, vector<16xf32>,
      %add3A_1721 = arith.constant 32 : i32
      %add3A_1722 = arith.addi %and3A_1690, %add3A_1721 : i32
      %get3A_1723 = arith.index_cast %add3A_1722 : i32 to index
      %get3A_1724 = tpu.vector_load %arg9[%get3A_1723] {strides = array<i32>} : memref<49200xf32, #tpu.memory_space<vmem>>, vector<16xf32>,
      %add3A_1725 = arith.constant 32 : i32
      %add3A_1726 = arith.addi %add3A_1680, %add3A_1725 : i32
      %swap3A_1727 = arith.index_cast %add3A_1726 : i32 to index
      %swap3A_1728 = tpu.vector_load %arg15[%swap3A_1727] {strides = array<i32>} : memref<8192xf32, #tpu.memory_space<vmem>>, vector<16xf32>,
      tpu.vector_store %arg15[%swap3A_1727], %get3A_1724 {strides = array<i32>} : memref<8192xf32, #tpu.memory_space<vmem>>, vector<16xf32>,
      %add3A_1729 = arith.constant 0 : i32
      %add3A_1730 = arith.addi %shift_right_logical3A_1692, %add3A_1729 : i32
      %get3A_1731 = arith.index_cast %add3A_1730 : i32 to index
      %get3A_1732 = tpu.vector_load %arg10[%get3A_1731] {strides = array<i32>} : memref<29472xf32, #tpu.memory_space<vmem>>, vector<16xf32>,
      %add3A_1733 = arith.constant 0 : i32
      %add3A_1734 = arith.addi %and3A_1694, %add3A_1733 : i32
      %get3A_1735 = arith.index_cast %add3A_1734 : i32 to index
      %get3A_1736 = tpu.vector_load %arg10[%get3A_1735] {strides = array<i32>} : memref<29472xf32, #tpu.memory_space<vmem>>, vector<16xf32>,
      %add3A_1737 = arith.addf %get3A_1732, %get3A_1736 : vector<16xf32>
      %add3A_1738 = arith.constant 0 : i32
      %add3A_1739 = arith.addi %shift_right_logical3A_1696, %add3A_1738 : i32
      %get3A_1740 = arith.index_cast %add3A_1739 : i32 to index
      %get3A_1741 = tpu.vector_load %arg10[%get3A_1740] {strides = array<i32>} : memref<29472xf32, #tpu.memory_space<vmem>>, vector<16xf32>,
      %add3A_1742 = arith.addf %add3A_1737, %get3A_1741 : vector<16xf32>
      %add3A_1743 = arith.constant 0 : i32
      %add3A_1744 = arith.addi %and3A_1698, %add3A_1743 : i32
      %get3A_1745 = arith.index_cast %add3A_1744 : i32 to index
      %get3A_1746 = tpu.vector_load %arg10[%get3A_1745] {strides = array<i32>} : memref<29472xf32, #tpu.memory_space<vmem>>, vector<16xf32>,
      %add3A_1747 = arith.addf %add3A_1742, %get3A_1746 : vector<16xf32>
      %add3A_1748 = arith.constant 48 : i32
      %add3A_1749 = arith.addi %add3A_1680, %add3A_1748 : i32
      %add3A_1750 = arith.constant 0 : i32
      %add3A_1751 = arith.addi %add3A_1749, %add3A_1750 : i32
      %swap3A_1752 = arith.index_cast %add3A_1751 : i32 to index
      %swap3A_1753 = tpu.vector_load %arg15[%swap3A_1752] {strides = array<i32>} : memref<8192xf32, #tpu.memory_space<vmem>>, vector<16xf32>,
      tpu.vector_store %arg15[%swap3A_1752], %add3A_1747 {strides = array<i32>} : memref<8192xf32, #tpu.memory_space<vmem>>, vector<16xf32>,
      %add3A_1754 = arith.constant 16 : i32
      %add3A_1755 = arith.addi %shift_right_logical3A_1692, %add3A_1754 : i32
      %get3A_1756 = arith.index_cast %add3A_1755 : i32 to index
      %get3A_1757 = tpu.vector_load %arg10[%get3A_1756] {strides = array<i32>} : memref<29472xf32, #tpu.memory_space<vmem>>, vector<16xf32>,
      %add3A_1758 = arith.constant 16 : i32
      %add3A_1759 = arith.addi %and3A_1694, %add3A_1758 : i32
      %get3A_1760 = arith.index_cast %add3A_1759 : i32 to index
      %get3A_1761 = tpu.vector_load %arg10[%get3A_1760] {strides = array<i32>} : memref<29472xf32, #tpu.memory_space<vmem>>, vector<16xf32>,
      %add3A_1762 = arith.addf %get3A_1757, %get3A_1761 : vector<16xf32>
      %add3A_1763 = arith.constant 16 : i32
      %add3A_1764 = arith.addi %shift_right_logical3A_1696, %add3A_1763 : i32
      %get3A_1765 = arith.index_cast %add3A_1764 : i32 to index
      %get3A_1766 = tpu.vector_load %arg10[%get3A_1765] {strides = array<i32>} : memref<29472xf32, #tpu.memory_space<vmem>>, vector<16xf32>,
      %add3A_1767 = arith.addf %add3A_1762, %get3A_1766 : vector<16xf32>
      %add3A_1768 = arith.constant 16 : i32
      %add3A_1769 = arith.addi %and3A_1698, %add3A_1768 : i32
      %get3A_1770 = arith.index_cast %add3A_1769 : i32 to index
      %get3A_1771 = tpu.vector_load %arg10[%get3A_1770] {strides = array<i32>} : memref<29472xf32, #tpu.memory_space<vmem>>, vector<16xf32>,
      %add3A_1772 = arith.addf %add3A_1767, %get3A_1771 : vector<16xf32>
      %add3A_1773 = arith.constant 48 : i32
      %add3A_1774 = arith.addi %add3A_1680, %add3A_1773 : i32
      %add3A_1775 = arith.constant 16 : i32
      %add3A_1776 = arith.addi %add3A_1774, %add3A_1775 : i32
      %swap3A_1777 = arith.index_cast %add3A_1776 : i32 to index
      %swap3A_1778 = tpu.vector_load %arg15[%swap3A_1777] {strides = array<i32>} : memref<8192xf32, #tpu.memory_space<vmem>>, vector<16xf32>,
      tpu.vector_store %arg15[%swap3A_1777], %add3A_1772 {strides = array<i32>} : memref<8192xf32, #tpu.memory_space<vmem>>, vector<16xf32>,
      %get3A_1779 = arith.index_cast %shift_right_logical3A_1700 : i32 to index
      %get3A_1780 = tpu.vector_load %arg11[%get3A_1779] {strides = array<i32>} : memref<4960xf32, #tpu.memory_space<vmem>>, vector<16xf32>,
      %add3A_1781 = arith.constant 72 : i32
      %add3A_1782 = arith.addi %add3A_1680, %add3A_1781 : i32
      %swap3A_1783 = arith.index_cast %add3A_1782 : i32 to index
      %swap3A_1784 = tpu.vector_load %arg15[%swap3A_1783] {strides = array<i32>} : memref<8192xf32, #tpu.memory_space<vmem>>, vector<16xf32>,
      tpu.vector_store %arg15[%swap3A_1783], %get3A_1780 {strides = array<i32>} : memref<8192xf32, #tpu.memory_space<vmem>>, vector<16xf32>,
      %get3A_1785 = arith.index_cast %and3A_1702 : i32 to index
      %get3A_1786 = tpu.vector_load %arg12[%get3A_1785] {strides = array<i32>} : memref<19200xf32, #tpu.memory_space<vmem>>, vector<16xf32>,
      %add3A_1787 = arith.constant 88 : i32
      %add3A_1788 = arith.addi %add3A_1680, %add3A_1787 : i32
      %swap3A_1789 = arith.index_cast %add3A_1788 : i32 to index
      %swap3A_1790 = tpu.vector_load %arg15[%swap3A_1789] {strides = array<i32>} : memref<8192xf32, #tpu.memory_space<vmem>>, vector<16xf32>,
      tpu.vector_store %arg15[%swap3A_1789], %get3A_1786 {strides = array<i32>} : memref<8192xf32, #tpu.memory_space<vmem>>, vector<16xf32>,
      %get3A_1791 = arith.index_cast %shift_right_logical3A_1704 : i32 to index
      %get3A_1792 = tpu.vector_load %arg13[%get3A_1791] {strides = array<i32>} : memref<304xf32, #tpu.memory_space<vmem>>, vector<16xf32>,
      %add3A_1793 = arith.constant 104 : i32
      %add3A_1794 = arith.addi %add3A_1680, %add3A_1793 : i32
      %swap3A_1795 = arith.index_cast %add3A_1794 : i32 to index
      %swap3A_1796 = tpu.vector_load %arg15[%swap3A_1795] {strides = array<i32>} : memref<8192xf32, #tpu.memory_space<vmem>>, vector<16xf32>,
      tpu.vector_store %arg15[%swap3A_1795], %get3A_1792 {strides = array<i32>} : memref<8192xf32, #tpu.memory_space<vmem>>, vector<16xf32>,
      %add3A_1797 = arith.constant 1792 : i32
      %add3A_1798 = arith.addi %mul3A_112, %add3A_1797 : i32
      %slice3A_1799 = vector.extract_strided_slice %get3A_121 {offsets = [14], sizes = [1], strides = [1]} : vector<16xi32> to vector<1xi32>
      %squeeze3A_1800 = vector.extract %slice3A_1799[0] : i32 from vector<1xi32>
      %slice3A_1801 = vector.extract_strided_slice %get3A_125 {offsets = [14], sizes = [1], strides = [1]} : vector<16xi32> to vector<1xi32>
      %squeeze3A_1802 = vector.extract %slice3A_1801[0] : i32 from vector<1xi32>
      %slice3A_1803 = vector.extract_strided_slice %get3A_129 {offsets = [14], sizes = [1], strides = [1]} : vector<16xi32> to vector<1xi32>
      %squeeze3A_1804 = vector.extract %slice3A_1803[0] : i32 from vector<1xi32>
      %slice3A_1805 = vector.extract_strided_slice %get3A_133 {offsets = [14], sizes = [1], strides = [1]} : vector<16xi32> to vector<1xi32>
      %squeeze3A_1806 = vector.extract %slice3A_1805[0] : i32 from vector<1xi32>
      %and3A_1807 = arith.constant 65535 : i32
      %and3A_1808 = arith.andi %squeeze3A_1800, %and3A_1807 : i32
      %shift_right_logical3A_1809 = arith.constant 16 : i32
      %shift_right_logical3A_1810 = arith.shrui %squeeze3A_1800, %shift_right_logical3A_1809 : i32
      %and3A_1811 = arith.constant 65535 : i32
      %and3A_1812 = arith.andi %squeeze3A_1802, %and3A_1811 : i32
      %shift_right_logical3A_1813 = arith.constant 16 : i32
      %shift_right_logical3A_1814 = arith.shrui %squeeze3A_1802, %shift_right_logical3A_1813 : i32
      %and3A_1815 = arith.constant 65535 : i32
      %and3A_1816 = arith.andi %squeeze3A_1804, %and3A_1815 : i32
      %shift_right_logical3A_1817 = arith.constant 16 : i32
      %shift_right_logical3A_1818 = arith.shrui %squeeze3A_1804, %shift_right_logical3A_1817 : i32
      %and3A_1819 = arith.constant 65535 : i32
      %and3A_1820 = arith.andi %squeeze3A_1806, %and3A_1819 : i32
      %shift_right_logical3A_1821 = arith.constant 16 : i32
      %shift_right_logical3A_1822 = arith.shrui %squeeze3A_1806, %shift_right_logical3A_1821 : i32
      %add3A_1823 = arith.constant 0 : i32
      %add3A_1824 = arith.addi %and3A_1808, %add3A_1823 : i32
      %get3A_1825 = arith.index_cast %add3A_1824 : i32 to index
      %get3A_1826 = tpu.vector_load %arg9[%get3A_1825] {strides = array<i32>} : memref<49200xf32, #tpu.memory_space<vmem>>, vector<16xf32>,
      %add3A_1827 = arith.constant 0 : i32
      %add3A_1828 = arith.addi %add3A_1798, %add3A_1827 : i32
      %swap3A_1829 = arith.index_cast %add3A_1828 : i32 to index
      %swap3A_1830 = tpu.vector_load %arg15[%swap3A_1829] {strides = array<i32>} : memref<8192xf32, #tpu.memory_space<vmem>>, vector<16xf32>,
      tpu.vector_store %arg15[%swap3A_1829], %get3A_1826 {strides = array<i32>} : memref<8192xf32, #tpu.memory_space<vmem>>, vector<16xf32>,
      %add3A_1831 = arith.constant 16 : i32
      %add3A_1832 = arith.addi %and3A_1808, %add3A_1831 : i32
      %get3A_1833 = arith.index_cast %add3A_1832 : i32 to index
      %get3A_1834 = tpu.vector_load %arg9[%get3A_1833] {strides = array<i32>} : memref<49200xf32, #tpu.memory_space<vmem>>, vector<16xf32>,
      %add3A_1835 = arith.constant 16 : i32
      %add3A_1836 = arith.addi %add3A_1798, %add3A_1835 : i32
      %swap3A_1837 = arith.index_cast %add3A_1836 : i32 to index
      %swap3A_1838 = tpu.vector_load %arg15[%swap3A_1837] {strides = array<i32>} : memref<8192xf32, #tpu.memory_space<vmem>>, vector<16xf32>,
      tpu.vector_store %arg15[%swap3A_1837], %get3A_1834 {strides = array<i32>} : memref<8192xf32, #tpu.memory_space<vmem>>, vector<16xf32>,
      %add3A_1839 = arith.constant 32 : i32
      %add3A_1840 = arith.addi %and3A_1808, %add3A_1839 : i32
      %get3A_1841 = arith.index_cast %add3A_1840 : i32 to index
      %get3A_1842 = tpu.vector_load %arg9[%get3A_1841] {strides = array<i32>} : memref<49200xf32, #tpu.memory_space<vmem>>, vector<16xf32>,
      %add3A_1843 = arith.constant 32 : i32
      %add3A_1844 = arith.addi %add3A_1798, %add3A_1843 : i32
      %swap3A_1845 = arith.index_cast %add3A_1844 : i32 to index
      %swap3A_1846 = tpu.vector_load %arg15[%swap3A_1845] {strides = array<i32>} : memref<8192xf32, #tpu.memory_space<vmem>>, vector<16xf32>,
      tpu.vector_store %arg15[%swap3A_1845], %get3A_1842 {strides = array<i32>} : memref<8192xf32, #tpu.memory_space<vmem>>, vector<16xf32>,
      %add3A_1847 = arith.constant 0 : i32
      %add3A_1848 = arith.addi %shift_right_logical3A_1810, %add3A_1847 : i32
      %get3A_1849 = arith.index_cast %add3A_1848 : i32 to index
      %get3A_1850 = tpu.vector_load %arg10[%get3A_1849] {strides = array<i32>} : memref<29472xf32, #tpu.memory_space<vmem>>, vector<16xf32>,
      %add3A_1851 = arith.constant 0 : i32
      %add3A_1852 = arith.addi %and3A_1812, %add3A_1851 : i32
      %get3A_1853 = arith.index_cast %add3A_1852 : i32 to index
      %get3A_1854 = tpu.vector_load %arg10[%get3A_1853] {strides = array<i32>} : memref<29472xf32, #tpu.memory_space<vmem>>, vector<16xf32>,
      %add3A_1855 = arith.addf %get3A_1850, %get3A_1854 : vector<16xf32>
      %add3A_1856 = arith.constant 0 : i32
      %add3A_1857 = arith.addi %shift_right_logical3A_1814, %add3A_1856 : i32
      %get3A_1858 = arith.index_cast %add3A_1857 : i32 to index
      %get3A_1859 = tpu.vector_load %arg10[%get3A_1858] {strides = array<i32>} : memref<29472xf32, #tpu.memory_space<vmem>>, vector<16xf32>,
      %add3A_1860 = arith.addf %add3A_1855, %get3A_1859 : vector<16xf32>
      %add3A_1861 = arith.constant 0 : i32
      %add3A_1862 = arith.addi %and3A_1816, %add3A_1861 : i32
      %get3A_1863 = arith.index_cast %add3A_1862 : i32 to index
      %get3A_1864 = tpu.vector_load %arg10[%get3A_1863] {strides = array<i32>} : memref<29472xf32, #tpu.memory_space<vmem>>, vector<16xf32>,
      %add3A_1865 = arith.addf %add3A_1860, %get3A_1864 : vector<16xf32>
      %add3A_1866 = arith.constant 48 : i32
      %add3A_1867 = arith.addi %add3A_1798, %add3A_1866 : i32
      %add3A_1868 = arith.constant 0 : i32
      %add3A_1869 = arith.addi %add3A_1867, %add3A_1868 : i32
      %swap3A_1870 = arith.index_cast %add3A_1869 : i32 to index
      %swap3A_1871 = tpu.vector_load %arg15[%swap3A_1870] {strides = array<i32>} : memref<8192xf32, #tpu.memory_space<vmem>>, vector<16xf32>,
      tpu.vector_store %arg15[%swap3A_1870], %add3A_1865 {strides = array<i32>} : memref<8192xf32, #tpu.memory_space<vmem>>, vector<16xf32>,
      %add3A_1872 = arith.constant 16 : i32
      %add3A_1873 = arith.addi %shift_right_logical3A_1810, %add3A_1872 : i32
      %get3A_1874 = arith.index_cast %add3A_1873 : i32 to index
      %get3A_1875 = tpu.vector_load %arg10[%get3A_1874] {strides = array<i32>} : memref<29472xf32, #tpu.memory_space<vmem>>, vector<16xf32>,
      %add3A_1876 = arith.constant 16 : i32
      %add3A_1877 = arith.addi %and3A_1812, %add3A_1876 : i32
      %get3A_1878 = arith.index_cast %add3A_1877 : i32 to index
      %get3A_1879 = tpu.vector_load %arg10[%get3A_1878] {strides = array<i32>} : memref<29472xf32, #tpu.memory_space<vmem>>, vector<16xf32>,
      %add3A_1880 = arith.addf %get3A_1875, %get3A_1879 : vector<16xf32>
      %add3A_1881 = arith.constant 16 : i32
      %add3A_1882 = arith.addi %shift_right_logical3A_1814, %add3A_1881 : i32
      %get3A_1883 = arith.index_cast %add3A_1882 : i32 to index
      %get3A_1884 = tpu.vector_load %arg10[%get3A_1883] {strides = array<i32>} : memref<29472xf32, #tpu.memory_space<vmem>>, vector<16xf32>,
      %add3A_1885 = arith.addf %add3A_1880, %get3A_1884 : vector<16xf32>
      %add3A_1886 = arith.constant 16 : i32
      %add3A_1887 = arith.addi %and3A_1816, %add3A_1886 : i32
      %get3A_1888 = arith.index_cast %add3A_1887 : i32 to index
      %get3A_1889 = tpu.vector_load %arg10[%get3A_1888] {strides = array<i32>} : memref<29472xf32, #tpu.memory_space<vmem>>, vector<16xf32>,
      %add3A_1890 = arith.addf %add3A_1885, %get3A_1889 : vector<16xf32>
      %add3A_1891 = arith.constant 48 : i32
      %add3A_1892 = arith.addi %add3A_1798, %add3A_1891 : i32
      %add3A_1893 = arith.constant 16 : i32
      %add3A_1894 = arith.addi %add3A_1892, %add3A_1893 : i32
      %swap3A_1895 = arith.index_cast %add3A_1894 : i32 to index
      %swap3A_1896 = tpu.vector_load %arg15[%swap3A_1895] {strides = array<i32>} : memref<8192xf32, #tpu.memory_space<vmem>>, vector<16xf32>,
      tpu.vector_store %arg15[%swap3A_1895], %add3A_1890 {strides = array<i32>} : memref<8192xf32, #tpu.memory_space<vmem>>, vector<16xf32>,
      %get3A_1897 = arith.index_cast %shift_right_logical3A_1818 : i32 to index
      %get3A_1898 = tpu.vector_load %arg11[%get3A_1897] {strides = array<i32>} : memref<4960xf32, #tpu.memory_space<vmem>>, vector<16xf32>,
      %add3A_1899 = arith.constant 72 : i32
      %add3A_1900 = arith.addi %add3A_1798, %add3A_1899 : i32
      %swap3A_1901 = arith.index_cast %add3A_1900 : i32 to index
      %swap3A_1902 = tpu.vector_load %arg15[%swap3A_1901] {strides = array<i32>} : memref<8192xf32, #tpu.memory_space<vmem>>, vector<16xf32>,
      tpu.vector_store %arg15[%swap3A_1901], %get3A_1898 {strides = array<i32>} : memref<8192xf32, #tpu.memory_space<vmem>>, vector<16xf32>,
      %get3A_1903 = arith.index_cast %and3A_1820 : i32 to index
      %get3A_1904 = tpu.vector_load %arg12[%get3A_1903] {strides = array<i32>} : memref<19200xf32, #tpu.memory_space<vmem>>, vector<16xf32>,
      %add3A_1905 = arith.constant 88 : i32
      %add3A_1906 = arith.addi %add3A_1798, %add3A_1905 : i32
      %swap3A_1907 = arith.index_cast %add3A_1906 : i32 to index
      %swap3A_1908 = tpu.vector_load %arg15[%swap3A_1907] {strides = array<i32>} : memref<8192xf32, #tpu.memory_space<vmem>>, vector<16xf32>,
      tpu.vector_store %arg15[%swap3A_1907], %get3A_1904 {strides = array<i32>} : memref<8192xf32, #tpu.memory_space<vmem>>, vector<16xf32>,
      %get3A_1909 = arith.index_cast %shift_right_logical3A_1822 : i32 to index
      %get3A_1910 = tpu.vector_load %arg13[%get3A_1909] {strides = array<i32>} : memref<304xf32, #tpu.memory_space<vmem>>, vector<16xf32>,
      %add3A_1911 = arith.constant 104 : i32
      %add3A_1912 = arith.addi %add3A_1798, %add3A_1911 : i32
      %swap3A_1913 = arith.index_cast %add3A_1912 : i32 to index
      %swap3A_1914 = tpu.vector_load %arg15[%swap3A_1913] {strides = array<i32>} : memref<8192xf32, #tpu.memory_space<vmem>>, vector<16xf32>,
      tpu.vector_store %arg15[%swap3A_1913], %get3A_1910 {strides = array<i32>} : memref<8192xf32, #tpu.memory_space<vmem>>, vector<16xf32>,
      %add3A_1915 = arith.constant 1920 : i32
      %add3A_1916 = arith.addi %mul3A_112, %add3A_1915 : i32
      %slice3A_1917 = vector.extract_strided_slice %get3A_121 {offsets = [15], sizes = [1], strides = [1]} : vector<16xi32> to vector<1xi32>
      %squeeze3A_1918 = vector.extract %slice3A_1917[0] : i32 from vector<1xi32>
      %slice3A_1919 = vector.extract_strided_slice %get3A_125 {offsets = [15], sizes = [1], strides = [1]} : vector<16xi32> to vector<1xi32>
      %squeeze3A_1920 = vector.extract %slice3A_1919[0] : i32 from vector<1xi32>
      %slice3A_1921 = vector.extract_strided_slice %get3A_129 {offsets = [15], sizes = [1], strides = [1]} : vector<16xi32> to vector<1xi32>
      %squeeze3A_1922 = vector.extract %slice3A_1921[0] : i32 from vector<1xi32>
      %slice3A_1923 = vector.extract_strided_slice %get3A_133 {offsets = [15], sizes = [1], strides = [1]} : vector<16xi32> to vector<1xi32>
      %squeeze3A_1924 = vector.extract %slice3A_1923[0] : i32 from vector<1xi32>
      %and3A_1925 = arith.constant 65535 : i32
      %and3A_1926 = arith.andi %squeeze3A_1918, %and3A_1925 : i32
      %shift_right_logical3A_1927 = arith.constant 16 : i32
      %shift_right_logical3A_1928 = arith.shrui %squeeze3A_1918, %shift_right_logical3A_1927 : i32
      %and3A_1929 = arith.constant 65535 : i32
      %and3A_1930 = arith.andi %squeeze3A_1920, %and3A_1929 : i32
      %shift_right_logical3A_1931 = arith.constant 16 : i32
      %shift_right_logical3A_1932 = arith.shrui %squeeze3A_1920, %shift_right_logical3A_1931 : i32
      %and3A_1933 = arith.constant 65535 : i32
      %and3A_1934 = arith.andi %squeeze3A_1922, %and3A_1933 : i32
      %shift_right_logical3A_1935 = arith.constant 16 : i32
      %shift_right_logical3A_1936 = arith.shrui %squeeze3A_1922, %shift_right_logical3A_1935 : i32
      %and3A_1937 = arith.constant 65535 : i32
      %and3A_1938 = arith.andi %squeeze3A_1924, %and3A_1937 : i32
      %shift_right_logical3A_1939 = arith.constant 16 : i32
      %shift_right_logical3A_1940 = arith.shrui %squeeze3A_1924, %shift_right_logical3A_1939 : i32
      %add3A_1941 = arith.constant 0 : i32
      %add3A_1942 = arith.addi %and3A_1926, %add3A_1941 : i32
      %get3A_1943 = arith.index_cast %add3A_1942 : i32 to index
      %get3A_1944 = tpu.vector_load %arg9[%get3A_1943] {strides = array<i32>} : memref<49200xf32, #tpu.memory_space<vmem>>, vector<16xf32>,
      %add3A_1945 = arith.constant 0 : i32
      %add3A_1946 = arith.addi %add3A_1916, %add3A_1945 : i32
      %swap3A_1947 = arith.index_cast %add3A_1946 : i32 to index
      %swap3A_1948 = tpu.vector_load %arg15[%swap3A_1947] {strides = array<i32>} : memref<8192xf32, #tpu.memory_space<vmem>>, vector<16xf32>,
      tpu.vector_store %arg15[%swap3A_1947], %get3A_1944 {strides = array<i32>} : memref<8192xf32, #tpu.memory_space<vmem>>, vector<16xf32>,
      %add3A_1949 = arith.constant 16 : i32
      %add3A_1950 = arith.addi %and3A_1926, %add3A_1949 : i32
      %get3A_1951 = arith.index_cast %add3A_1950 : i32 to index
      %get3A_1952 = tpu.vector_load %arg9[%get3A_1951] {strides = array<i32>} : memref<49200xf32, #tpu.memory_space<vmem>>, vector<16xf32>,
      %add3A_1953 = arith.constant 16 : i32
      %add3A_1954 = arith.addi %add3A_1916, %add3A_1953 : i32
      %swap3A_1955 = arith.index_cast %add3A_1954 : i32 to index
      %swap3A_1956 = tpu.vector_load %arg15[%swap3A_1955] {strides = array<i32>} : memref<8192xf32, #tpu.memory_space<vmem>>, vector<16xf32>,
      tpu.vector_store %arg15[%swap3A_1955], %get3A_1952 {strides = array<i32>} : memref<8192xf32, #tpu.memory_space<vmem>>, vector<16xf32>,
      %add3A_1957 = arith.constant 32 : i32
      %add3A_1958 = arith.addi %and3A_1926, %add3A_1957 : i32
      %get3A_1959 = arith.index_cast %add3A_1958 : i32 to index
      %get3A_1960 = tpu.vector_load %arg9[%get3A_1959] {strides = array<i32>} : memref<49200xf32, #tpu.memory_space<vmem>>, vector<16xf32>,
      %add3A_1961 = arith.constant 32 : i32
      %add3A_1962 = arith.addi %add3A_1916, %add3A_1961 : i32
      %swap3A_1963 = arith.index_cast %add3A_1962 : i32 to index
      %swap3A_1964 = tpu.vector_load %arg15[%swap3A_1963] {strides = array<i32>} : memref<8192xf32, #tpu.memory_space<vmem>>, vector<16xf32>,
      tpu.vector_store %arg15[%swap3A_1963], %get3A_1960 {strides = array<i32>} : memref<8192xf32, #tpu.memory_space<vmem>>, vector<16xf32>,
      %add3A_1965 = arith.constant 0 : i32
      %add3A_1966 = arith.addi %shift_right_logical3A_1928, %add3A_1965 : i32
      %get3A_1967 = arith.index_cast %add3A_1966 : i32 to index
      %get3A_1968 = tpu.vector_load %arg10[%get3A_1967] {strides = array<i32>} : memref<29472xf32, #tpu.memory_space<vmem>>, vector<16xf32>,
      %add3A_1969 = arith.constant 0 : i32
      %add3A_1970 = arith.addi %and3A_1930, %add3A_1969 : i32
      %get3A_1971 = arith.index_cast %add3A_1970 : i32 to index
      %get3A_1972 = tpu.vector_load %arg10[%get3A_1971] {strides = array<i32>} : memref<29472xf32, #tpu.memory_space<vmem>>, vector<16xf32>,
      %add3A_1973 = arith.addf %get3A_1968, %get3A_1972 : vector<16xf32>
      %add3A_1974 = arith.constant 0 : i32
      %add3A_1975 = arith.addi %shift_right_logical3A_1932, %add3A_1974 : i32
      %get3A_1976 = arith.index_cast %add3A_1975 : i32 to index
      %get3A_1977 = tpu.vector_load %arg10[%get3A_1976] {strides = array<i32>} : memref<29472xf32, #tpu.memory_space<vmem>>, vector<16xf32>,
      %add3A_1978 = arith.addf %add3A_1973, %get3A_1977 : vector<16xf32>
      %add3A_1979 = arith.constant 0 : i32
      %add3A_1980 = arith.addi %and3A_1934, %add3A_1979 : i32
      %get3A_1981 = arith.index_cast %add3A_1980 : i32 to index
      %get3A_1982 = tpu.vector_load %arg10[%get3A_1981] {strides = array<i32>} : memref<29472xf32, #tpu.memory_space<vmem>>, vector<16xf32>,
      %add3A_1983 = arith.addf %add3A_1978, %get3A_1982 : vector<16xf32>
      %add3A_1984 = arith.constant 48 : i32
      %add3A_1985 = arith.addi %add3A_1916, %add3A_1984 : i32
      %add3A_1986 = arith.constant 0 : i32
      %add3A_1987 = arith.addi %add3A_1985, %add3A_1986 : i32
      %swap3A_1988 = arith.index_cast %add3A_1987 : i32 to index
      %swap3A_1989 = tpu.vector_load %arg15[%swap3A_1988] {strides = array<i32>} : memref<8192xf32, #tpu.memory_space<vmem>>, vector<16xf32>,
      tpu.vector_store %arg15[%swap3A_1988], %add3A_1983 {strides = array<i32>} : memref<8192xf32, #tpu.memory_space<vmem>>, vector<16xf32>,
      %add3A_1990 = arith.constant 16 : i32
      %add3A_1991 = arith.addi %shift_right_logical3A_1928, %add3A_1990 : i32
      %get3A_1992 = arith.index_cast %add3A_1991 : i32 to index
      %get3A_1993 = tpu.vector_load %arg10[%get3A_1992] {strides = array<i32>} : memref<29472xf32, #tpu.memory_space<vmem>>, vector<16xf32>,
      %add3A_1994 = arith.constant 16 : i32
      %add3A_1995 = arith.addi %and3A_1930, %add3A_1994 : i32
      %get3A_1996 = arith.index_cast %add3A_1995 : i32 to index
      %get3A_1997 = tpu.vector_load %arg10[%get3A_1996] {strides = array<i32>} : memref<29472xf32, #tpu.memory_space<vmem>>, vector<16xf32>,
      %add3A_1998 = arith.addf %get3A_1993, %get3A_1997 : vector<16xf32>
      %add3A_1999 = arith.constant 16 : i32
      %add3A_2000 = arith.addi %shift_right_logical3A_1932, %add3A_1999 : i32
      %get3A_2001 = arith.index_cast %add3A_2000 : i32 to index
      %get3A_2002 = tpu.vector_load %arg10[%get3A_2001] {strides = array<i32>} : memref<29472xf32, #tpu.memory_space<vmem>>, vector<16xf32>,
      %add3A_2003 = arith.addf %add3A_1998, %get3A_2002 : vector<16xf32>
      %add3A_2004 = arith.constant 16 : i32
      %add3A_2005 = arith.addi %and3A_1934, %add3A_2004 : i32
      %get3A_2006 = arith.index_cast %add3A_2005 : i32 to index
      %get3A_2007 = tpu.vector_load %arg10[%get3A_2006] {strides = array<i32>} : memref<29472xf32, #tpu.memory_space<vmem>>, vector<16xf32>,
      %add3A_2008 = arith.addf %add3A_2003, %get3A_2007 : vector<16xf32>
      %add3A_2009 = arith.constant 48 : i32
      %add3A_2010 = arith.addi %add3A_1916, %add3A_2009 : i32
      %add3A_2011 = arith.constant 16 : i32
      %add3A_2012 = arith.addi %add3A_2010, %add3A_2011 : i32
      %swap3A_2013 = arith.index_cast %add3A_2012 : i32 to index
      %swap3A_2014 = tpu.vector_load %arg15[%swap3A_2013] {strides = array<i32>} : memref<8192xf32, #tpu.memory_space<vmem>>, vector<16xf32>,
      tpu.vector_store %arg15[%swap3A_2013], %add3A_2008 {strides = array<i32>} : memref<8192xf32, #tpu.memory_space<vmem>>, vector<16xf32>,
      %get3A_2015 = arith.index_cast %shift_right_logical3A_1936 : i32 to index
      %get3A_2016 = tpu.vector_load %arg11[%get3A_2015] {strides = array<i32>} : memref<4960xf32, #tpu.memory_space<vmem>>, vector<16xf32>,
      %add3A_2017 = arith.constant 72 : i32
      %add3A_2018 = arith.addi %add3A_1916, %add3A_2017 : i32
      %swap3A_2019 = arith.index_cast %add3A_2018 : i32 to index
      %swap3A_2020 = tpu.vector_load %arg15[%swap3A_2019] {strides = array<i32>} : memref<8192xf32, #tpu.memory_space<vmem>>, vector<16xf32>,
      tpu.vector_store %arg15[%swap3A_2019], %get3A_2016 {strides = array<i32>} : memref<8192xf32, #tpu.memory_space<vmem>>, vector<16xf32>,
      %get3A_2021 = arith.index_cast %and3A_1938 : i32 to index
      %get3A_2022 = tpu.vector_load %arg12[%get3A_2021] {strides = array<i32>} : memref<19200xf32, #tpu.memory_space<vmem>>, vector<16xf32>,
      %add3A_2023 = arith.constant 88 : i32
      %add3A_2024 = arith.addi %add3A_1916, %add3A_2023 : i32
      %swap3A_2025 = arith.index_cast %add3A_2024 : i32 to index
      %swap3A_2026 = tpu.vector_load %arg15[%swap3A_2025] {strides = array<i32>} : memref<8192xf32, #tpu.memory_space<vmem>>, vector<16xf32>,
      tpu.vector_store %arg15[%swap3A_2025], %get3A_2022 {strides = array<i32>} : memref<8192xf32, #tpu.memory_space<vmem>>, vector<16xf32>,
      %get3A_2027 = arith.index_cast %shift_right_logical3A_1940 : i32 to index
      %get3A_2028 = tpu.vector_load %arg13[%get3A_2027] {strides = array<i32>} : memref<304xf32, #tpu.memory_space<vmem>>, vector<16xf32>,
      %add3A_2029 = arith.constant 104 : i32
      %add3A_2030 = arith.addi %add3A_1916, %add3A_2029 : i32
      %swap3A_2031 = arith.index_cast %add3A_2030 : i32 to index
      %swap3A_2032 = tpu.vector_load %arg15[%swap3A_2031] {strides = array<i32>} : memref<8192xf32, #tpu.memory_space<vmem>>, vector<16xf32>,
      tpu.vector_store %arg15[%swap3A_2031], %get3A_2028 {strides = array<i32>} : memref<8192xf32, #tpu.memory_space<vmem>>, vector<16xf32>,
      %mul3A_2033 = arith.constant 2 : i32
      %mul3A_2034 = arith.muli %scan3A_100, %mul3A_2033 : i32
      %add3A_2035 = arith.constant 1 : i32
      %add3A_2036 = arith.addi %mul3A_2034, %add3A_2035 : i32
      %mul3A_2037 = arith.constant 16 : i32
      %mul3A_2038 = arith.muli %add3A_2036, %mul3A_2037 : i32
      %get3A_2039 = arith.index_cast %mul3A_2038 : i32 to index
      %get3A_2040 = tpu.vector_load %arg14[%get3A_2039] {strides = array<i32>} : memref<2560xi32, #tpu.memory_space<vmem>>, vector<16xi32>,
      %add3A_2041 = arith.constant 512 : i32
      %add3A_2042 = arith.addi %add3A_2041, %mul3A_2038 : i32
      %get3A_2043 = arith.index_cast %add3A_2042 : i32 to index
      %get3A_2044 = tpu.vector_load %arg14[%get3A_2043] {strides = array<i32>} : memref<2560xi32, #tpu.memory_space<vmem>>, vector<16xi32>,
      %add3A_2045 = arith.constant 1024 : i32
      %add3A_2046 = arith.addi %add3A_2045, %mul3A_2038 : i32
      %get3A_2047 = arith.index_cast %add3A_2046 : i32 to index
      %get3A_2048 = tpu.vector_load %arg14[%get3A_2047] {strides = array<i32>} : memref<2560xi32, #tpu.memory_space<vmem>>, vector<16xi32>,
      %add3A_2049 = arith.constant 1536 : i32
      %add3A_2050 = arith.addi %add3A_2049, %mul3A_2038 : i32
      %get3A_2051 = arith.index_cast %add3A_2050 : i32 to index
      %get3A_2052 = tpu.vector_load %arg14[%get3A_2051] {strides = array<i32>} : memref<2560xi32, #tpu.memory_space<vmem>>, vector<16xi32>,
      %add3A_2053 = arith.constant 2048 : i32
      %add3A_2054 = arith.addi %add3A_2053, %mul3A_2038 : i32
      %get3A_2055 = arith.index_cast %add3A_2054 : i32 to index
      %get3A_2056 = tpu.vector_load %arg14[%get3A_2055] {strides = array<i32>} : memref<2560xi32, #tpu.memory_space<vmem>>, vector<16xi32>,
      %add3A_2057 = arith.constant 16 : i32
      %add3A_2058 = vector.broadcast %add3A_2057 : i32 to vector<16xi32>
      %add3A_2059 = arith.addi %add3A_2058, %iota3A : vector<16xi32>
      %mul3A_2060 = arith.constant 128 : i32
      %mul3A_2061 = vector.broadcast %mul3A_2060 : i32 to vector<16xi32>
      %mul3A_2062 = arith.muli %add3A_2059, %mul3A_2061 : vector<16xi32>
      %add3A_2063 = vector.broadcast %mul3A_112 : i32 to vector<16xi32>
      %add3A_2064 = arith.addi %add3A_2063, %mul3A_2062 : vector<16xi32>
      %add3A_2065 = arith.constant 120 : i32
      %add3A_2066 = vector.broadcast %add3A_2065 : i32 to vector<16xi32>
      %add3A_2067 = arith.addi %add3A_2064, %add3A_2066 : vector<16xi32>
      %bitcast3A_2068 = vector.bitcast %get3A_2056 : vector<16xi32> to vector<16xf32>
      tpu.vector_store_idx %arg15[%add3A_2067], %bitcast3A_2068 : memref<8192xf32, #tpu.memory_space<vmem>>[vector<16xi32>], vector<16xf32>,
      %add3A_2069 = arith.constant 2048 : i32
      %add3A_2070 = arith.addi %mul3A_112, %add3A_2069 : i32
      %slice3A_2071 = vector.extract_strided_slice %get3A_2040 {offsets = [0], sizes = [1], strides = [1]} : vector<16xi32> to vector<1xi32>
      %squeeze3A_2072 = vector.extract %slice3A_2071[0] : i32 from vector<1xi32>
      %slice3A_2073 = vector.extract_strided_slice %get3A_2044 {offsets = [0], sizes = [1], strides = [1]} : vector<16xi32> to vector<1xi32>
      %squeeze3A_2074 = vector.extract %slice3A_2073[0] : i32 from vector<1xi32>
      %slice3A_2075 = vector.extract_strided_slice %get3A_2048 {offsets = [0], sizes = [1], strides = [1]} : vector<16xi32> to vector<1xi32>
      %squeeze3A_2076 = vector.extract %slice3A_2075[0] : i32 from vector<1xi32>
      %slice3A_2077 = vector.extract_strided_slice %get3A_2052 {offsets = [0], sizes = [1], strides = [1]} : vector<16xi32> to vector<1xi32>
      %squeeze3A_2078 = vector.extract %slice3A_2077[0] : i32 from vector<1xi32>
      %and3A_2079 = arith.constant 65535 : i32
      %and3A_2080 = arith.andi %squeeze3A_2072, %and3A_2079 : i32
      %shift_right_logical3A_2081 = arith.constant 16 : i32
      %shift_right_logical3A_2082 = arith.shrui %squeeze3A_2072, %shift_right_logical3A_2081 : i32
      %and3A_2083 = arith.constant 65535 : i32
      %and3A_2084 = arith.andi %squeeze3A_2074, %and3A_2083 : i32
      %shift_right_logical3A_2085 = arith.constant 16 : i32
      %shift_right_logical3A_2086 = arith.shrui %squeeze3A_2074, %shift_right_logical3A_2085 : i32
      %and3A_2087 = arith.constant 65535 : i32
      %and3A_2088 = arith.andi %squeeze3A_2076, %and3A_2087 : i32
      %shift_right_logical3A_2089 = arith.constant 16 : i32
      %shift_right_logical3A_2090 = arith.shrui %squeeze3A_2076, %shift_right_logical3A_2089 : i32
      %and3A_2091 = arith.constant 65535 : i32
      %and3A_2092 = arith.andi %squeeze3A_2078, %and3A_2091 : i32
      %shift_right_logical3A_2093 = arith.constant 16 : i32
      %shift_right_logical3A_2094 = arith.shrui %squeeze3A_2078, %shift_right_logical3A_2093 : i32
      %add3A_2095 = arith.constant 0 : i32
      %add3A_2096 = arith.addi %and3A_2080, %add3A_2095 : i32
      %get3A_2097 = arith.index_cast %add3A_2096 : i32 to index
      %get3A_2098 = tpu.vector_load %arg9[%get3A_2097] {strides = array<i32>} : memref<49200xf32, #tpu.memory_space<vmem>>, vector<16xf32>,
      %add3A_2099 = arith.constant 0 : i32
      %add3A_2100 = arith.addi %add3A_2070, %add3A_2099 : i32
      %swap3A_2101 = arith.index_cast %add3A_2100 : i32 to index
      %swap3A_2102 = tpu.vector_load %arg15[%swap3A_2101] {strides = array<i32>} : memref<8192xf32, #tpu.memory_space<vmem>>, vector<16xf32>,
      tpu.vector_store %arg15[%swap3A_2101], %get3A_2098 {strides = array<i32>} : memref<8192xf32, #tpu.memory_space<vmem>>, vector<16xf32>,
      %add3A_2103 = arith.constant 16 : i32
      %add3A_2104 = arith.addi %and3A_2080, %add3A_2103 : i32
      %get3A_2105 = arith.index_cast %add3A_2104 : i32 to index
      %get3A_2106 = tpu.vector_load %arg9[%get3A_2105] {strides = array<i32>} : memref<49200xf32, #tpu.memory_space<vmem>>, vector<16xf32>,
      %add3A_2107 = arith.constant 16 : i32
      %add3A_2108 = arith.addi %add3A_2070, %add3A_2107 : i32
      %swap3A_2109 = arith.index_cast %add3A_2108 : i32 to index
      %swap3A_2110 = tpu.vector_load %arg15[%swap3A_2109] {strides = array<i32>} : memref<8192xf32, #tpu.memory_space<vmem>>, vector<16xf32>,
      tpu.vector_store %arg15[%swap3A_2109], %get3A_2106 {strides = array<i32>} : memref<8192xf32, #tpu.memory_space<vmem>>, vector<16xf32>,
      %add3A_2111 = arith.constant 32 : i32
      %add3A_2112 = arith.addi %and3A_2080, %add3A_2111 : i32
      %get3A_2113 = arith.index_cast %add3A_2112 : i32 to index
      %get3A_2114 = tpu.vector_load %arg9[%get3A_2113] {strides = array<i32>} : memref<49200xf32, #tpu.memory_space<vmem>>, vector<16xf32>,
      %add3A_2115 = arith.constant 32 : i32
      %add3A_2116 = arith.addi %add3A_2070, %add3A_2115 : i32
      %swap3A_2117 = arith.index_cast %add3A_2116 : i32 to index
      %swap3A_2118 = tpu.vector_load %arg15[%swap3A_2117] {strides = array<i32>} : memref<8192xf32, #tpu.memory_space<vmem>>, vector<16xf32>,
      tpu.vector_store %arg15[%swap3A_2117], %get3A_2114 {strides = array<i32>} : memref<8192xf32, #tpu.memory_space<vmem>>, vector<16xf32>,
      %add3A_2119 = arith.constant 0 : i32
      %add3A_2120 = arith.addi %shift_right_logical3A_2082, %add3A_2119 : i32
      %get3A_2121 = arith.index_cast %add3A_2120 : i32 to index
      %get3A_2122 = tpu.vector_load %arg10[%get3A_2121] {strides = array<i32>} : memref<29472xf32, #tpu.memory_space<vmem>>, vector<16xf32>,
      %add3A_2123 = arith.constant 0 : i32
      %add3A_2124 = arith.addi %and3A_2084, %add3A_2123 : i32
      %get3A_2125 = arith.index_cast %add3A_2124 : i32 to index
      %get3A_2126 = tpu.vector_load %arg10[%get3A_2125] {strides = array<i32>} : memref<29472xf32, #tpu.memory_space<vmem>>, vector<16xf32>,
      %add3A_2127 = arith.addf %get3A_2122, %get3A_2126 : vector<16xf32>
      %add3A_2128 = arith.constant 0 : i32
      %add3A_2129 = arith.addi %shift_right_logical3A_2086, %add3A_2128 : i32
      %get3A_2130 = arith.index_cast %add3A_2129 : i32 to index
      %get3A_2131 = tpu.vector_load %arg10[%get3A_2130] {strides = array<i32>} : memref<29472xf32, #tpu.memory_space<vmem>>, vector<16xf32>,
      %add3A_2132 = arith.addf %add3A_2127, %get3A_2131 : vector<16xf32>
      %add3A_2133 = arith.constant 0 : i32
      %add3A_2134 = arith.addi %and3A_2088, %add3A_2133 : i32
      %get3A_2135 = arith.index_cast %add3A_2134 : i32 to index
      %get3A_2136 = tpu.vector_load %arg10[%get3A_2135] {strides = array<i32>} : memref<29472xf32, #tpu.memory_space<vmem>>, vector<16xf32>,
      %add3A_2137 = arith.addf %add3A_2132, %get3A_2136 : vector<16xf32>
      %add3A_2138 = arith.constant 48 : i32
      %add3A_2139 = arith.addi %add3A_2070, %add3A_2138 : i32
      %add3A_2140 = arith.constant 0 : i32
      %add3A_2141 = arith.addi %add3A_2139, %add3A_2140 : i32
      %swap3A_2142 = arith.index_cast %add3A_2141 : i32 to index
      %swap3A_2143 = tpu.vector_load %arg15[%swap3A_2142] {strides = array<i32>} : memref<8192xf32, #tpu.memory_space<vmem>>, vector<16xf32>,
      tpu.vector_store %arg15[%swap3A_2142], %add3A_2137 {strides = array<i32>} : memref<8192xf32, #tpu.memory_space<vmem>>, vector<16xf32>,
      %add3A_2144 = arith.constant 16 : i32
      %add3A_2145 = arith.addi %shift_right_logical3A_2082, %add3A_2144 : i32
      %get3A_2146 = arith.index_cast %add3A_2145 : i32 to index
      %get3A_2147 = tpu.vector_load %arg10[%get3A_2146] {strides = array<i32>} : memref<29472xf32, #tpu.memory_space<vmem>>, vector<16xf32>,
      %add3A_2148 = arith.constant 16 : i32
      %add3A_2149 = arith.addi %and3A_2084, %add3A_2148 : i32
      %get3A_2150 = arith.index_cast %add3A_2149 : i32 to index
      %get3A_2151 = tpu.vector_load %arg10[%get3A_2150] {strides = array<i32>} : memref<29472xf32, #tpu.memory_space<vmem>>, vector<16xf32>,
      %add3A_2152 = arith.addf %get3A_2147, %get3A_2151 : vector<16xf32>
      %add3A_2153 = arith.constant 16 : i32
      %add3A_2154 = arith.addi %shift_right_logical3A_2086, %add3A_2153 : i32
      %get3A_2155 = arith.index_cast %add3A_2154 : i32 to index
      %get3A_2156 = tpu.vector_load %arg10[%get3A_2155] {strides = array<i32>} : memref<29472xf32, #tpu.memory_space<vmem>>, vector<16xf32>,
      %add3A_2157 = arith.addf %add3A_2152, %get3A_2156 : vector<16xf32>
      %add3A_2158 = arith.constant 16 : i32
      %add3A_2159 = arith.addi %and3A_2088, %add3A_2158 : i32
      %get3A_2160 = arith.index_cast %add3A_2159 : i32 to index
      %get3A_2161 = tpu.vector_load %arg10[%get3A_2160] {strides = array<i32>} : memref<29472xf32, #tpu.memory_space<vmem>>, vector<16xf32>,
      %add3A_2162 = arith.addf %add3A_2157, %get3A_2161 : vector<16xf32>
      %add3A_2163 = arith.constant 48 : i32
      %add3A_2164 = arith.addi %add3A_2070, %add3A_2163 : i32
      %add3A_2165 = arith.constant 16 : i32
      %add3A_2166 = arith.addi %add3A_2164, %add3A_2165 : i32
      %swap3A_2167 = arith.index_cast %add3A_2166 : i32 to index
      %swap3A_2168 = tpu.vector_load %arg15[%swap3A_2167] {strides = array<i32>} : memref<8192xf32, #tpu.memory_space<vmem>>, vector<16xf32>,
      tpu.vector_store %arg15[%swap3A_2167], %add3A_2162 {strides = array<i32>} : memref<8192xf32, #tpu.memory_space<vmem>>, vector<16xf32>,
      %get3A_2169 = arith.index_cast %shift_right_logical3A_2090 : i32 to index
      %get3A_2170 = tpu.vector_load %arg11[%get3A_2169] {strides = array<i32>} : memref<4960xf32, #tpu.memory_space<vmem>>, vector<16xf32>,
      %add3A_2171 = arith.constant 72 : i32
      %add3A_2172 = arith.addi %add3A_2070, %add3A_2171 : i32
      %swap3A_2173 = arith.index_cast %add3A_2172 : i32 to index
      %swap3A_2174 = tpu.vector_load %arg15[%swap3A_2173] {strides = array<i32>} : memref<8192xf32, #tpu.memory_space<vmem>>, vector<16xf32>,
      tpu.vector_store %arg15[%swap3A_2173], %get3A_2170 {strides = array<i32>} : memref<8192xf32, #tpu.memory_space<vmem>>, vector<16xf32>,
      %get3A_2175 = arith.index_cast %and3A_2092 : i32 to index
      %get3A_2176 = tpu.vector_load %arg12[%get3A_2175] {strides = array<i32>} : memref<19200xf32, #tpu.memory_space<vmem>>, vector<16xf32>,
      %add3A_2177 = arith.constant 88 : i32
      %add3A_2178 = arith.addi %add3A_2070, %add3A_2177 : i32
      %swap3A_2179 = arith.index_cast %add3A_2178 : i32 to index
      %swap3A_2180 = tpu.vector_load %arg15[%swap3A_2179] {strides = array<i32>} : memref<8192xf32, #tpu.memory_space<vmem>>, vector<16xf32>,
      tpu.vector_store %arg15[%swap3A_2179], %get3A_2176 {strides = array<i32>} : memref<8192xf32, #tpu.memory_space<vmem>>, vector<16xf32>,
      %get3A_2181 = arith.index_cast %shift_right_logical3A_2094 : i32 to index
      %get3A_2182 = tpu.vector_load %arg13[%get3A_2181] {strides = array<i32>} : memref<304xf32, #tpu.memory_space<vmem>>, vector<16xf32>,
      %add3A_2183 = arith.constant 104 : i32
      %add3A_2184 = arith.addi %add3A_2070, %add3A_2183 : i32
      %swap3A_2185 = arith.index_cast %add3A_2184 : i32 to index
      %swap3A_2186 = tpu.vector_load %arg15[%swap3A_2185] {strides = array<i32>} : memref<8192xf32, #tpu.memory_space<vmem>>, vector<16xf32>,
      tpu.vector_store %arg15[%swap3A_2185], %get3A_2182 {strides = array<i32>} : memref<8192xf32, #tpu.memory_space<vmem>>, vector<16xf32>,
      %add3A_2187 = arith.constant 2176 : i32
      %add3A_2188 = arith.addi %mul3A_112, %add3A_2187 : i32
      %slice3A_2189 = vector.extract_strided_slice %get3A_2040 {offsets = [1], sizes = [1], strides = [1]} : vector<16xi32> to vector<1xi32>
      %squeeze3A_2190 = vector.extract %slice3A_2189[0] : i32 from vector<1xi32>
      %slice3A_2191 = vector.extract_strided_slice %get3A_2044 {offsets = [1], sizes = [1], strides = [1]} : vector<16xi32> to vector<1xi32>
      %squeeze3A_2192 = vector.extract %slice3A_2191[0] : i32 from vector<1xi32>
      %slice3A_2193 = vector.extract_strided_slice %get3A_2048 {offsets = [1], sizes = [1], strides = [1]} : vector<16xi32> to vector<1xi32>
      %squeeze3A_2194 = vector.extract %slice3A_2193[0] : i32 from vector<1xi32>
      %slice3A_2195 = vector.extract_strided_slice %get3A_2052 {offsets = [1], sizes = [1], strides = [1]} : vector<16xi32> to vector<1xi32>
      %squeeze3A_2196 = vector.extract %slice3A_2195[0] : i32 from vector<1xi32>
      %and3A_2197 = arith.constant 65535 : i32
      %and3A_2198 = arith.andi %squeeze3A_2190, %and3A_2197 : i32
      %shift_right_logical3A_2199 = arith.constant 16 : i32
      %shift_right_logical3A_2200 = arith.shrui %squeeze3A_2190, %shift_right_logical3A_2199 : i32
      %and3A_2201 = arith.constant 65535 : i32
      %and3A_2202 = arith.andi %squeeze3A_2192, %and3A_2201 : i32
      %shift_right_logical3A_2203 = arith.constant 16 : i32
      %shift_right_logical3A_2204 = arith.shrui %squeeze3A_2192, %shift_right_logical3A_2203 : i32
      %and3A_2205 = arith.constant 65535 : i32
      %and3A_2206 = arith.andi %squeeze3A_2194, %and3A_2205 : i32
      %shift_right_logical3A_2207 = arith.constant 16 : i32
      %shift_right_logical3A_2208 = arith.shrui %squeeze3A_2194, %shift_right_logical3A_2207 : i32
      %and3A_2209 = arith.constant 65535 : i32
      %and3A_2210 = arith.andi %squeeze3A_2196, %and3A_2209 : i32
      %shift_right_logical3A_2211 = arith.constant 16 : i32
      %shift_right_logical3A_2212 = arith.shrui %squeeze3A_2196, %shift_right_logical3A_2211 : i32
      %add3A_2213 = arith.constant 0 : i32
      %add3A_2214 = arith.addi %and3A_2198, %add3A_2213 : i32
      %get3A_2215 = arith.index_cast %add3A_2214 : i32 to index
      %get3A_2216 = tpu.vector_load %arg9[%get3A_2215] {strides = array<i32>} : memref<49200xf32, #tpu.memory_space<vmem>>, vector<16xf32>,
      %add3A_2217 = arith.constant 0 : i32
      %add3A_2218 = arith.addi %add3A_2188, %add3A_2217 : i32
      %swap3A_2219 = arith.index_cast %add3A_2218 : i32 to index
      %swap3A_2220 = tpu.vector_load %arg15[%swap3A_2219] {strides = array<i32>} : memref<8192xf32, #tpu.memory_space<vmem>>, vector<16xf32>,
      tpu.vector_store %arg15[%swap3A_2219], %get3A_2216 {strides = array<i32>} : memref<8192xf32, #tpu.memory_space<vmem>>, vector<16xf32>,
      %add3A_2221 = arith.constant 16 : i32
      %add3A_2222 = arith.addi %and3A_2198, %add3A_2221 : i32
      %get3A_2223 = arith.index_cast %add3A_2222 : i32 to index
      %get3A_2224 = tpu.vector_load %arg9[%get3A_2223] {strides = array<i32>} : memref<49200xf32, #tpu.memory_space<vmem>>, vector<16xf32>,
      %add3A_2225 = arith.constant 16 : i32
      %add3A_2226 = arith.addi %add3A_2188, %add3A_2225 : i32
      %swap3A_2227 = arith.index_cast %add3A_2226 : i32 to index
      %swap3A_2228 = tpu.vector_load %arg15[%swap3A_2227] {strides = array<i32>} : memref<8192xf32, #tpu.memory_space<vmem>>, vector<16xf32>,
      tpu.vector_store %arg15[%swap3A_2227], %get3A_2224 {strides = array<i32>} : memref<8192xf32, #tpu.memory_space<vmem>>, vector<16xf32>,
      %add3A_2229 = arith.constant 32 : i32
      %add3A_2230 = arith.addi %and3A_2198, %add3A_2229 : i32
      %get3A_2231 = arith.index_cast %add3A_2230 : i32 to index
      %get3A_2232 = tpu.vector_load %arg9[%get3A_2231] {strides = array<i32>} : memref<49200xf32, #tpu.memory_space<vmem>>, vector<16xf32>,
      %add3A_2233 = arith.constant 32 : i32
      %add3A_2234 = arith.addi %add3A_2188, %add3A_2233 : i32
      %swap3A_2235 = arith.index_cast %add3A_2234 : i32 to index
      %swap3A_2236 = tpu.vector_load %arg15[%swap3A_2235] {strides = array<i32>} : memref<8192xf32, #tpu.memory_space<vmem>>, vector<16xf32>,
      tpu.vector_store %arg15[%swap3A_2235], %get3A_2232 {strides = array<i32>} : memref<8192xf32, #tpu.memory_space<vmem>>, vector<16xf32>,
      %add3A_2237 = arith.constant 0 : i32
      %add3A_2238 = arith.addi %shift_right_logical3A_2200, %add3A_2237 : i32
      %get3A_2239 = arith.index_cast %add3A_2238 : i32 to index
      %get3A_2240 = tpu.vector_load %arg10[%get3A_2239] {strides = array<i32>} : memref<29472xf32, #tpu.memory_space<vmem>>, vector<16xf32>,
      %add3A_2241 = arith.constant 0 : i32
      %add3A_2242 = arith.addi %and3A_2202, %add3A_2241 : i32
      %get3A_2243 = arith.index_cast %add3A_2242 : i32 to index
      %get3A_2244 = tpu.vector_load %arg10[%get3A_2243] {strides = array<i32>} : memref<29472xf32, #tpu.memory_space<vmem>>, vector<16xf32>,
      %add3A_2245 = arith.addf %get3A_2240, %get3A_2244 : vector<16xf32>
      %add3A_2246 = arith.constant 0 : i32
      %add3A_2247 = arith.addi %shift_right_logical3A_2204, %add3A_2246 : i32
      %get3A_2248 = arith.index_cast %add3A_2247 : i32 to index
      %get3A_2249 = tpu.vector_load %arg10[%get3A_2248] {strides = array<i32>} : memref<29472xf32, #tpu.memory_space<vmem>>, vector<16xf32>,
      %add3A_2250 = arith.addf %add3A_2245, %get3A_2249 : vector<16xf32>
      %add3A_2251 = arith.constant 0 : i32
      %add3A_2252 = arith.addi %and3A_2206, %add3A_2251 : i32
      %get3A_2253 = arith.index_cast %add3A_2252 : i32 to index
      %get3A_2254 = tpu.vector_load %arg10[%get3A_2253] {strides = array<i32>} : memref<29472xf32, #tpu.memory_space<vmem>>, vector<16xf32>,
      %add3A_2255 = arith.addf %add3A_2250, %get3A_2254 : vector<16xf32>
      %add3A_2256 = arith.constant 48 : i32
      %add3A_2257 = arith.addi %add3A_2188, %add3A_2256 : i32
      %add3A_2258 = arith.constant 0 : i32
      %add3A_2259 = arith.addi %add3A_2257, %add3A_2258 : i32
      %swap3A_2260 = arith.index_cast %add3A_2259 : i32 to index
      %swap3A_2261 = tpu.vector_load %arg15[%swap3A_2260] {strides = array<i32>} : memref<8192xf32, #tpu.memory_space<vmem>>, vector<16xf32>,
      tpu.vector_store %arg15[%swap3A_2260], %add3A_2255 {strides = array<i32>} : memref<8192xf32, #tpu.memory_space<vmem>>, vector<16xf32>,
      %add3A_2262 = arith.constant 16 : i32
      %add3A_2263 = arith.addi %shift_right_logical3A_2200, %add3A_2262 : i32
      %get3A_2264 = arith.index_cast %add3A_2263 : i32 to index
      %get3A_2265 = tpu.vector_load %arg10[%get3A_2264] {strides = array<i32>} : memref<29472xf32, #tpu.memory_space<vmem>>, vector<16xf32>,
      %add3A_2266 = arith.constant 16 : i32
      %add3A_2267 = arith.addi %and3A_2202, %add3A_2266 : i32
      %get3A_2268 = arith.index_cast %add3A_2267 : i32 to index
      %get3A_2269 = tpu.vector_load %arg10[%get3A_2268] {strides = array<i32>} : memref<29472xf32, #tpu.memory_space<vmem>>, vector<16xf32>,
      %add3A_2270 = arith.addf %get3A_2265, %get3A_2269 : vector<16xf32>
      %add3A_2271 = arith.constant 16 : i32
      %add3A_2272 = arith.addi %shift_right_logical3A_2204, %add3A_2271 : i32
      %get3A_2273 = arith.index_cast %add3A_2272 : i32 to index
      %get3A_2274 = tpu.vector_load %arg10[%get3A_2273] {strides = array<i32>} : memref<29472xf32, #tpu.memory_space<vmem>>, vector<16xf32>,
      %add3A_2275 = arith.addf %add3A_2270, %get3A_2274 : vector<16xf32>
      %add3A_2276 = arith.constant 16 : i32
      %add3A_2277 = arith.addi %and3A_2206, %add3A_2276 : i32
      %get3A_2278 = arith.index_cast %add3A_2277 : i32 to index
      %get3A_2279 = tpu.vector_load %arg10[%get3A_2278] {strides = array<i32>} : memref<29472xf32, #tpu.memory_space<vmem>>, vector<16xf32>,
      %add3A_2280 = arith.addf %add3A_2275, %get3A_2279 : vector<16xf32>
      %add3A_2281 = arith.constant 48 : i32
      %add3A_2282 = arith.addi %add3A_2188, %add3A_2281 : i32
      %add3A_2283 = arith.constant 16 : i32
      %add3A_2284 = arith.addi %add3A_2282, %add3A_2283 : i32
      %swap3A_2285 = arith.index_cast %add3A_2284 : i32 to index
      %swap3A_2286 = tpu.vector_load %arg15[%swap3A_2285] {strides = array<i32>} : memref<8192xf32, #tpu.memory_space<vmem>>, vector<16xf32>,
      tpu.vector_store %arg15[%swap3A_2285], %add3A_2280 {strides = array<i32>} : memref<8192xf32, #tpu.memory_space<vmem>>, vector<16xf32>,
      %get3A_2287 = arith.index_cast %shift_right_logical3A_2208 : i32 to index
      %get3A_2288 = tpu.vector_load %arg11[%get3A_2287] {strides = array<i32>} : memref<4960xf32, #tpu.memory_space<vmem>>, vector<16xf32>,
      %add3A_2289 = arith.constant 72 : i32
      %add3A_2290 = arith.addi %add3A_2188, %add3A_2289 : i32
      %swap3A_2291 = arith.index_cast %add3A_2290 : i32 to index
      %swap3A_2292 = tpu.vector_load %arg15[%swap3A_2291] {strides = array<i32>} : memref<8192xf32, #tpu.memory_space<vmem>>, vector<16xf32>,
      tpu.vector_store %arg15[%swap3A_2291], %get3A_2288 {strides = array<i32>} : memref<8192xf32, #tpu.memory_space<vmem>>, vector<16xf32>,
      %get3A_2293 = arith.index_cast %and3A_2210 : i32 to index
      %get3A_2294 = tpu.vector_load %arg12[%get3A_2293] {strides = array<i32>} : memref<19200xf32, #tpu.memory_space<vmem>>, vector<16xf32>,
      %add3A_2295 = arith.constant 88 : i32
      %add3A_2296 = arith.addi %add3A_2188, %add3A_2295 : i32
      %swap3A_2297 = arith.index_cast %add3A_2296 : i32 to index
      %swap3A_2298 = tpu.vector_load %arg15[%swap3A_2297] {strides = array<i32>} : memref<8192xf32, #tpu.memory_space<vmem>>, vector<16xf32>,
      tpu.vector_store %arg15[%swap3A_2297], %get3A_2294 {strides = array<i32>} : memref<8192xf32, #tpu.memory_space<vmem>>, vector<16xf32>,
      %get3A_2299 = arith.index_cast %shift_right_logical3A_2212 : i32 to index
      %get3A_2300 = tpu.vector_load %arg13[%get3A_2299] {strides = array<i32>} : memref<304xf32, #tpu.memory_space<vmem>>, vector<16xf32>,
      %add3A_2301 = arith.constant 104 : i32
      %add3A_2302 = arith.addi %add3A_2188, %add3A_2301 : i32
      %swap3A_2303 = arith.index_cast %add3A_2302 : i32 to index
      %swap3A_2304 = tpu.vector_load %arg15[%swap3A_2303] {strides = array<i32>} : memref<8192xf32, #tpu.memory_space<vmem>>, vector<16xf32>,
      tpu.vector_store %arg15[%swap3A_2303], %get3A_2300 {strides = array<i32>} : memref<8192xf32, #tpu.memory_space<vmem>>, vector<16xf32>,
      %add3A_2305 = arith.constant 2304 : i32
      %add3A_2306 = arith.addi %mul3A_112, %add3A_2305 : i32
      %slice3A_2307 = vector.extract_strided_slice %get3A_2040 {offsets = [2], sizes = [1], strides = [1]} : vector<16xi32> to vector<1xi32>
      %squeeze3A_2308 = vector.extract %slice3A_2307[0] : i32 from vector<1xi32>
      %slice3A_2309 = vector.extract_strided_slice %get3A_2044 {offsets = [2], sizes = [1], strides = [1]} : vector<16xi32> to vector<1xi32>
      %squeeze3A_2310 = vector.extract %slice3A_2309[0] : i32 from vector<1xi32>
      %slice3A_2311 = vector.extract_strided_slice %get3A_2048 {offsets = [2], sizes = [1], strides = [1]} : vector<16xi32> to vector<1xi32>
      %squeeze3A_2312 = vector.extract %slice3A_2311[0] : i32 from vector<1xi32>
      %slice3A_2313 = vector.extract_strided_slice %get3A_2052 {offsets = [2], sizes = [1], strides = [1]} : vector<16xi32> to vector<1xi32>
      %squeeze3A_2314 = vector.extract %slice3A_2313[0] : i32 from vector<1xi32>
      %and3A_2315 = arith.constant 65535 : i32
      %and3A_2316 = arith.andi %squeeze3A_2308, %and3A_2315 : i32
      %shift_right_logical3A_2317 = arith.constant 16 : i32
      %shift_right_logical3A_2318 = arith.shrui %squeeze3A_2308, %shift_right_logical3A_2317 : i32
      %and3A_2319 = arith.constant 65535 : i32
      %and3A_2320 = arith.andi %squeeze3A_2310, %and3A_2319 : i32
      %shift_right_logical3A_2321 = arith.constant 16 : i32
      %shift_right_logical3A_2322 = arith.shrui %squeeze3A_2310, %shift_right_logical3A_2321 : i32
      %and3A_2323 = arith.constant 65535 : i32
      %and3A_2324 = arith.andi %squeeze3A_2312, %and3A_2323 : i32
      %shift_right_logical3A_2325 = arith.constant 16 : i32
      %shift_right_logical3A_2326 = arith.shrui %squeeze3A_2312, %shift_right_logical3A_2325 : i32
      %and3A_2327 = arith.constant 65535 : i32
      %and3A_2328 = arith.andi %squeeze3A_2314, %and3A_2327 : i32
      %shift_right_logical3A_2329 = arith.constant 16 : i32
      %shift_right_logical3A_2330 = arith.shrui %squeeze3A_2314, %shift_right_logical3A_2329 : i32
      %add3A_2331 = arith.constant 0 : i32
      %add3A_2332 = arith.addi %and3A_2316, %add3A_2331 : i32
      %get3A_2333 = arith.index_cast %add3A_2332 : i32 to index
      %get3A_2334 = tpu.vector_load %arg9[%get3A_2333] {strides = array<i32>} : memref<49200xf32, #tpu.memory_space<vmem>>, vector<16xf32>,
      %add3A_2335 = arith.constant 0 : i32
      %add3A_2336 = arith.addi %add3A_2306, %add3A_2335 : i32
      %swap3A_2337 = arith.index_cast %add3A_2336 : i32 to index
      %swap3A_2338 = tpu.vector_load %arg15[%swap3A_2337] {strides = array<i32>} : memref<8192xf32, #tpu.memory_space<vmem>>, vector<16xf32>,
      tpu.vector_store %arg15[%swap3A_2337], %get3A_2334 {strides = array<i32>} : memref<8192xf32, #tpu.memory_space<vmem>>, vector<16xf32>,
      %add3A_2339 = arith.constant 16 : i32
      %add3A_2340 = arith.addi %and3A_2316, %add3A_2339 : i32
      %get3A_2341 = arith.index_cast %add3A_2340 : i32 to index
      %get3A_2342 = tpu.vector_load %arg9[%get3A_2341] {strides = array<i32>} : memref<49200xf32, #tpu.memory_space<vmem>>, vector<16xf32>,
      %add3A_2343 = arith.constant 16 : i32
      %add3A_2344 = arith.addi %add3A_2306, %add3A_2343 : i32
      %swap3A_2345 = arith.index_cast %add3A_2344 : i32 to index
      %swap3A_2346 = tpu.vector_load %arg15[%swap3A_2345] {strides = array<i32>} : memref<8192xf32, #tpu.memory_space<vmem>>, vector<16xf32>,
      tpu.vector_store %arg15[%swap3A_2345], %get3A_2342 {strides = array<i32>} : memref<8192xf32, #tpu.memory_space<vmem>>, vector<16xf32>,
      %add3A_2347 = arith.constant 32 : i32
      %add3A_2348 = arith.addi %and3A_2316, %add3A_2347 : i32
      %get3A_2349 = arith.index_cast %add3A_2348 : i32 to index
      %get3A_2350 = tpu.vector_load %arg9[%get3A_2349] {strides = array<i32>} : memref<49200xf32, #tpu.memory_space<vmem>>, vector<16xf32>,
      %add3A_2351 = arith.constant 32 : i32
      %add3A_2352 = arith.addi %add3A_2306, %add3A_2351 : i32
      %swap3A_2353 = arith.index_cast %add3A_2352 : i32 to index
      %swap3A_2354 = tpu.vector_load %arg15[%swap3A_2353] {strides = array<i32>} : memref<8192xf32, #tpu.memory_space<vmem>>, vector<16xf32>,
      tpu.vector_store %arg15[%swap3A_2353], %get3A_2350 {strides = array<i32>} : memref<8192xf32, #tpu.memory_space<vmem>>, vector<16xf32>,
      %add3A_2355 = arith.constant 0 : i32
      %add3A_2356 = arith.addi %shift_right_logical3A_2318, %add3A_2355 : i32
      %get3A_2357 = arith.index_cast %add3A_2356 : i32 to index
      %get3A_2358 = tpu.vector_load %arg10[%get3A_2357] {strides = array<i32>} : memref<29472xf32, #tpu.memory_space<vmem>>, vector<16xf32>,
      %add3A_2359 = arith.constant 0 : i32
      %add3A_2360 = arith.addi %and3A_2320, %add3A_2359 : i32
      %get3A_2361 = arith.index_cast %add3A_2360 : i32 to index
      %get3A_2362 = tpu.vector_load %arg10[%get3A_2361] {strides = array<i32>} : memref<29472xf32, #tpu.memory_space<vmem>>, vector<16xf32>,
      %add3A_2363 = arith.addf %get3A_2358, %get3A_2362 : vector<16xf32>
      %add3A_2364 = arith.constant 0 : i32
      %add3A_2365 = arith.addi %shift_right_logical3A_2322, %add3A_2364 : i32
      %get3A_2366 = arith.index_cast %add3A_2365 : i32 to index
      %get3A_2367 = tpu.vector_load %arg10[%get3A_2366] {strides = array<i32>} : memref<29472xf32, #tpu.memory_space<vmem>>, vector<16xf32>,
      %add3A_2368 = arith.addf %add3A_2363, %get3A_2367 : vector<16xf32>
      %add3A_2369 = arith.constant 0 : i32
      %add3A_2370 = arith.addi %and3A_2324, %add3A_2369 : i32
      %get3A_2371 = arith.index_cast %add3A_2370 : i32 to index
      %get3A_2372 = tpu.vector_load %arg10[%get3A_2371] {strides = array<i32>} : memref<29472xf32, #tpu.memory_space<vmem>>, vector<16xf32>,
      %add3A_2373 = arith.addf %add3A_2368, %get3A_2372 : vector<16xf32>
      %add3A_2374 = arith.constant 48 : i32
      %add3A_2375 = arith.addi %add3A_2306, %add3A_2374 : i32
      %add3A_2376 = arith.constant 0 : i32
      %add3A_2377 = arith.addi %add3A_2375, %add3A_2376 : i32
      %swap3A_2378 = arith.index_cast %add3A_2377 : i32 to index
      %swap3A_2379 = tpu.vector_load %arg15[%swap3A_2378] {strides = array<i32>} : memref<8192xf32, #tpu.memory_space<vmem>>, vector<16xf32>,
      tpu.vector_store %arg15[%swap3A_2378], %add3A_2373 {strides = array<i32>} : memref<8192xf32, #tpu.memory_space<vmem>>, vector<16xf32>,
      %add3A_2380 = arith.constant 16 : i32
      %add3A_2381 = arith.addi %shift_right_logical3A_2318, %add3A_2380 : i32
      %get3A_2382 = arith.index_cast %add3A_2381 : i32 to index
      %get3A_2383 = tpu.vector_load %arg10[%get3A_2382] {strides = array<i32>} : memref<29472xf32, #tpu.memory_space<vmem>>, vector<16xf32>,
      %add3A_2384 = arith.constant 16 : i32
      %add3A_2385 = arith.addi %and3A_2320, %add3A_2384 : i32
      %get3A_2386 = arith.index_cast %add3A_2385 : i32 to index
      %get3A_2387 = tpu.vector_load %arg10[%get3A_2386] {strides = array<i32>} : memref<29472xf32, #tpu.memory_space<vmem>>, vector<16xf32>,
      %add3A_2388 = arith.addf %get3A_2383, %get3A_2387 : vector<16xf32>
      %add3A_2389 = arith.constant 16 : i32
      %add3A_2390 = arith.addi %shift_right_logical3A_2322, %add3A_2389 : i32
      %get3A_2391 = arith.index_cast %add3A_2390 : i32 to index
      %get3A_2392 = tpu.vector_load %arg10[%get3A_2391] {strides = array<i32>} : memref<29472xf32, #tpu.memory_space<vmem>>, vector<16xf32>,
      %add3A_2393 = arith.addf %add3A_2388, %get3A_2392 : vector<16xf32>
      %add3A_2394 = arith.constant 16 : i32
      %add3A_2395 = arith.addi %and3A_2324, %add3A_2394 : i32
      %get3A_2396 = arith.index_cast %add3A_2395 : i32 to index
      %get3A_2397 = tpu.vector_load %arg10[%get3A_2396] {strides = array<i32>} : memref<29472xf32, #tpu.memory_space<vmem>>, vector<16xf32>,
      %add3A_2398 = arith.addf %add3A_2393, %get3A_2397 : vector<16xf32>
      %add3A_2399 = arith.constant 48 : i32
      %add3A_2400 = arith.addi %add3A_2306, %add3A_2399 : i32
      %add3A_2401 = arith.constant 16 : i32
      %add3A_2402 = arith.addi %add3A_2400, %add3A_2401 : i32
      %swap3A_2403 = arith.index_cast %add3A_2402 : i32 to index
      %swap3A_2404 = tpu.vector_load %arg15[%swap3A_2403] {strides = array<i32>} : memref<8192xf32, #tpu.memory_space<vmem>>, vector<16xf32>,
      tpu.vector_store %arg15[%swap3A_2403], %add3A_2398 {strides = array<i32>} : memref<8192xf32, #tpu.memory_space<vmem>>, vector<16xf32>,
      %get3A_2405 = arith.index_cast %shift_right_logical3A_2326 : i32 to index
      %get3A_2406 = tpu.vector_load %arg11[%get3A_2405] {strides = array<i32>} : memref<4960xf32, #tpu.memory_space<vmem>>, vector<16xf32>,
      %add3A_2407 = arith.constant 72 : i32
      %add3A_2408 = arith.addi %add3A_2306, %add3A_2407 : i32
      %swap3A_2409 = arith.index_cast %add3A_2408 : i32 to index
      %swap3A_2410 = tpu.vector_load %arg15[%swap3A_2409] {strides = array<i32>} : memref<8192xf32, #tpu.memory_space<vmem>>, vector<16xf32>,
      tpu.vector_store %arg15[%swap3A_2409], %get3A_2406 {strides = array<i32>} : memref<8192xf32, #tpu.memory_space<vmem>>, vector<16xf32>,
      %get3A_2411 = arith.index_cast %and3A_2328 : i32 to index
      %get3A_2412 = tpu.vector_load %arg12[%get3A_2411] {strides = array<i32>} : memref<19200xf32, #tpu.memory_space<vmem>>, vector<16xf32>,
      %add3A_2413 = arith.constant 88 : i32
      %add3A_2414 = arith.addi %add3A_2306, %add3A_2413 : i32
      %swap3A_2415 = arith.index_cast %add3A_2414 : i32 to index
      %swap3A_2416 = tpu.vector_load %arg15[%swap3A_2415] {strides = array<i32>} : memref<8192xf32, #tpu.memory_space<vmem>>, vector<16xf32>,
      tpu.vector_store %arg15[%swap3A_2415], %get3A_2412 {strides = array<i32>} : memref<8192xf32, #tpu.memory_space<vmem>>, vector<16xf32>,
      %get3A_2417 = arith.index_cast %shift_right_logical3A_2330 : i32 to index
      %get3A_2418 = tpu.vector_load %arg13[%get3A_2417] {strides = array<i32>} : memref<304xf32, #tpu.memory_space<vmem>>, vector<16xf32>,
      %add3A_2419 = arith.constant 104 : i32
      %add3A_2420 = arith.addi %add3A_2306, %add3A_2419 : i32
      %swap3A_2421 = arith.index_cast %add3A_2420 : i32 to index
      %swap3A_2422 = tpu.vector_load %arg15[%swap3A_2421] {strides = array<i32>} : memref<8192xf32, #tpu.memory_space<vmem>>, vector<16xf32>,
      tpu.vector_store %arg15[%swap3A_2421], %get3A_2418 {strides = array<i32>} : memref<8192xf32, #tpu.memory_space<vmem>>, vector<16xf32>,
      %add3A_2423 = arith.constant 2432 : i32
      %add3A_2424 = arith.addi %mul3A_112, %add3A_2423 : i32
      %slice3A_2425 = vector.extract_strided_slice %get3A_2040 {offsets = [3], sizes = [1], strides = [1]} : vector<16xi32> to vector<1xi32>
      %squeeze3A_2426 = vector.extract %slice3A_2425[0] : i32 from vector<1xi32>
      %slice3A_2427 = vector.extract_strided_slice %get3A_2044 {offsets = [3], sizes = [1], strides = [1]} : vector<16xi32> to vector<1xi32>
      %squeeze3A_2428 = vector.extract %slice3A_2427[0] : i32 from vector<1xi32>
      %slice3A_2429 = vector.extract_strided_slice %get3A_2048 {offsets = [3], sizes = [1], strides = [1]} : vector<16xi32> to vector<1xi32>
      %squeeze3A_2430 = vector.extract %slice3A_2429[0] : i32 from vector<1xi32>
      %slice3A_2431 = vector.extract_strided_slice %get3A_2052 {offsets = [3], sizes = [1], strides = [1]} : vector<16xi32> to vector<1xi32>
      %squeeze3A_2432 = vector.extract %slice3A_2431[0] : i32 from vector<1xi32>
      %and3A_2433 = arith.constant 65535 : i32
      %and3A_2434 = arith.andi %squeeze3A_2426, %and3A_2433 : i32
      %shift_right_logical3A_2435 = arith.constant 16 : i32
      %shift_right_logical3A_2436 = arith.shrui %squeeze3A_2426, %shift_right_logical3A_2435 : i32
      %and3A_2437 = arith.constant 65535 : i32
      %and3A_2438 = arith.andi %squeeze3A_2428, %and3A_2437 : i32
      %shift_right_logical3A_2439 = arith.constant 16 : i32
      %shift_right_logical3A_2440 = arith.shrui %squeeze3A_2428, %shift_right_logical3A_2439 : i32
      %and3A_2441 = arith.constant 65535 : i32
      %and3A_2442 = arith.andi %squeeze3A_2430, %and3A_2441 : i32
      %shift_right_logical3A_2443 = arith.constant 16 : i32
      %shift_right_logical3A_2444 = arith.shrui %squeeze3A_2430, %shift_right_logical3A_2443 : i32
      %and3A_2445 = arith.constant 65535 : i32
      %and3A_2446 = arith.andi %squeeze3A_2432, %and3A_2445 : i32
      %shift_right_logical3A_2447 = arith.constant 16 : i32
      %shift_right_logical3A_2448 = arith.shrui %squeeze3A_2432, %shift_right_logical3A_2447 : i32
      %add3A_2449 = arith.constant 0 : i32
      %add3A_2450 = arith.addi %and3A_2434, %add3A_2449 : i32
      %get3A_2451 = arith.index_cast %add3A_2450 : i32 to index
      %get3A_2452 = tpu.vector_load %arg9[%get3A_2451] {strides = array<i32>} : memref<49200xf32, #tpu.memory_space<vmem>>, vector<16xf32>,
      %add3A_2453 = arith.constant 0 : i32
      %add3A_2454 = arith.addi %add3A_2424, %add3A_2453 : i32
      %swap3A_2455 = arith.index_cast %add3A_2454 : i32 to index
      %swap3A_2456 = tpu.vector_load %arg15[%swap3A_2455] {strides = array<i32>} : memref<8192xf32, #tpu.memory_space<vmem>>, vector<16xf32>,
      tpu.vector_store %arg15[%swap3A_2455], %get3A_2452 {strides = array<i32>} : memref<8192xf32, #tpu.memory_space<vmem>>, vector<16xf32>,
      %add3A_2457 = arith.constant 16 : i32
      %add3A_2458 = arith.addi %and3A_2434, %add3A_2457 : i32
      %get3A_2459 = arith.index_cast %add3A_2458 : i32 to index
      %get3A_2460 = tpu.vector_load %arg9[%get3A_2459] {strides = array<i32>} : memref<49200xf32, #tpu.memory_space<vmem>>, vector<16xf32>,
      %add3A_2461 = arith.constant 16 : i32
      %add3A_2462 = arith.addi %add3A_2424, %add3A_2461 : i32
      %swap3A_2463 = arith.index_cast %add3A_2462 : i32 to index
      %swap3A_2464 = tpu.vector_load %arg15[%swap3A_2463] {strides = array<i32>} : memref<8192xf32, #tpu.memory_space<vmem>>, vector<16xf32>,
      tpu.vector_store %arg15[%swap3A_2463], %get3A_2460 {strides = array<i32>} : memref<8192xf32, #tpu.memory_space<vmem>>, vector<16xf32>,
      %add3A_2465 = arith.constant 32 : i32
      %add3A_2466 = arith.addi %and3A_2434, %add3A_2465 : i32
      %get3A_2467 = arith.index_cast %add3A_2466 : i32 to index
      %get3A_2468 = tpu.vector_load %arg9[%get3A_2467] {strides = array<i32>} : memref<49200xf32, #tpu.memory_space<vmem>>, vector<16xf32>,
      %add3A_2469 = arith.constant 32 : i32
      %add3A_2470 = arith.addi %add3A_2424, %add3A_2469 : i32
      %swap3A_2471 = arith.index_cast %add3A_2470 : i32 to index
      %swap3A_2472 = tpu.vector_load %arg15[%swap3A_2471] {strides = array<i32>} : memref<8192xf32, #tpu.memory_space<vmem>>, vector<16xf32>,
      tpu.vector_store %arg15[%swap3A_2471], %get3A_2468 {strides = array<i32>} : memref<8192xf32, #tpu.memory_space<vmem>>, vector<16xf32>,
      %add3A_2473 = arith.constant 0 : i32
      %add3A_2474 = arith.addi %shift_right_logical3A_2436, %add3A_2473 : i32
      %get3A_2475 = arith.index_cast %add3A_2474 : i32 to index
      %get3A_2476 = tpu.vector_load %arg10[%get3A_2475] {strides = array<i32>} : memref<29472xf32, #tpu.memory_space<vmem>>, vector<16xf32>,
      %add3A_2477 = arith.constant 0 : i32
      %add3A_2478 = arith.addi %and3A_2438, %add3A_2477 : i32
      %get3A_2479 = arith.index_cast %add3A_2478 : i32 to index
      %get3A_2480 = tpu.vector_load %arg10[%get3A_2479] {strides = array<i32>} : memref<29472xf32, #tpu.memory_space<vmem>>, vector<16xf32>,
      %add3A_2481 = arith.addf %get3A_2476, %get3A_2480 : vector<16xf32>
      %add3A_2482 = arith.constant 0 : i32
      %add3A_2483 = arith.addi %shift_right_logical3A_2440, %add3A_2482 : i32
      %get3A_2484 = arith.index_cast %add3A_2483 : i32 to index
      %get3A_2485 = tpu.vector_load %arg10[%get3A_2484] {strides = array<i32>} : memref<29472xf32, #tpu.memory_space<vmem>>, vector<16xf32>,
      %add3A_2486 = arith.addf %add3A_2481, %get3A_2485 : vector<16xf32>
      %add3A_2487 = arith.constant 0 : i32
      %add3A_2488 = arith.addi %and3A_2442, %add3A_2487 : i32
      %get3A_2489 = arith.index_cast %add3A_2488 : i32 to index
      %get3A_2490 = tpu.vector_load %arg10[%get3A_2489] {strides = array<i32>} : memref<29472xf32, #tpu.memory_space<vmem>>, vector<16xf32>,
      %add3A_2491 = arith.addf %add3A_2486, %get3A_2490 : vector<16xf32>
      %add3A_2492 = arith.constant 48 : i32
      %add3A_2493 = arith.addi %add3A_2424, %add3A_2492 : i32
      %add3A_2494 = arith.constant 0 : i32
      %add3A_2495 = arith.addi %add3A_2493, %add3A_2494 : i32
      %swap3A_2496 = arith.index_cast %add3A_2495 : i32 to index
      %swap3A_2497 = tpu.vector_load %arg15[%swap3A_2496] {strides = array<i32>} : memref<8192xf32, #tpu.memory_space<vmem>>, vector<16xf32>,
      tpu.vector_store %arg15[%swap3A_2496], %add3A_2491 {strides = array<i32>} : memref<8192xf32, #tpu.memory_space<vmem>>, vector<16xf32>,
      %add3A_2498 = arith.constant 16 : i32
      %add3A_2499 = arith.addi %shift_right_logical3A_2436, %add3A_2498 : i32
      %get3A_2500 = arith.index_cast %add3A_2499 : i32 to index
      %get3A_2501 = tpu.vector_load %arg10[%get3A_2500] {strides = array<i32>} : memref<29472xf32, #tpu.memory_space<vmem>>, vector<16xf32>,
      %add3A_2502 = arith.constant 16 : i32
      %add3A_2503 = arith.addi %and3A_2438, %add3A_2502 : i32
      %get3A_2504 = arith.index_cast %add3A_2503 : i32 to index
      %get3A_2505 = tpu.vector_load %arg10[%get3A_2504] {strides = array<i32>} : memref<29472xf32, #tpu.memory_space<vmem>>, vector<16xf32>,
      %add3A_2506 = arith.addf %get3A_2501, %get3A_2505 : vector<16xf32>
      %add3A_2507 = arith.constant 16 : i32
      %add3A_2508 = arith.addi %shift_right_logical3A_2440, %add3A_2507 : i32
      %get3A_2509 = arith.index_cast %add3A_2508 : i32 to index
      %get3A_2510 = tpu.vector_load %arg10[%get3A_2509] {strides = array<i32>} : memref<29472xf32, #tpu.memory_space<vmem>>, vector<16xf32>,
      %add3A_2511 = arith.addf %add3A_2506, %get3A_2510 : vector<16xf32>
      %add3A_2512 = arith.constant 16 : i32
      %add3A_2513 = arith.addi %and3A_2442, %add3A_2512 : i32
      %get3A_2514 = arith.index_cast %add3A_2513 : i32 to index
      %get3A_2515 = tpu.vector_load %arg10[%get3A_2514] {strides = array<i32>} : memref<29472xf32, #tpu.memory_space<vmem>>, vector<16xf32>,
      %add3A_2516 = arith.addf %add3A_2511, %get3A_2515 : vector<16xf32>
      %add3A_2517 = arith.constant 48 : i32
      %add3A_2518 = arith.addi %add3A_2424, %add3A_2517 : i32
      %add3A_2519 = arith.constant 16 : i32
      %add3A_2520 = arith.addi %add3A_2518, %add3A_2519 : i32
      %swap3A_2521 = arith.index_cast %add3A_2520 : i32 to index
      %swap3A_2522 = tpu.vector_load %arg15[%swap3A_2521] {strides = array<i32>} : memref<8192xf32, #tpu.memory_space<vmem>>, vector<16xf32>,
      tpu.vector_store %arg15[%swap3A_2521], %add3A_2516 {strides = array<i32>} : memref<8192xf32, #tpu.memory_space<vmem>>, vector<16xf32>,
      %get3A_2523 = arith.index_cast %shift_right_logical3A_2444 : i32 to index
      %get3A_2524 = tpu.vector_load %arg11[%get3A_2523] {strides = array<i32>} : memref<4960xf32, #tpu.memory_space<vmem>>, vector<16xf32>,
      %add3A_2525 = arith.constant 72 : i32
      %add3A_2526 = arith.addi %add3A_2424, %add3A_2525 : i32
      %swap3A_2527 = arith.index_cast %add3A_2526 : i32 to index
      %swap3A_2528 = tpu.vector_load %arg15[%swap3A_2527] {strides = array<i32>} : memref<8192xf32, #tpu.memory_space<vmem>>, vector<16xf32>,
      tpu.vector_store %arg15[%swap3A_2527], %get3A_2524 {strides = array<i32>} : memref<8192xf32, #tpu.memory_space<vmem>>, vector<16xf32>,
      %get3A_2529 = arith.index_cast %and3A_2446 : i32 to index
      %get3A_2530 = tpu.vector_load %arg12[%get3A_2529] {strides = array<i32>} : memref<19200xf32, #tpu.memory_space<vmem>>, vector<16xf32>,
      %add3A_2531 = arith.constant 88 : i32
      %add3A_2532 = arith.addi %add3A_2424, %add3A_2531 : i32
      %swap3A_2533 = arith.index_cast %add3A_2532 : i32 to index
      %swap3A_2534 = tpu.vector_load %arg15[%swap3A_2533] {strides = array<i32>} : memref<8192xf32, #tpu.memory_space<vmem>>, vector<16xf32>,
      tpu.vector_store %arg15[%swap3A_2533], %get3A_2530 {strides = array<i32>} : memref<8192xf32, #tpu.memory_space<vmem>>, vector<16xf32>,
      %get3A_2535 = arith.index_cast %shift_right_logical3A_2448 : i32 to index
      %get3A_2536 = tpu.vector_load %arg13[%get3A_2535] {strides = array<i32>} : memref<304xf32, #tpu.memory_space<vmem>>, vector<16xf32>,
      %add3A_2537 = arith.constant 104 : i32
      %add3A_2538 = arith.addi %add3A_2424, %add3A_2537 : i32
      %swap3A_2539 = arith.index_cast %add3A_2538 : i32 to index
      %swap3A_2540 = tpu.vector_load %arg15[%swap3A_2539] {strides = array<i32>} : memref<8192xf32, #tpu.memory_space<vmem>>, vector<16xf32>,
      tpu.vector_store %arg15[%swap3A_2539], %get3A_2536 {strides = array<i32>} : memref<8192xf32, #tpu.memory_space<vmem>>, vector<16xf32>,
      %add3A_2541 = arith.constant 2560 : i32
      %add3A_2542 = arith.addi %mul3A_112, %add3A_2541 : i32
      %slice3A_2543 = vector.extract_strided_slice %get3A_2040 {offsets = [4], sizes = [1], strides = [1]} : vector<16xi32> to vector<1xi32>
      %squeeze3A_2544 = vector.extract %slice3A_2543[0] : i32 from vector<1xi32>
      %slice3A_2545 = vector.extract_strided_slice %get3A_2044 {offsets = [4], sizes = [1], strides = [1]} : vector<16xi32> to vector<1xi32>
      %squeeze3A_2546 = vector.extract %slice3A_2545[0] : i32 from vector<1xi32>
      %slice3A_2547 = vector.extract_strided_slice %get3A_2048 {offsets = [4], sizes = [1], strides = [1]} : vector<16xi32> to vector<1xi32>
      %squeeze3A_2548 = vector.extract %slice3A_2547[0] : i32 from vector<1xi32>
      %slice3A_2549 = vector.extract_strided_slice %get3A_2052 {offsets = [4], sizes = [1], strides = [1]} : vector<16xi32> to vector<1xi32>
      %squeeze3A_2550 = vector.extract %slice3A_2549[0] : i32 from vector<1xi32>
      %and3A_2551 = arith.constant 65535 : i32
      %and3A_2552 = arith.andi %squeeze3A_2544, %and3A_2551 : i32
      %shift_right_logical3A_2553 = arith.constant 16 : i32
      %shift_right_logical3A_2554 = arith.shrui %squeeze3A_2544, %shift_right_logical3A_2553 : i32
      %and3A_2555 = arith.constant 65535 : i32
      %and3A_2556 = arith.andi %squeeze3A_2546, %and3A_2555 : i32
      %shift_right_logical3A_2557 = arith.constant 16 : i32
      %shift_right_logical3A_2558 = arith.shrui %squeeze3A_2546, %shift_right_logical3A_2557 : i32
      %and3A_2559 = arith.constant 65535 : i32
      %and3A_2560 = arith.andi %squeeze3A_2548, %and3A_2559 : i32
      %shift_right_logical3A_2561 = arith.constant 16 : i32
      %shift_right_logical3A_2562 = arith.shrui %squeeze3A_2548, %shift_right_logical3A_2561 : i32
      %and3A_2563 = arith.constant 65535 : i32
      %and3A_2564 = arith.andi %squeeze3A_2550, %and3A_2563 : i32
      %shift_right_logical3A_2565 = arith.constant 16 : i32
      %shift_right_logical3A_2566 = arith.shrui %squeeze3A_2550, %shift_right_logical3A_2565 : i32
      %add3A_2567 = arith.constant 0 : i32
      %add3A_2568 = arith.addi %and3A_2552, %add3A_2567 : i32
      %get3A_2569 = arith.index_cast %add3A_2568 : i32 to index
      %get3A_2570 = tpu.vector_load %arg9[%get3A_2569] {strides = array<i32>} : memref<49200xf32, #tpu.memory_space<vmem>>, vector<16xf32>,
      %add3A_2571 = arith.constant 0 : i32
      %add3A_2572 = arith.addi %add3A_2542, %add3A_2571 : i32
      %swap3A_2573 = arith.index_cast %add3A_2572 : i32 to index
      %swap3A_2574 = tpu.vector_load %arg15[%swap3A_2573] {strides = array<i32>} : memref<8192xf32, #tpu.memory_space<vmem>>, vector<16xf32>,
      tpu.vector_store %arg15[%swap3A_2573], %get3A_2570 {strides = array<i32>} : memref<8192xf32, #tpu.memory_space<vmem>>, vector<16xf32>,
      %add3A_2575 = arith.constant 16 : i32
      %add3A_2576 = arith.addi %and3A_2552, %add3A_2575 : i32
      %get3A_2577 = arith.index_cast %add3A_2576 : i32 to index
      %get3A_2578 = tpu.vector_load %arg9[%get3A_2577] {strides = array<i32>} : memref<49200xf32, #tpu.memory_space<vmem>>, vector<16xf32>,
      %add3A_2579 = arith.constant 16 : i32
      %add3A_2580 = arith.addi %add3A_2542, %add3A_2579 : i32
      %swap3A_2581 = arith.index_cast %add3A_2580 : i32 to index
      %swap3A_2582 = tpu.vector_load %arg15[%swap3A_2581] {strides = array<i32>} : memref<8192xf32, #tpu.memory_space<vmem>>, vector<16xf32>,
      tpu.vector_store %arg15[%swap3A_2581], %get3A_2578 {strides = array<i32>} : memref<8192xf32, #tpu.memory_space<vmem>>, vector<16xf32>,
      %add3A_2583 = arith.constant 32 : i32
      %add3A_2584 = arith.addi %and3A_2552, %add3A_2583 : i32
      %get3A_2585 = arith.index_cast %add3A_2584 : i32 to index
      %get3A_2586 = tpu.vector_load %arg9[%get3A_2585] {strides = array<i32>} : memref<49200xf32, #tpu.memory_space<vmem>>, vector<16xf32>,
      %add3A_2587 = arith.constant 32 : i32
      %add3A_2588 = arith.addi %add3A_2542, %add3A_2587 : i32
      %swap3A_2589 = arith.index_cast %add3A_2588 : i32 to index
      %swap3A_2590 = tpu.vector_load %arg15[%swap3A_2589] {strides = array<i32>} : memref<8192xf32, #tpu.memory_space<vmem>>, vector<16xf32>,
      tpu.vector_store %arg15[%swap3A_2589], %get3A_2586 {strides = array<i32>} : memref<8192xf32, #tpu.memory_space<vmem>>, vector<16xf32>,
      %add3A_2591 = arith.constant 0 : i32
      %add3A_2592 = arith.addi %shift_right_logical3A_2554, %add3A_2591 : i32
      %get3A_2593 = arith.index_cast %add3A_2592 : i32 to index
      %get3A_2594 = tpu.vector_load %arg10[%get3A_2593] {strides = array<i32>} : memref<29472xf32, #tpu.memory_space<vmem>>, vector<16xf32>,
      %add3A_2595 = arith.constant 0 : i32
      %add3A_2596 = arith.addi %and3A_2556, %add3A_2595 : i32
      %get3A_2597 = arith.index_cast %add3A_2596 : i32 to index
      %get3A_2598 = tpu.vector_load %arg10[%get3A_2597] {strides = array<i32>} : memref<29472xf32, #tpu.memory_space<vmem>>, vector<16xf32>,
      %add3A_2599 = arith.addf %get3A_2594, %get3A_2598 : vector<16xf32>
      %add3A_2600 = arith.constant 0 : i32
      %add3A_2601 = arith.addi %shift_right_logical3A_2558, %add3A_2600 : i32
      %get3A_2602 = arith.index_cast %add3A_2601 : i32 to index
      %get3A_2603 = tpu.vector_load %arg10[%get3A_2602] {strides = array<i32>} : memref<29472xf32, #tpu.memory_space<vmem>>, vector<16xf32>,
      %add3A_2604 = arith.addf %add3A_2599, %get3A_2603 : vector<16xf32>
      %add3A_2605 = arith.constant 0 : i32
      %add3A_2606 = arith.addi %and3A_2560, %add3A_2605 : i32
      %get3A_2607 = arith.index_cast %add3A_2606 : i32 to index
      %get3A_2608 = tpu.vector_load %arg10[%get3A_2607] {strides = array<i32>} : memref<29472xf32, #tpu.memory_space<vmem>>, vector<16xf32>,
      %add3A_2609 = arith.addf %add3A_2604, %get3A_2608 : vector<16xf32>
      %add3A_2610 = arith.constant 48 : i32
      %add3A_2611 = arith.addi %add3A_2542, %add3A_2610 : i32
      %add3A_2612 = arith.constant 0 : i32
      %add3A_2613 = arith.addi %add3A_2611, %add3A_2612 : i32
      %swap3A_2614 = arith.index_cast %add3A_2613 : i32 to index
      %swap3A_2615 = tpu.vector_load %arg15[%swap3A_2614] {strides = array<i32>} : memref<8192xf32, #tpu.memory_space<vmem>>, vector<16xf32>,
      tpu.vector_store %arg15[%swap3A_2614], %add3A_2609 {strides = array<i32>} : memref<8192xf32, #tpu.memory_space<vmem>>, vector<16xf32>,
      %add3A_2616 = arith.constant 16 : i32
      %add3A_2617 = arith.addi %shift_right_logical3A_2554, %add3A_2616 : i32
      %get3A_2618 = arith.index_cast %add3A_2617 : i32 to index
      %get3A_2619 = tpu.vector_load %arg10[%get3A_2618] {strides = array<i32>} : memref<29472xf32, #tpu.memory_space<vmem>>, vector<16xf32>,
      %add3A_2620 = arith.constant 16 : i32
      %add3A_2621 = arith.addi %and3A_2556, %add3A_2620 : i32
      %get3A_2622 = arith.index_cast %add3A_2621 : i32 to index
      %get3A_2623 = tpu.vector_load %arg10[%get3A_2622] {strides = array<i32>} : memref<29472xf32, #tpu.memory_space<vmem>>, vector<16xf32>,
      %add3A_2624 = arith.addf %get3A_2619, %get3A_2623 : vector<16xf32>
      %add3A_2625 = arith.constant 16 : i32
      %add3A_2626 = arith.addi %shift_right_logical3A_2558, %add3A_2625 : i32
      %get3A_2627 = arith.index_cast %add3A_2626 : i32 to index
      %get3A_2628 = tpu.vector_load %arg10[%get3A_2627] {strides = array<i32>} : memref<29472xf32, #tpu.memory_space<vmem>>, vector<16xf32>,
      %add3A_2629 = arith.addf %add3A_2624, %get3A_2628 : vector<16xf32>
      %add3A_2630 = arith.constant 16 : i32
      %add3A_2631 = arith.addi %and3A_2560, %add3A_2630 : i32
      %get3A_2632 = arith.index_cast %add3A_2631 : i32 to index
      %get3A_2633 = tpu.vector_load %arg10[%get3A_2632] {strides = array<i32>} : memref<29472xf32, #tpu.memory_space<vmem>>, vector<16xf32>,
      %add3A_2634 = arith.addf %add3A_2629, %get3A_2633 : vector<16xf32>
      %add3A_2635 = arith.constant 48 : i32
      %add3A_2636 = arith.addi %add3A_2542, %add3A_2635 : i32
      %add3A_2637 = arith.constant 16 : i32
      %add3A_2638 = arith.addi %add3A_2636, %add3A_2637 : i32
      %swap3A_2639 = arith.index_cast %add3A_2638 : i32 to index
      %swap3A_2640 = tpu.vector_load %arg15[%swap3A_2639] {strides = array<i32>} : memref<8192xf32, #tpu.memory_space<vmem>>, vector<16xf32>,
      tpu.vector_store %arg15[%swap3A_2639], %add3A_2634 {strides = array<i32>} : memref<8192xf32, #tpu.memory_space<vmem>>, vector<16xf32>,
      %get3A_2641 = arith.index_cast %shift_right_logical3A_2562 : i32 to index
      %get3A_2642 = tpu.vector_load %arg11[%get3A_2641] {strides = array<i32>} : memref<4960xf32, #tpu.memory_space<vmem>>, vector<16xf32>,
      %add3A_2643 = arith.constant 72 : i32
      %add3A_2644 = arith.addi %add3A_2542, %add3A_2643 : i32
      %swap3A_2645 = arith.index_cast %add3A_2644 : i32 to index
      %swap3A_2646 = tpu.vector_load %arg15[%swap3A_2645] {strides = array<i32>} : memref<8192xf32, #tpu.memory_space<vmem>>, vector<16xf32>,
      tpu.vector_store %arg15[%swap3A_2645], %get3A_2642 {strides = array<i32>} : memref<8192xf32, #tpu.memory_space<vmem>>, vector<16xf32>,
      %get3A_2647 = arith.index_cast %and3A_2564 : i32 to index
      %get3A_2648 = tpu.vector_load %arg12[%get3A_2647] {strides = array<i32>} : memref<19200xf32, #tpu.memory_space<vmem>>, vector<16xf32>,
      %add3A_2649 = arith.constant 88 : i32
      %add3A_2650 = arith.addi %add3A_2542, %add3A_2649 : i32
      %swap3A_2651 = arith.index_cast %add3A_2650 : i32 to index
      %swap3A_2652 = tpu.vector_load %arg15[%swap3A_2651] {strides = array<i32>} : memref<8192xf32, #tpu.memory_space<vmem>>, vector<16xf32>,
      tpu.vector_store %arg15[%swap3A_2651], %get3A_2648 {strides = array<i32>} : memref<8192xf32, #tpu.memory_space<vmem>>, vector<16xf32>,
      %get3A_2653 = arith.index_cast %shift_right_logical3A_2566 : i32 to index
      %get3A_2654 = tpu.vector_load %arg13[%get3A_2653] {strides = array<i32>} : memref<304xf32, #tpu.memory_space<vmem>>, vector<16xf32>,
      %add3A_2655 = arith.constant 104 : i32
      %add3A_2656 = arith.addi %add3A_2542, %add3A_2655 : i32
      %swap3A_2657 = arith.index_cast %add3A_2656 : i32 to index
      %swap3A_2658 = tpu.vector_load %arg15[%swap3A_2657] {strides = array<i32>} : memref<8192xf32, #tpu.memory_space<vmem>>, vector<16xf32>,
      tpu.vector_store %arg15[%swap3A_2657], %get3A_2654 {strides = array<i32>} : memref<8192xf32, #tpu.memory_space<vmem>>, vector<16xf32>,
      %add3A_2659 = arith.constant 2688 : i32
      %add3A_2660 = arith.addi %mul3A_112, %add3A_2659 : i32
      %slice3A_2661 = vector.extract_strided_slice %get3A_2040 {offsets = [5], sizes = [1], strides = [1]} : vector<16xi32> to vector<1xi32>
      %squeeze3A_2662 = vector.extract %slice3A_2661[0] : i32 from vector<1xi32>
      %slice3A_2663 = vector.extract_strided_slice %get3A_2044 {offsets = [5], sizes = [1], strides = [1]} : vector<16xi32> to vector<1xi32>
      %squeeze3A_2664 = vector.extract %slice3A_2663[0] : i32 from vector<1xi32>
      %slice3A_2665 = vector.extract_strided_slice %get3A_2048 {offsets = [5], sizes = [1], strides = [1]} : vector<16xi32> to vector<1xi32>
      %squeeze3A_2666 = vector.extract %slice3A_2665[0] : i32 from vector<1xi32>
      %slice3A_2667 = vector.extract_strided_slice %get3A_2052 {offsets = [5], sizes = [1], strides = [1]} : vector<16xi32> to vector<1xi32>
      %squeeze3A_2668 = vector.extract %slice3A_2667[0] : i32 from vector<1xi32>
      %and3A_2669 = arith.constant 65535 : i32
      %and3A_2670 = arith.andi %squeeze3A_2662, %and3A_2669 : i32
      %shift_right_logical3A_2671 = arith.constant 16 : i32
      %shift_right_logical3A_2672 = arith.shrui %squeeze3A_2662, %shift_right_logical3A_2671 : i32
      %and3A_2673 = arith.constant 65535 : i32
      %and3A_2674 = arith.andi %squeeze3A_2664, %and3A_2673 : i32
      %shift_right_logical3A_2675 = arith.constant 16 : i32
      %shift_right_logical3A_2676 = arith.shrui %squeeze3A_2664, %shift_right_logical3A_2675 : i32
      %and3A_2677 = arith.constant 65535 : i32
      %and3A_2678 = arith.andi %squeeze3A_2666, %and3A_2677 : i32
      %shift_right_logical3A_2679 = arith.constant 16 : i32
      %shift_right_logical3A_2680 = arith.shrui %squeeze3A_2666, %shift_right_logical3A_2679 : i32
      %and3A_2681 = arith.constant 65535 : i32
      %and3A_2682 = arith.andi %squeeze3A_2668, %and3A_2681 : i32
      %shift_right_logical3A_2683 = arith.constant 16 : i32
      %shift_right_logical3A_2684 = arith.shrui %squeeze3A_2668, %shift_right_logical3A_2683 : i32
      %add3A_2685 = arith.constant 0 : i32
      %add3A_2686 = arith.addi %and3A_2670, %add3A_2685 : i32
      %get3A_2687 = arith.index_cast %add3A_2686 : i32 to index
      %get3A_2688 = tpu.vector_load %arg9[%get3A_2687] {strides = array<i32>} : memref<49200xf32, #tpu.memory_space<vmem>>, vector<16xf32>,
      %add3A_2689 = arith.constant 0 : i32
      %add3A_2690 = arith.addi %add3A_2660, %add3A_2689 : i32
      %swap3A_2691 = arith.index_cast %add3A_2690 : i32 to index
      %swap3A_2692 = tpu.vector_load %arg15[%swap3A_2691] {strides = array<i32>} : memref<8192xf32, #tpu.memory_space<vmem>>, vector<16xf32>,
      tpu.vector_store %arg15[%swap3A_2691], %get3A_2688 {strides = array<i32>} : memref<8192xf32, #tpu.memory_space<vmem>>, vector<16xf32>,
      %add3A_2693 = arith.constant 16 : i32
      %add3A_2694 = arith.addi %and3A_2670, %add3A_2693 : i32
      %get3A_2695 = arith.index_cast %add3A_2694 : i32 to index
      %get3A_2696 = tpu.vector_load %arg9[%get3A_2695] {strides = array<i32>} : memref<49200xf32, #tpu.memory_space<vmem>>, vector<16xf32>,
      %add3A_2697 = arith.constant 16 : i32
      %add3A_2698 = arith.addi %add3A_2660, %add3A_2697 : i32
      %swap3A_2699 = arith.index_cast %add3A_2698 : i32 to index
      %swap3A_2700 = tpu.vector_load %arg15[%swap3A_2699] {strides = array<i32>} : memref<8192xf32, #tpu.memory_space<vmem>>, vector<16xf32>,
      tpu.vector_store %arg15[%swap3A_2699], %get3A_2696 {strides = array<i32>} : memref<8192xf32, #tpu.memory_space<vmem>>, vector<16xf32>,
      %add3A_2701 = arith.constant 32 : i32
      %add3A_2702 = arith.addi %and3A_2670, %add3A_2701 : i32
      %get3A_2703 = arith.index_cast %add3A_2702 : i32 to index
      %get3A_2704 = tpu.vector_load %arg9[%get3A_2703] {strides = array<i32>} : memref<49200xf32, #tpu.memory_space<vmem>>, vector<16xf32>,
      %add3A_2705 = arith.constant 32 : i32
      %add3A_2706 = arith.addi %add3A_2660, %add3A_2705 : i32
      %swap3A_2707 = arith.index_cast %add3A_2706 : i32 to index
      %swap3A_2708 = tpu.vector_load %arg15[%swap3A_2707] {strides = array<i32>} : memref<8192xf32, #tpu.memory_space<vmem>>, vector<16xf32>,
      tpu.vector_store %arg15[%swap3A_2707], %get3A_2704 {strides = array<i32>} : memref<8192xf32, #tpu.memory_space<vmem>>, vector<16xf32>,
      %add3A_2709 = arith.constant 0 : i32
      %add3A_2710 = arith.addi %shift_right_logical3A_2672, %add3A_2709 : i32
      %get3A_2711 = arith.index_cast %add3A_2710 : i32 to index
      %get3A_2712 = tpu.vector_load %arg10[%get3A_2711] {strides = array<i32>} : memref<29472xf32, #tpu.memory_space<vmem>>, vector<16xf32>,
      %add3A_2713 = arith.constant 0 : i32
      %add3A_2714 = arith.addi %and3A_2674, %add3A_2713 : i32
      %get3A_2715 = arith.index_cast %add3A_2714 : i32 to index
      %get3A_2716 = tpu.vector_load %arg10[%get3A_2715] {strides = array<i32>} : memref<29472xf32, #tpu.memory_space<vmem>>, vector<16xf32>,
      %add3A_2717 = arith.addf %get3A_2712, %get3A_2716 : vector<16xf32>
      %add3A_2718 = arith.constant 0 : i32
      %add3A_2719 = arith.addi %shift_right_logical3A_2676, %add3A_2718 : i32
      %get3A_2720 = arith.index_cast %add3A_2719 : i32 to index
      %get3A_2721 = tpu.vector_load %arg10[%get3A_2720] {strides = array<i32>} : memref<29472xf32, #tpu.memory_space<vmem>>, vector<16xf32>,
      %add3A_2722 = arith.addf %add3A_2717, %get3A_2721 : vector<16xf32>
      %add3A_2723 = arith.constant 0 : i32
      %add3A_2724 = arith.addi %and3A_2678, %add3A_2723 : i32
      %get3A_2725 = arith.index_cast %add3A_2724 : i32 to index
      %get3A_2726 = tpu.vector_load %arg10[%get3A_2725] {strides = array<i32>} : memref<29472xf32, #tpu.memory_space<vmem>>, vector<16xf32>,
      %add3A_2727 = arith.addf %add3A_2722, %get3A_2726 : vector<16xf32>
      %add3A_2728 = arith.constant 48 : i32
      %add3A_2729 = arith.addi %add3A_2660, %add3A_2728 : i32
      %add3A_2730 = arith.constant 0 : i32
      %add3A_2731 = arith.addi %add3A_2729, %add3A_2730 : i32
      %swap3A_2732 = arith.index_cast %add3A_2731 : i32 to index
      %swap3A_2733 = tpu.vector_load %arg15[%swap3A_2732] {strides = array<i32>} : memref<8192xf32, #tpu.memory_space<vmem>>, vector<16xf32>,
      tpu.vector_store %arg15[%swap3A_2732], %add3A_2727 {strides = array<i32>} : memref<8192xf32, #tpu.memory_space<vmem>>, vector<16xf32>,
      %add3A_2734 = arith.constant 16 : i32
      %add3A_2735 = arith.addi %shift_right_logical3A_2672, %add3A_2734 : i32
      %get3A_2736 = arith.index_cast %add3A_2735 : i32 to index
      %get3A_2737 = tpu.vector_load %arg10[%get3A_2736] {strides = array<i32>} : memref<29472xf32, #tpu.memory_space<vmem>>, vector<16xf32>,
      %add3A_2738 = arith.constant 16 : i32
      %add3A_2739 = arith.addi %and3A_2674, %add3A_2738 : i32
      %get3A_2740 = arith.index_cast %add3A_2739 : i32 to index
      %get3A_2741 = tpu.vector_load %arg10[%get3A_2740] {strides = array<i32>} : memref<29472xf32, #tpu.memory_space<vmem>>, vector<16xf32>,
      %add3A_2742 = arith.addf %get3A_2737, %get3A_2741 : vector<16xf32>
      %add3A_2743 = arith.constant 16 : i32
      %add3A_2744 = arith.addi %shift_right_logical3A_2676, %add3A_2743 : i32
      %get3A_2745 = arith.index_cast %add3A_2744 : i32 to index
      %get3A_2746 = tpu.vector_load %arg10[%get3A_2745] {strides = array<i32>} : memref<29472xf32, #tpu.memory_space<vmem>>, vector<16xf32>,
      %add3A_2747 = arith.addf %add3A_2742, %get3A_2746 : vector<16xf32>
      %add3A_2748 = arith.constant 16 : i32
      %add3A_2749 = arith.addi %and3A_2678, %add3A_2748 : i32
      %get3A_2750 = arith.index_cast %add3A_2749 : i32 to index
      %get3A_2751 = tpu.vector_load %arg10[%get3A_2750] {strides = array<i32>} : memref<29472xf32, #tpu.memory_space<vmem>>, vector<16xf32>,
      %add3A_2752 = arith.addf %add3A_2747, %get3A_2751 : vector<16xf32>
      %add3A_2753 = arith.constant 48 : i32
      %add3A_2754 = arith.addi %add3A_2660, %add3A_2753 : i32
      %add3A_2755 = arith.constant 16 : i32
      %add3A_2756 = arith.addi %add3A_2754, %add3A_2755 : i32
      %swap3A_2757 = arith.index_cast %add3A_2756 : i32 to index
      %swap3A_2758 = tpu.vector_load %arg15[%swap3A_2757] {strides = array<i32>} : memref<8192xf32, #tpu.memory_space<vmem>>, vector<16xf32>,
      tpu.vector_store %arg15[%swap3A_2757], %add3A_2752 {strides = array<i32>} : memref<8192xf32, #tpu.memory_space<vmem>>, vector<16xf32>,
      %get3A_2759 = arith.index_cast %shift_right_logical3A_2680 : i32 to index
      %get3A_2760 = tpu.vector_load %arg11[%get3A_2759] {strides = array<i32>} : memref<4960xf32, #tpu.memory_space<vmem>>, vector<16xf32>,
      %add3A_2761 = arith.constant 72 : i32
      %add3A_2762 = arith.addi %add3A_2660, %add3A_2761 : i32
      %swap3A_2763 = arith.index_cast %add3A_2762 : i32 to index
      %swap3A_2764 = tpu.vector_load %arg15[%swap3A_2763] {strides = array<i32>} : memref<8192xf32, #tpu.memory_space<vmem>>, vector<16xf32>,
      tpu.vector_store %arg15[%swap3A_2763], %get3A_2760 {strides = array<i32>} : memref<8192xf32, #tpu.memory_space<vmem>>, vector<16xf32>,
      %get3A_2765 = arith.index_cast %and3A_2682 : i32 to index
      %get3A_2766 = tpu.vector_load %arg12[%get3A_2765] {strides = array<i32>} : memref<19200xf32, #tpu.memory_space<vmem>>, vector<16xf32>,
      %add3A_2767 = arith.constant 88 : i32
      %add3A_2768 = arith.addi %add3A_2660, %add3A_2767 : i32
      %swap3A_2769 = arith.index_cast %add3A_2768 : i32 to index
      %swap3A_2770 = tpu.vector_load %arg15[%swap3A_2769] {strides = array<i32>} : memref<8192xf32, #tpu.memory_space<vmem>>, vector<16xf32>,
      tpu.vector_store %arg15[%swap3A_2769], %get3A_2766 {strides = array<i32>} : memref<8192xf32, #tpu.memory_space<vmem>>, vector<16xf32>,
      %get3A_2771 = arith.index_cast %shift_right_logical3A_2684 : i32 to index
      %get3A_2772 = tpu.vector_load %arg13[%get3A_2771] {strides = array<i32>} : memref<304xf32, #tpu.memory_space<vmem>>, vector<16xf32>,
      %add3A_2773 = arith.constant 104 : i32
      %add3A_2774 = arith.addi %add3A_2660, %add3A_2773 : i32
      %swap3A_2775 = arith.index_cast %add3A_2774 : i32 to index
      %swap3A_2776 = tpu.vector_load %arg15[%swap3A_2775] {strides = array<i32>} : memref<8192xf32, #tpu.memory_space<vmem>>, vector<16xf32>,
      tpu.vector_store %arg15[%swap3A_2775], %get3A_2772 {strides = array<i32>} : memref<8192xf32, #tpu.memory_space<vmem>>, vector<16xf32>,
      %add3A_2777 = arith.constant 2816 : i32
      %add3A_2778 = arith.addi %mul3A_112, %add3A_2777 : i32
      %slice3A_2779 = vector.extract_strided_slice %get3A_2040 {offsets = [6], sizes = [1], strides = [1]} : vector<16xi32> to vector<1xi32>
      %squeeze3A_2780 = vector.extract %slice3A_2779[0] : i32 from vector<1xi32>
      %slice3A_2781 = vector.extract_strided_slice %get3A_2044 {offsets = [6], sizes = [1], strides = [1]} : vector<16xi32> to vector<1xi32>
      %squeeze3A_2782 = vector.extract %slice3A_2781[0] : i32 from vector<1xi32>
      %slice3A_2783 = vector.extract_strided_slice %get3A_2048 {offsets = [6], sizes = [1], strides = [1]} : vector<16xi32> to vector<1xi32>
      %squeeze3A_2784 = vector.extract %slice3A_2783[0] : i32 from vector<1xi32>
      %slice3A_2785 = vector.extract_strided_slice %get3A_2052 {offsets = [6], sizes = [1], strides = [1]} : vector<16xi32> to vector<1xi32>
      %squeeze3A_2786 = vector.extract %slice3A_2785[0] : i32 from vector<1xi32>
      %and3A_2787 = arith.constant 65535 : i32
      %and3A_2788 = arith.andi %squeeze3A_2780, %and3A_2787 : i32
      %shift_right_logical3A_2789 = arith.constant 16 : i32
      %shift_right_logical3A_2790 = arith.shrui %squeeze3A_2780, %shift_right_logical3A_2789 : i32
      %and3A_2791 = arith.constant 65535 : i32
      %and3A_2792 = arith.andi %squeeze3A_2782, %and3A_2791 : i32
      %shift_right_logical3A_2793 = arith.constant 16 : i32
      %shift_right_logical3A_2794 = arith.shrui %squeeze3A_2782, %shift_right_logical3A_2793 : i32
      %and3A_2795 = arith.constant 65535 : i32
      %and3A_2796 = arith.andi %squeeze3A_2784, %and3A_2795 : i32
      %shift_right_logical3A_2797 = arith.constant 16 : i32
      %shift_right_logical3A_2798 = arith.shrui %squeeze3A_2784, %shift_right_logical3A_2797 : i32
      %and3A_2799 = arith.constant 65535 : i32
      %and3A_2800 = arith.andi %squeeze3A_2786, %and3A_2799 : i32
      %shift_right_logical3A_2801 = arith.constant 16 : i32
      %shift_right_logical3A_2802 = arith.shrui %squeeze3A_2786, %shift_right_logical3A_2801 : i32
      %add3A_2803 = arith.constant 0 : i32
      %add3A_2804 = arith.addi %and3A_2788, %add3A_2803 : i32
      %get3A_2805 = arith.index_cast %add3A_2804 : i32 to index
      %get3A_2806 = tpu.vector_load %arg9[%get3A_2805] {strides = array<i32>} : memref<49200xf32, #tpu.memory_space<vmem>>, vector<16xf32>,
      %add3A_2807 = arith.constant 0 : i32
      %add3A_2808 = arith.addi %add3A_2778, %add3A_2807 : i32
      %swap3A_2809 = arith.index_cast %add3A_2808 : i32 to index
      %swap3A_2810 = tpu.vector_load %arg15[%swap3A_2809] {strides = array<i32>} : memref<8192xf32, #tpu.memory_space<vmem>>, vector<16xf32>,
      tpu.vector_store %arg15[%swap3A_2809], %get3A_2806 {strides = array<i32>} : memref<8192xf32, #tpu.memory_space<vmem>>, vector<16xf32>,
      %add3A_2811 = arith.constant 16 : i32
      %add3A_2812 = arith.addi %and3A_2788, %add3A_2811 : i32
      %get3A_2813 = arith.index_cast %add3A_2812 : i32 to index
      %get3A_2814 = tpu.vector_load %arg9[%get3A_2813] {strides = array<i32>} : memref<49200xf32, #tpu.memory_space<vmem>>, vector<16xf32>,
      %add3A_2815 = arith.constant 16 : i32
      %add3A_2816 = arith.addi %add3A_2778, %add3A_2815 : i32
      %swap3A_2817 = arith.index_cast %add3A_2816 : i32 to index
      %swap3A_2818 = tpu.vector_load %arg15[%swap3A_2817] {strides = array<i32>} : memref<8192xf32, #tpu.memory_space<vmem>>, vector<16xf32>,
      tpu.vector_store %arg15[%swap3A_2817], %get3A_2814 {strides = array<i32>} : memref<8192xf32, #tpu.memory_space<vmem>>, vector<16xf32>,
      %add3A_2819 = arith.constant 32 : i32
      %add3A_2820 = arith.addi %and3A_2788, %add3A_2819 : i32
      %get3A_2821 = arith.index_cast %add3A_2820 : i32 to index
      %get3A_2822 = tpu.vector_load %arg9[%get3A_2821] {strides = array<i32>} : memref<49200xf32, #tpu.memory_space<vmem>>, vector<16xf32>,
      %add3A_2823 = arith.constant 32 : i32
      %add3A_2824 = arith.addi %add3A_2778, %add3A_2823 : i32
      %swap3A_2825 = arith.index_cast %add3A_2824 : i32 to index
      %swap3A_2826 = tpu.vector_load %arg15[%swap3A_2825] {strides = array<i32>} : memref<8192xf32, #tpu.memory_space<vmem>>, vector<16xf32>,
      tpu.vector_store %arg15[%swap3A_2825], %get3A_2822 {strides = array<i32>} : memref<8192xf32, #tpu.memory_space<vmem>>, vector<16xf32>,
      %add3A_2827 = arith.constant 0 : i32
      %add3A_2828 = arith.addi %shift_right_logical3A_2790, %add3A_2827 : i32
      %get3A_2829 = arith.index_cast %add3A_2828 : i32 to index
      %get3A_2830 = tpu.vector_load %arg10[%get3A_2829] {strides = array<i32>} : memref<29472xf32, #tpu.memory_space<vmem>>, vector<16xf32>,
      %add3A_2831 = arith.constant 0 : i32
      %add3A_2832 = arith.addi %and3A_2792, %add3A_2831 : i32
      %get3A_2833 = arith.index_cast %add3A_2832 : i32 to index
      %get3A_2834 = tpu.vector_load %arg10[%get3A_2833] {strides = array<i32>} : memref<29472xf32, #tpu.memory_space<vmem>>, vector<16xf32>,
      %add3A_2835 = arith.addf %get3A_2830, %get3A_2834 : vector<16xf32>
      %add3A_2836 = arith.constant 0 : i32
      %add3A_2837 = arith.addi %shift_right_logical3A_2794, %add3A_2836 : i32
      %get3A_2838 = arith.index_cast %add3A_2837 : i32 to index
      %get3A_2839 = tpu.vector_load %arg10[%get3A_2838] {strides = array<i32>} : memref<29472xf32, #tpu.memory_space<vmem>>, vector<16xf32>,
      %add3A_2840 = arith.addf %add3A_2835, %get3A_2839 : vector<16xf32>
      %add3A_2841 = arith.constant 0 : i32
      %add3A_2842 = arith.addi %and3A_2796, %add3A_2841 : i32
      %get3A_2843 = arith.index_cast %add3A_2842 : i32 to index
      %get3A_2844 = tpu.vector_load %arg10[%get3A_2843] {strides = array<i32>} : memref<29472xf32, #tpu.memory_space<vmem>>, vector<16xf32>,
      %add3A_2845 = arith.addf %add3A_2840, %get3A_2844 : vector<16xf32>
      %add3A_2846 = arith.constant 48 : i32
      %add3A_2847 = arith.addi %add3A_2778, %add3A_2846 : i32
      %add3A_2848 = arith.constant 0 : i32
      %add3A_2849 = arith.addi %add3A_2847, %add3A_2848 : i32
      %swap3A_2850 = arith.index_cast %add3A_2849 : i32 to index
      %swap3A_2851 = tpu.vector_load %arg15[%swap3A_2850] {strides = array<i32>} : memref<8192xf32, #tpu.memory_space<vmem>>, vector<16xf32>,
      tpu.vector_store %arg15[%swap3A_2850], %add3A_2845 {strides = array<i32>} : memref<8192xf32, #tpu.memory_space<vmem>>, vector<16xf32>,
      %add3A_2852 = arith.constant 16 : i32
      %add3A_2853 = arith.addi %shift_right_logical3A_2790, %add3A_2852 : i32
      %get3A_2854 = arith.index_cast %add3A_2853 : i32 to index
      %get3A_2855 = tpu.vector_load %arg10[%get3A_2854] {strides = array<i32>} : memref<29472xf32, #tpu.memory_space<vmem>>, vector<16xf32>,
      %add3A_2856 = arith.constant 16 : i32
      %add3A_2857 = arith.addi %and3A_2792, %add3A_2856 : i32
      %get3A_2858 = arith.index_cast %add3A_2857 : i32 to index
      %get3A_2859 = tpu.vector_load %arg10[%get3A_2858] {strides = array<i32>} : memref<29472xf32, #tpu.memory_space<vmem>>, vector<16xf32>,
      %add3A_2860 = arith.addf %get3A_2855, %get3A_2859 : vector<16xf32>
      %add3A_2861 = arith.constant 16 : i32
      %add3A_2862 = arith.addi %shift_right_logical3A_2794, %add3A_2861 : i32
      %get3A_2863 = arith.index_cast %add3A_2862 : i32 to index
      %get3A_2864 = tpu.vector_load %arg10[%get3A_2863] {strides = array<i32>} : memref<29472xf32, #tpu.memory_space<vmem>>, vector<16xf32>,
      %add3A_2865 = arith.addf %add3A_2860, %get3A_2864 : vector<16xf32>
      %add3A_2866 = arith.constant 16 : i32
      %add3A_2867 = arith.addi %and3A_2796, %add3A_2866 : i32
      %get3A_2868 = arith.index_cast %add3A_2867 : i32 to index
      %get3A_2869 = tpu.vector_load %arg10[%get3A_2868] {strides = array<i32>} : memref<29472xf32, #tpu.memory_space<vmem>>, vector<16xf32>,
      %add3A_2870 = arith.addf %add3A_2865, %get3A_2869 : vector<16xf32>
      %add3A_2871 = arith.constant 48 : i32
      %add3A_2872 = arith.addi %add3A_2778, %add3A_2871 : i32
      %add3A_2873 = arith.constant 16 : i32
      %add3A_2874 = arith.addi %add3A_2872, %add3A_2873 : i32
      %swap3A_2875 = arith.index_cast %add3A_2874 : i32 to index
      %swap3A_2876 = tpu.vector_load %arg15[%swap3A_2875] {strides = array<i32>} : memref<8192xf32, #tpu.memory_space<vmem>>, vector<16xf32>,
      tpu.vector_store %arg15[%swap3A_2875], %add3A_2870 {strides = array<i32>} : memref<8192xf32, #tpu.memory_space<vmem>>, vector<16xf32>,
      %get3A_2877 = arith.index_cast %shift_right_logical3A_2798 : i32 to index
      %get3A_2878 = tpu.vector_load %arg11[%get3A_2877] {strides = array<i32>} : memref<4960xf32, #tpu.memory_space<vmem>>, vector<16xf32>,
      %add3A_2879 = arith.constant 72 : i32
      %add3A_2880 = arith.addi %add3A_2778, %add3A_2879 : i32
      %swap3A_2881 = arith.index_cast %add3A_2880 : i32 to index
      %swap3A_2882 = tpu.vector_load %arg15[%swap3A_2881] {strides = array<i32>} : memref<8192xf32, #tpu.memory_space<vmem>>, vector<16xf32>,
      tpu.vector_store %arg15[%swap3A_2881], %get3A_2878 {strides = array<i32>} : memref<8192xf32, #tpu.memory_space<vmem>>, vector<16xf32>,
      %get3A_2883 = arith.index_cast %and3A_2800 : i32 to index
      %get3A_2884 = tpu.vector_load %arg12[%get3A_2883] {strides = array<i32>} : memref<19200xf32, #tpu.memory_space<vmem>>, vector<16xf32>,
      %add3A_2885 = arith.constant 88 : i32
      %add3A_2886 = arith.addi %add3A_2778, %add3A_2885 : i32
      %swap3A_2887 = arith.index_cast %add3A_2886 : i32 to index
      %swap3A_2888 = tpu.vector_load %arg15[%swap3A_2887] {strides = array<i32>} : memref<8192xf32, #tpu.memory_space<vmem>>, vector<16xf32>,
      tpu.vector_store %arg15[%swap3A_2887], %get3A_2884 {strides = array<i32>} : memref<8192xf32, #tpu.memory_space<vmem>>, vector<16xf32>,
      %get3A_2889 = arith.index_cast %shift_right_logical3A_2802 : i32 to index
      %get3A_2890 = tpu.vector_load %arg13[%get3A_2889] {strides = array<i32>} : memref<304xf32, #tpu.memory_space<vmem>>, vector<16xf32>,
      %add3A_2891 = arith.constant 104 : i32
      %add3A_2892 = arith.addi %add3A_2778, %add3A_2891 : i32
      %swap3A_2893 = arith.index_cast %add3A_2892 : i32 to index
      %swap3A_2894 = tpu.vector_load %arg15[%swap3A_2893] {strides = array<i32>} : memref<8192xf32, #tpu.memory_space<vmem>>, vector<16xf32>,
      tpu.vector_store %arg15[%swap3A_2893], %get3A_2890 {strides = array<i32>} : memref<8192xf32, #tpu.memory_space<vmem>>, vector<16xf32>,
      %add3A_2895 = arith.constant 2944 : i32
      %add3A_2896 = arith.addi %mul3A_112, %add3A_2895 : i32
      %slice3A_2897 = vector.extract_strided_slice %get3A_2040 {offsets = [7], sizes = [1], strides = [1]} : vector<16xi32> to vector<1xi32>
      %squeeze3A_2898 = vector.extract %slice3A_2897[0] : i32 from vector<1xi32>
      %slice3A_2899 = vector.extract_strided_slice %get3A_2044 {offsets = [7], sizes = [1], strides = [1]} : vector<16xi32> to vector<1xi32>
      %squeeze3A_2900 = vector.extract %slice3A_2899[0] : i32 from vector<1xi32>
      %slice3A_2901 = vector.extract_strided_slice %get3A_2048 {offsets = [7], sizes = [1], strides = [1]} : vector<16xi32> to vector<1xi32>
      %squeeze3A_2902 = vector.extract %slice3A_2901[0] : i32 from vector<1xi32>
      %slice3A_2903 = vector.extract_strided_slice %get3A_2052 {offsets = [7], sizes = [1], strides = [1]} : vector<16xi32> to vector<1xi32>
      %squeeze3A_2904 = vector.extract %slice3A_2903[0] : i32 from vector<1xi32>
      %and3A_2905 = arith.constant 65535 : i32
      %and3A_2906 = arith.andi %squeeze3A_2898, %and3A_2905 : i32
      %shift_right_logical3A_2907 = arith.constant 16 : i32
      %shift_right_logical3A_2908 = arith.shrui %squeeze3A_2898, %shift_right_logical3A_2907 : i32
      %and3A_2909 = arith.constant 65535 : i32
      %and3A_2910 = arith.andi %squeeze3A_2900, %and3A_2909 : i32
      %shift_right_logical3A_2911 = arith.constant 16 : i32
      %shift_right_logical3A_2912 = arith.shrui %squeeze3A_2900, %shift_right_logical3A_2911 : i32
      %and3A_2913 = arith.constant 65535 : i32
      %and3A_2914 = arith.andi %squeeze3A_2902, %and3A_2913 : i32
      %shift_right_logical3A_2915 = arith.constant 16 : i32
      %shift_right_logical3A_2916 = arith.shrui %squeeze3A_2902, %shift_right_logical3A_2915 : i32
      %and3A_2917 = arith.constant 65535 : i32
      %and3A_2918 = arith.andi %squeeze3A_2904, %and3A_2917 : i32
      %shift_right_logical3A_2919 = arith.constant 16 : i32
      %shift_right_logical3A_2920 = arith.shrui %squeeze3A_2904, %shift_right_logical3A_2919 : i32
      %add3A_2921 = arith.constant 0 : i32
      %add3A_2922 = arith.addi %and3A_2906, %add3A_2921 : i32
      %get3A_2923 = arith.index_cast %add3A_2922 : i32 to index
      %get3A_2924 = tpu.vector_load %arg9[%get3A_2923] {strides = array<i32>} : memref<49200xf32, #tpu.memory_space<vmem>>, vector<16xf32>,
      %add3A_2925 = arith.constant 0 : i32
      %add3A_2926 = arith.addi %add3A_2896, %add3A_2925 : i32
      %swap3A_2927 = arith.index_cast %add3A_2926 : i32 to index
      %swap3A_2928 = tpu.vector_load %arg15[%swap3A_2927] {strides = array<i32>} : memref<8192xf32, #tpu.memory_space<vmem>>, vector<16xf32>,
      tpu.vector_store %arg15[%swap3A_2927], %get3A_2924 {strides = array<i32>} : memref<8192xf32, #tpu.memory_space<vmem>>, vector<16xf32>,
      %add3A_2929 = arith.constant 16 : i32
      %add3A_2930 = arith.addi %and3A_2906, %add3A_2929 : i32
      %get3A_2931 = arith.index_cast %add3A_2930 : i32 to index
      %get3A_2932 = tpu.vector_load %arg9[%get3A_2931] {strides = array<i32>} : memref<49200xf32, #tpu.memory_space<vmem>>, vector<16xf32>,
      %add3A_2933 = arith.constant 16 : i32
      %add3A_2934 = arith.addi %add3A_2896, %add3A_2933 : i32
      %swap3A_2935 = arith.index_cast %add3A_2934 : i32 to index
      %swap3A_2936 = tpu.vector_load %arg15[%swap3A_2935] {strides = array<i32>} : memref<8192xf32, #tpu.memory_space<vmem>>, vector<16xf32>,
      tpu.vector_store %arg15[%swap3A_2935], %get3A_2932 {strides = array<i32>} : memref<8192xf32, #tpu.memory_space<vmem>>, vector<16xf32>,
      %add3A_2937 = arith.constant 32 : i32
      %add3A_2938 = arith.addi %and3A_2906, %add3A_2937 : i32
      %get3A_2939 = arith.index_cast %add3A_2938 : i32 to index
      %get3A_2940 = tpu.vector_load %arg9[%get3A_2939] {strides = array<i32>} : memref<49200xf32, #tpu.memory_space<vmem>>, vector<16xf32>,
      %add3A_2941 = arith.constant 32 : i32
      %add3A_2942 = arith.addi %add3A_2896, %add3A_2941 : i32
      %swap3A_2943 = arith.index_cast %add3A_2942 : i32 to index
      %swap3A_2944 = tpu.vector_load %arg15[%swap3A_2943] {strides = array<i32>} : memref<8192xf32, #tpu.memory_space<vmem>>, vector<16xf32>,
      tpu.vector_store %arg15[%swap3A_2943], %get3A_2940 {strides = array<i32>} : memref<8192xf32, #tpu.memory_space<vmem>>, vector<16xf32>,
      %add3A_2945 = arith.constant 0 : i32
      %add3A_2946 = arith.addi %shift_right_logical3A_2908, %add3A_2945 : i32
      %get3A_2947 = arith.index_cast %add3A_2946 : i32 to index
      %get3A_2948 = tpu.vector_load %arg10[%get3A_2947] {strides = array<i32>} : memref<29472xf32, #tpu.memory_space<vmem>>, vector<16xf32>,
      %add3A_2949 = arith.constant 0 : i32
      %add3A_2950 = arith.addi %and3A_2910, %add3A_2949 : i32
      %get3A_2951 = arith.index_cast %add3A_2950 : i32 to index
      %get3A_2952 = tpu.vector_load %arg10[%get3A_2951] {strides = array<i32>} : memref<29472xf32, #tpu.memory_space<vmem>>, vector<16xf32>,
      %add3A_2953 = arith.addf %get3A_2948, %get3A_2952 : vector<16xf32>
      %add3A_2954 = arith.constant 0 : i32
      %add3A_2955 = arith.addi %shift_right_logical3A_2912, %add3A_2954 : i32
      %get3A_2956 = arith.index_cast %add3A_2955 : i32 to index
      %get3A_2957 = tpu.vector_load %arg10[%get3A_2956] {strides = array<i32>} : memref<29472xf32, #tpu.memory_space<vmem>>, vector<16xf32>,
      %add3A_2958 = arith.addf %add3A_2953, %get3A_2957 : vector<16xf32>
      %add3A_2959 = arith.constant 0 : i32
      %add3A_2960 = arith.addi %and3A_2914, %add3A_2959 : i32
      %get3A_2961 = arith.index_cast %add3A_2960 : i32 to index
      %get3A_2962 = tpu.vector_load %arg10[%get3A_2961] {strides = array<i32>} : memref<29472xf32, #tpu.memory_space<vmem>>, vector<16xf32>,
      %add3A_2963 = arith.addf %add3A_2958, %get3A_2962 : vector<16xf32>
      %add3A_2964 = arith.constant 48 : i32
      %add3A_2965 = arith.addi %add3A_2896, %add3A_2964 : i32
      %add3A_2966 = arith.constant 0 : i32
      %add3A_2967 = arith.addi %add3A_2965, %add3A_2966 : i32
      %swap3A_2968 = arith.index_cast %add3A_2967 : i32 to index
      %swap3A_2969 = tpu.vector_load %arg15[%swap3A_2968] {strides = array<i32>} : memref<8192xf32, #tpu.memory_space<vmem>>, vector<16xf32>,
      tpu.vector_store %arg15[%swap3A_2968], %add3A_2963 {strides = array<i32>} : memref<8192xf32, #tpu.memory_space<vmem>>, vector<16xf32>,
      %add3A_2970 = arith.constant 16 : i32
      %add3A_2971 = arith.addi %shift_right_logical3A_2908, %add3A_2970 : i32
      %get3A_2972 = arith.index_cast %add3A_2971 : i32 to index
      %get3A_2973 = tpu.vector_load %arg10[%get3A_2972] {strides = array<i32>} : memref<29472xf32, #tpu.memory_space<vmem>>, vector<16xf32>,
      %add3A_2974 = arith.constant 16 : i32
      %add3A_2975 = arith.addi %and3A_2910, %add3A_2974 : i32
      %get3A_2976 = arith.index_cast %add3A_2975 : i32 to index
      %get3A_2977 = tpu.vector_load %arg10[%get3A_2976] {strides = array<i32>} : memref<29472xf32, #tpu.memory_space<vmem>>, vector<16xf32>,
      %add3A_2978 = arith.addf %get3A_2973, %get3A_2977 : vector<16xf32>
      %add3A_2979 = arith.constant 16 : i32
      %add3A_2980 = arith.addi %shift_right_logical3A_2912, %add3A_2979 : i32
      %get3A_2981 = arith.index_cast %add3A_2980 : i32 to index
      %get3A_2982 = tpu.vector_load %arg10[%get3A_2981] {strides = array<i32>} : memref<29472xf32, #tpu.memory_space<vmem>>, vector<16xf32>,
      %add3A_2983 = arith.addf %add3A_2978, %get3A_2982 : vector<16xf32>
      %add3A_2984 = arith.constant 16 : i32
      %add3A_2985 = arith.addi %and3A_2914, %add3A_2984 : i32
      %get3A_2986 = arith.index_cast %add3A_2985 : i32 to index
      %get3A_2987 = tpu.vector_load %arg10[%get3A_2986] {strides = array<i32>} : memref<29472xf32, #tpu.memory_space<vmem>>, vector<16xf32>,
      %add3A_2988 = arith.addf %add3A_2983, %get3A_2987 : vector<16xf32>
      %add3A_2989 = arith.constant 48 : i32
      %add3A_2990 = arith.addi %add3A_2896, %add3A_2989 : i32
      %add3A_2991 = arith.constant 16 : i32
      %add3A_2992 = arith.addi %add3A_2990, %add3A_2991 : i32
      %swap3A_2993 = arith.index_cast %add3A_2992 : i32 to index
      %swap3A_2994 = tpu.vector_load %arg15[%swap3A_2993] {strides = array<i32>} : memref<8192xf32, #tpu.memory_space<vmem>>, vector<16xf32>,
      tpu.vector_store %arg15[%swap3A_2993], %add3A_2988 {strides = array<i32>} : memref<8192xf32, #tpu.memory_space<vmem>>, vector<16xf32>,
      %get3A_2995 = arith.index_cast %shift_right_logical3A_2916 : i32 to index
      %get3A_2996 = tpu.vector_load %arg11[%get3A_2995] {strides = array<i32>} : memref<4960xf32, #tpu.memory_space<vmem>>, vector<16xf32>,
      %add3A_2997 = arith.constant 72 : i32
      %add3A_2998 = arith.addi %add3A_2896, %add3A_2997 : i32
      %swap3A_2999 = arith.index_cast %add3A_2998 : i32 to index
      %swap3A_3000 = tpu.vector_load %arg15[%swap3A_2999] {strides = array<i32>} : memref<8192xf32, #tpu.memory_space<vmem>>, vector<16xf32>,
      tpu.vector_store %arg15[%swap3A_2999], %get3A_2996 {strides = array<i32>} : memref<8192xf32, #tpu.memory_space<vmem>>, vector<16xf32>,
      %get3A_3001 = arith.index_cast %and3A_2918 : i32 to index
      %get3A_3002 = tpu.vector_load %arg12[%get3A_3001] {strides = array<i32>} : memref<19200xf32, #tpu.memory_space<vmem>>, vector<16xf32>,
      %add3A_3003 = arith.constant 88 : i32
      %add3A_3004 = arith.addi %add3A_2896, %add3A_3003 : i32
      %swap3A_3005 = arith.index_cast %add3A_3004 : i32 to index
      %swap3A_3006 = tpu.vector_load %arg15[%swap3A_3005] {strides = array<i32>} : memref<8192xf32, #tpu.memory_space<vmem>>, vector<16xf32>,
      tpu.vector_store %arg15[%swap3A_3005], %get3A_3002 {strides = array<i32>} : memref<8192xf32, #tpu.memory_space<vmem>>, vector<16xf32>,
      %get3A_3007 = arith.index_cast %shift_right_logical3A_2920 : i32 to index
      %get3A_3008 = tpu.vector_load %arg13[%get3A_3007] {strides = array<i32>} : memref<304xf32, #tpu.memory_space<vmem>>, vector<16xf32>,
      %add3A_3009 = arith.constant 104 : i32
      %add3A_3010 = arith.addi %add3A_2896, %add3A_3009 : i32
      %swap3A_3011 = arith.index_cast %add3A_3010 : i32 to index
      %swap3A_3012 = tpu.vector_load %arg15[%swap3A_3011] {strides = array<i32>} : memref<8192xf32, #tpu.memory_space<vmem>>, vector<16xf32>,
      tpu.vector_store %arg15[%swap3A_3011], %get3A_3008 {strides = array<i32>} : memref<8192xf32, #tpu.memory_space<vmem>>, vector<16xf32>,
      %add3A_3013 = arith.constant 3072 : i32
      %add3A_3014 = arith.addi %mul3A_112, %add3A_3013 : i32
      %slice3A_3015 = vector.extract_strided_slice %get3A_2040 {offsets = [8], sizes = [1], strides = [1]} : vector<16xi32> to vector<1xi32>
      %squeeze3A_3016 = vector.extract %slice3A_3015[0] : i32 from vector<1xi32>
      %slice3A_3017 = vector.extract_strided_slice %get3A_2044 {offsets = [8], sizes = [1], strides = [1]} : vector<16xi32> to vector<1xi32>
      %squeeze3A_3018 = vector.extract %slice3A_3017[0] : i32 from vector<1xi32>
      %slice3A_3019 = vector.extract_strided_slice %get3A_2048 {offsets = [8], sizes = [1], strides = [1]} : vector<16xi32> to vector<1xi32>
      %squeeze3A_3020 = vector.extract %slice3A_3019[0] : i32 from vector<1xi32>
      %slice3A_3021 = vector.extract_strided_slice %get3A_2052 {offsets = [8], sizes = [1], strides = [1]} : vector<16xi32> to vector<1xi32>
      %squeeze3A_3022 = vector.extract %slice3A_3021[0] : i32 from vector<1xi32>
      %and3A_3023 = arith.constant 65535 : i32
      %and3A_3024 = arith.andi %squeeze3A_3016, %and3A_3023 : i32
      %shift_right_logical3A_3025 = arith.constant 16 : i32
      %shift_right_logical3A_3026 = arith.shrui %squeeze3A_3016, %shift_right_logical3A_3025 : i32
      %and3A_3027 = arith.constant 65535 : i32
      %and3A_3028 = arith.andi %squeeze3A_3018, %and3A_3027 : i32
      %shift_right_logical3A_3029 = arith.constant 16 : i32
      %shift_right_logical3A_3030 = arith.shrui %squeeze3A_3018, %shift_right_logical3A_3029 : i32
      %and3A_3031 = arith.constant 65535 : i32
      %and3A_3032 = arith.andi %squeeze3A_3020, %and3A_3031 : i32
      %shift_right_logical3A_3033 = arith.constant 16 : i32
      %shift_right_logical3A_3034 = arith.shrui %squeeze3A_3020, %shift_right_logical3A_3033 : i32
      %and3A_3035 = arith.constant 65535 : i32
      %and3A_3036 = arith.andi %squeeze3A_3022, %and3A_3035 : i32
      %shift_right_logical3A_3037 = arith.constant 16 : i32
      %shift_right_logical3A_3038 = arith.shrui %squeeze3A_3022, %shift_right_logical3A_3037 : i32
      %add3A_3039 = arith.constant 0 : i32
      %add3A_3040 = arith.addi %and3A_3024, %add3A_3039 : i32
      %get3A_3041 = arith.index_cast %add3A_3040 : i32 to index
      %get3A_3042 = tpu.vector_load %arg9[%get3A_3041] {strides = array<i32>} : memref<49200xf32, #tpu.memory_space<vmem>>, vector<16xf32>,
      %add3A_3043 = arith.constant 0 : i32
      %add3A_3044 = arith.addi %add3A_3014, %add3A_3043 : i32
      %swap3A_3045 = arith.index_cast %add3A_3044 : i32 to index
      %swap3A_3046 = tpu.vector_load %arg15[%swap3A_3045] {strides = array<i32>} : memref<8192xf32, #tpu.memory_space<vmem>>, vector<16xf32>,
      tpu.vector_store %arg15[%swap3A_3045], %get3A_3042 {strides = array<i32>} : memref<8192xf32, #tpu.memory_space<vmem>>, vector<16xf32>,
      %add3A_3047 = arith.constant 16 : i32
      %add3A_3048 = arith.addi %and3A_3024, %add3A_3047 : i32
      %get3A_3049 = arith.index_cast %add3A_3048 : i32 to index
      %get3A_3050 = tpu.vector_load %arg9[%get3A_3049] {strides = array<i32>} : memref<49200xf32, #tpu.memory_space<vmem>>, vector<16xf32>,
      %add3A_3051 = arith.constant 16 : i32
      %add3A_3052 = arith.addi %add3A_3014, %add3A_3051 : i32
      %swap3A_3053 = arith.index_cast %add3A_3052 : i32 to index
      %swap3A_3054 = tpu.vector_load %arg15[%swap3A_3053] {strides = array<i32>} : memref<8192xf32, #tpu.memory_space<vmem>>, vector<16xf32>,
      tpu.vector_store %arg15[%swap3A_3053], %get3A_3050 {strides = array<i32>} : memref<8192xf32, #tpu.memory_space<vmem>>, vector<16xf32>,
      %add3A_3055 = arith.constant 32 : i32
      %add3A_3056 = arith.addi %and3A_3024, %add3A_3055 : i32
      %get3A_3057 = arith.index_cast %add3A_3056 : i32 to index
      %get3A_3058 = tpu.vector_load %arg9[%get3A_3057] {strides = array<i32>} : memref<49200xf32, #tpu.memory_space<vmem>>, vector<16xf32>,
      %add3A_3059 = arith.constant 32 : i32
      %add3A_3060 = arith.addi %add3A_3014, %add3A_3059 : i32
      %swap3A_3061 = arith.index_cast %add3A_3060 : i32 to index
      %swap3A_3062 = tpu.vector_load %arg15[%swap3A_3061] {strides = array<i32>} : memref<8192xf32, #tpu.memory_space<vmem>>, vector<16xf32>,
      tpu.vector_store %arg15[%swap3A_3061], %get3A_3058 {strides = array<i32>} : memref<8192xf32, #tpu.memory_space<vmem>>, vector<16xf32>,
      %add3A_3063 = arith.constant 0 : i32
      %add3A_3064 = arith.addi %shift_right_logical3A_3026, %add3A_3063 : i32
      %get3A_3065 = arith.index_cast %add3A_3064 : i32 to index
      %get3A_3066 = tpu.vector_load %arg10[%get3A_3065] {strides = array<i32>} : memref<29472xf32, #tpu.memory_space<vmem>>, vector<16xf32>,
      %add3A_3067 = arith.constant 0 : i32
      %add3A_3068 = arith.addi %and3A_3028, %add3A_3067 : i32
      %get3A_3069 = arith.index_cast %add3A_3068 : i32 to index
      %get3A_3070 = tpu.vector_load %arg10[%get3A_3069] {strides = array<i32>} : memref<29472xf32, #tpu.memory_space<vmem>>, vector<16xf32>,
      %add3A_3071 = arith.addf %get3A_3066, %get3A_3070 : vector<16xf32>
      %add3A_3072 = arith.constant 0 : i32
      %add3A_3073 = arith.addi %shift_right_logical3A_3030, %add3A_3072 : i32
      %get3A_3074 = arith.index_cast %add3A_3073 : i32 to index
      %get3A_3075 = tpu.vector_load %arg10[%get3A_3074] {strides = array<i32>} : memref<29472xf32, #tpu.memory_space<vmem>>, vector<16xf32>,
      %add3A_3076 = arith.addf %add3A_3071, %get3A_3075 : vector<16xf32>
      %add3A_3077 = arith.constant 0 : i32
      %add3A_3078 = arith.addi %and3A_3032, %add3A_3077 : i32
      %get3A_3079 = arith.index_cast %add3A_3078 : i32 to index
      %get3A_3080 = tpu.vector_load %arg10[%get3A_3079] {strides = array<i32>} : memref<29472xf32, #tpu.memory_space<vmem>>, vector<16xf32>,
      %add3A_3081 = arith.addf %add3A_3076, %get3A_3080 : vector<16xf32>
      %add3A_3082 = arith.constant 48 : i32
      %add3A_3083 = arith.addi %add3A_3014, %add3A_3082 : i32
      %add3A_3084 = arith.constant 0 : i32
      %add3A_3085 = arith.addi %add3A_3083, %add3A_3084 : i32
      %swap3A_3086 = arith.index_cast %add3A_3085 : i32 to index
      %swap3A_3087 = tpu.vector_load %arg15[%swap3A_3086] {strides = array<i32>} : memref<8192xf32, #tpu.memory_space<vmem>>, vector<16xf32>,
      tpu.vector_store %arg15[%swap3A_3086], %add3A_3081 {strides = array<i32>} : memref<8192xf32, #tpu.memory_space<vmem>>, vector<16xf32>,
      %add3A_3088 = arith.constant 16 : i32
      %add3A_3089 = arith.addi %shift_right_logical3A_3026, %add3A_3088 : i32
      %get3A_3090 = arith.index_cast %add3A_3089 : i32 to index
      %get3A_3091 = tpu.vector_load %arg10[%get3A_3090] {strides = array<i32>} : memref<29472xf32, #tpu.memory_space<vmem>>, vector<16xf32>,
      %add3A_3092 = arith.constant 16 : i32
      %add3A_3093 = arith.addi %and3A_3028, %add3A_3092 : i32
      %get3A_3094 = arith.index_cast %add3A_3093 : i32 to index
      %get3A_3095 = tpu.vector_load %arg10[%get3A_3094] {strides = array<i32>} : memref<29472xf32, #tpu.memory_space<vmem>>, vector<16xf32>,
      %add3A_3096 = arith.addf %get3A_3091, %get3A_3095 : vector<16xf32>
      %add3A_3097 = arith.constant 16 : i32
      %add3A_3098 = arith.addi %shift_right_logical3A_3030, %add3A_3097 : i32
      %get3A_3099 = arith.index_cast %add3A_3098 : i32 to index
      %get3A_3100 = tpu.vector_load %arg10[%get3A_3099] {strides = array<i32>} : memref<29472xf32, #tpu.memory_space<vmem>>, vector<16xf32>,
      %add3A_3101 = arith.addf %add3A_3096, %get3A_3100 : vector<16xf32>
      %add3A_3102 = arith.constant 16 : i32
      %add3A_3103 = arith.addi %and3A_3032, %add3A_3102 : i32
      %get3A_3104 = arith.index_cast %add3A_3103 : i32 to index
      %get3A_3105 = tpu.vector_load %arg10[%get3A_3104] {strides = array<i32>} : memref<29472xf32, #tpu.memory_space<vmem>>, vector<16xf32>,
      %add3A_3106 = arith.addf %add3A_3101, %get3A_3105 : vector<16xf32>
      %add3A_3107 = arith.constant 48 : i32
      %add3A_3108 = arith.addi %add3A_3014, %add3A_3107 : i32
      %add3A_3109 = arith.constant 16 : i32
      %add3A_3110 = arith.addi %add3A_3108, %add3A_3109 : i32
      %swap3A_3111 = arith.index_cast %add3A_3110 : i32 to index
      %swap3A_3112 = tpu.vector_load %arg15[%swap3A_3111] {strides = array<i32>} : memref<8192xf32, #tpu.memory_space<vmem>>, vector<16xf32>,
      tpu.vector_store %arg15[%swap3A_3111], %add3A_3106 {strides = array<i32>} : memref<8192xf32, #tpu.memory_space<vmem>>, vector<16xf32>,
      %get3A_3113 = arith.index_cast %shift_right_logical3A_3034 : i32 to index
      %get3A_3114 = tpu.vector_load %arg11[%get3A_3113] {strides = array<i32>} : memref<4960xf32, #tpu.memory_space<vmem>>, vector<16xf32>,
      %add3A_3115 = arith.constant 72 : i32
      %add3A_3116 = arith.addi %add3A_3014, %add3A_3115 : i32
      %swap3A_3117 = arith.index_cast %add3A_3116 : i32 to index
      %swap3A_3118 = tpu.vector_load %arg15[%swap3A_3117] {strides = array<i32>} : memref<8192xf32, #tpu.memory_space<vmem>>, vector<16xf32>,
      tpu.vector_store %arg15[%swap3A_3117], %get3A_3114 {strides = array<i32>} : memref<8192xf32, #tpu.memory_space<vmem>>, vector<16xf32>,
      %get3A_3119 = arith.index_cast %and3A_3036 : i32 to index
      %get3A_3120 = tpu.vector_load %arg12[%get3A_3119] {strides = array<i32>} : memref<19200xf32, #tpu.memory_space<vmem>>, vector<16xf32>,
      %add3A_3121 = arith.constant 88 : i32
      %add3A_3122 = arith.addi %add3A_3014, %add3A_3121 : i32
      %swap3A_3123 = arith.index_cast %add3A_3122 : i32 to index
      %swap3A_3124 = tpu.vector_load %arg15[%swap3A_3123] {strides = array<i32>} : memref<8192xf32, #tpu.memory_space<vmem>>, vector<16xf32>,
      tpu.vector_store %arg15[%swap3A_3123], %get3A_3120 {strides = array<i32>} : memref<8192xf32, #tpu.memory_space<vmem>>, vector<16xf32>,
      %get3A_3125 = arith.index_cast %shift_right_logical3A_3038 : i32 to index
      %get3A_3126 = tpu.vector_load %arg13[%get3A_3125] {strides = array<i32>} : memref<304xf32, #tpu.memory_space<vmem>>, vector<16xf32>,
      %add3A_3127 = arith.constant 104 : i32
      %add3A_3128 = arith.addi %add3A_3014, %add3A_3127 : i32
      %swap3A_3129 = arith.index_cast %add3A_3128 : i32 to index
      %swap3A_3130 = tpu.vector_load %arg15[%swap3A_3129] {strides = array<i32>} : memref<8192xf32, #tpu.memory_space<vmem>>, vector<16xf32>,
      tpu.vector_store %arg15[%swap3A_3129], %get3A_3126 {strides = array<i32>} : memref<8192xf32, #tpu.memory_space<vmem>>, vector<16xf32>,
      %add3A_3131 = arith.constant 3200 : i32
      %add3A_3132 = arith.addi %mul3A_112, %add3A_3131 : i32
      %slice3A_3133 = vector.extract_strided_slice %get3A_2040 {offsets = [9], sizes = [1], strides = [1]} : vector<16xi32> to vector<1xi32>
      %squeeze3A_3134 = vector.extract %slice3A_3133[0] : i32 from vector<1xi32>
      %slice3A_3135 = vector.extract_strided_slice %get3A_2044 {offsets = [9], sizes = [1], strides = [1]} : vector<16xi32> to vector<1xi32>
      %squeeze3A_3136 = vector.extract %slice3A_3135[0] : i32 from vector<1xi32>
      %slice3A_3137 = vector.extract_strided_slice %get3A_2048 {offsets = [9], sizes = [1], strides = [1]} : vector<16xi32> to vector<1xi32>
      %squeeze3A_3138 = vector.extract %slice3A_3137[0] : i32 from vector<1xi32>
      %slice3A_3139 = vector.extract_strided_slice %get3A_2052 {offsets = [9], sizes = [1], strides = [1]} : vector<16xi32> to vector<1xi32>
      %squeeze3A_3140 = vector.extract %slice3A_3139[0] : i32 from vector<1xi32>
      %and3A_3141 = arith.constant 65535 : i32
      %and3A_3142 = arith.andi %squeeze3A_3134, %and3A_3141 : i32
      %shift_right_logical3A_3143 = arith.constant 16 : i32
      %shift_right_logical3A_3144 = arith.shrui %squeeze3A_3134, %shift_right_logical3A_3143 : i32
      %and3A_3145 = arith.constant 65535 : i32
      %and3A_3146 = arith.andi %squeeze3A_3136, %and3A_3145 : i32
      %shift_right_logical3A_3147 = arith.constant 16 : i32
      %shift_right_logical3A_3148 = arith.shrui %squeeze3A_3136, %shift_right_logical3A_3147 : i32
      %and3A_3149 = arith.constant 65535 : i32
      %and3A_3150 = arith.andi %squeeze3A_3138, %and3A_3149 : i32
      %shift_right_logical3A_3151 = arith.constant 16 : i32
      %shift_right_logical3A_3152 = arith.shrui %squeeze3A_3138, %shift_right_logical3A_3151 : i32
      %and3A_3153 = arith.constant 65535 : i32
      %and3A_3154 = arith.andi %squeeze3A_3140, %and3A_3153 : i32
      %shift_right_logical3A_3155 = arith.constant 16 : i32
      %shift_right_logical3A_3156 = arith.shrui %squeeze3A_3140, %shift_right_logical3A_3155 : i32
      %add3A_3157 = arith.constant 0 : i32
      %add3A_3158 = arith.addi %and3A_3142, %add3A_3157 : i32
      %get3A_3159 = arith.index_cast %add3A_3158 : i32 to index
      %get3A_3160 = tpu.vector_load %arg9[%get3A_3159] {strides = array<i32>} : memref<49200xf32, #tpu.memory_space<vmem>>, vector<16xf32>,
      %add3A_3161 = arith.constant 0 : i32
      %add3A_3162 = arith.addi %add3A_3132, %add3A_3161 : i32
      %swap3A_3163 = arith.index_cast %add3A_3162 : i32 to index
      %swap3A_3164 = tpu.vector_load %arg15[%swap3A_3163] {strides = array<i32>} : memref<8192xf32, #tpu.memory_space<vmem>>, vector<16xf32>,
      tpu.vector_store %arg15[%swap3A_3163], %get3A_3160 {strides = array<i32>} : memref<8192xf32, #tpu.memory_space<vmem>>, vector<16xf32>,
      %add3A_3165 = arith.constant 16 : i32
      %add3A_3166 = arith.addi %and3A_3142, %add3A_3165 : i32
      %get3A_3167 = arith.index_cast %add3A_3166 : i32 to index
      %get3A_3168 = tpu.vector_load %arg9[%get3A_3167] {strides = array<i32>} : memref<49200xf32, #tpu.memory_space<vmem>>, vector<16xf32>,
      %add3A_3169 = arith.constant 16 : i32
      %add3A_3170 = arith.addi %add3A_3132, %add3A_3169 : i32
      %swap3A_3171 = arith.index_cast %add3A_3170 : i32 to index
      %swap3A_3172 = tpu.vector_load %arg15[%swap3A_3171] {strides = array<i32>} : memref<8192xf32, #tpu.memory_space<vmem>>, vector<16xf32>,
      tpu.vector_store %arg15[%swap3A_3171], %get3A_3168 {strides = array<i32>} : memref<8192xf32, #tpu.memory_space<vmem>>, vector<16xf32>,
      %add3A_3173 = arith.constant 32 : i32
      %add3A_3174 = arith.addi %and3A_3142, %add3A_3173 : i32
      %get3A_3175 = arith.index_cast %add3A_3174 : i32 to index
      %get3A_3176 = tpu.vector_load %arg9[%get3A_3175] {strides = array<i32>} : memref<49200xf32, #tpu.memory_space<vmem>>, vector<16xf32>,
      %add3A_3177 = arith.constant 32 : i32
      %add3A_3178 = arith.addi %add3A_3132, %add3A_3177 : i32
      %swap3A_3179 = arith.index_cast %add3A_3178 : i32 to index
      %swap3A_3180 = tpu.vector_load %arg15[%swap3A_3179] {strides = array<i32>} : memref<8192xf32, #tpu.memory_space<vmem>>, vector<16xf32>,
      tpu.vector_store %arg15[%swap3A_3179], %get3A_3176 {strides = array<i32>} : memref<8192xf32, #tpu.memory_space<vmem>>, vector<16xf32>,
      %add3A_3181 = arith.constant 0 : i32
      %add3A_3182 = arith.addi %shift_right_logical3A_3144, %add3A_3181 : i32
      %get3A_3183 = arith.index_cast %add3A_3182 : i32 to index
      %get3A_3184 = tpu.vector_load %arg10[%get3A_3183] {strides = array<i32>} : memref<29472xf32, #tpu.memory_space<vmem>>, vector<16xf32>,
      %add3A_3185 = arith.constant 0 : i32
      %add3A_3186 = arith.addi %and3A_3146, %add3A_3185 : i32
      %get3A_3187 = arith.index_cast %add3A_3186 : i32 to index
      %get3A_3188 = tpu.vector_load %arg10[%get3A_3187] {strides = array<i32>} : memref<29472xf32, #tpu.memory_space<vmem>>, vector<16xf32>,
      %add3A_3189 = arith.addf %get3A_3184, %get3A_3188 : vector<16xf32>
      %add3A_3190 = arith.constant 0 : i32
      %add3A_3191 = arith.addi %shift_right_logical3A_3148, %add3A_3190 : i32
      %get3A_3192 = arith.index_cast %add3A_3191 : i32 to index
      %get3A_3193 = tpu.vector_load %arg10[%get3A_3192] {strides = array<i32>} : memref<29472xf32, #tpu.memory_space<vmem>>, vector<16xf32>,
      %add3A_3194 = arith.addf %add3A_3189, %get3A_3193 : vector<16xf32>
      %add3A_3195 = arith.constant 0 : i32
      %add3A_3196 = arith.addi %and3A_3150, %add3A_3195 : i32
      %get3A_3197 = arith.index_cast %add3A_3196 : i32 to index
      %get3A_3198 = tpu.vector_load %arg10[%get3A_3197] {strides = array<i32>} : memref<29472xf32, #tpu.memory_space<vmem>>, vector<16xf32>,
      %add3A_3199 = arith.addf %add3A_3194, %get3A_3198 : vector<16xf32>
      %add3A_3200 = arith.constant 48 : i32
      %add3A_3201 = arith.addi %add3A_3132, %add3A_3200 : i32
      %add3A_3202 = arith.constant 0 : i32
      %add3A_3203 = arith.addi %add3A_3201, %add3A_3202 : i32
      %swap3A_3204 = arith.index_cast %add3A_3203 : i32 to index
      %swap3A_3205 = tpu.vector_load %arg15[%swap3A_3204] {strides = array<i32>} : memref<8192xf32, #tpu.memory_space<vmem>>, vector<16xf32>,
      tpu.vector_store %arg15[%swap3A_3204], %add3A_3199 {strides = array<i32>} : memref<8192xf32, #tpu.memory_space<vmem>>, vector<16xf32>,
      %add3A_3206 = arith.constant 16 : i32
      %add3A_3207 = arith.addi %shift_right_logical3A_3144, %add3A_3206 : i32
      %get3A_3208 = arith.index_cast %add3A_3207 : i32 to index
      %get3A_3209 = tpu.vector_load %arg10[%get3A_3208] {strides = array<i32>} : memref<29472xf32, #tpu.memory_space<vmem>>, vector<16xf32>,
      %add3A_3210 = arith.constant 16 : i32
      %add3A_3211 = arith.addi %and3A_3146, %add3A_3210 : i32
      %get3A_3212 = arith.index_cast %add3A_3211 : i32 to index
      %get3A_3213 = tpu.vector_load %arg10[%get3A_3212] {strides = array<i32>} : memref<29472xf32, #tpu.memory_space<vmem>>, vector<16xf32>,
      %add3A_3214 = arith.addf %get3A_3209, %get3A_3213 : vector<16xf32>
      %add3A_3215 = arith.constant 16 : i32
      %add3A_3216 = arith.addi %shift_right_logical3A_3148, %add3A_3215 : i32
      %get3A_3217 = arith.index_cast %add3A_3216 : i32 to index
      %get3A_3218 = tpu.vector_load %arg10[%get3A_3217] {strides = array<i32>} : memref<29472xf32, #tpu.memory_space<vmem>>, vector<16xf32>,
      %add3A_3219 = arith.addf %add3A_3214, %get3A_3218 : vector<16xf32>
      %add3A_3220 = arith.constant 16 : i32
      %add3A_3221 = arith.addi %and3A_3150, %add3A_3220 : i32
      %get3A_3222 = arith.index_cast %add3A_3221 : i32 to index
      %get3A_3223 = tpu.vector_load %arg10[%get3A_3222] {strides = array<i32>} : memref<29472xf32, #tpu.memory_space<vmem>>, vector<16xf32>,
      %add3A_3224 = arith.addf %add3A_3219, %get3A_3223 : vector<16xf32>
      %add3A_3225 = arith.constant 48 : i32
      %add3A_3226 = arith.addi %add3A_3132, %add3A_3225 : i32
      %add3A_3227 = arith.constant 16 : i32
      %add3A_3228 = arith.addi %add3A_3226, %add3A_3227 : i32
      %swap3A_3229 = arith.index_cast %add3A_3228 : i32 to index
      %swap3A_3230 = tpu.vector_load %arg15[%swap3A_3229] {strides = array<i32>} : memref<8192xf32, #tpu.memory_space<vmem>>, vector<16xf32>,
      tpu.vector_store %arg15[%swap3A_3229], %add3A_3224 {strides = array<i32>} : memref<8192xf32, #tpu.memory_space<vmem>>, vector<16xf32>,
      %get3A_3231 = arith.index_cast %shift_right_logical3A_3152 : i32 to index
      %get3A_3232 = tpu.vector_load %arg11[%get3A_3231] {strides = array<i32>} : memref<4960xf32, #tpu.memory_space<vmem>>, vector<16xf32>,
      %add3A_3233 = arith.constant 72 : i32
      %add3A_3234 = arith.addi %add3A_3132, %add3A_3233 : i32
      %swap3A_3235 = arith.index_cast %add3A_3234 : i32 to index
      %swap3A_3236 = tpu.vector_load %arg15[%swap3A_3235] {strides = array<i32>} : memref<8192xf32, #tpu.memory_space<vmem>>, vector<16xf32>,
      tpu.vector_store %arg15[%swap3A_3235], %get3A_3232 {strides = array<i32>} : memref<8192xf32, #tpu.memory_space<vmem>>, vector<16xf32>,
      %get3A_3237 = arith.index_cast %and3A_3154 : i32 to index
      %get3A_3238 = tpu.vector_load %arg12[%get3A_3237] {strides = array<i32>} : memref<19200xf32, #tpu.memory_space<vmem>>, vector<16xf32>,
      %add3A_3239 = arith.constant 88 : i32
      %add3A_3240 = arith.addi %add3A_3132, %add3A_3239 : i32
      %swap3A_3241 = arith.index_cast %add3A_3240 : i32 to index
      %swap3A_3242 = tpu.vector_load %arg15[%swap3A_3241] {strides = array<i32>} : memref<8192xf32, #tpu.memory_space<vmem>>, vector<16xf32>,
      tpu.vector_store %arg15[%swap3A_3241], %get3A_3238 {strides = array<i32>} : memref<8192xf32, #tpu.memory_space<vmem>>, vector<16xf32>,
      %get3A_3243 = arith.index_cast %shift_right_logical3A_3156 : i32 to index
      %get3A_3244 = tpu.vector_load %arg13[%get3A_3243] {strides = array<i32>} : memref<304xf32, #tpu.memory_space<vmem>>, vector<16xf32>,
      %add3A_3245 = arith.constant 104 : i32
      %add3A_3246 = arith.addi %add3A_3132, %add3A_3245 : i32
      %swap3A_3247 = arith.index_cast %add3A_3246 : i32 to index
      %swap3A_3248 = tpu.vector_load %arg15[%swap3A_3247] {strides = array<i32>} : memref<8192xf32, #tpu.memory_space<vmem>>, vector<16xf32>,
      tpu.vector_store %arg15[%swap3A_3247], %get3A_3244 {strides = array<i32>} : memref<8192xf32, #tpu.memory_space<vmem>>, vector<16xf32>,
      %add3A_3249 = arith.constant 3328 : i32
      %add3A_3250 = arith.addi %mul3A_112, %add3A_3249 : i32
      %slice3A_3251 = vector.extract_strided_slice %get3A_2040 {offsets = [10], sizes = [1], strides = [1]} : vector<16xi32> to vector<1xi32>
      %squeeze3A_3252 = vector.extract %slice3A_3251[0] : i32 from vector<1xi32>
      %slice3A_3253 = vector.extract_strided_slice %get3A_2044 {offsets = [10], sizes = [1], strides = [1]} : vector<16xi32> to vector<1xi32>
      %squeeze3A_3254 = vector.extract %slice3A_3253[0] : i32 from vector<1xi32>
      %slice3A_3255 = vector.extract_strided_slice %get3A_2048 {offsets = [10], sizes = [1], strides = [1]} : vector<16xi32> to vector<1xi32>
      %squeeze3A_3256 = vector.extract %slice3A_3255[0] : i32 from vector<1xi32>
      %slice3A_3257 = vector.extract_strided_slice %get3A_2052 {offsets = [10], sizes = [1], strides = [1]} : vector<16xi32> to vector<1xi32>
      %squeeze3A_3258 = vector.extract %slice3A_3257[0] : i32 from vector<1xi32>
      %and3A_3259 = arith.constant 65535 : i32
      %and3A_3260 = arith.andi %squeeze3A_3252, %and3A_3259 : i32
      %shift_right_logical3A_3261 = arith.constant 16 : i32
      %shift_right_logical3A_3262 = arith.shrui %squeeze3A_3252, %shift_right_logical3A_3261 : i32
      %and3A_3263 = arith.constant 65535 : i32
      %and3A_3264 = arith.andi %squeeze3A_3254, %and3A_3263 : i32
      %shift_right_logical3A_3265 = arith.constant 16 : i32
      %shift_right_logical3A_3266 = arith.shrui %squeeze3A_3254, %shift_right_logical3A_3265 : i32
      %and3A_3267 = arith.constant 65535 : i32
      %and3A_3268 = arith.andi %squeeze3A_3256, %and3A_3267 : i32
      %shift_right_logical3A_3269 = arith.constant 16 : i32
      %shift_right_logical3A_3270 = arith.shrui %squeeze3A_3256, %shift_right_logical3A_3269 : i32
      %and3A_3271 = arith.constant 65535 : i32
      %and3A_3272 = arith.andi %squeeze3A_3258, %and3A_3271 : i32
      %shift_right_logical3A_3273 = arith.constant 16 : i32
      %shift_right_logical3A_3274 = arith.shrui %squeeze3A_3258, %shift_right_logical3A_3273 : i32
      %add3A_3275 = arith.constant 0 : i32
      %add3A_3276 = arith.addi %and3A_3260, %add3A_3275 : i32
      %get3A_3277 = arith.index_cast %add3A_3276 : i32 to index
      %get3A_3278 = tpu.vector_load %arg9[%get3A_3277] {strides = array<i32>} : memref<49200xf32, #tpu.memory_space<vmem>>, vector<16xf32>,
      %add3A_3279 = arith.constant 0 : i32
      %add3A_3280 = arith.addi %add3A_3250, %add3A_3279 : i32
      %swap3A_3281 = arith.index_cast %add3A_3280 : i32 to index
      %swap3A_3282 = tpu.vector_load %arg15[%swap3A_3281] {strides = array<i32>} : memref<8192xf32, #tpu.memory_space<vmem>>, vector<16xf32>,
      tpu.vector_store %arg15[%swap3A_3281], %get3A_3278 {strides = array<i32>} : memref<8192xf32, #tpu.memory_space<vmem>>, vector<16xf32>,
      %add3A_3283 = arith.constant 16 : i32
      %add3A_3284 = arith.addi %and3A_3260, %add3A_3283 : i32
      %get3A_3285 = arith.index_cast %add3A_3284 : i32 to index
      %get3A_3286 = tpu.vector_load %arg9[%get3A_3285] {strides = array<i32>} : memref<49200xf32, #tpu.memory_space<vmem>>, vector<16xf32>,
      %add3A_3287 = arith.constant 16 : i32
      %add3A_3288 = arith.addi %add3A_3250, %add3A_3287 : i32
      %swap3A_3289 = arith.index_cast %add3A_3288 : i32 to index
      %swap3A_3290 = tpu.vector_load %arg15[%swap3A_3289] {strides = array<i32>} : memref<8192xf32, #tpu.memory_space<vmem>>, vector<16xf32>,
      tpu.vector_store %arg15[%swap3A_3289], %get3A_3286 {strides = array<i32>} : memref<8192xf32, #tpu.memory_space<vmem>>, vector<16xf32>,
      %add3A_3291 = arith.constant 32 : i32
      %add3A_3292 = arith.addi %and3A_3260, %add3A_3291 : i32
      %get3A_3293 = arith.index_cast %add3A_3292 : i32 to index
      %get3A_3294 = tpu.vector_load %arg9[%get3A_3293] {strides = array<i32>} : memref<49200xf32, #tpu.memory_space<vmem>>, vector<16xf32>,
      %add3A_3295 = arith.constant 32 : i32
      %add3A_3296 = arith.addi %add3A_3250, %add3A_3295 : i32
      %swap3A_3297 = arith.index_cast %add3A_3296 : i32 to index
      %swap3A_3298 = tpu.vector_load %arg15[%swap3A_3297] {strides = array<i32>} : memref<8192xf32, #tpu.memory_space<vmem>>, vector<16xf32>,
      tpu.vector_store %arg15[%swap3A_3297], %get3A_3294 {strides = array<i32>} : memref<8192xf32, #tpu.memory_space<vmem>>, vector<16xf32>,
      %add3A_3299 = arith.constant 0 : i32
      %add3A_3300 = arith.addi %shift_right_logical3A_3262, %add3A_3299 : i32
      %get3A_3301 = arith.index_cast %add3A_3300 : i32 to index
      %get3A_3302 = tpu.vector_load %arg10[%get3A_3301] {strides = array<i32>} : memref<29472xf32, #tpu.memory_space<vmem>>, vector<16xf32>,
      %add3A_3303 = arith.constant 0 : i32
      %add3A_3304 = arith.addi %and3A_3264, %add3A_3303 : i32
      %get3A_3305 = arith.index_cast %add3A_3304 : i32 to index
      %get3A_3306 = tpu.vector_load %arg10[%get3A_3305] {strides = array<i32>} : memref<29472xf32, #tpu.memory_space<vmem>>, vector<16xf32>,
      %add3A_3307 = arith.addf %get3A_3302, %get3A_3306 : vector<16xf32>
      %add3A_3308 = arith.constant 0 : i32
      %add3A_3309 = arith.addi %shift_right_logical3A_3266, %add3A_3308 : i32
      %get3A_3310 = arith.index_cast %add3A_3309 : i32 to index
      %get3A_3311 = tpu.vector_load %arg10[%get3A_3310] {strides = array<i32>} : memref<29472xf32, #tpu.memory_space<vmem>>, vector<16xf32>,
      %add3A_3312 = arith.addf %add3A_3307, %get3A_3311 : vector<16xf32>
      %add3A_3313 = arith.constant 0 : i32
      %add3A_3314 = arith.addi %and3A_3268, %add3A_3313 : i32
      %get3A_3315 = arith.index_cast %add3A_3314 : i32 to index
      %get3A_3316 = tpu.vector_load %arg10[%get3A_3315] {strides = array<i32>} : memref<29472xf32, #tpu.memory_space<vmem>>, vector<16xf32>,
      %add3A_3317 = arith.addf %add3A_3312, %get3A_3316 : vector<16xf32>
      %add3A_3318 = arith.constant 48 : i32
      %add3A_3319 = arith.addi %add3A_3250, %add3A_3318 : i32
      %add3A_3320 = arith.constant 0 : i32
      %add3A_3321 = arith.addi %add3A_3319, %add3A_3320 : i32
      %swap3A_3322 = arith.index_cast %add3A_3321 : i32 to index
      %swap3A_3323 = tpu.vector_load %arg15[%swap3A_3322] {strides = array<i32>} : memref<8192xf32, #tpu.memory_space<vmem>>, vector<16xf32>,
      tpu.vector_store %arg15[%swap3A_3322], %add3A_3317 {strides = array<i32>} : memref<8192xf32, #tpu.memory_space<vmem>>, vector<16xf32>,
      %add3A_3324 = arith.constant 16 : i32
      %add3A_3325 = arith.addi %shift_right_logical3A_3262, %add3A_3324 : i32
      %get3A_3326 = arith.index_cast %add3A_3325 : i32 to index
      %get3A_3327 = tpu.vector_load %arg10[%get3A_3326] {strides = array<i32>} : memref<29472xf32, #tpu.memory_space<vmem>>, vector<16xf32>,
      %add3A_3328 = arith.constant 16 : i32
      %add3A_3329 = arith.addi %and3A_3264, %add3A_3328 : i32
      %get3A_3330 = arith.index_cast %add3A_3329 : i32 to index
      %get3A_3331 = tpu.vector_load %arg10[%get3A_3330] {strides = array<i32>} : memref<29472xf32, #tpu.memory_space<vmem>>, vector<16xf32>,
      %add3A_3332 = arith.addf %get3A_3327, %get3A_3331 : vector<16xf32>
      %add3A_3333 = arith.constant 16 : i32
      %add3A_3334 = arith.addi %shift_right_logical3A_3266, %add3A_3333 : i32
      %get3A_3335 = arith.index_cast %add3A_3334 : i32 to index
      %get3A_3336 = tpu.vector_load %arg10[%get3A_3335] {strides = array<i32>} : memref<29472xf32, #tpu.memory_space<vmem>>, vector<16xf32>,
      %add3A_3337 = arith.addf %add3A_3332, %get3A_3336 : vector<16xf32>
      %add3A_3338 = arith.constant 16 : i32
      %add3A_3339 = arith.addi %and3A_3268, %add3A_3338 : i32
      %get3A_3340 = arith.index_cast %add3A_3339 : i32 to index
      %get3A_3341 = tpu.vector_load %arg10[%get3A_3340] {strides = array<i32>} : memref<29472xf32, #tpu.memory_space<vmem>>, vector<16xf32>,
      %add3A_3342 = arith.addf %add3A_3337, %get3A_3341 : vector<16xf32>
      %add3A_3343 = arith.constant 48 : i32
      %add3A_3344 = arith.addi %add3A_3250, %add3A_3343 : i32
      %add3A_3345 = arith.constant 16 : i32
      %add3A_3346 = arith.addi %add3A_3344, %add3A_3345 : i32
      %swap3A_3347 = arith.index_cast %add3A_3346 : i32 to index
      %swap3A_3348 = tpu.vector_load %arg15[%swap3A_3347] {strides = array<i32>} : memref<8192xf32, #tpu.memory_space<vmem>>, vector<16xf32>,
      tpu.vector_store %arg15[%swap3A_3347], %add3A_3342 {strides = array<i32>} : memref<8192xf32, #tpu.memory_space<vmem>>, vector<16xf32>,
      %get3A_3349 = arith.index_cast %shift_right_logical3A_3270 : i32 to index
      %get3A_3350 = tpu.vector_load %arg11[%get3A_3349] {strides = array<i32>} : memref<4960xf32, #tpu.memory_space<vmem>>, vector<16xf32>,
      %add3A_3351 = arith.constant 72 : i32
      %add3A_3352 = arith.addi %add3A_3250, %add3A_3351 : i32
      %swap3A_3353 = arith.index_cast %add3A_3352 : i32 to index
      %swap3A_3354 = tpu.vector_load %arg15[%swap3A_3353] {strides = array<i32>} : memref<8192xf32, #tpu.memory_space<vmem>>, vector<16xf32>,
      tpu.vector_store %arg15[%swap3A_3353], %get3A_3350 {strides = array<i32>} : memref<8192xf32, #tpu.memory_space<vmem>>, vector<16xf32>,
      %get3A_3355 = arith.index_cast %and3A_3272 : i32 to index
      %get3A_3356 = tpu.vector_load %arg12[%get3A_3355] {strides = array<i32>} : memref<19200xf32, #tpu.memory_space<vmem>>, vector<16xf32>,
      %add3A_3357 = arith.constant 88 : i32
      %add3A_3358 = arith.addi %add3A_3250, %add3A_3357 : i32
      %swap3A_3359 = arith.index_cast %add3A_3358 : i32 to index
      %swap3A_3360 = tpu.vector_load %arg15[%swap3A_3359] {strides = array<i32>} : memref<8192xf32, #tpu.memory_space<vmem>>, vector<16xf32>,
      tpu.vector_store %arg15[%swap3A_3359], %get3A_3356 {strides = array<i32>} : memref<8192xf32, #tpu.memory_space<vmem>>, vector<16xf32>,
      %get3A_3361 = arith.index_cast %shift_right_logical3A_3274 : i32 to index
      %get3A_3362 = tpu.vector_load %arg13[%get3A_3361] {strides = array<i32>} : memref<304xf32, #tpu.memory_space<vmem>>, vector<16xf32>,
      %add3A_3363 = arith.constant 104 : i32
      %add3A_3364 = arith.addi %add3A_3250, %add3A_3363 : i32
      %swap3A_3365 = arith.index_cast %add3A_3364 : i32 to index
      %swap3A_3366 = tpu.vector_load %arg15[%swap3A_3365] {strides = array<i32>} : memref<8192xf32, #tpu.memory_space<vmem>>, vector<16xf32>,
      tpu.vector_store %arg15[%swap3A_3365], %get3A_3362 {strides = array<i32>} : memref<8192xf32, #tpu.memory_space<vmem>>, vector<16xf32>,
      %add3A_3367 = arith.constant 3456 : i32
      %add3A_3368 = arith.addi %mul3A_112, %add3A_3367 : i32
      %slice3A_3369 = vector.extract_strided_slice %get3A_2040 {offsets = [11], sizes = [1], strides = [1]} : vector<16xi32> to vector<1xi32>
      %squeeze3A_3370 = vector.extract %slice3A_3369[0] : i32 from vector<1xi32>
      %slice3A_3371 = vector.extract_strided_slice %get3A_2044 {offsets = [11], sizes = [1], strides = [1]} : vector<16xi32> to vector<1xi32>
      %squeeze3A_3372 = vector.extract %slice3A_3371[0] : i32 from vector<1xi32>
      %slice3A_3373 = vector.extract_strided_slice %get3A_2048 {offsets = [11], sizes = [1], strides = [1]} : vector<16xi32> to vector<1xi32>
      %squeeze3A_3374 = vector.extract %slice3A_3373[0] : i32 from vector<1xi32>
      %slice3A_3375 = vector.extract_strided_slice %get3A_2052 {offsets = [11], sizes = [1], strides = [1]} : vector<16xi32> to vector<1xi32>
      %squeeze3A_3376 = vector.extract %slice3A_3375[0] : i32 from vector<1xi32>
      %and3A_3377 = arith.constant 65535 : i32
      %and3A_3378 = arith.andi %squeeze3A_3370, %and3A_3377 : i32
      %shift_right_logical3A_3379 = arith.constant 16 : i32
      %shift_right_logical3A_3380 = arith.shrui %squeeze3A_3370, %shift_right_logical3A_3379 : i32
      %and3A_3381 = arith.constant 65535 : i32
      %and3A_3382 = arith.andi %squeeze3A_3372, %and3A_3381 : i32
      %shift_right_logical3A_3383 = arith.constant 16 : i32
      %shift_right_logical3A_3384 = arith.shrui %squeeze3A_3372, %shift_right_logical3A_3383 : i32
      %and3A_3385 = arith.constant 65535 : i32
      %and3A_3386 = arith.andi %squeeze3A_3374, %and3A_3385 : i32
      %shift_right_logical3A_3387 = arith.constant 16 : i32
      %shift_right_logical3A_3388 = arith.shrui %squeeze3A_3374, %shift_right_logical3A_3387 : i32
      %and3A_3389 = arith.constant 65535 : i32
      %and3A_3390 = arith.andi %squeeze3A_3376, %and3A_3389 : i32
      %shift_right_logical3A_3391 = arith.constant 16 : i32
      %shift_right_logical3A_3392 = arith.shrui %squeeze3A_3376, %shift_right_logical3A_3391 : i32
      %add3A_3393 = arith.constant 0 : i32
      %add3A_3394 = arith.addi %and3A_3378, %add3A_3393 : i32
      %get3A_3395 = arith.index_cast %add3A_3394 : i32 to index
      %get3A_3396 = tpu.vector_load %arg9[%get3A_3395] {strides = array<i32>} : memref<49200xf32, #tpu.memory_space<vmem>>, vector<16xf32>,
      %add3A_3397 = arith.constant 0 : i32
      %add3A_3398 = arith.addi %add3A_3368, %add3A_3397 : i32
      %swap3A_3399 = arith.index_cast %add3A_3398 : i32 to index
      %swap3A_3400 = tpu.vector_load %arg15[%swap3A_3399] {strides = array<i32>} : memref<8192xf32, #tpu.memory_space<vmem>>, vector<16xf32>,
      tpu.vector_store %arg15[%swap3A_3399], %get3A_3396 {strides = array<i32>} : memref<8192xf32, #tpu.memory_space<vmem>>, vector<16xf32>,
      %add3A_3401 = arith.constant 16 : i32
      %add3A_3402 = arith.addi %and3A_3378, %add3A_3401 : i32
      %get3A_3403 = arith.index_cast %add3A_3402 : i32 to index
      %get3A_3404 = tpu.vector_load %arg9[%get3A_3403] {strides = array<i32>} : memref<49200xf32, #tpu.memory_space<vmem>>, vector<16xf32>,
      %add3A_3405 = arith.constant 16 : i32
      %add3A_3406 = arith.addi %add3A_3368, %add3A_3405 : i32
      %swap3A_3407 = arith.index_cast %add3A_3406 : i32 to index
      %swap3A_3408 = tpu.vector_load %arg15[%swap3A_3407] {strides = array<i32>} : memref<8192xf32, #tpu.memory_space<vmem>>, vector<16xf32>,
      tpu.vector_store %arg15[%swap3A_3407], %get3A_3404 {strides = array<i32>} : memref<8192xf32, #tpu.memory_space<vmem>>, vector<16xf32>,
      %add3A_3409 = arith.constant 32 : i32
      %add3A_3410 = arith.addi %and3A_3378, %add3A_3409 : i32
      %get3A_3411 = arith.index_cast %add3A_3410 : i32 to index
      %get3A_3412 = tpu.vector_load %arg9[%get3A_3411] {strides = array<i32>} : memref<49200xf32, #tpu.memory_space<vmem>>, vector<16xf32>,
      %add3A_3413 = arith.constant 32 : i32
      %add3A_3414 = arith.addi %add3A_3368, %add3A_3413 : i32
      %swap3A_3415 = arith.index_cast %add3A_3414 : i32 to index
      %swap3A_3416 = tpu.vector_load %arg15[%swap3A_3415] {strides = array<i32>} : memref<8192xf32, #tpu.memory_space<vmem>>, vector<16xf32>,
      tpu.vector_store %arg15[%swap3A_3415], %get3A_3412 {strides = array<i32>} : memref<8192xf32, #tpu.memory_space<vmem>>, vector<16xf32>,
      %add3A_3417 = arith.constant 0 : i32
      %add3A_3418 = arith.addi %shift_right_logical3A_3380, %add3A_3417 : i32
      %get3A_3419 = arith.index_cast %add3A_3418 : i32 to index
      %get3A_3420 = tpu.vector_load %arg10[%get3A_3419] {strides = array<i32>} : memref<29472xf32, #tpu.memory_space<vmem>>, vector<16xf32>,
      %add3A_3421 = arith.constant 0 : i32
      %add3A_3422 = arith.addi %and3A_3382, %add3A_3421 : i32
      %get3A_3423 = arith.index_cast %add3A_3422 : i32 to index
      %get3A_3424 = tpu.vector_load %arg10[%get3A_3423] {strides = array<i32>} : memref<29472xf32, #tpu.memory_space<vmem>>, vector<16xf32>,
      %add3A_3425 = arith.addf %get3A_3420, %get3A_3424 : vector<16xf32>
      %add3A_3426 = arith.constant 0 : i32
      %add3A_3427 = arith.addi %shift_right_logical3A_3384, %add3A_3426 : i32
      %get3A_3428 = arith.index_cast %add3A_3427 : i32 to index
      %get3A_3429 = tpu.vector_load %arg10[%get3A_3428] {strides = array<i32>} : memref<29472xf32, #tpu.memory_space<vmem>>, vector<16xf32>,
      %add3A_3430 = arith.addf %add3A_3425, %get3A_3429 : vector<16xf32>
      %add3A_3431 = arith.constant 0 : i32
      %add3A_3432 = arith.addi %and3A_3386, %add3A_3431 : i32
      %get3A_3433 = arith.index_cast %add3A_3432 : i32 to index
      %get3A_3434 = tpu.vector_load %arg10[%get3A_3433] {strides = array<i32>} : memref<29472xf32, #tpu.memory_space<vmem>>, vector<16xf32>,
      %add3A_3435 = arith.addf %add3A_3430, %get3A_3434 : vector<16xf32>
      %add3A_3436 = arith.constant 48 : i32
      %add3A_3437 = arith.addi %add3A_3368, %add3A_3436 : i32
      %add3A_3438 = arith.constant 0 : i32
      %add3A_3439 = arith.addi %add3A_3437, %add3A_3438 : i32
      %swap3A_3440 = arith.index_cast %add3A_3439 : i32 to index
      %swap3A_3441 = tpu.vector_load %arg15[%swap3A_3440] {strides = array<i32>} : memref<8192xf32, #tpu.memory_space<vmem>>, vector<16xf32>,
      tpu.vector_store %arg15[%swap3A_3440], %add3A_3435 {strides = array<i32>} : memref<8192xf32, #tpu.memory_space<vmem>>, vector<16xf32>,
      %add3A_3442 = arith.constant 16 : i32
      %add3A_3443 = arith.addi %shift_right_logical3A_3380, %add3A_3442 : i32
      %get3A_3444 = arith.index_cast %add3A_3443 : i32 to index
      %get3A_3445 = tpu.vector_load %arg10[%get3A_3444] {strides = array<i32>} : memref<29472xf32, #tpu.memory_space<vmem>>, vector<16xf32>,
      %add3A_3446 = arith.constant 16 : i32
      %add3A_3447 = arith.addi %and3A_3382, %add3A_3446 : i32
      %get3A_3448 = arith.index_cast %add3A_3447 : i32 to index
      %get3A_3449 = tpu.vector_load %arg10[%get3A_3448] {strides = array<i32>} : memref<29472xf32, #tpu.memory_space<vmem>>, vector<16xf32>,
      %add3A_3450 = arith.addf %get3A_3445, %get3A_3449 : vector<16xf32>
      %add3A_3451 = arith.constant 16 : i32
      %add3A_3452 = arith.addi %shift_right_logical3A_3384, %add3A_3451 : i32
      %get3A_3453 = arith.index_cast %add3A_3452 : i32 to index
      %get3A_3454 = tpu.vector_load %arg10[%get3A_3453] {strides = array<i32>} : memref<29472xf32, #tpu.memory_space<vmem>>, vector<16xf32>,
      %add3A_3455 = arith.addf %add3A_3450, %get3A_3454 : vector<16xf32>
      %add3A_3456 = arith.constant 16 : i32
      %add3A_3457 = arith.addi %and3A_3386, %add3A_3456 : i32
      %get3A_3458 = arith.index_cast %add3A_3457 : i32 to index
      %get3A_3459 = tpu.vector_load %arg10[%get3A_3458] {strides = array<i32>} : memref<29472xf32, #tpu.memory_space<vmem>>, vector<16xf32>,
      %add3A_3460 = arith.addf %add3A_3455, %get3A_3459 : vector<16xf32>
      %add3A_3461 = arith.constant 48 : i32
      %add3A_3462 = arith.addi %add3A_3368, %add3A_3461 : i32
      %add3A_3463 = arith.constant 16 : i32
      %add3A_3464 = arith.addi %add3A_3462, %add3A_3463 : i32
      %swap3A_3465 = arith.index_cast %add3A_3464 : i32 to index
      %swap3A_3466 = tpu.vector_load %arg15[%swap3A_3465] {strides = array<i32>} : memref<8192xf32, #tpu.memory_space<vmem>>, vector<16xf32>,
      tpu.vector_store %arg15[%swap3A_3465], %add3A_3460 {strides = array<i32>} : memref<8192xf32, #tpu.memory_space<vmem>>, vector<16xf32>,
      %get3A_3467 = arith.index_cast %shift_right_logical3A_3388 : i32 to index
      %get3A_3468 = tpu.vector_load %arg11[%get3A_3467] {strides = array<i32>} : memref<4960xf32, #tpu.memory_space<vmem>>, vector<16xf32>,
      %add3A_3469 = arith.constant 72 : i32
      %add3A_3470 = arith.addi %add3A_3368, %add3A_3469 : i32
      %swap3A_3471 = arith.index_cast %add3A_3470 : i32 to index
      %swap3A_3472 = tpu.vector_load %arg15[%swap3A_3471] {strides = array<i32>} : memref<8192xf32, #tpu.memory_space<vmem>>, vector<16xf32>,
      tpu.vector_store %arg15[%swap3A_3471], %get3A_3468 {strides = array<i32>} : memref<8192xf32, #tpu.memory_space<vmem>>, vector<16xf32>,
      %get3A_3473 = arith.index_cast %and3A_3390 : i32 to index
      %get3A_3474 = tpu.vector_load %arg12[%get3A_3473] {strides = array<i32>} : memref<19200xf32, #tpu.memory_space<vmem>>, vector<16xf32>,
      %add3A_3475 = arith.constant 88 : i32
      %add3A_3476 = arith.addi %add3A_3368, %add3A_3475 : i32
      %swap3A_3477 = arith.index_cast %add3A_3476 : i32 to index
      %swap3A_3478 = tpu.vector_load %arg15[%swap3A_3477] {strides = array<i32>} : memref<8192xf32, #tpu.memory_space<vmem>>, vector<16xf32>,
      tpu.vector_store %arg15[%swap3A_3477], %get3A_3474 {strides = array<i32>} : memref<8192xf32, #tpu.memory_space<vmem>>, vector<16xf32>,
      %get3A_3479 = arith.index_cast %shift_right_logical3A_3392 : i32 to index
      %get3A_3480 = tpu.vector_load %arg13[%get3A_3479] {strides = array<i32>} : memref<304xf32, #tpu.memory_space<vmem>>, vector<16xf32>,
      %add3A_3481 = arith.constant 104 : i32
      %add3A_3482 = arith.addi %add3A_3368, %add3A_3481 : i32
      %swap3A_3483 = arith.index_cast %add3A_3482 : i32 to index
      %swap3A_3484 = tpu.vector_load %arg15[%swap3A_3483] {strides = array<i32>} : memref<8192xf32, #tpu.memory_space<vmem>>, vector<16xf32>,
      tpu.vector_store %arg15[%swap3A_3483], %get3A_3480 {strides = array<i32>} : memref<8192xf32, #tpu.memory_space<vmem>>, vector<16xf32>,
      %add3A_3485 = arith.constant 3584 : i32
      %add3A_3486 = arith.addi %mul3A_112, %add3A_3485 : i32
      %slice3A_3487 = vector.extract_strided_slice %get3A_2040 {offsets = [12], sizes = [1], strides = [1]} : vector<16xi32> to vector<1xi32>
      %squeeze3A_3488 = vector.extract %slice3A_3487[0] : i32 from vector<1xi32>
      %slice3A_3489 = vector.extract_strided_slice %get3A_2044 {offsets = [12], sizes = [1], strides = [1]} : vector<16xi32> to vector<1xi32>
      %squeeze3A_3490 = vector.extract %slice3A_3489[0] : i32 from vector<1xi32>
      %slice3A_3491 = vector.extract_strided_slice %get3A_2048 {offsets = [12], sizes = [1], strides = [1]} : vector<16xi32> to vector<1xi32>
      %squeeze3A_3492 = vector.extract %slice3A_3491[0] : i32 from vector<1xi32>
      %slice3A_3493 = vector.extract_strided_slice %get3A_2052 {offsets = [12], sizes = [1], strides = [1]} : vector<16xi32> to vector<1xi32>
      %squeeze3A_3494 = vector.extract %slice3A_3493[0] : i32 from vector<1xi32>
      %and3A_3495 = arith.constant 65535 : i32
      %and3A_3496 = arith.andi %squeeze3A_3488, %and3A_3495 : i32
      %shift_right_logical3A_3497 = arith.constant 16 : i32
      %shift_right_logical3A_3498 = arith.shrui %squeeze3A_3488, %shift_right_logical3A_3497 : i32
      %and3A_3499 = arith.constant 65535 : i32
      %and3A_3500 = arith.andi %squeeze3A_3490, %and3A_3499 : i32
      %shift_right_logical3A_3501 = arith.constant 16 : i32
      %shift_right_logical3A_3502 = arith.shrui %squeeze3A_3490, %shift_right_logical3A_3501 : i32
      %and3A_3503 = arith.constant 65535 : i32
      %and3A_3504 = arith.andi %squeeze3A_3492, %and3A_3503 : i32
      %shift_right_logical3A_3505 = arith.constant 16 : i32
      %shift_right_logical3A_3506 = arith.shrui %squeeze3A_3492, %shift_right_logical3A_3505 : i32
      %and3A_3507 = arith.constant 65535 : i32
      %and3A_3508 = arith.andi %squeeze3A_3494, %and3A_3507 : i32
      %shift_right_logical3A_3509 = arith.constant 16 : i32
      %shift_right_logical3A_3510 = arith.shrui %squeeze3A_3494, %shift_right_logical3A_3509 : i32
      %add3A_3511 = arith.constant 0 : i32
      %add3A_3512 = arith.addi %and3A_3496, %add3A_3511 : i32
      %get3A_3513 = arith.index_cast %add3A_3512 : i32 to index
      %get3A_3514 = tpu.vector_load %arg9[%get3A_3513] {strides = array<i32>} : memref<49200xf32, #tpu.memory_space<vmem>>, vector<16xf32>,
      %add3A_3515 = arith.constant 0 : i32
      %add3A_3516 = arith.addi %add3A_3486, %add3A_3515 : i32
      %swap3A_3517 = arith.index_cast %add3A_3516 : i32 to index
      %swap3A_3518 = tpu.vector_load %arg15[%swap3A_3517] {strides = array<i32>} : memref<8192xf32, #tpu.memory_space<vmem>>, vector<16xf32>,
      tpu.vector_store %arg15[%swap3A_3517], %get3A_3514 {strides = array<i32>} : memref<8192xf32, #tpu.memory_space<vmem>>, vector<16xf32>,
      %add3A_3519 = arith.constant 16 : i32
      %add3A_3520 = arith.addi %and3A_3496, %add3A_3519 : i32
      %get3A_3521 = arith.index_cast %add3A_3520 : i32 to index
      %get3A_3522 = tpu.vector_load %arg9[%get3A_3521] {strides = array<i32>} : memref<49200xf32, #tpu.memory_space<vmem>>, vector<16xf32>,
      %add3A_3523 = arith.constant 16 : i32
      %add3A_3524 = arith.addi %add3A_3486, %add3A_3523 : i32
      %swap3A_3525 = arith.index_cast %add3A_3524 : i32 to index
      %swap3A_3526 = tpu.vector_load %arg15[%swap3A_3525] {strides = array<i32>} : memref<8192xf32, #tpu.memory_space<vmem>>, vector<16xf32>,
      tpu.vector_store %arg15[%swap3A_3525], %get3A_3522 {strides = array<i32>} : memref<8192xf32, #tpu.memory_space<vmem>>, vector<16xf32>,
      %add3A_3527 = arith.constant 32 : i32
      %add3A_3528 = arith.addi %and3A_3496, %add3A_3527 : i32
      %get3A_3529 = arith.index_cast %add3A_3528 : i32 to index
      %get3A_3530 = tpu.vector_load %arg9[%get3A_3529] {strides = array<i32>} : memref<49200xf32, #tpu.memory_space<vmem>>, vector<16xf32>,
      %add3A_3531 = arith.constant 32 : i32
      %add3A_3532 = arith.addi %add3A_3486, %add3A_3531 : i32
      %swap3A_3533 = arith.index_cast %add3A_3532 : i32 to index
      %swap3A_3534 = tpu.vector_load %arg15[%swap3A_3533] {strides = array<i32>} : memref<8192xf32, #tpu.memory_space<vmem>>, vector<16xf32>,
      tpu.vector_store %arg15[%swap3A_3533], %get3A_3530 {strides = array<i32>} : memref<8192xf32, #tpu.memory_space<vmem>>, vector<16xf32>,
      %add3A_3535 = arith.constant 0 : i32
      %add3A_3536 = arith.addi %shift_right_logical3A_3498, %add3A_3535 : i32
      %get3A_3537 = arith.index_cast %add3A_3536 : i32 to index
      %get3A_3538 = tpu.vector_load %arg10[%get3A_3537] {strides = array<i32>} : memref<29472xf32, #tpu.memory_space<vmem>>, vector<16xf32>,
      %add3A_3539 = arith.constant 0 : i32
      %add3A_3540 = arith.addi %and3A_3500, %add3A_3539 : i32
      %get3A_3541 = arith.index_cast %add3A_3540 : i32 to index
      %get3A_3542 = tpu.vector_load %arg10[%get3A_3541] {strides = array<i32>} : memref<29472xf32, #tpu.memory_space<vmem>>, vector<16xf32>,
      %add3A_3543 = arith.addf %get3A_3538, %get3A_3542 : vector<16xf32>
      %add3A_3544 = arith.constant 0 : i32
      %add3A_3545 = arith.addi %shift_right_logical3A_3502, %add3A_3544 : i32
      %get3A_3546 = arith.index_cast %add3A_3545 : i32 to index
      %get3A_3547 = tpu.vector_load %arg10[%get3A_3546] {strides = array<i32>} : memref<29472xf32, #tpu.memory_space<vmem>>, vector<16xf32>,
      %add3A_3548 = arith.addf %add3A_3543, %get3A_3547 : vector<16xf32>
      %add3A_3549 = arith.constant 0 : i32
      %add3A_3550 = arith.addi %and3A_3504, %add3A_3549 : i32
      %get3A_3551 = arith.index_cast %add3A_3550 : i32 to index
      %get3A_3552 = tpu.vector_load %arg10[%get3A_3551] {strides = array<i32>} : memref<29472xf32, #tpu.memory_space<vmem>>, vector<16xf32>,
      %add3A_3553 = arith.addf %add3A_3548, %get3A_3552 : vector<16xf32>
      %add3A_3554 = arith.constant 48 : i32
      %add3A_3555 = arith.addi %add3A_3486, %add3A_3554 : i32
      %add3A_3556 = arith.constant 0 : i32
      %add3A_3557 = arith.addi %add3A_3555, %add3A_3556 : i32
      %swap3A_3558 = arith.index_cast %add3A_3557 : i32 to index
      %swap3A_3559 = tpu.vector_load %arg15[%swap3A_3558] {strides = array<i32>} : memref<8192xf32, #tpu.memory_space<vmem>>, vector<16xf32>,
      tpu.vector_store %arg15[%swap3A_3558], %add3A_3553 {strides = array<i32>} : memref<8192xf32, #tpu.memory_space<vmem>>, vector<16xf32>,
      %add3A_3560 = arith.constant 16 : i32
      %add3A_3561 = arith.addi %shift_right_logical3A_3498, %add3A_3560 : i32
      %get3A_3562 = arith.index_cast %add3A_3561 : i32 to index
      %get3A_3563 = tpu.vector_load %arg10[%get3A_3562] {strides = array<i32>} : memref<29472xf32, #tpu.memory_space<vmem>>, vector<16xf32>,
      %add3A_3564 = arith.constant 16 : i32
      %add3A_3565 = arith.addi %and3A_3500, %add3A_3564 : i32
      %get3A_3566 = arith.index_cast %add3A_3565 : i32 to index
      %get3A_3567 = tpu.vector_load %arg10[%get3A_3566] {strides = array<i32>} : memref<29472xf32, #tpu.memory_space<vmem>>, vector<16xf32>,
      %add3A_3568 = arith.addf %get3A_3563, %get3A_3567 : vector<16xf32>
      %add3A_3569 = arith.constant 16 : i32
      %add3A_3570 = arith.addi %shift_right_logical3A_3502, %add3A_3569 : i32
      %get3A_3571 = arith.index_cast %add3A_3570 : i32 to index
      %get3A_3572 = tpu.vector_load %arg10[%get3A_3571] {strides = array<i32>} : memref<29472xf32, #tpu.memory_space<vmem>>, vector<16xf32>,
      %add3A_3573 = arith.addf %add3A_3568, %get3A_3572 : vector<16xf32>
      %add3A_3574 = arith.constant 16 : i32
      %add3A_3575 = arith.addi %and3A_3504, %add3A_3574 : i32
      %get3A_3576 = arith.index_cast %add3A_3575 : i32 to index
      %get3A_3577 = tpu.vector_load %arg10[%get3A_3576] {strides = array<i32>} : memref<29472xf32, #tpu.memory_space<vmem>>, vector<16xf32>,
      %add3A_3578 = arith.addf %add3A_3573, %get3A_3577 : vector<16xf32>
      %add3A_3579 = arith.constant 48 : i32
      %add3A_3580 = arith.addi %add3A_3486, %add3A_3579 : i32
      %add3A_3581 = arith.constant 16 : i32
      %add3A_3582 = arith.addi %add3A_3580, %add3A_3581 : i32
      %swap3A_3583 = arith.index_cast %add3A_3582 : i32 to index
      %swap3A_3584 = tpu.vector_load %arg15[%swap3A_3583] {strides = array<i32>} : memref<8192xf32, #tpu.memory_space<vmem>>, vector<16xf32>,
      tpu.vector_store %arg15[%swap3A_3583], %add3A_3578 {strides = array<i32>} : memref<8192xf32, #tpu.memory_space<vmem>>, vector<16xf32>,
      %get3A_3585 = arith.index_cast %shift_right_logical3A_3506 : i32 to index
      %get3A_3586 = tpu.vector_load %arg11[%get3A_3585] {strides = array<i32>} : memref<4960xf32, #tpu.memory_space<vmem>>, vector<16xf32>,
      %add3A_3587 = arith.constant 72 : i32
      %add3A_3588 = arith.addi %add3A_3486, %add3A_3587 : i32
      %swap3A_3589 = arith.index_cast %add3A_3588 : i32 to index
      %swap3A_3590 = tpu.vector_load %arg15[%swap3A_3589] {strides = array<i32>} : memref<8192xf32, #tpu.memory_space<vmem>>, vector<16xf32>,
      tpu.vector_store %arg15[%swap3A_3589], %get3A_3586 {strides = array<i32>} : memref<8192xf32, #tpu.memory_space<vmem>>, vector<16xf32>,
      %get3A_3591 = arith.index_cast %and3A_3508 : i32 to index
      %get3A_3592 = tpu.vector_load %arg12[%get3A_3591] {strides = array<i32>} : memref<19200xf32, #tpu.memory_space<vmem>>, vector<16xf32>,
      %add3A_3593 = arith.constant 88 : i32
      %add3A_3594 = arith.addi %add3A_3486, %add3A_3593 : i32
      %swap3A_3595 = arith.index_cast %add3A_3594 : i32 to index
      %swap3A_3596 = tpu.vector_load %arg15[%swap3A_3595] {strides = array<i32>} : memref<8192xf32, #tpu.memory_space<vmem>>, vector<16xf32>,
      tpu.vector_store %arg15[%swap3A_3595], %get3A_3592 {strides = array<i32>} : memref<8192xf32, #tpu.memory_space<vmem>>, vector<16xf32>,
      %get3A_3597 = arith.index_cast %shift_right_logical3A_3510 : i32 to index
      %get3A_3598 = tpu.vector_load %arg13[%get3A_3597] {strides = array<i32>} : memref<304xf32, #tpu.memory_space<vmem>>, vector<16xf32>,
      %add3A_3599 = arith.constant 104 : i32
      %add3A_3600 = arith.addi %add3A_3486, %add3A_3599 : i32
      %swap3A_3601 = arith.index_cast %add3A_3600 : i32 to index
      %swap3A_3602 = tpu.vector_load %arg15[%swap3A_3601] {strides = array<i32>} : memref<8192xf32, #tpu.memory_space<vmem>>, vector<16xf32>,
      tpu.vector_store %arg15[%swap3A_3601], %get3A_3598 {strides = array<i32>} : memref<8192xf32, #tpu.memory_space<vmem>>, vector<16xf32>,
      %add3A_3603 = arith.constant 3712 : i32
      %add3A_3604 = arith.addi %mul3A_112, %add3A_3603 : i32
      %slice3A_3605 = vector.extract_strided_slice %get3A_2040 {offsets = [13], sizes = [1], strides = [1]} : vector<16xi32> to vector<1xi32>
      %squeeze3A_3606 = vector.extract %slice3A_3605[0] : i32 from vector<1xi32>
      %slice3A_3607 = vector.extract_strided_slice %get3A_2044 {offsets = [13], sizes = [1], strides = [1]} : vector<16xi32> to vector<1xi32>
      %squeeze3A_3608 = vector.extract %slice3A_3607[0] : i32 from vector<1xi32>
      %slice3A_3609 = vector.extract_strided_slice %get3A_2048 {offsets = [13], sizes = [1], strides = [1]} : vector<16xi32> to vector<1xi32>
      %squeeze3A_3610 = vector.extract %slice3A_3609[0] : i32 from vector<1xi32>
      %slice3A_3611 = vector.extract_strided_slice %get3A_2052 {offsets = [13], sizes = [1], strides = [1]} : vector<16xi32> to vector<1xi32>
      %squeeze3A_3612 = vector.extract %slice3A_3611[0] : i32 from vector<1xi32>
      %and3A_3613 = arith.constant 65535 : i32
      %and3A_3614 = arith.andi %squeeze3A_3606, %and3A_3613 : i32
      %shift_right_logical3A_3615 = arith.constant 16 : i32
      %shift_right_logical3A_3616 = arith.shrui %squeeze3A_3606, %shift_right_logical3A_3615 : i32
      %and3A_3617 = arith.constant 65535 : i32
      %and3A_3618 = arith.andi %squeeze3A_3608, %and3A_3617 : i32
      %shift_right_logical3A_3619 = arith.constant 16 : i32
      %shift_right_logical3A_3620 = arith.shrui %squeeze3A_3608, %shift_right_logical3A_3619 : i32
      %and3A_3621 = arith.constant 65535 : i32
      %and3A_3622 = arith.andi %squeeze3A_3610, %and3A_3621 : i32
      %shift_right_logical3A_3623 = arith.constant 16 : i32
      %shift_right_logical3A_3624 = arith.shrui %squeeze3A_3610, %shift_right_logical3A_3623 : i32
      %and3A_3625 = arith.constant 65535 : i32
      %and3A_3626 = arith.andi %squeeze3A_3612, %and3A_3625 : i32
      %shift_right_logical3A_3627 = arith.constant 16 : i32
      %shift_right_logical3A_3628 = arith.shrui %squeeze3A_3612, %shift_right_logical3A_3627 : i32
      %add3A_3629 = arith.constant 0 : i32
      %add3A_3630 = arith.addi %and3A_3614, %add3A_3629 : i32
      %get3A_3631 = arith.index_cast %add3A_3630 : i32 to index
      %get3A_3632 = tpu.vector_load %arg9[%get3A_3631] {strides = array<i32>} : memref<49200xf32, #tpu.memory_space<vmem>>, vector<16xf32>,
      %add3A_3633 = arith.constant 0 : i32
      %add3A_3634 = arith.addi %add3A_3604, %add3A_3633 : i32
      %swap3A_3635 = arith.index_cast %add3A_3634 : i32 to index
      %swap3A_3636 = tpu.vector_load %arg15[%swap3A_3635] {strides = array<i32>} : memref<8192xf32, #tpu.memory_space<vmem>>, vector<16xf32>,
      tpu.vector_store %arg15[%swap3A_3635], %get3A_3632 {strides = array<i32>} : memref<8192xf32, #tpu.memory_space<vmem>>, vector<16xf32>,
      %add3A_3637 = arith.constant 16 : i32
      %add3A_3638 = arith.addi %and3A_3614, %add3A_3637 : i32
      %get3A_3639 = arith.index_cast %add3A_3638 : i32 to index
      %get3A_3640 = tpu.vector_load %arg9[%get3A_3639] {strides = array<i32>} : memref<49200xf32, #tpu.memory_space<vmem>>, vector<16xf32>,
      %add3A_3641 = arith.constant 16 : i32
      %add3A_3642 = arith.addi %add3A_3604, %add3A_3641 : i32
      %swap3A_3643 = arith.index_cast %add3A_3642 : i32 to index
      %swap3A_3644 = tpu.vector_load %arg15[%swap3A_3643] {strides = array<i32>} : memref<8192xf32, #tpu.memory_space<vmem>>, vector<16xf32>,
      tpu.vector_store %arg15[%swap3A_3643], %get3A_3640 {strides = array<i32>} : memref<8192xf32, #tpu.memory_space<vmem>>, vector<16xf32>,
      %add3A_3645 = arith.constant 32 : i32
      %add3A_3646 = arith.addi %and3A_3614, %add3A_3645 : i32
      %get3A_3647 = arith.index_cast %add3A_3646 : i32 to index
      %get3A_3648 = tpu.vector_load %arg9[%get3A_3647] {strides = array<i32>} : memref<49200xf32, #tpu.memory_space<vmem>>, vector<16xf32>,
      %add3A_3649 = arith.constant 32 : i32
      %add3A_3650 = arith.addi %add3A_3604, %add3A_3649 : i32
      %swap3A_3651 = arith.index_cast %add3A_3650 : i32 to index
      %swap3A_3652 = tpu.vector_load %arg15[%swap3A_3651] {strides = array<i32>} : memref<8192xf32, #tpu.memory_space<vmem>>, vector<16xf32>,
      tpu.vector_store %arg15[%swap3A_3651], %get3A_3648 {strides = array<i32>} : memref<8192xf32, #tpu.memory_space<vmem>>, vector<16xf32>,
      %add3A_3653 = arith.constant 0 : i32
      %add3A_3654 = arith.addi %shift_right_logical3A_3616, %add3A_3653 : i32
      %get3A_3655 = arith.index_cast %add3A_3654 : i32 to index
      %get3A_3656 = tpu.vector_load %arg10[%get3A_3655] {strides = array<i32>} : memref<29472xf32, #tpu.memory_space<vmem>>, vector<16xf32>,
      %add3A_3657 = arith.constant 0 : i32
      %add3A_3658 = arith.addi %and3A_3618, %add3A_3657 : i32
      %get3A_3659 = arith.index_cast %add3A_3658 : i32 to index
      %get3A_3660 = tpu.vector_load %arg10[%get3A_3659] {strides = array<i32>} : memref<29472xf32, #tpu.memory_space<vmem>>, vector<16xf32>,
      %add3A_3661 = arith.addf %get3A_3656, %get3A_3660 : vector<16xf32>
      %add3A_3662 = arith.constant 0 : i32
      %add3A_3663 = arith.addi %shift_right_logical3A_3620, %add3A_3662 : i32
      %get3A_3664 = arith.index_cast %add3A_3663 : i32 to index
      %get3A_3665 = tpu.vector_load %arg10[%get3A_3664] {strides = array<i32>} : memref<29472xf32, #tpu.memory_space<vmem>>, vector<16xf32>,
      %add3A_3666 = arith.addf %add3A_3661, %get3A_3665 : vector<16xf32>
      %add3A_3667 = arith.constant 0 : i32
      %add3A_3668 = arith.addi %and3A_3622, %add3A_3667 : i32
      %get3A_3669 = arith.index_cast %add3A_3668 : i32 to index
      %get3A_3670 = tpu.vector_load %arg10[%get3A_3669] {strides = array<i32>} : memref<29472xf32, #tpu.memory_space<vmem>>, vector<16xf32>,
      %add3A_3671 = arith.addf %add3A_3666, %get3A_3670 : vector<16xf32>
      %add3A_3672 = arith.constant 48 : i32
      %add3A_3673 = arith.addi %add3A_3604, %add3A_3672 : i32
      %add3A_3674 = arith.constant 0 : i32
      %add3A_3675 = arith.addi %add3A_3673, %add3A_3674 : i32
      %swap3A_3676 = arith.index_cast %add3A_3675 : i32 to index
      %swap3A_3677 = tpu.vector_load %arg15[%swap3A_3676] {strides = array<i32>} : memref<8192xf32, #tpu.memory_space<vmem>>, vector<16xf32>,
      tpu.vector_store %arg15[%swap3A_3676], %add3A_3671 {strides = array<i32>} : memref<8192xf32, #tpu.memory_space<vmem>>, vector<16xf32>,
      %add3A_3678 = arith.constant 16 : i32
      %add3A_3679 = arith.addi %shift_right_logical3A_3616, %add3A_3678 : i32
      %get3A_3680 = arith.index_cast %add3A_3679 : i32 to index
      %get3A_3681 = tpu.vector_load %arg10[%get3A_3680] {strides = array<i32>} : memref<29472xf32, #tpu.memory_space<vmem>>, vector<16xf32>,
      %add3A_3682 = arith.constant 16 : i32
      %add3A_3683 = arith.addi %and3A_3618, %add3A_3682 : i32
      %get3A_3684 = arith.index_cast %add3A_3683 : i32 to index
      %get3A_3685 = tpu.vector_load %arg10[%get3A_3684] {strides = array<i32>} : memref<29472xf32, #tpu.memory_space<vmem>>, vector<16xf32>,
      %add3A_3686 = arith.addf %get3A_3681, %get3A_3685 : vector<16xf32>
      %add3A_3687 = arith.constant 16 : i32
      %add3A_3688 = arith.addi %shift_right_logical3A_3620, %add3A_3687 : i32
      %get3A_3689 = arith.index_cast %add3A_3688 : i32 to index
      %get3A_3690 = tpu.vector_load %arg10[%get3A_3689] {strides = array<i32>} : memref<29472xf32, #tpu.memory_space<vmem>>, vector<16xf32>,
      %add3A_3691 = arith.addf %add3A_3686, %get3A_3690 : vector<16xf32>
      %add3A_3692 = arith.constant 16 : i32
      %add3A_3693 = arith.addi %and3A_3622, %add3A_3692 : i32
      %get3A_3694 = arith.index_cast %add3A_3693 : i32 to index
      %get3A_3695 = tpu.vector_load %arg10[%get3A_3694] {strides = array<i32>} : memref<29472xf32, #tpu.memory_space<vmem>>, vector<16xf32>,
      %add3A_3696 = arith.addf %add3A_3691, %get3A_3695 : vector<16xf32>
      %add3A_3697 = arith.constant 48 : i32
      %add3A_3698 = arith.addi %add3A_3604, %add3A_3697 : i32
      %add3A_3699 = arith.constant 16 : i32
      %add3A_3700 = arith.addi %add3A_3698, %add3A_3699 : i32
      %swap3A_3701 = arith.index_cast %add3A_3700 : i32 to index
      %swap3A_3702 = tpu.vector_load %arg15[%swap3A_3701] {strides = array<i32>} : memref<8192xf32, #tpu.memory_space<vmem>>, vector<16xf32>,
      tpu.vector_store %arg15[%swap3A_3701], %add3A_3696 {strides = array<i32>} : memref<8192xf32, #tpu.memory_space<vmem>>, vector<16xf32>,
      %get3A_3703 = arith.index_cast %shift_right_logical3A_3624 : i32 to index
      %get3A_3704 = tpu.vector_load %arg11[%get3A_3703] {strides = array<i32>} : memref<4960xf32, #tpu.memory_space<vmem>>, vector<16xf32>,
      %add3A_3705 = arith.constant 72 : i32
      %add3A_3706 = arith.addi %add3A_3604, %add3A_3705 : i32
      %swap3A_3707 = arith.index_cast %add3A_3706 : i32 to index
      %swap3A_3708 = tpu.vector_load %arg15[%swap3A_3707] {strides = array<i32>} : memref<8192xf32, #tpu.memory_space<vmem>>, vector<16xf32>,
      tpu.vector_store %arg15[%swap3A_3707], %get3A_3704 {strides = array<i32>} : memref<8192xf32, #tpu.memory_space<vmem>>, vector<16xf32>,
      %get3A_3709 = arith.index_cast %and3A_3626 : i32 to index
      %get3A_3710 = tpu.vector_load %arg12[%get3A_3709] {strides = array<i32>} : memref<19200xf32, #tpu.memory_space<vmem>>, vector<16xf32>,
      %add3A_3711 = arith.constant 88 : i32
      %add3A_3712 = arith.addi %add3A_3604, %add3A_3711 : i32
      %swap3A_3713 = arith.index_cast %add3A_3712 : i32 to index
      %swap3A_3714 = tpu.vector_load %arg15[%swap3A_3713] {strides = array<i32>} : memref<8192xf32, #tpu.memory_space<vmem>>, vector<16xf32>,
      tpu.vector_store %arg15[%swap3A_3713], %get3A_3710 {strides = array<i32>} : memref<8192xf32, #tpu.memory_space<vmem>>, vector<16xf32>,
      %get3A_3715 = arith.index_cast %shift_right_logical3A_3628 : i32 to index
      %get3A_3716 = tpu.vector_load %arg13[%get3A_3715] {strides = array<i32>} : memref<304xf32, #tpu.memory_space<vmem>>, vector<16xf32>,
      %add3A_3717 = arith.constant 104 : i32
      %add3A_3718 = arith.addi %add3A_3604, %add3A_3717 : i32
      %swap3A_3719 = arith.index_cast %add3A_3718 : i32 to index
      %swap3A_3720 = tpu.vector_load %arg15[%swap3A_3719] {strides = array<i32>} : memref<8192xf32, #tpu.memory_space<vmem>>, vector<16xf32>,
      tpu.vector_store %arg15[%swap3A_3719], %get3A_3716 {strides = array<i32>} : memref<8192xf32, #tpu.memory_space<vmem>>, vector<16xf32>,
      %add3A_3721 = arith.constant 3840 : i32
      %add3A_3722 = arith.addi %mul3A_112, %add3A_3721 : i32
      %slice3A_3723 = vector.extract_strided_slice %get3A_2040 {offsets = [14], sizes = [1], strides = [1]} : vector<16xi32> to vector<1xi32>
      %squeeze3A_3724 = vector.extract %slice3A_3723[0] : i32 from vector<1xi32>
      %slice3A_3725 = vector.extract_strided_slice %get3A_2044 {offsets = [14], sizes = [1], strides = [1]} : vector<16xi32> to vector<1xi32>
      %squeeze3A_3726 = vector.extract %slice3A_3725[0] : i32 from vector<1xi32>
      %slice3A_3727 = vector.extract_strided_slice %get3A_2048 {offsets = [14], sizes = [1], strides = [1]} : vector<16xi32> to vector<1xi32>
      %squeeze3A_3728 = vector.extract %slice3A_3727[0] : i32 from vector<1xi32>
      %slice3A_3729 = vector.extract_strided_slice %get3A_2052 {offsets = [14], sizes = [1], strides = [1]} : vector<16xi32> to vector<1xi32>
      %squeeze3A_3730 = vector.extract %slice3A_3729[0] : i32 from vector<1xi32>
      %and3A_3731 = arith.constant 65535 : i32
      %and3A_3732 = arith.andi %squeeze3A_3724, %and3A_3731 : i32
      %shift_right_logical3A_3733 = arith.constant 16 : i32
      %shift_right_logical3A_3734 = arith.shrui %squeeze3A_3724, %shift_right_logical3A_3733 : i32
      %and3A_3735 = arith.constant 65535 : i32
      %and3A_3736 = arith.andi %squeeze3A_3726, %and3A_3735 : i32
      %shift_right_logical3A_3737 = arith.constant 16 : i32
      %shift_right_logical3A_3738 = arith.shrui %squeeze3A_3726, %shift_right_logical3A_3737 : i32
      %and3A_3739 = arith.constant 65535 : i32
      %and3A_3740 = arith.andi %squeeze3A_3728, %and3A_3739 : i32
      %shift_right_logical3A_3741 = arith.constant 16 : i32
      %shift_right_logical3A_3742 = arith.shrui %squeeze3A_3728, %shift_right_logical3A_3741 : i32
      %and3A_3743 = arith.constant 65535 : i32
      %and3A_3744 = arith.andi %squeeze3A_3730, %and3A_3743 : i32
      %shift_right_logical3A_3745 = arith.constant 16 : i32
      %shift_right_logical3A_3746 = arith.shrui %squeeze3A_3730, %shift_right_logical3A_3745 : i32
      %add3A_3747 = arith.constant 0 : i32
      %add3A_3748 = arith.addi %and3A_3732, %add3A_3747 : i32
      %get3A_3749 = arith.index_cast %add3A_3748 : i32 to index
      %get3A_3750 = tpu.vector_load %arg9[%get3A_3749] {strides = array<i32>} : memref<49200xf32, #tpu.memory_space<vmem>>, vector<16xf32>,
      %add3A_3751 = arith.constant 0 : i32
      %add3A_3752 = arith.addi %add3A_3722, %add3A_3751 : i32
      %swap3A_3753 = arith.index_cast %add3A_3752 : i32 to index
      %swap3A_3754 = tpu.vector_load %arg15[%swap3A_3753] {strides = array<i32>} : memref<8192xf32, #tpu.memory_space<vmem>>, vector<16xf32>,
      tpu.vector_store %arg15[%swap3A_3753], %get3A_3750 {strides = array<i32>} : memref<8192xf32, #tpu.memory_space<vmem>>, vector<16xf32>,
      %add3A_3755 = arith.constant 16 : i32
      %add3A_3756 = arith.addi %and3A_3732, %add3A_3755 : i32
      %get3A_3757 = arith.index_cast %add3A_3756 : i32 to index
      %get3A_3758 = tpu.vector_load %arg9[%get3A_3757] {strides = array<i32>} : memref<49200xf32, #tpu.memory_space<vmem>>, vector<16xf32>,
      %add3A_3759 = arith.constant 16 : i32
      %add3A_3760 = arith.addi %add3A_3722, %add3A_3759 : i32
      %swap3A_3761 = arith.index_cast %add3A_3760 : i32 to index
      %swap3A_3762 = tpu.vector_load %arg15[%swap3A_3761] {strides = array<i32>} : memref<8192xf32, #tpu.memory_space<vmem>>, vector<16xf32>,
      tpu.vector_store %arg15[%swap3A_3761], %get3A_3758 {strides = array<i32>} : memref<8192xf32, #tpu.memory_space<vmem>>, vector<16xf32>,
      %add3A_3763 = arith.constant 32 : i32
      %add3A_3764 = arith.addi %and3A_3732, %add3A_3763 : i32
      %get3A_3765 = arith.index_cast %add3A_3764 : i32 to index
      %get3A_3766 = tpu.vector_load %arg9[%get3A_3765] {strides = array<i32>} : memref<49200xf32, #tpu.memory_space<vmem>>, vector<16xf32>,
      %add3A_3767 = arith.constant 32 : i32
      %add3A_3768 = arith.addi %add3A_3722, %add3A_3767 : i32
      %swap3A_3769 = arith.index_cast %add3A_3768 : i32 to index
      %swap3A_3770 = tpu.vector_load %arg15[%swap3A_3769] {strides = array<i32>} : memref<8192xf32, #tpu.memory_space<vmem>>, vector<16xf32>,
      tpu.vector_store %arg15[%swap3A_3769], %get3A_3766 {strides = array<i32>} : memref<8192xf32, #tpu.memory_space<vmem>>, vector<16xf32>,
      %add3A_3771 = arith.constant 0 : i32
      %add3A_3772 = arith.addi %shift_right_logical3A_3734, %add3A_3771 : i32
      %get3A_3773 = arith.index_cast %add3A_3772 : i32 to index
      %get3A_3774 = tpu.vector_load %arg10[%get3A_3773] {strides = array<i32>} : memref<29472xf32, #tpu.memory_space<vmem>>, vector<16xf32>,
      %add3A_3775 = arith.constant 0 : i32
      %add3A_3776 = arith.addi %and3A_3736, %add3A_3775 : i32
      %get3A_3777 = arith.index_cast %add3A_3776 : i32 to index
      %get3A_3778 = tpu.vector_load %arg10[%get3A_3777] {strides = array<i32>} : memref<29472xf32, #tpu.memory_space<vmem>>, vector<16xf32>,
      %add3A_3779 = arith.addf %get3A_3774, %get3A_3778 : vector<16xf32>
      %add3A_3780 = arith.constant 0 : i32
      %add3A_3781 = arith.addi %shift_right_logical3A_3738, %add3A_3780 : i32
      %get3A_3782 = arith.index_cast %add3A_3781 : i32 to index
      %get3A_3783 = tpu.vector_load %arg10[%get3A_3782] {strides = array<i32>} : memref<29472xf32, #tpu.memory_space<vmem>>, vector<16xf32>,
      %add3A_3784 = arith.addf %add3A_3779, %get3A_3783 : vector<16xf32>
      %add3A_3785 = arith.constant 0 : i32
      %add3A_3786 = arith.addi %and3A_3740, %add3A_3785 : i32
      %get3A_3787 = arith.index_cast %add3A_3786 : i32 to index
      %get3A_3788 = tpu.vector_load %arg10[%get3A_3787] {strides = array<i32>} : memref<29472xf32, #tpu.memory_space<vmem>>, vector<16xf32>,
      %add3A_3789 = arith.addf %add3A_3784, %get3A_3788 : vector<16xf32>
      %add3A_3790 = arith.constant 48 : i32
      %add3A_3791 = arith.addi %add3A_3722, %add3A_3790 : i32
      %add3A_3792 = arith.constant 0 : i32
      %add3A_3793 = arith.addi %add3A_3791, %add3A_3792 : i32
      %swap3A_3794 = arith.index_cast %add3A_3793 : i32 to index
      %swap3A_3795 = tpu.vector_load %arg15[%swap3A_3794] {strides = array<i32>} : memref<8192xf32, #tpu.memory_space<vmem>>, vector<16xf32>,
      tpu.vector_store %arg15[%swap3A_3794], %add3A_3789 {strides = array<i32>} : memref<8192xf32, #tpu.memory_space<vmem>>, vector<16xf32>,
      %add3A_3796 = arith.constant 16 : i32
      %add3A_3797 = arith.addi %shift_right_logical3A_3734, %add3A_3796 : i32
      %get3A_3798 = arith.index_cast %add3A_3797 : i32 to index
      %get3A_3799 = tpu.vector_load %arg10[%get3A_3798] {strides = array<i32>} : memref<29472xf32, #tpu.memory_space<vmem>>, vector<16xf32>,
      %add3A_3800 = arith.constant 16 : i32
      %add3A_3801 = arith.addi %and3A_3736, %add3A_3800 : i32
      %get3A_3802 = arith.index_cast %add3A_3801 : i32 to index
      %get3A_3803 = tpu.vector_load %arg10[%get3A_3802] {strides = array<i32>} : memref<29472xf32, #tpu.memory_space<vmem>>, vector<16xf32>,
      %add3A_3804 = arith.addf %get3A_3799, %get3A_3803 : vector<16xf32>
      %add3A_3805 = arith.constant 16 : i32
      %add3A_3806 = arith.addi %shift_right_logical3A_3738, %add3A_3805 : i32
      %get3A_3807 = arith.index_cast %add3A_3806 : i32 to index
      %get3A_3808 = tpu.vector_load %arg10[%get3A_3807] {strides = array<i32>} : memref<29472xf32, #tpu.memory_space<vmem>>, vector<16xf32>,
      %add3A_3809 = arith.addf %add3A_3804, %get3A_3808 : vector<16xf32>
      %add3A_3810 = arith.constant 16 : i32
      %add3A_3811 = arith.addi %and3A_3740, %add3A_3810 : i32
      %get3A_3812 = arith.index_cast %add3A_3811 : i32 to index
      %get3A_3813 = tpu.vector_load %arg10[%get3A_3812] {strides = array<i32>} : memref<29472xf32, #tpu.memory_space<vmem>>, vector<16xf32>,
      %add3A_3814 = arith.addf %add3A_3809, %get3A_3813 : vector<16xf32>
      %add3A_3815 = arith.constant 48 : i32
      %add3A_3816 = arith.addi %add3A_3722, %add3A_3815 : i32
      %add3A_3817 = arith.constant 16 : i32
      %add3A_3818 = arith.addi %add3A_3816, %add3A_3817 : i32
      %swap3A_3819 = arith.index_cast %add3A_3818 : i32 to index
      %swap3A_3820 = tpu.vector_load %arg15[%swap3A_3819] {strides = array<i32>} : memref<8192xf32, #tpu.memory_space<vmem>>, vector<16xf32>,
      tpu.vector_store %arg15[%swap3A_3819], %add3A_3814 {strides = array<i32>} : memref<8192xf32, #tpu.memory_space<vmem>>, vector<16xf32>,
      %get3A_3821 = arith.index_cast %shift_right_logical3A_3742 : i32 to index
      %get3A_3822 = tpu.vector_load %arg11[%get3A_3821] {strides = array<i32>} : memref<4960xf32, #tpu.memory_space<vmem>>, vector<16xf32>,
      %add3A_3823 = arith.constant 72 : i32
      %add3A_3824 = arith.addi %add3A_3722, %add3A_3823 : i32
      %swap3A_3825 = arith.index_cast %add3A_3824 : i32 to index
      %swap3A_3826 = tpu.vector_load %arg15[%swap3A_3825] {strides = array<i32>} : memref<8192xf32, #tpu.memory_space<vmem>>, vector<16xf32>,
      tpu.vector_store %arg15[%swap3A_3825], %get3A_3822 {strides = array<i32>} : memref<8192xf32, #tpu.memory_space<vmem>>, vector<16xf32>,
      %get3A_3827 = arith.index_cast %and3A_3744 : i32 to index
      %get3A_3828 = tpu.vector_load %arg12[%get3A_3827] {strides = array<i32>} : memref<19200xf32, #tpu.memory_space<vmem>>, vector<16xf32>,
      %add3A_3829 = arith.constant 88 : i32
      %add3A_3830 = arith.addi %add3A_3722, %add3A_3829 : i32
      %swap3A_3831 = arith.index_cast %add3A_3830 : i32 to index
      %swap3A_3832 = tpu.vector_load %arg15[%swap3A_3831] {strides = array<i32>} : memref<8192xf32, #tpu.memory_space<vmem>>, vector<16xf32>,
      tpu.vector_store %arg15[%swap3A_3831], %get3A_3828 {strides = array<i32>} : memref<8192xf32, #tpu.memory_space<vmem>>, vector<16xf32>,
      %get3A_3833 = arith.index_cast %shift_right_logical3A_3746 : i32 to index
      %get3A_3834 = tpu.vector_load %arg13[%get3A_3833] {strides = array<i32>} : memref<304xf32, #tpu.memory_space<vmem>>, vector<16xf32>,
      %add3A_3835 = arith.constant 104 : i32
      %add3A_3836 = arith.addi %add3A_3722, %add3A_3835 : i32
      %swap3A_3837 = arith.index_cast %add3A_3836 : i32 to index
      %swap3A_3838 = tpu.vector_load %arg15[%swap3A_3837] {strides = array<i32>} : memref<8192xf32, #tpu.memory_space<vmem>>, vector<16xf32>,
      tpu.vector_store %arg15[%swap3A_3837], %get3A_3834 {strides = array<i32>} : memref<8192xf32, #tpu.memory_space<vmem>>, vector<16xf32>,
      %add3A_3839 = arith.constant 3968 : i32
      %add3A_3840 = arith.addi %mul3A_112, %add3A_3839 : i32
      %slice3A_3841 = vector.extract_strided_slice %get3A_2040 {offsets = [15], sizes = [1], strides = [1]} : vector<16xi32> to vector<1xi32>
      %squeeze3A_3842 = vector.extract %slice3A_3841[0] : i32 from vector<1xi32>
      %slice3A_3843 = vector.extract_strided_slice %get3A_2044 {offsets = [15], sizes = [1], strides = [1]} : vector<16xi32> to vector<1xi32>
      %squeeze3A_3844 = vector.extract %slice3A_3843[0] : i32 from vector<1xi32>
      %slice3A_3845 = vector.extract_strided_slice %get3A_2048 {offsets = [15], sizes = [1], strides = [1]} : vector<16xi32> to vector<1xi32>
      %squeeze3A_3846 = vector.extract %slice3A_3845[0] : i32 from vector<1xi32>
      %slice3A_3847 = vector.extract_strided_slice %get3A_2052 {offsets = [15], sizes = [1], strides = [1]} : vector<16xi32> to vector<1xi32>
      %squeeze3A_3848 = vector.extract %slice3A_3847[0] : i32 from vector<1xi32>
      %and3A_3849 = arith.constant 65535 : i32
      %and3A_3850 = arith.andi %squeeze3A_3842, %and3A_3849 : i32
      %shift_right_logical3A_3851 = arith.constant 16 : i32
      %shift_right_logical3A_3852 = arith.shrui %squeeze3A_3842, %shift_right_logical3A_3851 : i32
      %and3A_3853 = arith.constant 65535 : i32
      %and3A_3854 = arith.andi %squeeze3A_3844, %and3A_3853 : i32
      %shift_right_logical3A_3855 = arith.constant 16 : i32
      %shift_right_logical3A_3856 = arith.shrui %squeeze3A_3844, %shift_right_logical3A_3855 : i32
      %and3A_3857 = arith.constant 65535 : i32
      %and3A_3858 = arith.andi %squeeze3A_3846, %and3A_3857 : i32
      %shift_right_logical3A_3859 = arith.constant 16 : i32
      %shift_right_logical3A_3860 = arith.shrui %squeeze3A_3846, %shift_right_logical3A_3859 : i32
      %and3A_3861 = arith.constant 65535 : i32
      %and3A_3862 = arith.andi %squeeze3A_3848, %and3A_3861 : i32
      %shift_right_logical3A_3863 = arith.constant 16 : i32
      %shift_right_logical3A_3864 = arith.shrui %squeeze3A_3848, %shift_right_logical3A_3863 : i32
      %add3A_3865 = arith.constant 0 : i32
      %add3A_3866 = arith.addi %and3A_3850, %add3A_3865 : i32
      %get3A_3867 = arith.index_cast %add3A_3866 : i32 to index
      %get3A_3868 = tpu.vector_load %arg9[%get3A_3867] {strides = array<i32>} : memref<49200xf32, #tpu.memory_space<vmem>>, vector<16xf32>,
      %add3A_3869 = arith.constant 0 : i32
      %add3A_3870 = arith.addi %add3A_3840, %add3A_3869 : i32
      %swap3A_3871 = arith.index_cast %add3A_3870 : i32 to index
      %swap3A_3872 = tpu.vector_load %arg15[%swap3A_3871] {strides = array<i32>} : memref<8192xf32, #tpu.memory_space<vmem>>, vector<16xf32>,
      tpu.vector_store %arg15[%swap3A_3871], %get3A_3868 {strides = array<i32>} : memref<8192xf32, #tpu.memory_space<vmem>>, vector<16xf32>,
      %add3A_3873 = arith.constant 16 : i32
      %add3A_3874 = arith.addi %and3A_3850, %add3A_3873 : i32
      %get3A_3875 = arith.index_cast %add3A_3874 : i32 to index
      %get3A_3876 = tpu.vector_load %arg9[%get3A_3875] {strides = array<i32>} : memref<49200xf32, #tpu.memory_space<vmem>>, vector<16xf32>,
      %add3A_3877 = arith.constant 16 : i32
      %add3A_3878 = arith.addi %add3A_3840, %add3A_3877 : i32
      %swap3A_3879 = arith.index_cast %add3A_3878 : i32 to index
      %swap3A_3880 = tpu.vector_load %arg15[%swap3A_3879] {strides = array<i32>} : memref<8192xf32, #tpu.memory_space<vmem>>, vector<16xf32>,
      tpu.vector_store %arg15[%swap3A_3879], %get3A_3876 {strides = array<i32>} : memref<8192xf32, #tpu.memory_space<vmem>>, vector<16xf32>,
      %add3A_3881 = arith.constant 32 : i32
      %add3A_3882 = arith.addi %and3A_3850, %add3A_3881 : i32
      %get3A_3883 = arith.index_cast %add3A_3882 : i32 to index
      %get3A_3884 = tpu.vector_load %arg9[%get3A_3883] {strides = array<i32>} : memref<49200xf32, #tpu.memory_space<vmem>>, vector<16xf32>,
      %add3A_3885 = arith.constant 32 : i32
      %add3A_3886 = arith.addi %add3A_3840, %add3A_3885 : i32
      %swap3A_3887 = arith.index_cast %add3A_3886 : i32 to index
      %swap3A_3888 = tpu.vector_load %arg15[%swap3A_3887] {strides = array<i32>} : memref<8192xf32, #tpu.memory_space<vmem>>, vector<16xf32>,
      tpu.vector_store %arg15[%swap3A_3887], %get3A_3884 {strides = array<i32>} : memref<8192xf32, #tpu.memory_space<vmem>>, vector<16xf32>,
      %add3A_3889 = arith.constant 0 : i32
      %add3A_3890 = arith.addi %shift_right_logical3A_3852, %add3A_3889 : i32
      %get3A_3891 = arith.index_cast %add3A_3890 : i32 to index
      %get3A_3892 = tpu.vector_load %arg10[%get3A_3891] {strides = array<i32>} : memref<29472xf32, #tpu.memory_space<vmem>>, vector<16xf32>,
      %add3A_3893 = arith.constant 0 : i32
      %add3A_3894 = arith.addi %and3A_3854, %add3A_3893 : i32
      %get3A_3895 = arith.index_cast %add3A_3894 : i32 to index
      %get3A_3896 = tpu.vector_load %arg10[%get3A_3895] {strides = array<i32>} : memref<29472xf32, #tpu.memory_space<vmem>>, vector<16xf32>,
      %add3A_3897 = arith.addf %get3A_3892, %get3A_3896 : vector<16xf32>
      %add3A_3898 = arith.constant 0 : i32
      %add3A_3899 = arith.addi %shift_right_logical3A_3856, %add3A_3898 : i32
      %get3A_3900 = arith.index_cast %add3A_3899 : i32 to index
      %get3A_3901 = tpu.vector_load %arg10[%get3A_3900] {strides = array<i32>} : memref<29472xf32, #tpu.memory_space<vmem>>, vector<16xf32>,
      %add3A_3902 = arith.addf %add3A_3897, %get3A_3901 : vector<16xf32>
      %add3A_3903 = arith.constant 0 : i32
      %add3A_3904 = arith.addi %and3A_3858, %add3A_3903 : i32
      %get3A_3905 = arith.index_cast %add3A_3904 : i32 to index
      %get3A_3906 = tpu.vector_load %arg10[%get3A_3905] {strides = array<i32>} : memref<29472xf32, #tpu.memory_space<vmem>>, vector<16xf32>,
      %add3A_3907 = arith.addf %add3A_3902, %get3A_3906 : vector<16xf32>
      %add3A_3908 = arith.constant 48 : i32
      %add3A_3909 = arith.addi %add3A_3840, %add3A_3908 : i32
      %add3A_3910 = arith.constant 0 : i32
      %add3A_3911 = arith.addi %add3A_3909, %add3A_3910 : i32
      %swap3A_3912 = arith.index_cast %add3A_3911 : i32 to index
      %swap3A_3913 = tpu.vector_load %arg15[%swap3A_3912] {strides = array<i32>} : memref<8192xf32, #tpu.memory_space<vmem>>, vector<16xf32>,
      tpu.vector_store %arg15[%swap3A_3912], %add3A_3907 {strides = array<i32>} : memref<8192xf32, #tpu.memory_space<vmem>>, vector<16xf32>,
      %add3A_3914 = arith.constant 16 : i32
      %add3A_3915 = arith.addi %shift_right_logical3A_3852, %add3A_3914 : i32
      %get3A_3916 = arith.index_cast %add3A_3915 : i32 to index
      %get3A_3917 = tpu.vector_load %arg10[%get3A_3916] {strides = array<i32>} : memref<29472xf32, #tpu.memory_space<vmem>>, vector<16xf32>,
      %add3A_3918 = arith.constant 16 : i32
      %add3A_3919 = arith.addi %and3A_3854, %add3A_3918 : i32
      %get3A_3920 = arith.index_cast %add3A_3919 : i32 to index
      %get3A_3921 = tpu.vector_load %arg10[%get3A_3920] {strides = array<i32>} : memref<29472xf32, #tpu.memory_space<vmem>>, vector<16xf32>,
      %add3A_3922 = arith.addf %get3A_3917, %get3A_3921 : vector<16xf32>
      %add3A_3923 = arith.constant 16 : i32
      %add3A_3924 = arith.addi %shift_right_logical3A_3856, %add3A_3923 : i32
      %get3A_3925 = arith.index_cast %add3A_3924 : i32 to index
      %get3A_3926 = tpu.vector_load %arg10[%get3A_3925] {strides = array<i32>} : memref<29472xf32, #tpu.memory_space<vmem>>, vector<16xf32>,
      %add3A_3927 = arith.addf %add3A_3922, %get3A_3926 : vector<16xf32>
      %add3A_3928 = arith.constant 16 : i32
      %add3A_3929 = arith.addi %and3A_3858, %add3A_3928 : i32
      %get3A_3930 = arith.index_cast %add3A_3929 : i32 to index
      %get3A_3931 = tpu.vector_load %arg10[%get3A_3930] {strides = array<i32>} : memref<29472xf32, #tpu.memory_space<vmem>>, vector<16xf32>,
      %add3A_3932 = arith.addf %add3A_3927, %get3A_3931 : vector<16xf32>
      %add3A_3933 = arith.constant 48 : i32
      %add3A_3934 = arith.addi %add3A_3840, %add3A_3933 : i32
      %add3A_3935 = arith.constant 16 : i32
      %add3A_3936 = arith.addi %add3A_3934, %add3A_3935 : i32
      %swap3A_3937 = arith.index_cast %add3A_3936 : i32 to index
      %swap3A_3938 = tpu.vector_load %arg15[%swap3A_3937] {strides = array<i32>} : memref<8192xf32, #tpu.memory_space<vmem>>, vector<16xf32>,
      tpu.vector_store %arg15[%swap3A_3937], %add3A_3932 {strides = array<i32>} : memref<8192xf32, #tpu.memory_space<vmem>>, vector<16xf32>,
      %get3A_3939 = arith.index_cast %shift_right_logical3A_3860 : i32 to index
      %get3A_3940 = tpu.vector_load %arg11[%get3A_3939] {strides = array<i32>} : memref<4960xf32, #tpu.memory_space<vmem>>, vector<16xf32>,
      %add3A_3941 = arith.constant 72 : i32
      %add3A_3942 = arith.addi %add3A_3840, %add3A_3941 : i32
      %swap3A_3943 = arith.index_cast %add3A_3942 : i32 to index
      %swap3A_3944 = tpu.vector_load %arg15[%swap3A_3943] {strides = array<i32>} : memref<8192xf32, #tpu.memory_space<vmem>>, vector<16xf32>,
      tpu.vector_store %arg15[%swap3A_3943], %get3A_3940 {strides = array<i32>} : memref<8192xf32, #tpu.memory_space<vmem>>, vector<16xf32>,
      %get3A_3945 = arith.index_cast %and3A_3862 : i32 to index
      %get3A_3946 = tpu.vector_load %arg12[%get3A_3945] {strides = array<i32>} : memref<19200xf32, #tpu.memory_space<vmem>>, vector<16xf32>,
      %add3A_3947 = arith.constant 88 : i32
      %add3A_3948 = arith.addi %add3A_3840, %add3A_3947 : i32
      %swap3A_3949 = arith.index_cast %add3A_3948 : i32 to index
      %swap3A_3950 = tpu.vector_load %arg15[%swap3A_3949] {strides = array<i32>} : memref<8192xf32, #tpu.memory_space<vmem>>, vector<16xf32>,
      tpu.vector_store %arg15[%swap3A_3949], %get3A_3946 {strides = array<i32>} : memref<8192xf32, #tpu.memory_space<vmem>>, vector<16xf32>,
      %get3A_3951 = arith.index_cast %shift_right_logical3A_3864 : i32 to index
      %get3A_3952 = tpu.vector_load %arg13[%get3A_3951] {strides = array<i32>} : memref<304xf32, #tpu.memory_space<vmem>>, vector<16xf32>,
      %add3A_3953 = arith.constant 104 : i32
      %add3A_3954 = arith.addi %add3A_3840, %add3A_3953 : i32
      %swap3A_3955 = arith.index_cast %add3A_3954 : i32 to index
      %swap3A_3956 = tpu.vector_load %arg15[%swap3A_3955] {strides = array<i32>} : memref<8192xf32, #tpu.memory_space<vmem>>, vector<16xf32>,
      tpu.vector_store %arg15[%swap3A_3955], %get3A_3952 {strides = array<i32>} : memref<8192xf32, #tpu.memory_space<vmem>>, vector<16xf32>,
      %mul3A_3957 = arith.constant 32 : i32
      %mul3A_3958 = arith.muli %scan3A_100, %mul3A_3957 : i32
      %add3A_3959 = arith.addi %mul3A_2, %mul3A_3958 : i32
      %mul3A_3960 = arith.constant 128 : i32
      %mul3A_3961 = arith.muli %add3A_3959, %mul3A_3960 : i32
      %dma_start3A_3962 = tpu.memref_slice %arg15[%mul3A_112] : memref<8192xf32, #tpu.memory_space<vmem>> -> memref<4096xf32, #tpu.memory_space<vmem>>
      %dma_start3A_3963 = tpu.memref_slice %arg8[%mul3A_3961] : memref<2097152xf32, #tpu.memory_space<hbm>> -> memref<4096xf32, #tpu.memory_space<hbm>>
      %dma_start3A_3964 = tpu.memref_slice %arg8[%mul3A_3961] : memref<2097152xf32, #tpu.memory_space<hbm>> -> memref<4096xf32, #tpu.memory_space<hbm>>
      %dma_start3A_3965 = tpu.memref_slice %arg15[%mul3A_112] : memref<8192xf32, #tpu.memory_space<vmem>> -> memref<4096xf32, #tpu.memory_space<vmem>>
      tpu.enqueue_dma source(%dma_start3A_3965 : memref<4096xf32, #tpu.memory_space<vmem>>) target(%dma_start3A_3964 : memref<4096xf32, #tpu.memory_space<hbm>>) target_semaphore(%arg17 : memref<!tpu.dma_semaphore, #tpu.memory_space<semaphore_mem>>)
      %scan3A_3966 = arith.constant 0 : i32
      scf.yield %scan3A_3966 : i32
    }
    %scan3A_83 = arith.constant 16 : i32
    %mul3A_84 = arith.constant 128 : i32
    %mul3A_85 = arith.muli %mul3A_2, %mul3A_84 : i32
    %dma_wait3A_86 = arith.constant 0 : i32
    %dma_wait3A_87 = tpu.memref_slice %arg15[%dma_wait3A_86] : memref<8192xf32, #tpu.memory_space<vmem>> -> memref<4096xf32, #tpu.memory_space<vmem>>
    %dma_wait3A_88 = tpu.memref_slice %arg8[%mul3A_85] : memref<2097152xf32, #tpu.memory_space<hbm>> -> memref<4096xf32, #tpu.memory_space<hbm>>
    %dma_wait3A_89 = tpu.memref_slice %arg8[%mul3A_85] : memref<2097152xf32, #tpu.memory_space<hbm>> -> memref<4096xf32, #tpu.memory_space<hbm>>
    %dma_wait3A_90 = arith.constant 0 : i32
    %dma_wait3A_91 = tpu.memref_slice %arg15[%dma_wait3A_90] : memref<8192xf32, #tpu.memory_space<vmem>> -> memref<4096xf32, #tpu.memory_space<vmem>>
    tpu.wait_dma2 semaphore(%arg17 : memref<!tpu.dma_semaphore, #tpu.memory_space<semaphore_mem>>) src(%dma_wait3A_91 : memref<4096xf32, #tpu.memory_space<vmem>>) dst(%dma_wait3A_89 : memref<4096xf32, #tpu.memory_space<hbm>>)
    %mul3A_92 = arith.constant 128 : i32
    %mul3A_93 = arith.muli %mul3A_2, %mul3A_92 : i32
    %dma_wait3A_94 = arith.constant 0 : i32
    %dma_wait3A_95 = tpu.memref_slice %arg15[%dma_wait3A_94] : memref<8192xf32, #tpu.memory_space<vmem>> -> memref<4096xf32, #tpu.memory_space<vmem>>
    %dma_wait3A_96 = tpu.memref_slice %arg8[%mul3A_93] : memref<2097152xf32, #tpu.memory_space<hbm>> -> memref<4096xf32, #tpu.memory_space<hbm>>
    %dma_wait3A_97 = tpu.memref_slice %arg8[%mul3A_93] : memref<2097152xf32, #tpu.memory_space<hbm>> -> memref<4096xf32, #tpu.memory_space<hbm>>
    %dma_wait3A_98 = arith.constant 0 : i32
    %dma_wait3A_99 = tpu.memref_slice %arg15[%dma_wait3A_98] : memref<8192xf32, #tpu.memory_space<vmem>> -> memref<4096xf32, #tpu.memory_space<vmem>>
    tpu.wait_dma2 semaphore(%arg17 : memref<!tpu.dma_semaphore, #tpu.memory_space<semaphore_mem>>) src(%dma_wait3A_99 : memref<4096xf32, #tpu.memory_space<vmem>>) dst(%dma_wait3A_97 : memref<4096xf32, #tpu.memory_space<hbm>>)
    return
  }
}

module attributes {stable_mosaic.version = 14 : i64} {
  func.func @_tc_mlp_kernel(%arg0: i32, %arg1: memref<1024x128xf32, #tpu.memory_space<vmem>>, %arg2: memref<1024x31xf32, #tpu.memory_space<vmem>>, %arg3: memref<32x16xf32, #tpu.memory_space<vmem>>, %arg4: memref<128x256xf32, #tpu.memory_space<vmem>>, %arg5: memref<16x256xf32, #tpu.memory_space<vmem>>, %arg6: memref<16x256xf32, #tpu.memory_space<vmem>>, %arg7: memref<31x256xf32, #tpu.memory_space<vmem>>, %arg8: memref<1x256xf32, #tpu.memory_space<vmem>>, %arg9: memref<256x128xf32, #tpu.memory_space<vmem>>, %arg10: memref<1x128xf32, #tpu.memory_space<vmem>>, %arg11: memref<1024x128xf32, #tpu.memory_space<vmem>>) attributes {dimension_semantics = [#tpu.dimension_semantics<arbitrary>], iteration_bounds = array<i64: 16>, scalar_prefetch = 0 : i64, scratch_operands = 0 : i64, tpu.core_type = #tpu.core_type<tc>, window_params = [{transform_indices = @transform_0, window_bounds = array<i64: 1024, 128>}, {transform_indices = @transform_1, window_bounds = array<i64: 1024, 31>}, {pipeline_mode = #tpu.pipeline_mode<synchronous>, transform_indices = @transform_2, window_bounds = array<i64: 32, 16>}, {pipeline_mode = #tpu.pipeline_mode<synchronous>, transform_indices = @transform_3, window_bounds = array<i64: 128, 256>}, {pipeline_mode = #tpu.pipeline_mode<synchronous>, transform_indices = @transform_4, window_bounds = array<i64: 16, 256>}, {pipeline_mode = #tpu.pipeline_mode<synchronous>, transform_indices = @transform_5, window_bounds = array<i64: 16, 256>}, {pipeline_mode = #tpu.pipeline_mode<synchronous>, transform_indices = @transform_6, window_bounds = array<i64: 31, 256>}, {pipeline_mode = #tpu.pipeline_mode<synchronous>, transform_indices = @transform_7, window_bounds = array<i64: 1, 256>}, {pipeline_mode = #tpu.pipeline_mode<synchronous>, transform_indices = @transform_8, window_bounds = array<i64: 256, 128>}, {pipeline_mode = #tpu.pipeline_mode<synchronous>, transform_indices = @transform_9, window_bounds = array<i64: 1, 128>}, {transform_indices = @transform_10, window_bounds = array<i64: 1024, 128>}]} {
    %get3A = arith.constant 0 : index
    %get3A_0 = arith.constant 0 : index
    %get3A_1 = vector.load %arg1[%get3A, %get3A_0] : memref<1024x128xf32, #tpu.memory_space<vmem>>, vector<1024x128xf32>
    %slice3A = vector.extract_strided_slice %get3A_1 {offsets = [0, 120], sizes = [1024, 1], strides = [1, 1]} : vector<1024x128xf32> to vector<1024x1xf32>
    %bitcast_convert_type3A = tpu.bitcast %slice3A : vector<1024x1xf32> -> vector<1024x1xi32>
    %shift_right_logical3A = arith.constant 25 : i32
    %shift_right_logical3A_2 = vector.broadcast %shift_right_logical3A : i32 to vector<1024x1xi32>
    %shift_right_logical3A_3 = arith.shrui %bitcast_convert_type3A, %shift_right_logical3A_2 : vector<1024x1xi32>
    %convert_element_type3A = arith.sitofp %shift_right_logical3A_3 : vector<1024x1xi32> to vector<1024x1xf32>
    %max3A = arith.constant 1.000000e+00 : f32
    %max3A_4 = vector.broadcast %max3A : f32 to vector<1024x1xf32>
    %max3A_5 = arith.maximumf %convert_element_type3A, %max3A_4 : vector<1024x1xf32>
    %div3A = arith.constant 1.000000e+00 : f32
    %div3A_6 = vector.broadcast %div3A : f32 to vector<1024x1xf32>
    %div3A_7 = arith.divf %div3A_6, %max3A_5 : vector<1024x1xf32>
    %iota3A = tpu.iota {dimensions = array<i32: 1>} : vector<1024x128xi32>
    %ge3A = arith.constant 48 : i32
    %ge3A_8 = vector.broadcast %ge3A : i32 to vector<1024x128xi32>
    %ge3A_9 = arith.cmpi sge, %iota3A, %ge3A_8 : vector<1024x128xi32>
    %lt3A = arith.constant 72 : i32
    %lt3A_10 = vector.broadcast %lt3A : i32 to vector<1024x128xi32>
    %lt3A_11 = arith.cmpi slt, %iota3A, %lt3A_10 : vector<1024x128xi32>
    %and3A = arith.andi %ge3A_9, %lt3A_11 : vector<1024x128xi1>
    %jit3A = arith.constant 1.000000e+00 : f32
    %broadcast_in_dim3A = vector.shape_cast %div3A_7 : vector<1024x1xf32> to vector<1024x1xf32>
    %broadcast_in_dim3A_12 = vector.broadcast %broadcast_in_dim3A : vector<1024x1xf32> to vector<1024x128xf32>
    %broadcast_in_dim3A_13 = vector.broadcast %jit3A : f32 to vector<1024x128xf32>
    %select_n3A = arith.select %and3A, %broadcast_in_dim3A_12, %broadcast_in_dim3A_13 : vector<1024x128xi1>, vector<1024x128xf32>
    %mul3A = arith.mulf %get3A_1, %select_n3A : vector<1024x128xf32>
    %iota3A_14 = tpu.iota {dimensions = array<i32: 1>} : vector<1024x32xi32>
    %and3A_15 = arith.constant 31 : i32
    %and3A_16 = vector.broadcast %and3A_15 : i32 to vector<1024x1xi32>
    %and3A_17 = arith.andi %bitcast_convert_type3A, %and3A_16 : vector<1024x1xi32>
    %eq3A = vector.broadcast %and3A_17 : vector<1024x1xi32> to vector<1024x32xi32>
    %eq3A_18 = arith.cmpi eq, %iota3A_14, %eq3A : vector<1024x32xi32>
    %convert_element_type3A_19 = arith.extui %eq3A_18 : vector<1024x32xi1> to vector<1024x32xi32>
    %convert_element_type3A_20 = arith.sitofp %convert_element_type3A_19 : vector<1024x32xi32> to vector<1024x32xf32>
    %broadcast_in_dim3A_21 = arith.constant 0.000000e+00 : f32
    %broadcast_in_dim3A_22 = vector.broadcast %broadcast_in_dim3A_21 : f32 to vector<1024x32xf32>
    %broadcast_in_dim3A_23 = arith.constant 0.000000e+00 : f32
    %broadcast_in_dim3A_24 = vector.broadcast %broadcast_in_dim3A_23 : f32 to vector<1024x1xf32>
    %shift_right_logical3A_25 = arith.constant 5 : i32
    %shift_right_logical3A_26 = vector.broadcast %shift_right_logical3A_25 : i32 to vector<1024x1xi32>
    %shift_right_logical3A_27 = arith.shrui %bitcast_convert_type3A, %shift_right_logical3A_26 : vector<1024x1xi32>
    %and3A_28 = arith.constant 31 : i32
    %and3A_29 = vector.broadcast %and3A_28 : i32 to vector<1024x1xi32>
    %and3A_30 = arith.andi %shift_right_logical3A_27, %and3A_29 : vector<1024x1xi32>
    %ne3A = arith.constant 0 : i32
    %ne3A_31 = vector.broadcast %ne3A : i32 to vector<1024x1xi32>
    %ne3A_32 = arith.cmpi ne, %and3A_30, %ne3A_31 : vector<1024x1xi32>
    %eq3A_33 = vector.broadcast %and3A_30 : vector<1024x1xi32> to vector<1024x32xi32>
    %eq3A_34 = arith.cmpi eq, %iota3A_14, %eq3A_33 : vector<1024x32xi32>
    %and3A_35 = vector.broadcast %ne3A_32 : vector<1024x1xi1> to vector<1024x32xi1>
    %and3A_36 = arith.andi %eq3A_34, %and3A_35 : vector<1024x32xi1>
    %convert_element_type3A_37 = arith.extui %and3A_36 : vector<1024x32xi1> to vector<1024x32xi32>
    %convert_element_type3A_38 = arith.sitofp %convert_element_type3A_37 : vector<1024x32xi32> to vector<1024x32xf32>
    %add3A = arith.addf %broadcast_in_dim3A_22, %convert_element_type3A_38 : vector<1024x32xf32>
    %convert_element_type3A_39 = arith.extui %ne3A_32 : vector<1024x1xi1> to vector<1024x1xi32>
    %convert_element_type3A_40 = arith.sitofp %convert_element_type3A_39 : vector<1024x1xi32> to vector<1024x1xf32>
    %add3A_41 = arith.addf %broadcast_in_dim3A_24, %convert_element_type3A_40 : vector<1024x1xf32>
    %shift_right_logical3A_42 = arith.constant 10 : i32
    %shift_right_logical3A_43 = vector.broadcast %shift_right_logical3A_42 : i32 to vector<1024x1xi32>
    %shift_right_logical3A_44 = arith.shrui %bitcast_convert_type3A, %shift_right_logical3A_43 : vector<1024x1xi32>
    %and3A_45 = arith.constant 31 : i32
    %and3A_46 = vector.broadcast %and3A_45 : i32 to vector<1024x1xi32>
    %and3A_47 = arith.andi %shift_right_logical3A_44, %and3A_46 : vector<1024x1xi32>
    %ne3A_48 = arith.constant 0 : i32
    %ne3A_49 = vector.broadcast %ne3A_48 : i32 to vector<1024x1xi32>
    %ne3A_50 = arith.cmpi ne, %and3A_47, %ne3A_49 : vector<1024x1xi32>
    %eq3A_51 = vector.broadcast %and3A_47 : vector<1024x1xi32> to vector<1024x32xi32>
    %eq3A_52 = arith.cmpi eq, %iota3A_14, %eq3A_51 : vector<1024x32xi32>
    %and3A_53 = vector.broadcast %ne3A_50 : vector<1024x1xi1> to vector<1024x32xi1>
    %and3A_54 = arith.andi %eq3A_52, %and3A_53 : vector<1024x32xi1>
    %convert_element_type3A_55 = arith.extui %and3A_54 : vector<1024x32xi1> to vector<1024x32xi32>
    %convert_element_type3A_56 = arith.sitofp %convert_element_type3A_55 : vector<1024x32xi32> to vector<1024x32xf32>
    %add3A_57 = arith.addf %add3A, %convert_element_type3A_56 : vector<1024x32xf32>
    %convert_element_type3A_58 = arith.extui %ne3A_50 : vector<1024x1xi1> to vector<1024x1xi32>
    %convert_element_type3A_59 = arith.sitofp %convert_element_type3A_58 : vector<1024x1xi32> to vector<1024x1xf32>
    %add3A_60 = arith.addf %add3A_41, %convert_element_type3A_59 : vector<1024x1xf32>
    %shift_right_logical3A_61 = arith.constant 15 : i32
    %shift_right_logical3A_62 = vector.broadcast %shift_right_logical3A_61 : i32 to vector<1024x1xi32>
    %shift_right_logical3A_63 = arith.shrui %bitcast_convert_type3A, %shift_right_logical3A_62 : vector<1024x1xi32>
    %and3A_64 = arith.constant 31 : i32
    %and3A_65 = vector.broadcast %and3A_64 : i32 to vector<1024x1xi32>
    %and3A_66 = arith.andi %shift_right_logical3A_63, %and3A_65 : vector<1024x1xi32>
    %ne3A_67 = arith.constant 0 : i32
    %ne3A_68 = vector.broadcast %ne3A_67 : i32 to vector<1024x1xi32>
    %ne3A_69 = arith.cmpi ne, %and3A_66, %ne3A_68 : vector<1024x1xi32>
    %eq3A_70 = vector.broadcast %and3A_66 : vector<1024x1xi32> to vector<1024x32xi32>
    %eq3A_71 = arith.cmpi eq, %iota3A_14, %eq3A_70 : vector<1024x32xi32>
    %and3A_72 = vector.broadcast %ne3A_69 : vector<1024x1xi1> to vector<1024x32xi1>
    %and3A_73 = arith.andi %eq3A_71, %and3A_72 : vector<1024x32xi1>
    %convert_element_type3A_74 = arith.extui %and3A_73 : vector<1024x32xi1> to vector<1024x32xi32>
    %convert_element_type3A_75 = arith.sitofp %convert_element_type3A_74 : vector<1024x32xi32> to vector<1024x32xf32>
    %add3A_76 = arith.addf %add3A_57, %convert_element_type3A_75 : vector<1024x32xf32>
    %convert_element_type3A_77 = arith.extui %ne3A_69 : vector<1024x1xi1> to vector<1024x1xi32>
    %convert_element_type3A_78 = arith.sitofp %convert_element_type3A_77 : vector<1024x1xi32> to vector<1024x1xf32>
    %add3A_79 = arith.addf %add3A_60, %convert_element_type3A_78 : vector<1024x1xf32>
    %shift_right_logical3A_80 = arith.constant 20 : i32
    %shift_right_logical3A_81 = vector.broadcast %shift_right_logical3A_80 : i32 to vector<1024x1xi32>
    %shift_right_logical3A_82 = arith.shrui %bitcast_convert_type3A, %shift_right_logical3A_81 : vector<1024x1xi32>
    %and3A_83 = arith.constant 31 : i32
    %and3A_84 = vector.broadcast %and3A_83 : i32 to vector<1024x1xi32>
    %and3A_85 = arith.andi %shift_right_logical3A_82, %and3A_84 : vector<1024x1xi32>
    %ne3A_86 = arith.constant 0 : i32
    %ne3A_87 = vector.broadcast %ne3A_86 : i32 to vector<1024x1xi32>
    %ne3A_88 = arith.cmpi ne, %and3A_85, %ne3A_87 : vector<1024x1xi32>
    %eq3A_89 = vector.broadcast %and3A_85 : vector<1024x1xi32> to vector<1024x32xi32>
    %eq3A_90 = arith.cmpi eq, %iota3A_14, %eq3A_89 : vector<1024x32xi32>
    %and3A_91 = vector.broadcast %ne3A_88 : vector<1024x1xi1> to vector<1024x32xi1>
    %and3A_92 = arith.andi %eq3A_90, %and3A_91 : vector<1024x32xi1>
    %convert_element_type3A_93 = arith.extui %and3A_92 : vector<1024x32xi1> to vector<1024x32xi32>
    %convert_element_type3A_94 = arith.sitofp %convert_element_type3A_93 : vector<1024x32xi32> to vector<1024x32xf32>
    %add3A_95 = arith.addf %add3A_76, %convert_element_type3A_94 : vector<1024x32xf32>
    %convert_element_type3A_96 = arith.extui %ne3A_88 : vector<1024x1xi1> to vector<1024x1xi32>
    %convert_element_type3A_97 = arith.sitofp %convert_element_type3A_96 : vector<1024x1xi32> to vector<1024x1xf32>
    %add3A_98 = arith.addf %add3A_79, %convert_element_type3A_97 : vector<1024x1xf32>
    %max3A_99 = arith.constant 1.000000e+00 : f32
    %max3A_100 = vector.broadcast %max3A_99 : f32 to vector<1024x1xf32>
    %max3A_101 = arith.maximumf %add3A_98, %max3A_100 : vector<1024x1xf32>
    %div3A_102 = arith.constant 1.000000e+00 : f32
    %div3A_103 = vector.broadcast %div3A_102 : f32 to vector<1024x1xf32>
    %div3A_104 = arith.divf %div3A_103, %max3A_101 : vector<1024x1xf32>
    %mul3A_105 = vector.broadcast %div3A_104 : vector<1024x1xf32> to vector<1024x32xf32>
    %mul3A_106 = arith.mulf %add3A_95, %mul3A_105 : vector<1024x32xf32>
    %get3A_107 = arith.constant 0 : index
    %get3A_108 = arith.constant 0 : index
    %get3A_109 = vector.load %arg3[%get3A_107, %get3A_108] : memref<32x16xf32, #tpu.memory_space<vmem>>, vector<32x16xf32>
    %get3A_110 = arith.constant 0 : index
    %get3A_111 = arith.constant 0 : index
    %get3A_112 = vector.load %arg5[%get3A_110, %get3A_111] : memref<16x256xf32, #tpu.memory_space<vmem>>, vector<16x256xf32>
    %dot_general3A = arith.constant dense<0.000000e+00> : vector<32x256xf32>
    %dot_general3A_113 = tpu.matmul %get3A_109, %get3A_112, %dot_general3A {dimension_numbers = #tpu.dot_dimension_numbers<[1], [0], [0], [1], [0, 0, 1, 1], [], []>, transpose_lhs_hint = false} : vector<32x16xf32>, vector<16x256xf32>, vector<32x256xf32> -> vector<32x256xf32>
    %get3A_114 = arith.constant 0 : index
    %get3A_115 = arith.constant 0 : index
    %get3A_116 = vector.load %arg3[%get3A_114, %get3A_115] : memref<32x16xf32, #tpu.memory_space<vmem>>, vector<32x16xf32>
    %get3A_117 = arith.constant 0 : index
    %get3A_118 = arith.constant 0 : index
    %get3A_119 = vector.load %arg6[%get3A_117, %get3A_118] : memref<16x256xf32, #tpu.memory_space<vmem>>, vector<16x256xf32>
    %dot_general3A_120 = arith.constant dense<0.000000e+00> : vector<32x256xf32>
    %dot_general3A_121 = tpu.matmul %get3A_116, %get3A_119, %dot_general3A_120 {dimension_numbers = #tpu.dot_dimension_numbers<[1], [0], [0], [1], [0, 0, 1, 1], [], []>, transpose_lhs_hint = false} : vector<32x16xf32>, vector<16x256xf32>, vector<32x256xf32> -> vector<32x256xf32>
    %get3A_122 = arith.constant 0 : index
    %get3A_123 = arith.constant 0 : index
    %get3A_124 = vector.load %arg4[%get3A_122, %get3A_123] : memref<128x256xf32, #tpu.memory_space<vmem>>, vector<128x256xf32>
    %dot_general3A_125 = arith.constant dense<0.000000e+00> : vector<1024x256xf32>
    %dot_general3A_126 = tpu.matmul %mul3A, %get3A_124, %dot_general3A_125 {dimension_numbers = #tpu.dot_dimension_numbers<[1], [0], [0], [1], [0, 0, 1, 1], [], []>, transpose_lhs_hint = false} : vector<1024x128xf32>, vector<128x256xf32>, vector<1024x256xf32> -> vector<1024x256xf32>
    %dot_general3A_127 = arith.constant dense<0.000000e+00> : vector<1024x256xf32>
    %dot_general3A_128 = tpu.matmul %convert_element_type3A_20, %dot_general3A_113, %dot_general3A_127 {dimension_numbers = #tpu.dot_dimension_numbers<[1], [0], [0], [1], [0, 0, 1, 1], [], []>, transpose_lhs_hint = false} : vector<1024x32xf32>, vector<32x256xf32>, vector<1024x256xf32> -> vector<1024x256xf32>
    %add3A_129 = arith.addf %dot_general3A_126, %dot_general3A_128 : vector<1024x256xf32>
    %dot_general3A_130 = arith.constant dense<0.000000e+00> : vector<1024x256xf32>
    %dot_general3A_131 = tpu.matmul %mul3A_106, %dot_general3A_121, %dot_general3A_130 {dimension_numbers = #tpu.dot_dimension_numbers<[1], [0], [0], [1], [0, 0, 1, 1], [], []>, transpose_lhs_hint = false} : vector<1024x32xf32>, vector<32x256xf32>, vector<1024x256xf32> -> vector<1024x256xf32>
    %add3A_132 = arith.addf %add3A_129, %dot_general3A_131 : vector<1024x256xf32>
    %get3A_133 = arith.constant 0 : index
    %get3A_134 = arith.constant 0 : index
    %get3A_135 = vector.load %arg2[%get3A_133, %get3A_134] : memref<1024x31xf32, #tpu.memory_space<vmem>>, vector<1024x31xf32>
    %get3A_136 = arith.constant 0 : index
    %get3A_137 = arith.constant 0 : index
    %get3A_138 = vector.load %arg7[%get3A_136, %get3A_137] : memref<31x256xf32, #tpu.memory_space<vmem>>, vector<31x256xf32>
    %dot_general3A_139 = arith.constant dense<0.000000e+00> : vector<1024x256xf32>
    %dot_general3A_140 = tpu.matmul %get3A_135, %get3A_138, %dot_general3A_139 {dimension_numbers = #tpu.dot_dimension_numbers<[1], [0], [0], [1], [0, 0, 1, 1], [], []>, transpose_lhs_hint = false} : vector<1024x31xf32>, vector<31x256xf32>, vector<1024x256xf32> -> vector<1024x256xf32>
    %add3A_141 = arith.addf %add3A_132, %dot_general3A_140 : vector<1024x256xf32>
    %get3A_142 = arith.constant 0 : index
    %get3A_143 = arith.constant 0 : index
    %get3A_144 = vector.load %arg8[%get3A_142, %get3A_143] : memref<1x256xf32, #tpu.memory_space<vmem>>, vector<1x256xf32>
    %add3A_145 = vector.broadcast %get3A_144 : vector<1x256xf32> to vector<1024x256xf32>
    %add3A_146 = arith.addf %add3A_141, %add3A_145 : vector<1024x256xf32>
    %max3A_147 = arith.constant 0.000000e+00 : f32
    %max3A_148 = vector.broadcast %max3A_147 : f32 to vector<1024x256xf32>
    %max3A_149 = arith.maximumf %add3A_146, %max3A_148 : vector<1024x256xf32>
    %get3A_150 = arith.constant 0 : index
    %get3A_151 = arith.constant 0 : index
    %get3A_152 = vector.load %arg9[%get3A_150, %get3A_151] : memref<256x128xf32, #tpu.memory_space<vmem>>, vector<256x128xf32>
    %dot_general3A_153 = arith.constant dense<0.000000e+00> : vector<1024x128xf32>
    %dot_general3A_154 = tpu.matmul %max3A_149, %get3A_152, %dot_general3A_153 {dimension_numbers = #tpu.dot_dimension_numbers<[1], [0], [0], [1], [0, 0, 1, 1], [], []>, transpose_lhs_hint = false} : vector<1024x256xf32>, vector<256x128xf32>, vector<1024x128xf32> -> vector<1024x128xf32>
    %get3A_155 = arith.constant 0 : index
    %get3A_156 = arith.constant 0 : index
    %get3A_157 = vector.load %arg10[%get3A_155, %get3A_156] : memref<1x128xf32, #tpu.memory_space<vmem>>, vector<1x128xf32>
    %add3A_158 = vector.broadcast %get3A_157 : vector<1x128xf32> to vector<1024x128xf32>
    %add3A_159 = arith.addf %dot_general3A_154, %add3A_158 : vector<1024x128xf32>
    %max3A_160 = arith.constant 0.000000e+00 : f32
    %max3A_161 = vector.broadcast %max3A_160 : f32 to vector<1024x128xf32>
    %max3A_162 = arith.maximumf %add3A_159, %max3A_161 : vector<1024x128xf32>
    %swap3A = arith.constant 0 : index
    %swap3A_163 = arith.constant 0 : index
    %swap3A_164 = vector.load %arg11[%swap3A, %swap3A_163] : memref<1024x128xf32, #tpu.memory_space<vmem>>, vector<1024x128xf32>
    tpu.vector_store %arg11[%swap3A, %swap3A_163], %max3A_162 {strides = array<i32>} : memref<1024x128xf32, #tpu.memory_space<vmem>>, vector<1024x128xf32>,
    return
  }
  func.func @transform_0(%arg0: i32) -> (i32, i32) {
    %c0_i32 = arith.constant 0 : i32
    %c0_i32_0 = arith.constant 0 : i32
    return %arg0, %c0_i32 : i32, i32
  }
  func.func @transform_1(%arg0: i32) -> (i32, i32) {
    %c0_i32 = arith.constant 0 : i32
    %c0_i32_0 = arith.constant 0 : i32
    return %arg0, %c0_i32 : i32, i32
  }
  func.func @transform_2(%arg0: i32) -> (i32, i32) {
    %c0_i32 = arith.constant 0 : i32
    %c0_i32_0 = arith.constant 0 : i32
    %c0_i32_1 = arith.constant 0 : i32
    return %c0_i32, %c0_i32_0 : i32, i32
  }
  func.func @transform_3(%arg0: i32) -> (i32, i32) {
    %c0_i32 = arith.constant 0 : i32
    %c0_i32_0 = arith.constant 0 : i32
    %c0_i32_1 = arith.constant 0 : i32
    return %c0_i32, %c0_i32_0 : i32, i32
  }
  func.func @transform_4(%arg0: i32) -> (i32, i32) {
    %c0_i32 = arith.constant 0 : i32
    %c0_i32_0 = arith.constant 0 : i32
    %c0_i32_1 = arith.constant 0 : i32
    return %c0_i32, %c0_i32_0 : i32, i32
  }
  func.func @transform_5(%arg0: i32) -> (i32, i32) {
    %c0_i32 = arith.constant 0 : i32
    %c0_i32_0 = arith.constant 0 : i32
    %c0_i32_1 = arith.constant 0 : i32
    return %c0_i32, %c0_i32_0 : i32, i32
  }
  func.func @transform_6(%arg0: i32) -> (i32, i32) {
    %c0_i32 = arith.constant 0 : i32
    %c0_i32_0 = arith.constant 0 : i32
    %c0_i32_1 = arith.constant 0 : i32
    return %c0_i32, %c0_i32_0 : i32, i32
  }
  func.func @transform_7(%arg0: i32) -> (i32, i32) {
    %c0_i32 = arith.constant 0 : i32
    %c0_i32_0 = arith.constant 0 : i32
    %c0_i32_1 = arith.constant 0 : i32
    return %c0_i32, %c0_i32_0 : i32, i32
  }
  func.func @transform_8(%arg0: i32) -> (i32, i32) {
    %c0_i32 = arith.constant 0 : i32
    %c0_i32_0 = arith.constant 0 : i32
    %c0_i32_1 = arith.constant 0 : i32
    return %c0_i32, %c0_i32_0 : i32, i32
  }
  func.func @transform_9(%arg0: i32) -> (i32, i32) {
    %c0_i32 = arith.constant 0 : i32
    %c0_i32_0 = arith.constant 0 : i32
    %c0_i32_1 = arith.constant 0 : i32
    return %c0_i32, %c0_i32_0 : i32, i32
  }
  func.func @transform_10(%arg0: i32) -> (i32, i32) {
    %c0_i32 = arith.constant 0 : i32
    %c0_i32_0 = arith.constant 0 : i32
    return %arg0, %c0_i32 : i32, i32
  }
}

</mosaic_0001>

<sc_bundles>
// kernel: kernel.4.cloned.1.call-start
scs
__scs_entry_jumppad:
0x0: {  	(pc) =	sbr.rel $0x88, $3  }
0x1: {  	(tag) =	ssettag $0x0;
	lr =	simm.s32 $0x1  }
0x2: {  	[smem:$0x3F91] =	sst lr;
	_ =	strace $0xD0000000  }
0x3: {  	_ = 	snop  }
0x4: {  	_ = 	snop  }
0x5: {  	_ = 	snop  }
0x6: {  	_ = 	snop  }
0x7: {  	_ = 	snop  }
__scs_overlays_trampoline_lowered:
0x8: {  	[smem:$0x3FA0] =	sst s0  }
0x9: {  	[smem:$0x3FA1] =	sst s1  }
0xa: {  	[smem:$0x3FA2] =	sst s2  }
0xb: {  	[smem:$0x3FA3] =	sst s3  }
0xc: {  	[smem:$0x3FA4] =	sst s4  }
0xd: {  	[smem:$0x3FA5] =	sst s5  }
0xe: {  	[smem:$0x3FA6] =	sst s6  }
0xf: {  	[smem:$0x3FA7] =	sst s7  }
0x10: {  	[smem:$0x3FA8] =	sst s8  }
0x11: {  	[smem:$0x3FA9] =	sst s9;
	s0 =	simm.s32 @!p0 $0x0  }
0x12: {  	s1 =	sld [smem:$0x3F8F];
	s0 =	simm.s32 @p0 $0x1  }
0x13: {  	[smem:$0x3FAA] =	sst s0;
	s0 =	simm.s32 @!p1 $0x0  }
0x14: {  	s2 =	sld [smem:$0x3F8E];
	s0 =	simm.s32 @p1 $0x1  }
0x15: {  	[smem:$0x3FAB] =	sst s0;
	s0 =	simm.s32 @!p2 $0x0  }
0x16: {  	s3 =	sld [smem:$0x3FDB];
	s0 =	simm.s32 @p2 $0x1  }
0x17: {  	s4 =	simm.s32 $0x1BF5;
	[smem:$0x3FAD] =	sst s0  }
0x18: {  	s0 =	sld [smem:$0x3F90];
	_ =	swait.ge [sflag:s4], $0x0  }
0x19: {  	s7 =	sld [smem:$0x3F91]  }
0x1a: {  	s8 =	sadd.s32 $0xFFFFE003, lr  }
0x1b: {  	s9 =	sadd.s32 $0xFFFFFEF7, lr;
	s5 =	simm.s32 $0xFFFFFFFF;
	p2 =	slt.u32 s8, $0xFFFFF086  }
0x1c: {  	p1 =	slt.u32 s9, $0xF7A;
	s5 =	simm.s32 @!p2 $0x0  }
0x1d: {  	s5 =	simm.s32 @p1 $0x1;
	p0 =	seq.s32 s7, s2  }
0x1e: {  	s7 =	smul.u32 @!p0 $0xF7A, s2;
	p2 =	seq.s32 @!p0 s5, $0x0  }
0x1f: {  	s9 =	smul.u32 $0xF7A, s1;
	s8 =	simm.s32 @!p0 $0x1BF5;
	p2 =	por !p2, p0  }
0x20: {  	[sflag:s8] =	ssyncset.s32 @!p0 $0xFFFFF086;
	s6 =	sadd.s32 @!p0 s3, s7;
	s7 =	simm.s32 @!p0 $0x108  }
0x21: {  	s3 =	sadd.s32 s3, s9;
	s6 =	sadd.s32 @!p0 $0x88, s6;
	s7 =	simm.s32 @p2 $0x1082  }
0x22: {  	[simem:s7], [sflag:s8] =	dma.local @!p0 [hbm:s6], $0xF7A  }
0x23: {  	s9 =	sor.u32 $0xD0000000, s2;
	s6 =	simm.s32 $0x108;
	_ =	swait.ge @!p0 [sflag:s8], $0x0  }
0x24: {  	s3 =	sadd.s32 $0x88, s3;
	s6 =	simm.s32 @!p1 $0x1082;
	[sflag:s4] =	ssyncset.s32 $0xFFFFF086  }
0x25: {  	[simem:s6], [sflag:s4] =	dma.local [hbm:s3], $0xF7A  }
0x26: {  	[smem:$0x3F91] =	sst s1;
	(tag) =	ssettag s2;
	_ =	strace s9  }
0x27: {  	s1 =	sld [smem:$0x3FA1]  }
0x28: {  	s2 =	sld [smem:$0x3FA2]  }
0x29: {  	s4 =	sld [smem:$0x3FA4]  }
0x2a: {  	p0 =	seq.s32 s5, $0x0;
	s5 =	sld [smem:$0x3FA5]  }
0x2b: {  	s6 =	sld [smem:$0x3FA6]  }
0x2c: {  	s7 =	sld [smem:$0x3FA7]  }
0x2d: {  	s3 =	simm.s32 $0x108;
	s8 =	sld [smem:$0x3FA8]  }
0x2e: {  	s3 =	simm.s32 @!p0 $0x1082;
	s9 =	sld [smem:$0x3FA9]  }
0x2f: {  	lr =	sadd.s32 s0, s3;
	s0 =	sld [smem:$0x3FA0]  }
0x30: {  	s3 =	sld [smem:$0x3FA3]  }
0x31: {  	[smem:$0x3FAC] =	sst s10  }
0x32: {  	s10 =	sld [smem:$0x3FAA];
	_ =	sdelay $0x3  }
0x33: {  	p0 =	seq.s32 s10, $0x1;
	s10 =	sld [smem:$0x3FAC];
	_ =	sdelay $0x3  }
0x34: {  	[smem:$0x3FAC] =	sst s10  }
0x35: {  	s10 =	sld [smem:$0x3FAB];
	_ =	sdelay $0x3  }
0x36: {  	p1 =	seq.s32 s10, $0x1;
	s10 =	sld [smem:$0x3FAC];
	_ =	sdelay $0x3  }
0x37: {  	[smem:$0x3FAC] =	sst s10  }
0x38: {  	s10 =	sld [smem:$0x3FAD]  }
0x39: {  	_ = 	snop;
	(pc) =	sbr.ind lr, $3  }
0x3a: {  	_ = 	snop  }
0x3b: {  	_ = 	snop  }
0x3c: {  	p2 =	seq.s32 s10, $0x1;
	s10 =	sld [smem:$0x3FAC]  }
0x3d: {  	_ =	shalt  }
0x3e: {  	_ =	shalt  }
0x3f: {  	_ =	shalt  }
0x40: {  	_ =	shalt  }
0x41: {  	_ =	shalt  }
0x42: {  	_ =	shalt  }
0x43: {  	_ =	shalt  }
0x44: {  	_ =	shalt  }
0x45: {  	_ =	shalt  }
0x46: {  	_ =	shalt  }
0x47: {  	_ =	shalt  }
0x48: {  	_ =	shalt  }
0x49: {  	_ =	shalt  }
0x4a: {  	_ =	shalt  }
0x4b: {  	_ =	shalt  }
0x4c: {  	_ =	shalt  }
0x4d: {  	_ =	shalt  }
0x4e: {  	_ =	shalt  }
0x4f: {  	_ =	shalt  }
0x50: {  	_ =	shalt  }
0x51: {  	_ =	shalt  }
0x52: {  	_ =	shalt  }
0x53: {  	_ =	shalt  }
0x54: {  	_ =	shalt  }
0x55: {  	_ =	shalt  }
0x56: {  	_ =	shalt  }
0x57: {  	_ =	shalt  }
0x58: {  	_ =	shalt  }
0x59: {  	_ =	shalt  }
0x5a: {  	_ =	shalt  }
0x5b: {  	_ =	shalt  }
0x5c: {  	_ =	shalt  }
0x5d: {  	_ =	shalt  }
0x5e: {  	_ =	shalt  }
0x5f: {  	_ =	shalt  }
0x60: {  	_ =	shalt  }
0x61: {  	_ =	shalt  }
0x62: {  	_ =	shalt  }
0x63: {  	_ =	shalt  }
0x64: {  	_ =	shalt  }
0x65: {  	_ =	shalt  }
0x66: {  	_ =	shalt  }
0x67: {  	_ =	shalt  }
0x68: {  	_ =	shalt  }
0x69: {  	_ =	shalt  }
0x6a: {  	_ =	shalt  }
0x6b: {  	_ =	shalt  }
0x6c: {  	_ =	shalt  }
0x6d: {  	_ =	shalt  }
0x6e: {  	_ =	shalt  }
0x6f: {  	_ =	shalt  }
0x70: {  	_ =	shalt  }
0x71: {  	_ =	shalt  }
0x72: {  	_ =	shalt  }
0x73: {  	_ =	shalt  }
0x74: {  	_ =	shalt  }
0x75: {  	_ =	shalt  }
0x76: {  	_ =	shalt  }
0x77: {  	_ =	shalt  }
0x78: {  	_ =	shalt  }
0x79: {  	_ =	shalt  }
0x7a: {  	_ =	shalt  }
0x7b: {  	_ =	shalt  }
0x7c: {  	_ =	shalt  }
0x7d: {  	_ =	shalt  }
0x7e: {  	_ =	shalt  }
0x7f: {  	_ =	shalt  }
0x80: {  	_ =	shalt  }
0x81: {  	_ =	shalt  }
0x82: {  	_ =	shalt  }
0x83: {  	_ =	shalt  }
0x84: {  	_ =	shalt  }
0x85: {  	_ =	shalt  }
0x86: {  	_ =	shalt  }
0x87: {  	_ =	shalt  }
.Lfunc_end0:
.L_simem_size_0:
called_computation_lowered:
.L_overlay_start_0:
0x88: {  	s2 =	sld [smem:$0x3FD9]  }
0x89: {  	s3 =	sld [smem:$0x3FFE];
	_ =	sdelay $0x1  }
0x8a: {  	s1 =	srdreg.scid  }
0x8b: {  	s0 =	sand.u32 $0x1, s1  }
0x8c: {  	s17 =	sshll.u32 s0, $0xA;
	s2 =	sadd.s32 s3, s2  }
0x8d: {  	s2 =	sadd.s32 s2, s17  }
0x8e: {  	[smem:$0x3FB8] =	sst s2  }
0x8f: {  	_ = 	snop  }
0x90: {  	s2 =	sld [smem:$0x3FD0];
	(tm) =	ssettm $0x1  }
0x91: {  	s18 =	sld [smem:$0x3FFB];
	_ =	sdelay $0x3  }
0x92: {  	_ =	strace s18  }
0x93: {  	s3 =	sld [smem:$0x3FFC];
	_ =	sdelay $0x3  }
0x94: {  	_ =	strace s3  }
0x95: {  	s3 =	sld [smem:$0x3FFD];
	_ =	sdelay $0x3  }
0x96: {  	_ =	strace s3  }
0x97: {  	_ =	strace $0x8FFFFFFF  }
0x98: {  	s19 =	sld [smem:$0x3FDB];
	_ =	sdelay $0x1  }
0x99: {  	s4 =	simm.s32 $_scs_section_size  }
0x9a: {  	s5 =	simm.s32 $_size__tile_overlayer_lowered;
	s6 =	simm.s32 $_tile_overlayer_lowered  }
0x9b: {  	s22 =	simm.s32 $0x1BFF;
	s21 =	sshll.u32 s6, $0x1;
	s3 =	sadd.s32 s4, s19  }
0x9c: {  	s7 =	simm.s32 $0x0;
	s20 =	sshll.u32 s5, $0x1;
	s5 =	sadd.s32 s21, s3  }
0x9d: {  	[timem:s7], [sflag:s22] =	dma.local [hbm:s5], s20  }
0x9e: {  	_ =	swait.ge [sflag:s22], s20  }
0x9f: {  	s4 =	ssub.s32 $0x0, s20;
	[sflag:s22] =	ssyncset.done $0x0  }
0xa0: {  	[sflag:s22] =	ssyncadd.s32 s4;
	_ =	sdelay $0x1  }
0xa1: {  	s23 =	simm.s32 $0x1B8B  }
0xa2: {  	_ =	swait.ge [sflag:s23], $0x1  }
0xa3: {  	[sflag:s23] =	ssyncset.done $0x0  }
0xa4: {  	s25 =	simm.s32 $0x1B8E;
	s24 =	sld [smem:$0x3FFE];
	[sflag:s23] =	ssyncadd.s32 $0xFFFFFFFF  }
0xa5: {  	s26 =	simm.s32 $execute0_lowered;
	[smem:$0x3FD2] =	sst s25  }
0xa6: {  	s5 =	sshll.u32 s26, $0x1;
	_ =	strace $0x80000046;
	[dreg:$0x1] =	wrdreg $0xFFFFFFFF  }
0xa7: {  	s28 =	simm.s32 $_size_execute0_lowered;
	s3 =	sadd.s32 s3, s5;
	[dreg:$0x0] =	wrdreg $0x0  }
0xa8: {  	s5 =	sshll.u32 s28, $0x1;
	[dreg:$0x2] =	wrdreg s3  }
0xa9: {  	[dreg:$0x3] =	wrdreg s5  }
0xaa: {  	[dreg:$0x4] =	wrdreg $0xC0  }
0xab: {  	_ =	task [dreg:s7], $0x5FFFF  }
0xac: {  	[dreg:$0x1] =	wrdreg $0xFFFFFFFF  }
0xad: {  	[dreg:$0x0] =	wrdreg $0x60  }
0xae: {  	[dreg:$0x2] =	wrdreg s24  }
0xaf: {  	[dreg:$0x3] =	wrdreg s2  }
0xb0: {  	[dreg:$0x4] =	wrdreg $0x9  }
0xb1: {  	_ =	task.clear_ibuf [dreg:s7], $0x5FFFF;
	_ =	strace $0x90000046  }
0xb2: {  	s29 =	simm.s32 $0x9;
	_ =	strace $0x80000048  }
0xb3: {  	_ =	swait.ge [sflag:s29], $0x1  }
0xb4: {  	[sflag:s29] =	ssyncadd.s32 $0xFFFFFFFF  }
0xb5: {  	_ =	strace $0x90000048  }
0xb6: {  	_ =	sfence  }
0xb7: {  	s30 =	sld [smem:$0x0];
	_ =	sdelay $0x2  }
0xb8: {  	s31 =	sshll.u32 s1, $0xD;
	s1 =	sshrl.u32 s1, $0x2  }
0xb9: {  	s3 =	sand.u32 $0x4000, s31;
	s1 =	sadd.s32 s1, s30  }
0xba: {  	s0 =	sor.u32 s3, s0;
	s1 =	sshll.u32 s1, $0x11  }
0xbb: {  	s0 =	sor.u32 s1, s0  }
0xbc: {  	s0 =	sadd.s32 $0x8F2B, s0  }
0xbd: {  	[sflag:s0] =	ssyncadd.remote.s32 $0x1  }
0xbe: {  	_ =	sfence.sel $0xFFFF  }
0xbf: {  	[dreg:$0x0] =	wrdreg $0xFFFFFFFF;
	(pc) =	sbr.abs _section_cstart, $3  }
0xc0: {  	[dreg:$0x1] =	wrdreg $0xFFFFFFFF  }
0xc1: {  	_ =	task.clear_ibuf [dreg:s7], $0x2FFFF;
	_ =	strace $0x9FFFFFFF  }
0xc2: {  	(tm) =	ssettm $0x7FFFFFFF  }
0xc3: {  	_ =	shalt  }
tec
execute0_lowered:
.L_overlay_start_1:
0x0: {  	(tag) =	ssettag $0x1  }
0x1: {  	s0 =	srdreg.scid  }
0x2: {  	s1 =	rddreg [dreg:$0x0];
	s14 =	stileid.u32  }
0x3: {  	s13 =	rddreg [dreg:$0x1];
	s2 =	simm.s32 $0x0;
	s23 =	simm.s32 $0x19AE0  }
0x4: {  	s24 =	simm.s32 $0x1;
	s25 =	simm.s32 $0x19CE0;
	s26 =	simm.s32 $0x2  }
0x5: {  	s28 =	simm.s32 $0x0;
	s0 =	sand.u32 $0x1, s0;
	s4 =	sshll.u32 s14, $0x9  }
0x6: {  	[smem:$0x7FF] =	sst s2;
	s5 =	sadd.s32 $0x1600, s1;
	s6 =	sadd.s32 $0x6C00, s1  }
0x7: {  	s7 =	sadd.s32 $0x1400, s1;
	s14 =	sshll.u32 s14, $0xD;
	s3 =	sshll.u32 s0, $0xD  }
0x8: {  	_ =	strace $0x80000047;
	s8 =	ssub.s32 $0x2, s0;
	s0 =	sshll.u32 s0, $0x11  }
0x9: {  	s3 =	sor.u32 s4, s3;
	s4 =	sadd.s32 $0x4200, s1;
	s0 =	sadd.s32 s0, s13  }
0xa: {  	v0 =	vlaneseq.u32;
	s31 =	sshrl.u32 s8, $0x1;
	s3 =	sshrl.u32 s3, $0x3;
	s14 =	sadd.s32 s14, s0  }
0xb: {  	v2 =	vmul.u32 $0x80, v0;
	s12 =	sadd.s32 s3, s1;
	s3 =	sadd.s32 $0x5200, s1;
	s1 =	ssub.s32 s8, s31  }
0xc: {  	s8 =	sadd.s32 $0x1A00, s12;
	s9 =	sadd.s32 $0x2200, s12;
	s10 =	sadd.s32 $0x2A00, s12  }
0xd: {  	v0 =	vimm.f32 $0.0e+00;
	v1 =	vor.u32 $0x78, v2;
	v2 =	vor.u32 $0x878, v2;
	s11 =	sadd.s32 $0x3200, s12;
	s12 =	sadd.s32 $0x3A00, s12;
	s13 =	smax.u32 s1, $0x1  }
.LBB2_1:
0xe: {  	[tilespmem:s2], [sflag:$0x1] =	stream.linear.gather [hbm4b:s3+s2], $0xC030, $0x38;
	[tilespmem:$0x1BCE0] =	vst v63  }
0xf: {  	s0 =	simm.s32 $0xC030  }
0x10: {  	[tilespmem:s0], [sflag:$0x1] =	stream.linear.gather [hbm4b:s4+s2], $0x7320, $0x38;
	[tilespmem:$0x1BCE0] =	vst v63  }
0x11: {  	s19 =	simm.s32 $0x13350  }
0x12: {  	[tilespmem:s19], [sflag:$0x1] =	stream.linear.gather [hbm4b:s5+s2], $0x1360, $0x38;
	[tilespmem:$0x1BCE0] =	vst v63  }
0x13: {  	s20 =	simm.s32 $0x146B0  }
0x14: {  	[tilespmem:s20], [sflag:$0x1] =	stream.linear.gather [hbm4b:s6+s2], $0x4B00, $0x38;
	[tilespmem:$0x1BCE0] =	vst v63  }
0x15: {  	s21 =	simm.s32 $0x191B0  }
0x16: {  	[tilespmem:s21], [sflag:$0x1] =	stream.linear.gather [hbm4b:s7+s2], $0x130, $0x38;
	[tilespmem:$0x1BCE0] =	vst v63  }
0x17: {  	s22 =	simm.s32 $0x192E0  }
0x18: {  	[tilespmem:s22], [sflag:$0x1] =	stream.linear.gather [hbm4b:s8+s2], $0x200, $0x38;
	[tilespmem:$0x1BCE0] =	vst v63  }
0x19: {  	s29 =	simm.s32 $0x194E0  }
0x1a: {  	[tilespmem:s29], [sflag:$0x1] =	stream.linear.gather [hbm4b:s9+s2], $0x200, $0x38;
	[tilespmem:$0x1BCE0] =	vst v63  }
0x1b: {  	s30 =	simm.s32 $0x196E0  }
0x1c: {  	[tilespmem:s30], [sflag:$0x1] =	stream.linear.gather [hbm4b:s10+s2], $0x200, $0x38;
	[tilespmem:$0x1BCE0] =	vst v63  }
0x1d: {  	s31 =	simm.s32 $0x198E0  }
0x1e: {  	[tilespmem:s31], [sflag:$0x1] =	stream.linear.gather [hbm4b:s11+s2], $0x200, $0x38;
	[tilespmem:$0x1BCE0] =	vst v63  }
0x1f: {  	_ = 	snop  }
0x20: {  	[tilespmem:s23], [sflag:$0x1] =	stream.linear.gather [hbm4b:s12+s2], $0x200, $0x38;
	[tilespmem:$0x1BCE0] =	vst v63  }
0x21: {  	_ =	swait.ge [sflag:s24], $0xC030  }
0x22: {  	[sflag:s24] =	ssyncset.done $0x0  }
0x23: {  	[sflag:s24] =	ssyncadd.s32 $0xFFFF3FD0  }
0x24: {  	_ =	swait.ge [sflag:s24], $0x7320  }
0x25: {  	[sflag:s24] =	ssyncset.done $0x0  }
0x26: {  	[sflag:s24] =	ssyncadd.s32 $0xFFFF8CE0  }
0x27: {  	_ =	swait.ge [sflag:s24], $0x1360  }
0x28: {  	[sflag:s24] =	ssyncset.done $0x0  }
0x29: {  	[sflag:s24] =	ssyncadd.s32 $0xFFFFECA0  }
0x2a: {  	_ =	swait.ge [sflag:s24], $0x4B00  }
0x2b: {  	[sflag:s24] =	ssyncset.done $0x0  }
0x2c: {  	[sflag:s24] =	ssyncadd.s32 $0xFFFFB500  }
0x2d: {  	_ =	swait.ge [sflag:s24], $0x130  }
0x2e: {  	[sflag:s24] =	ssyncset.done $0x0  }
0x2f: {  	[sflag:s24] =	ssyncadd.s32 $0xFFFFFED0  }
0x30: {  	_ =	swait.ge [sflag:s24], $0x200  }
0x31: {  	[sflag:s24] =	ssyncset.done $0x0  }
0x32: {  	[sflag:s24] =	ssyncadd.s32 $0xFFFFFE00  }
0x33: {  	_ =	swait.ge [sflag:s24], $0x200  }
0x34: {  	[sflag:s24] =	ssyncset.done $0x0  }
0x35: {  	[sflag:s24] =	ssyncadd.s32 $0xFFFFFE00  }
0x36: {  	_ =	swait.ge [sflag:s24], $0x200  }
0x37: {  	[sflag:s24] =	ssyncset.done $0x0  }
0x38: {  	[sflag:s24] =	ssyncadd.s32 $0xFFFFFE00  }
0x39: {  	_ =	swait.ge [sflag:s24], $0x200  }
0x3a: {  	[sflag:s24] =	ssyncset.done $0x0  }
0x3b: {  	[sflag:s24] =	ssyncadd.s32 $0xFFFFFE00  }
0x3c: {  	_ =	swait.ge [sflag:s24], $0x200  }
0x3d: {  	[sflag:s24] =	ssyncset.done $0x0  }
0x3e: {  	s0 =	simm.s32 $0x0;
	[sflag:s24] =	ssyncadd.s32 $0xFFFFFE00  }
.LBB2_2:
0x3f: {  	p0 =	sne.s32 s0, $0x7E00  }
.Ltmp0:
0x40: {  	_ = 	snop;
	(pc) =	sbr.rel @p0 .LBB2_2-.Ltmp0, $3  }
0x41: {  	_ =	sdelay $0x1  }
0x42: {  	s1 =	sshra.s32 s0, $0x2  }
0x43: {  	s0 =	sadd.s32 $0x200, s0;
	[tilespmem:s1+$0x19D50] =	vst v0  }
0x44: {  	s29 =	simm.s32 $0x0  }
0x45: {  	s30 =	smov.u32 s14;
	s31 =	simm.s32 $0x0;
	s1 =	simm.s32 $0x0  }
.LBB2_4:
0x46: {  	p0 =	slt.u32 s1, $0x2  }
0x47: {  	s0 =	simm.s32 @!p0 $0x2  }
0x48: {  	_ =	swait.ge @!p0 [sflag:s0], $0x1000  }
0x49: {  	[sflag:s0] =	ssyncset.done @!p0 $0x0  }
0x4a: {  	s15 =	sshra.s32 s31, $0x2;
	[sflag:s0] =	ssyncadd.s32 @!p0 $0xFFFFF000  }
0x4b: {  	v6 =	vld [tilespmem:s15+$0x192E0];
	_ =	sdelay $0x4  }
0x4c: {  	(v2sf) =	vpush v6, $0x0;
	_ =	sdelay $0x9  }
0x4d: {  	s0 =	sand.u32 $0x1000, s29  }
0x4e: {  	v7 =	vld [tilespmem:s15+$0x19AE0];
	v8 =	vor.u32 s0, v1;
	_ =	sdelay $0x2  }
0x4f: {  	v5 =	vld [tilespmem:s15+$0x194E0]  }
0x50: {  	v4 =	vld [tilespmem:s15+$0x196E0];
	s16 =	spop (v2sf)  }
0x51: {  	v3 =	vld [tilespmem:s15+$0x198E0];
	[tilespmem:v8+s25+$0x0] =	vst.idx.msk $0xffff, v7;
	s17 =	sand.u32 $0xFFFF, s16  }
0x52: {  	v7 =	vld [tilespmem:s17+$0x0];
	_ =	sdelay $0x1  }
0x53: {  	(v2sf) =	vpush v5, $0x0  }
0x54: {  	s18 =	sadd.s32 $0x10, s17  }
0x55: {  	s19 =	sand.u32 $0x7, s16;
	s18 =	sand.u32 $0x1FFF8, s18  }
0x56: {  	s18 =	sor.u32 s19, s18;
	[tilespmem:s0+$0x19CE0] =	vst v7  }
0x57: {  	(v2sf) =	vpush v4, $0x0;
	v7 =	vld [tilespmem:s18+$0x0];
	_ =	sdelay $0x2  }
0x58: {  	s17 =	sadd.s32 $0x20, s17  }
0x59: {  	s17 =	sand.u32 $0x1FFF8, s17  }
0x5a: {  	s17 =	sor.u32 s19, s17;
	[tilespmem:s0+$0x19CF0] =	vst v7  }
0x5b: {  	v7 =	vld [tilespmem:s17+$0x0];
	_ =	sdelay $0x4  }
0x5c: {  	s21 =	spop (v2sf);
	s16 =	sshrl.u32 s16, $0x10;
	[tilespmem:s0+$0x19D00] =	vst v7  }
0x5d: {  	s18 =	sand.u32 $0xFFFF, s21;
	v7 =	vld [tilespmem:s16+$0xC030]  }
0x5e: {  	v8 =	vld [tilespmem:s18+$0xC030]  }
0x5f: {  	s17 =	sshrl.u32 s21, $0x10  }
0x60: {  	s19 =	spop (v2sf);
	v9 =	vld [tilespmem:s17+$0xC030]  }
0x61: {  	s20 =	sand.u32 $0xFFFF, s19  }
0x62: {  	v10 =	vld [tilespmem:s20+$0xC030]  }
0x63: {  	v7 =	vadd.f32 v8, v7;
	_ =	sdelay $0x1  }
0x64: {  	v7 =	vadd.f32 v9, v7;
	_ =	sdelay $0x1  }
0x65: {  	s21 =	sadd.s32 $0x10, s16;
	v7 =	vadd.f32 v10, v7  }
0x66: {  	s21 =	sand.u32 $0x1FFF8, s21;
	s16 =	sand.u32 $0x7, s16  }
0x67: {  	s16 =	sor.u32 s16, s21;
	[tilespmem:s0+$0x19D10] =	vst v7  }
0x68: {  	s22 =	sadd.s32 $0x10, s17;
	v7 =	vld [tilespmem:s16+$0xC030]  }
0x69: {  	s17 =	sand.u32 $0x7, s17;
	v31 =	vld [tilespmem:s18+$0xC040];
	s16 =	sand.u32 $0x1FFF8, s22  }
0x6a: {  	(v2sf) =	vpush v3, $0x0;
	s16 =	sor.u32 s17, s16  }
0x6b: {  	v32 =	vld [tilespmem:s16+$0xC030];
	_ =	sdelay $0x1  }
0x6c: {  	v33 =	vld [tilespmem:s20+$0xC040]  }
0x6d: {  	v7 =	vadd.f32 v31, v7;
	_ =	sdelay $0x1  }
0x6e: {  	v7 =	vadd.f32 v32, v7;
	_ =	sdelay $0x1  }
0x6f: {  	v7 =	vadd.f32 v33, v7;
	_ =	sdelay $0x1  }
0x70: {  	s19 =	sshrl.u32 s19, $0x10;
	[tilespmem:s0+$0x19D20] =	vst v7  }
0x71: {  	v7 =	vld [tilespmem:s19+$0x13350]  }
0x72: {  	(v2sf) =	vpush v6, $0x1;
	_ =	sdelay $0x2  }
0x73: {  	s20 =	spop (v2sf)  }
0x74: {  	s21 =	sand.u32 $0xFFFF, s20;
	[tilespmem:s0+$0x19D28] =	vst v7  }
0x75: {  	v7 =	vld [tilespmem:s21+$0x146B0];
	_ =	sdelay $0x4  }
0x76: {  	s16 =	sshrl.u32 s20, $0x10;
	[tilespmem:s0+$0x19D38] =	vst v7  }
0x77: {  	v7 =	vld [tilespmem:s16+$0x191B0];
	_ =	sdelay $0x3  }
0x78: {  	s16 =	spop (v2sf)  }
0x79: {  	s22 =	sand.u32 $0xFFFF, s16;
	[tilespmem:s0+$0x19D48] =	vst v7  }
0x7a: {  	v7 =	vld [tilespmem:s22+$0x0];
	_ =	sdelay $0x1  }
0x7b: {  	(v2sf) =	vpush v5, $0x1  }
0x7c: {  	s19 =	sadd.s32 $0x10, s22  }
0x7d: {  	s20 =	sand.u32 $0x7, s16;
	s18 =	sand.u32 $0x1FFF8, s19  }
0x7e: {  	s18 =	sor.u32 s20, s18;
	[tilespmem:s0+$0x19D60] =	vst v7  }
0x7f: {  	(v2sf) =	vpush v4, $0x1;
	v7 =	vld [tilespmem:s18+$0x0];
	_ =	sdelay $0x2  }
0x80: {  	s17 =	sadd.s32 $0x20, s22  }
0x81: {  	s17 =	sand.u32 $0x1FFF8, s17  }
0x82: {  	s17 =	sor.u32 s20, s17;
	[tilespmem:s0+$0x19D70] =	vst v7  }
0x83: {  	v7 =	vld [tilespmem:s17+$0x0];
	_ =	sdelay $0x4  }
0x84: {  	s21 =	spop (v2sf);
	s16 =	sshrl.u32 s16, $0x10;
	[tilespmem:s0+$0x19D80] =	vst v7  }
0x85: {  	s18 =	sand.u32 $0xFFFF, s21;
	v7 =	vld [tilespmem:s16+$0xC030]  }
0x86: {  	v34 =	vld [tilespmem:s18+$0xC030]  }
0x87: {  	s17 =	sshrl.u32 s21, $0x10  }
0x88: {  	s19 =	spop (v2sf);
	v35 =	vld [tilespmem:s17+$0xC030]  }
0x89: {  	s20 =	sand.u32 $0xFFFF, s19  }
0x8a: {  	v36 =	vld [tilespmem:s20+$0xC030]  }
0x8b: {  	v7 =	vadd.f32 v34, v7;
	_ =	sdelay $0x1  }
0x8c: {  	v7 =	vadd.f32 v35, v7;
	_ =	sdelay $0x1  }
0x8d: {  	s22 =	sadd.s32 $0x10, s16;
	v7 =	vadd.f32 v36, v7  }
0x8e: {  	s21 =	sand.u32 $0x1FFF8, s22;
	s16 =	sand.u32 $0x7, s16  }
0x8f: {  	s16 =	sor.u32 s16, s21;
	[tilespmem:s0+$0x19D90] =	vst v7  }
0x90: {  	s22 =	sadd.s32 $0x10, s17;
	v7 =	vld [tilespmem:s16+$0xC030]  }
0x91: {  	s17 =	sand.u32 $0x7, s17;
	v37 =	vld [tilespmem:s18+$0xC040];
	s16 =	sand.u32 $0x1FFF8, s22  }
0x92: {  	(v2sf) =	vpush v3, $0x1;
	s16 =	sor.u32 s17, s16  }
0x93: {  	v38 =	vld [tilespmem:s16+$0xC030];
	_ =	sdelay $0x1  }
0x94: {  	v39 =	vld [tilespmem:s20+$0xC040]  }
0x95: {  	v7 =	vadd.f32 v37, v7;
	_ =	sdelay $0x1  }
0x96: {  	v7 =	vadd.f32 v38, v7;
	_ =	sdelay $0x1  }
0x97: {  	v7 =	vadd.f32 v39, v7;
	_ =	sdelay $0x1  }
0x98: {  	s19 =	sshrl.u32 s19, $0x10;
	[tilespmem:s0+$0x19DA0] =	vst v7  }
0x99: {  	v7 =	vld [tilespmem:s19+$0x13350]  }
0x9a: {  	(v2sf) =	vpush v6, $0x2;
	_ =	sdelay $0x2  }
0x9b: {  	s20 =	spop (v2sf)  }
0x9c: {  	s21 =	sand.u32 $0xFFFF, s20;
	[tilespmem:s0+$0x19DA8] =	vst v7  }
0x9d: {  	v7 =	vld [tilespmem:s21+$0x146B0];
	_ =	sdelay $0x4  }
0x9e: {  	s16 =	sshrl.u32 s20, $0x10;
	[tilespmem:s0+$0x19DB8] =	vst v7  }
0x9f: {  	v7 =	vld [tilespmem:s16+$0x191B0];
	_ =	sdelay $0x3  }
0xa0: {  	s16 =	spop (v2sf)  }
0xa1: {  	s22 =	sand.u32 $0xFFFF, s16;
	[tilespmem:s0+$0x19DC8] =	vst v7  }
0xa2: {  	v7 =	vld [tilespmem:s22+$0x0];
	_ =	sdelay $0x1  }
0xa3: {  	(v2sf) =	vpush v5, $0x2  }
0xa4: {  	s19 =	sadd.s32 $0x10, s22  }
0xa5: {  	s20 =	sand.u32 $0x7, s16;
	s18 =	sand.u32 $0x1FFF8, s19  }
0xa6: {  	s18 =	sor.u32 s20, s18;
	[tilespmem:s0+$0x19DE0] =	vst v7  }
0xa7: {  	(v2sf) =	vpush v4, $0x2;
	v7 =	vld [tilespmem:s18+$0x0];
	_ =	sdelay $0x2  }
0xa8: {  	s17 =	sadd.s32 $0x20, s22  }
0xa9: {  	s17 =	sand.u32 $0x1FFF8, s17  }
0xaa: {  	s17 =	sor.u32 s20, s17;
	[tilespmem:s0+$0x19DF0] =	vst v7  }
0xab: {  	v7 =	vld [tilespmem:s17+$0x0];
	_ =	sdelay $0x4  }
0xac: {  	s21 =	spop (v2sf);
	s16 =	sshrl.u32 s16, $0x10;
	[tilespmem:s0+$0x19E00] =	vst v7  }
0xad: {  	s18 =	sand.u32 $0xFFFF, s21;
	v7 =	vld [tilespmem:s16+$0xC030]  }
0xae: {  	v40 =	vld [tilespmem:s18+$0xC030]  }
0xaf: {  	s17 =	sshrl.u32 s21, $0x10  }
0xb0: {  	s19 =	spop (v2sf);
	v41 =	vld [tilespmem:s17+$0xC030]  }
0xb1: {  	s20 =	sand.u32 $0xFFFF, s19  }
0xb2: {  	v42 =	vld [tilespmem:s20+$0xC030]  }
0xb3: {  	v7 =	vadd.f32 v40, v7;
	_ =	sdelay $0x1  }
0xb4: {  	v7 =	vadd.f32 v41, v7;
	_ =	sdelay $0x1  }
0xb5: {  	s22 =	sadd.s32 $0x10, s16;
	v7 =	vadd.f32 v42, v7  }
0xb6: {  	s21 =	sand.u32 $0x1FFF8, s22;
	s16 =	sand.u32 $0x7, s16  }
0xb7: {  	s16 =	sor.u32 s16, s21;
	[tilespmem:s0+$0x19E10] =	vst v7  }
0xb8: {  	s22 =	sadd.s32 $0x10, s17;
	v7 =	vld [tilespmem:s16+$0xC030]  }
0xb9: {  	s17 =	sand.u32 $0x7, s17;
	v43 =	vld [tilespmem:s18+$0xC040];
	s16 =	sand.u32 $0x1FFF8, s22  }
0xba: {  	(v2sf) =	vpush v3, $0x2;
	s16 =	sor.u32 s17, s16  }
0xbb: {  	v44 =	vld [tilespmem:s16+$0xC030];
	_ =	sdelay $0x1  }
0xbc: {  	v45 =	vld [tilespmem:s20+$0xC040]  }
0xbd: {  	v7 =	vadd.f32 v43, v7;
	_ =	sdelay $0x1  }
0xbe: {  	v7 =	vadd.f32 v44, v7;
	_ =	sdelay $0x1  }
0xbf: {  	v7 =	vadd.f32 v45, v7;
	_ =	sdelay $0x1  }
0xc0: {  	s19 =	sshrl.u32 s19, $0x10;
	[tilespmem:s0+$0x19E20] =	vst v7  }
0xc1: {  	v7 =	vld [tilespmem:s19+$0x13350]  }
0xc2: {  	(v2sf) =	vpush v6, $0x3;
	_ =	sdelay $0x2  }
0xc3: {  	s20 =	spop (v2sf)  }
0xc4: {  	s21 =	sand.u32 $0xFFFF, s20;
	[tilespmem:s0+$0x19E28] =	vst v7  }
0xc5: {  	v7 =	vld [tilespmem:s21+$0x146B0];
	_ =	sdelay $0x4  }
0xc6: {  	s16 =	sshrl.u32 s20, $0x10;
	[tilespmem:s0+$0x19E38] =	vst v7  }
0xc7: {  	v7 =	vld [tilespmem:s16+$0x191B0];
	_ =	sdelay $0x3  }
0xc8: {  	s16 =	spop (v2sf)  }
0xc9: {  	s22 =	sand.u32 $0xFFFF, s16;
	[tilespmem:s0+$0x19E48] =	vst v7  }
0xca: {  	v7 =	vld [tilespmem:s22+$0x0];
	_ =	sdelay $0x1  }
0xcb: {  	(v2sf) =	vpush v5, $0x3  }
0xcc: {  	s19 =	sadd.s32 $0x10, s22  }
0xcd: {  	s20 =	sand.u32 $0x7, s16;
	s18 =	sand.u32 $0x1FFF8, s19  }
0xce: {  	s18 =	sor.u32 s20, s18;
	[tilespmem:s0+$0x19E60] =	vst v7  }
0xcf: {  	(v2sf) =	vpush v4, $0x3;
	v7 =	vld [tilespmem:s18+$0x0];
	_ =	sdelay $0x2  }
0xd0: {  	s17 =	sadd.s32 $0x20, s22  }
0xd1: {  	s17 =	sand.u32 $0x1FFF8, s17  }
0xd2: {  	s17 =	sor.u32 s20, s17;
	[tilespmem:s0+$0x19E70] =	vst v7  }
0xd3: {  	v7 =	vld [tilespmem:s17+$0x0];
	_ =	sdelay $0x4  }
0xd4: {  	s21 =	spop (v2sf);
	s16 =	sshrl.u32 s16, $0x10;
	[tilespmem:s0+$0x19E80] =	vst v7  }
0xd5: {  	s18 =	sand.u32 $0xFFFF, s21;
	v7 =	vld [tilespmem:s16+$0xC030]  }
0xd6: {  	v46 =	vld [tilespmem:s18+$0xC030]  }
0xd7: {  	s17 =	sshrl.u32 s21, $0x10  }
0xd8: {  	s19 =	spop (v2sf);
	v47 =	vld [tilespmem:s17+$0xC030]  }
0xd9: {  	s20 =	sand.u32 $0xFFFF, s19  }
0xda: {  	v48 =	vld [tilespmem:s20+$0xC030]  }
0xdb: {  	v7 =	vadd.f32 v46, v7;
	_ =	sdelay $0x1  }
0xdc: {  	v7 =	vadd.f32 v47, v7;
	_ =	sdelay $0x1  }
0xdd: {  	s22 =	sadd.s32 $0x10, s16;
	v7 =	vadd.f32 v48, v7  }
0xde: {  	s21 =	sand.u32 $0x1FFF8, s22;
	s16 =	sand.u32 $0x7, s16  }
0xdf: {  	s16 =	sor.u32 s16, s21;
	[tilespmem:s0+$0x19E90] =	vst v7  }
0xe0: {  	s22 =	sadd.s32 $0x10, s17;
	v7 =	vld [tilespmem:s16+$0xC030]  }
0xe1: {  	s17 =	sand.u32 $0x7, s17;
	v49 =	vld [tilespmem:s18+$0xC040];
	s16 =	sand.u32 $0x1FFF8, s22  }
0xe2: {  	(v2sf) =	vpush v3, $0x3;
	s16 =	sor.u32 s17, s16  }
0xe3: {  	v50 =	vld [tilespmem:s16+$0xC030];
	_ =	sdelay $0x1  }
0xe4: {  	v51 =	vld [tilespmem:s20+$0xC040]  }
0xe5: {  	v7 =	vadd.f32 v49, v7;
	_ =	sdelay $0x1  }
0xe6: {  	v7 =	vadd.f32 v50, v7;
	_ =	sdelay $0x1  }
0xe7: {  	v7 =	vadd.f32 v51, v7;
	_ =	sdelay $0x1  }
0xe8: {  	s19 =	sshrl.u32 s19, $0x10;
	[tilespmem:s0+$0x19EA0] =	vst v7  }
0xe9: {  	v7 =	vld [tilespmem:s19+$0x13350]  }
0xea: {  	(v2sf) =	vpush v6, $0x4;
	_ =	sdelay $0x2  }
0xeb: {  	s20 =	spop (v2sf)  }
0xec: {  	s21 =	sand.u32 $0xFFFF, s20;
	[tilespmem:s0+$0x19EA8] =	vst v7  }
0xed: {  	v7 =	vld [tilespmem:s21+$0x146B0];
	_ =	sdelay $0x4  }
0xee: {  	s16 =	sshrl.u32 s20, $0x10;
	[tilespmem:s0+$0x19EB8] =	vst v7  }
0xef: {  	v7 =	vld [tilespmem:s16+$0x191B0];
	_ =	sdelay $0x3  }
0xf0: {  	s16 =	spop (v2sf)  }
0xf1: {  	s22 =	sand.u32 $0xFFFF, s16;
	[tilespmem:s0+$0x19EC8] =	vst v7  }
0xf2: {  	v7 =	vld [tilespmem:s22+$0x0];
	_ =	sdelay $0x1  }
0xf3: {  	(v2sf) =	vpush v5, $0x4  }
0xf4: {  	s19 =	sadd.s32 $0x10, s22  }
0xf5: {  	s20 =	sand.u32 $0x7, s16;
	s18 =	sand.u32 $0x1FFF8, s19  }
0xf6: {  	s18 =	sor.u32 s20, s18;
	[tilespmem:s0+$0x19EE0] =	vst v7  }
0xf7: {  	(v2sf) =	vpush v4, $0x4;
	v7 =	vld [tilespmem:s18+$0x0];
	_ =	sdelay $0x2  }
0xf8: {  	s17 =	sadd.s32 $0x20, s22  }
0xf9: {  	s17 =	sand.u32 $0x1FFF8, s17  }
0xfa: {  	s17 =	sor.u32 s20, s17;
	[tilespmem:s0+$0x19EF0] =	vst v7  }
0xfb: {  	v7 =	vld [tilespmem:s17+$0x0];
	_ =	sdelay $0x4  }
0xfc: {  	s21 =	spop (v2sf);
	s16 =	sshrl.u32 s16, $0x10;
	[tilespmem:s0+$0x19F00] =	vst v7  }
0xfd: {  	s18 =	sand.u32 $0xFFFF, s21;
	v7 =	vld [tilespmem:s16+$0xC030]  }
0xfe: {  	v52 =	vld [tilespmem:s18+$0xC030]  }
0xff: {  	s17 =	sshrl.u32 s21, $0x10  }
0x100: {  	s19 =	spop (v2sf);
	v53 =	vld [tilespmem:s17+$0xC030]  }
0x101: {  	s20 =	sand.u32 $0xFFFF, s19  }
0x102: {  	v54 =	vld [tilespmem:s20+$0xC030]  }
0x103: {  	v7 =	vadd.f32 v52, v7;
	_ =	sdelay $0x1  }
0x104: {  	v7 =	vadd.f32 v53, v7;
	_ =	sdelay $0x1  }
0x105: {  	s22 =	sadd.s32 $0x10, s16;
	v7 =	vadd.f32 v54, v7  }
0x106: {  	s21 =	sand.u32 $0x1FFF8, s22;
	s16 =	sand.u32 $0x7, s16  }
0x107: {  	s16 =	sor.u32 s16, s21;
	[tilespmem:s0+$0x19F10] =	vst v7  }
0x108: {  	s22 =	sadd.s32 $0x10, s17;
	v7 =	vld [tilespmem:s16+$0xC030]  }
0x109: {  	s17 =	sand.u32 $0x7, s17;
	v55 =	vld [tilespmem:s18+$0xC040];
	s16 =	sand.u32 $0x1FFF8, s22  }
0x10a: {  	(v2sf) =	vpush v3, $0x4;
	s16 =	sor.u32 s17, s16  }
0x10b: {  	v56 =	vld [tilespmem:s16+$0xC030];
	_ =	sdelay $0x1  }
0x10c: {  	v57 =	vld [tilespmem:s20+$0xC040]  }
0x10d: {  	v7 =	vadd.f32 v55, v7;
	_ =	sdelay $0x1  }
0x10e: {  	v7 =	vadd.f32 v56, v7;
	_ =	sdelay $0x1  }
0x10f: {  	v7 =	vadd.f32 v57, v7;
	_ =	sdelay $0x1  }
0x110: {  	s19 =	sshrl.u32 s19, $0x10;
	[tilespmem:s0+$0x19F20] =	vst v7  }
0x111: {  	v7 =	vld [tilespmem:s19+$0x13350]  }
0x112: {  	(v2sf) =	vpush v6, $0x5;
	_ =	sdelay $0x2  }
0x113: {  	s20 =	spop (v2sf)  }
0x114: {  	s21 =	sand.u32 $0xFFFF, s20;
	[tilespmem:s0+$0x19F28] =	vst v7  }
0x115: {  	v7 =	vld [tilespmem:s21+$0x146B0];
	_ =	sdelay $0x4  }
0x116: {  	s16 =	sshrl.u32 s20, $0x10;
	[tilespmem:s0+$0x19F38] =	vst v7  }
0x117: {  	v7 =	vld [tilespmem:s16+$0x191B0];
	_ =	sdelay $0x3  }
0x118: {  	s16 =	spop (v2sf)  }
0x119: {  	s22 =	sand.u32 $0xFFFF, s16;
	[tilespmem:s0+$0x19F48] =	vst v7  }
0x11a: {  	v7 =	vld [tilespmem:s22+$0x0];
	_ =	sdelay $0x1  }
0x11b: {  	(v2sf) =	vpush v5, $0x5  }
0x11c: {  	s19 =	sadd.s32 $0x10, s22  }
0x11d: {  	s20 =	sand.u32 $0x7, s16;
	s18 =	sand.u32 $0x1FFF8, s19  }
0x11e: {  	s18 =	sor.u32 s20, s18;
	[tilespmem:s0+$0x19F60] =	vst v7  }
0x11f: {  	(v2sf) =	vpush v4, $0x5;
	v7 =	vld [tilespmem:s18+$0x0];
	_ =	sdelay $0x2  }
0x120: {  	s17 =	sadd.s32 $0x20, s22  }
0x121: {  	s17 =	sand.u32 $0x1FFF8, s17  }
0x122: {  	s17 =	sor.u32 s20, s17;
	[tilespmem:s0+$0x19F70] =	vst v7  }
0x123: {  	v7 =	vld [tilespmem:s17+$0x0];
	_ =	sdelay $0x4  }
0x124: {  	s21 =	spop (v2sf);
	s16 =	sshrl.u32 s16, $0x10;
	[tilespmem:s0+$0x19F80] =	vst v7  }
0x125: {  	s18 =	sand.u32 $0xFFFF, s21;
	v7 =	vld [tilespmem:s16+$0xC030]  }
0x126: {  	v58 =	vld [tilespmem:s18+$0xC030]  }
0x127: {  	s17 =	sshrl.u32 s21, $0x10  }
0x128: {  	s19 =	spop (v2sf);
	v59 =	vld [tilespmem:s17+$0xC030]  }
0x129: {  	s20 =	sand.u32 $0xFFFF, s19  }
0x12a: {  	v60 =	vld [tilespmem:s20+$0xC030]  }
0x12b: {  	v7 =	vadd.f32 v58, v7;
	_ =	sdelay $0x1  }
0x12c: {  	v7 =	vadd.f32 v59, v7;
	_ =	sdelay $0x1  }
0x12d: {  	s22 =	sadd.s32 $0x10, s16;
	v7 =	vadd.f32 v60, v7  }
0x12e: {  	s21 =	sand.u32 $0x1FFF8, s22;
	s16 =	sand.u32 $0x7, s16  }
0x12f: {  	s16 =	sor.u32 s16, s21;
	[tilespmem:s0+$0x19F90] =	vst v7  }
0x130: {  	s22 =	sadd.s32 $0x10, s17;
	v7 =	vld [tilespmem:s16+$0xC030]  }
0x131: {  	s17 =	sand.u32 $0x7, s17;
	v61 =	vld [tilespmem:s18+$0xC040];
	s16 =	sand.u32 $0x1FFF8, s22  }
0x132: {  	(v2sf) =	vpush v3, $0x5;
	s16 =	sor.u32 s17, s16  }
0x133: {  	v62 =	vld [tilespmem:s16+$0xC030];
	_ =	sdelay $0x1  }
0x134: {  	v63 =	vld [tilespmem:s20+$0xC040]  }
0x135: {  	v7 =	vadd.f32 v61, v7;
	_ =	sdelay $0x1  }
0x136: {  	v7 =	vadd.f32 v62, v7;
	_ =	sdelay $0x1  }
0x137: {  	v7 =	vadd.f32 v63, v7;
	_ =	sdelay $0x1  }
0x138: {  	s19 =	sshrl.u32 s19, $0x10;
	[tilespmem:s0+$0x19FA0] =	vst v7  }
0x139: {  	v7 =	vld [tilespmem:s19+$0x13350]  }
0x13a: {  	(v2sf) =	vpush v6, $0x6;
	_ =	sdelay $0x2  }
0x13b: {  	s20 =	spop (v2sf)  }
0x13c: {  	s21 =	sand.u32 $0xFFFF, s20;
	[tilespmem:s0+$0x19FA8] =	vst v7  }
0x13d: {  	v7 =	vld [tilespmem:s21+$0x146B0];
	_ =	sdelay $0x4  }
0x13e: {  	s16 =	sshrl.u32 s20, $0x10;
	[tilespmem:s0+$0x19FB8] =	vst v7  }
0x13f: {  	v7 =	vld [tilespmem:s16+$0x191B0];
	_ =	sdelay $0x3  }
0x140: {  	s16 =	spop (v2sf)  }
0x141: {  	s22 =	sand.u32 $0xFFFF, s16;
	[tilespmem:s0+$0x19FC8] =	vst v7  }
0x142: {  	v7 =	vld [tilespmem:s22+$0x0];
	_ =	sdelay $0x1  }
0x143: {  	(v2sf) =	vpush v5, $0x6  }
0x144: {  	s19 =	sadd.s32 $0x10, s22  }
0x145: {  	s20 =	sand.u32 $0x7, s16;
	s18 =	sand.u32 $0x1FFF8, s19  }
0x146: {  	s18 =	sor.u32 s20, s18;
	[tilespmem:s0+$0x19FE0] =	vst v7  }
0x147: {  	(v2sf) =	vpush v4, $0x6;
	v7 =	vld [tilespmem:s18+$0x0];
	_ =	sdelay $0x2  }
0x148: {  	s17 =	sadd.s32 $0x20, s22  }
0x149: {  	s17 =	sand.u32 $0x1FFF8, s17  }
0x14a: {  	s17 =	sor.u32 s20, s17;
	[tilespmem:s0+$0x19FF0] =	vst v7  }
0x14b: {  	v7 =	vld [tilespmem:s17+$0x0];
	_ =	sdelay $0x4  }
0x14c: {  	s21 =	spop (v2sf);
	s16 =	sshrl.u32 s16, $0x10;
	[tilespmem:s0+$0x1A000] =	vst v7  }
0x14d: {  	s18 =	sand.u32 $0xFFFF, s21;
	v7 =	vld [tilespmem:s16+$0xC030]  }
0x14e: {  	v12 =	vld [tilespmem:s18+$0xC030]  }
0x14f: {  	s17 =	sshrl.u32 s21, $0x10  }
0x150: {  	s19 =	spop (v2sf);
	v13 =	vld [tilespmem:s17+$0xC030]  }
0x151: {  	s20 =	sand.u32 $0xFFFF, s19  }
0x152: {  	v14 =	vld [tilespmem:s20+$0xC030]  }
0x153: {  	v7 =	vadd.f32 v12, v7;
	_ =	sdelay $0x1  }
0x154: {  	v7 =	vadd.f32 v13, v7;
	_ =	sdelay $0x1  }
0x155: {  	s22 =	sadd.s32 $0x10, s16;
	v7 =	vadd.f32 v14, v7  }
0x156: {  	s21 =	sand.u32 $0x1FFF8, s22;
	s16 =	sand.u32 $0x7, s16  }
0x157: {  	s16 =	sor.u32 s16, s21;
	[tilespmem:s0+$0x1A010] =	vst v7  }
0x158: {  	s22 =	sadd.s32 $0x10, s17;
	v7 =	vld [tilespmem:s16+$0xC030]  }
0x159: {  	s17 =	sand.u32 $0x7, s17;
	v15 =	vld [tilespmem:s18+$0xC040];
	s16 =	sand.u32 $0x1FFF8, s22  }
0x15a: {  	(v2sf) =	vpush v3, $0x6;
	s16 =	sor.u32 s17, s16  }
0x15b: {  	v16 =	vld [tilespmem:s16+$0xC030];
	_ =	sdelay $0x1  }
0x15c: {  	v17 =	vld [tilespmem:s20+$0xC040]  }
0x15d: {  	v7 =	vadd.f32 v15, v7;
	_ =	sdelay $0x1  }
0x15e: {  	v7 =	vadd.f32 v16, v7;
	_ =	sdelay $0x1  }
0x15f: {  	v7 =	vadd.f32 v17, v7;
	_ =	sdelay $0x1  }
0x160: {  	s19 =	sshrl.u32 s19, $0x10;
	[tilespmem:s0+$0x1A020] =	vst v7  }
0x161: {  	v7 =	vld [tilespmem:s19+$0x13350]  }
0x162: {  	(v2sf) =	vpush v6, $0x7;
	_ =	sdelay $0x2  }
0x163: {  	s20 =	spop (v2sf)  }
0x164: {  	s21 =	sand.u32 $0xFFFF, s20;
	[tilespmem:s0+$0x1A028] =	vst v7  }
0x165: {  	v7 =	vld [tilespmem:s21+$0x146B0];
	_ =	sdelay $0x4  }
0x166: {  	s16 =	sshrl.u32 s20, $0x10;
	[tilespmem:s0+$0x1A038] =	vst v7  }
0x167: {  	v7 =	vld [tilespmem:s16+$0x191B0];
	_ =	sdelay $0x3  }
0x168: {  	s16 =	spop (v2sf)  }
0x169: {  	s22 =	sand.u32 $0xFFFF, s16;
	[tilespmem:s0+$0x1A048] =	vst v7  }
0x16a: {  	v7 =	vld [tilespmem:s22+$0x0];
	_ =	sdelay $0x1  }
0x16b: {  	(v2sf) =	vpush v5, $0x7  }
0x16c: {  	s19 =	sadd.s32 $0x10, s22  }
0x16d: {  	s20 =	sand.u32 $0x7, s16;
	s18 =	sand.u32 $0x1FFF8, s19  }
0x16e: {  	s18 =	sor.u32 s20, s18;
	[tilespmem:s0+$0x1A060] =	vst v7  }
0x16f: {  	(v2sf) =	vpush v4, $0x7;
	v7 =	vld [tilespmem:s18+$0x0];
	_ =	sdelay $0x2  }
0x170: {  	s17 =	sadd.s32 $0x20, s22  }
0x171: {  	s17 =	sand.u32 $0x1FFF8, s17  }
0x172: {  	s17 =	sor.u32 s20, s17;
	[tilespmem:s0+$0x1A070] =	vst v7  }
0x173: {  	v7 =	vld [tilespmem:s17+$0x0];
	_ =	sdelay $0x4  }
0x174: {  	s21 =	spop (v2sf);
	s16 =	sshrl.u32 s16, $0x10;
	[tilespmem:s0+$0x1A080] =	vst v7  }
0x175: {  	s18 =	sand.u32 $0xFFFF, s21;
	v7 =	vld [tilespmem:s16+$0xC030]  }
0x176: {  	v18 =	vld [tilespmem:s18+$0xC030]  }
0x177: {  	s17 =	sshrl.u32 s21, $0x10  }
0x178: {  	s19 =	spop (v2sf);
	v19 =	vld [tilespmem:s17+$0xC030]  }
0x179: {  	s20 =	sand.u32 $0xFFFF, s19  }
0x17a: {  	v20 =	vld [tilespmem:s20+$0xC030]  }
0x17b: {  	v7 =	vadd.f32 v18, v7;
	_ =	sdelay $0x1  }
0x17c: {  	v7 =	vadd.f32 v19, v7;
	_ =	sdelay $0x1  }
0x17d: {  	s22 =	sadd.s32 $0x10, s16;
	v7 =	vadd.f32 v20, v7  }
0x17e: {  	s21 =	sand.u32 $0x1FFF8, s22;
	s16 =	sand.u32 $0x7, s16  }
0x17f: {  	s16 =	sor.u32 s16, s21;
	[tilespmem:s0+$0x1A090] =	vst v7  }
0x180: {  	s22 =	sadd.s32 $0x10, s17;
	v7 =	vld [tilespmem:s16+$0xC030]  }
0x181: {  	s17 =	sand.u32 $0x7, s17;
	v21 =	vld [tilespmem:s18+$0xC040];
	s16 =	sand.u32 $0x1FFF8, s22  }
0x182: {  	(v2sf) =	vpush v3, $0x7;
	s16 =	sor.u32 s17, s16  }
0x183: {  	v22 =	vld [tilespmem:s16+$0xC030];
	_ =	sdelay $0x1  }
0x184: {  	v23 =	vld [tilespmem:s20+$0xC040]  }
0x185: {  	v7 =	vadd.f32 v21, v7;
	_ =	sdelay $0x1  }
0x186: {  	v7 =	vadd.f32 v22, v7;
	_ =	sdelay $0x1  }
0x187: {  	v7 =	vadd.f32 v23, v7;
	_ =	sdelay $0x1  }
0x188: {  	s19 =	sshrl.u32 s19, $0x10;
	[tilespmem:s0+$0x1A0A0] =	vst v7  }
0x189: {  	v7 =	vld [tilespmem:s19+$0x13350]  }
0x18a: {  	(v2sf) =	vpush v6, $0x8;
	_ =	sdelay $0x2  }
0x18b: {  	s20 =	spop (v2sf)  }
0x18c: {  	s21 =	sand.u32 $0xFFFF, s20;
	[tilespmem:s0+$0x1A0A8] =	vst v7  }
0x18d: {  	v7 =	vld [tilespmem:s21+$0x146B0];
	_ =	sdelay $0x4  }
0x18e: {  	s16 =	sshrl.u32 s20, $0x10;
	[tilespmem:s0+$0x1A0B8] =	vst v7  }
0x18f: {  	v7 =	vld [tilespmem:s16+$0x191B0];
	_ =	sdelay $0x3  }
0x190: {  	s16 =	spop (v2sf)  }
0x191: {  	s22 =	sand.u32 $0xFFFF, s16;
	[tilespmem:s0+$0x1A0C8] =	vst v7  }
0x192: {  	v7 =	vld [tilespmem:s22+$0x0];
	_ =	sdelay $0x1  }
0x193: {  	(v2sf) =	vpush v5, $0x8  }
0x194: {  	s19 =	sadd.s32 $0x10, s22  }
0x195: {  	s20 =	sand.u32 $0x7, s16;
	s18 =	sand.u32 $0x1FFF8, s19  }
0x196: {  	s18 =	sor.u32 s20, s18;
	[tilespmem:s0+$0x1A0E0] =	vst v7  }
0x197: {  	(v2sf) =	vpush v4, $0x8;
	v7 =	vld [tilespmem:s18+$0x0];
	_ =	sdelay $0x2  }
0x198: {  	s17 =	sadd.s32 $0x20, s22  }
0x199: {  	s17 =	sand.u32 $0x1FFF8, s17  }
0x19a: {  	s17 =	sor.u32 s20, s17;
	[tilespmem:s0+$0x1A0F0] =	vst v7  }
0x19b: {  	v7 =	vld [tilespmem:s17+$0x0];
	_ =	sdelay $0x4  }
0x19c: {  	s21 =	spop (v2sf);
	s16 =	sshrl.u32 s16, $0x10;
	[tilespmem:s0+$0x1A100] =	vst v7  }
0x19d: {  	s18 =	sand.u32 $0xFFFF, s21;
	v7 =	vld [tilespmem:s16+$0xC030]  }
0x19e: {  	v24 =	vld [tilespmem:s18+$0xC030]  }
0x19f: {  	s17 =	sshrl.u32 s21, $0x10  }
0x1a0: {  	s19 =	spop (v2sf);
	v25 =	vld [tilespmem:s17+$0xC030]  }
0x1a1: {  	s20 =	sand.u32 $0xFFFF, s19  }
0x1a2: {  	v26 =	vld [tilespmem:s20+$0xC030]  }
0x1a3: {  	v7 =	vadd.f32 v24, v7;
	_ =	sdelay $0x1  }
0x1a4: {  	v7 =	vadd.f32 v25, v7;
	_ =	sdelay $0x1  }
0x1a5: {  	s22 =	sadd.s32 $0x10, s16;
	v7 =	vadd.f32 v26, v7  }
0x1a6: {  	s21 =	sand.u32 $0x1FFF8, s22;
	s16 =	sand.u32 $0x7, s16  }
0x1a7: {  	s16 =	sor.u32 s16, s21;
	[tilespmem:s0+$0x1A110] =	vst v7  }
0x1a8: {  	s22 =	sadd.s32 $0x10, s17;
	v7 =	vld [tilespmem:s16+$0xC030]  }
0x1a9: {  	s17 =	sand.u32 $0x7, s17;
	v27 =	vld [tilespmem:s18+$0xC040];
	s16 =	sand.u32 $0x1FFF8, s22  }
0x1aa: {  	(v2sf) =	vpush v3, $0x8;
	s16 =	sor.u32 s17, s16  }
0x1ab: {  	v28 =	vld [tilespmem:s16+$0xC030];
	_ =	sdelay $0x1  }
0x1ac: {  	v29 =	vld [tilespmem:s20+$0xC040]  }
0x1ad: {  	v7 =	vadd.f32 v27, v7;
	_ =	sdelay $0x1  }
0x1ae: {  	v7 =	vadd.f32 v28, v7;
	_ =	sdelay $0x1  }
0x1af: {  	v7 =	vadd.f32 v29, v7;
	_ =	sdelay $0x1  }
0x1b0: {  	s19 =	sshrl.u32 s19, $0x10;
	[tilespmem:s0+$0x1A120] =	vst v7  }
0x1b1: {  	v7 =	vld [tilespmem:s19+$0x13350]  }
0x1b2: {  	(v2sf) =	vpush v6, $0x9;
	_ =	sdelay $0x2  }
0x1b3: {  	s20 =	spop (v2sf)  }
0x1b4: {  	s21 =	sand.u32 $0xFFFF, s20;
	[tilespmem:s0+$0x1A128] =	vst v7  }
0x1b5: {  	v7 =	vld [tilespmem:s21+$0x146B0];
	_ =	sdelay $0x4  }
0x1b6: {  	s16 =	sshrl.u32 s20, $0x10;
	[tilespmem:s0+$0x1A138] =	vst v7  }
0x1b7: {  	v7 =	vld [tilespmem:s16+$0x191B0];
	_ =	sdelay $0x3  }
0x1b8: {  	s16 =	spop (v2sf)  }
0x1b9: {  	s22 =	sand.u32 $0xFFFF, s16;
	[tilespmem:s0+$0x1A148] =	vst v7  }
0x1ba: {  	v7 =	vld [tilespmem:s22+$0x0];
	_ =	sdelay $0x1  }
0x1bb: {  	(v2sf) =	vpush v5, $0x9  }
0x1bc: {  	s19 =	sadd.s32 $0x10, s22  }
0x1bd: {  	s20 =	sand.u32 $0x7, s16;
	s18 =	sand.u32 $0x1FFF8, s19  }
0x1be: {  	s18 =	sor.u32 s20, s18;
	[tilespmem:s0+$0x1A160] =	vst v7  }
0x1bf: {  	(v2sf) =	vpush v4, $0x9;
	v7 =	vld [tilespmem:s18+$0x0];
	_ =	sdelay $0x2  }
0x1c0: {  	s17 =	sadd.s32 $0x20, s22  }
0x1c1: {  	s17 =	sand.u32 $0x1FFF8, s17  }
0x1c2: {  	s17 =	sor.u32 s20, s17;
	[tilespmem:s0+$0x1A170] =	vst v7  }
0x1c3: {  	v7 =	vld [tilespmem:s17+$0x0];
	_ =	sdelay $0x4  }
0x1c4: {  	s21 =	spop (v2sf);
	s16 =	sshrl.u32 s16, $0x10;
	[tilespmem:s0+$0x1A180] =	vst v7  }
0x1c5: {  	s18 =	sand.u32 $0xFFFF, s21;
	v7 =	vld [tilespmem:s16+$0xC030]  }
0x1c6: {  	v30 =	vld [tilespmem:s18+$0xC030]  }
0x1c7: {  	s17 =	sshrl.u32 s21, $0x10  }
0x1c8: {  	s19 =	spop (v2sf);
	v31 =	vld [tilespmem:s17+$0xC030]  }
0x1c9: {  	s20 =	sand.u32 $0xFFFF, s19  }
0x1ca: {  	v32 =	vld [tilespmem:s20+$0xC030]  }
0x1cb: {  	v7 =	vadd.f32 v30, v7;
	_ =	sdelay $0x1  }
0x1cc: {  	v7 =	vadd.f32 v31, v7;
	_ =	sdelay $0x1  }
0x1cd: {  	s22 =	sadd.s32 $0x10, s16;
	v7 =	vadd.f32 v32, v7  }
0x1ce: {  	s21 =	sand.u32 $0x1FFF8, s22;
	s16 =	sand.u32 $0x7, s16  }
0x1cf: {  	s16 =	sor.u32 s16, s21;
	[tilespmem:s0+$0x1A190] =	vst v7  }
0x1d0: {  	s22 =	sadd.s32 $0x10, s17;
	v7 =	vld [tilespmem:s16+$0xC030]  }
0x1d1: {  	s17 =	sand.u32 $0x7, s17;
	v33 =	vld [tilespmem:s18+$0xC040];
	s16 =	sand.u32 $0x1FFF8, s22  }
0x1d2: {  	(v2sf) =	vpush v3, $0x9;
	s16 =	sor.u32 s17, s16  }
0x1d3: {  	v34 =	vld [tilespmem:s16+$0xC030];
	_ =	sdelay $0x1  }
0x1d4: {  	v35 =	vld [tilespmem:s20+$0xC040]  }
0x1d5: {  	v7 =	vadd.f32 v33, v7;
	_ =	sdelay $0x1  }
0x1d6: {  	v7 =	vadd.f32 v34, v7;
	_ =	sdelay $0x1  }
0x1d7: {  	v7 =	vadd.f32 v35, v7;
	_ =	sdelay $0x1  }
0x1d8: {  	s19 =	sshrl.u32 s19, $0x10;
	[tilespmem:s0+$0x1A1A0] =	vst v7  }
0x1d9: {  	v7 =	vld [tilespmem:s19+$0x13350]  }
0x1da: {  	(v2sf) =	vpush v6, $0xA;
	_ =	sdelay $0x2  }
0x1db: {  	s20 =	spop (v2sf)  }
0x1dc: {  	s21 =	sand.u32 $0xFFFF, s20;
	[tilespmem:s0+$0x1A1A8] =	vst v7  }
0x1dd: {  	v7 =	vld [tilespmem:s21+$0x146B0];
	_ =	sdelay $0x4  }
0x1de: {  	s16 =	sshrl.u32 s20, $0x10;
	[tilespmem:s0+$0x1A1B8] =	vst v7  }
0x1df: {  	v7 =	vld [tilespmem:s16+$0x191B0];
	_ =	sdelay $0x3  }
0x1e0: {  	s16 =	spop (v2sf)  }
0x1e1: {  	s22 =	sand.u32 $0xFFFF, s16;
	[tilespmem:s0+$0x1A1C8] =	vst v7  }
0x1e2: {  	v7 =	vld [tilespmem:s22+$0x0];
	_ =	sdelay $0x1  }
0x1e3: {  	(v2sf) =	vpush v5, $0xA  }
0x1e4: {  	s19 =	sadd.s32 $0x10, s22  }
0x1e5: {  	s20 =	sand.u32 $0x7, s16;
	s18 =	sand.u32 $0x1FFF8, s19  }
0x1e6: {  	s18 =	sor.u32 s20, s18;
	[tilespmem:s0+$0x1A1E0] =	vst v7  }
0x1e7: {  	(v2sf) =	vpush v4, $0xA;
	v7 =	vld [tilespmem:s18+$0x0];
	_ =	sdelay $0x2  }
0x1e8: {  	s17 =	sadd.s32 $0x20, s22  }
0x1e9: {  	s17 =	sand.u32 $0x1FFF8, s17  }
0x1ea: {  	s17 =	sor.u32 s20, s17;
	[tilespmem:s0+$0x1A1F0] =	vst v7  }
0x1eb: {  	v7 =	vld [tilespmem:s17+$0x0];
	_ =	sdelay $0x4  }
0x1ec: {  	s21 =	spop (v2sf);
	s16 =	sshrl.u32 s16, $0x10;
	[tilespmem:s0+$0x1A200] =	vst v7  }
0x1ed: {  	s18 =	sand.u32 $0xFFFF, s21;
	v7 =	vld [tilespmem:s16+$0xC030]  }
0x1ee: {  	v36 =	vld [tilespmem:s18+$0xC030]  }
0x1ef: {  	s17 =	sshrl.u32 s21, $0x10  }
0x1f0: {  	s19 =	spop (v2sf);
	v37 =	vld [tilespmem:s17+$0xC030]  }
0x1f1: {  	s20 =	sand.u32 $0xFFFF, s19  }
0x1f2: {  	v38 =	vld [tilespmem:s20+$0xC030]  }
0x1f3: {  	v7 =	vadd.f32 v36, v7;
	_ =	sdelay $0x1  }
0x1f4: {  	v7 =	vadd.f32 v37, v7;
	_ =	sdelay $0x1  }
0x1f5: {  	s22 =	sadd.s32 $0x10, s16;
	v7 =	vadd.f32 v38, v7  }
0x1f6: {  	s21 =	sand.u32 $0x1FFF8, s22;
	s16 =	sand.u32 $0x7, s16  }
0x1f7: {  	s16 =	sor.u32 s16, s21;
	[tilespmem:s0+$0x1A210] =	vst v7  }
0x1f8: {  	s22 =	sadd.s32 $0x10, s17;
	v7 =	vld [tilespmem:s16+$0xC030]  }
0x1f9: {  	s17 =	sand.u32 $0x7, s17;
	v39 =	vld [tilespmem:s18+$0xC040];
	s16 =	sand.u32 $0x1FFF8, s22  }
0x1fa: {  	(v2sf) =	vpush v3, $0xA;
	s16 =	sor.u32 s17, s16  }
0x1fb: {  	v40 =	vld [tilespmem:s16+$0xC030];
	_ =	sdelay $0x1  }
0x1fc: {  	v41 =	vld [tilespmem:s20+$0xC040]  }
0x1fd: {  	v7 =	vadd.f32 v39, v7;
	_ =	sdelay $0x1  }
0x1fe: {  	v7 =	vadd.f32 v40, v7;
	_ =	sdelay $0x1  }
0x1ff: {  	v7 =	vadd.f32 v41, v7;
	_ =	sdelay $0x1  }
0x200: {  	s19 =	sshrl.u32 s19, $0x10;
	[tilespmem:s0+$0x1A220] =	vst v7  }
0x201: {  	v7 =	vld [tilespmem:s19+$0x13350]  }
0x202: {  	(v2sf) =	vpush v6, $0xB;
	_ =	sdelay $0x2  }
0x203: {  	s20 =	spop (v2sf)  }
0x204: {  	s21 =	sand.u32 $0xFFFF, s20;
	[tilespmem:s0+$0x1A228] =	vst v7  }
0x205: {  	v7 =	vld [tilespmem:s21+$0x146B0];
	_ =	sdelay $0x4  }
0x206: {  	s16 =	sshrl.u32 s20, $0x10;
	[tilespmem:s0+$0x1A238] =	vst v7  }
0x207: {  	v7 =	vld [tilespmem:s16+$0x191B0];
	_ =	sdelay $0x3  }
0x208: {  	s16 =	spop (v2sf)  }
0x209: {  	s22 =	sand.u32 $0xFFFF, s16;
	[tilespmem:s0+$0x1A248] =	vst v7  }
0x20a: {  	v7 =	vld [tilespmem:s22+$0x0];
	_ =	sdelay $0x1  }
0x20b: {  	(v2sf) =	vpush v5, $0xB  }
0x20c: {  	s19 =	sadd.s32 $0x10, s22  }
0x20d: {  	s20 =	sand.u32 $0x7, s16;
	s18 =	sand.u32 $0x1FFF8, s19  }
0x20e: {  	s18 =	sor.u32 s20, s18;
	[tilespmem:s0+$0x1A260] =	vst v7  }
0x20f: {  	(v2sf) =	vpush v4, $0xB;
	v7 =	vld [tilespmem:s18+$0x0];
	_ =	sdelay $0x2  }
0x210: {  	s17 =	sadd.s32 $0x20, s22  }
0x211: {  	s17 =	sand.u32 $0x1FFF8, s17  }
0x212: {  	s17 =	sor.u32 s20, s17;
	[tilespmem:s0+$0x1A270] =	vst v7  }
0x213: {  	v7 =	vld [tilespmem:s17+$0x0];
	_ =	sdelay $0x4  }
0x214: {  	s21 =	spop (v2sf);
	s16 =	sshrl.u32 s16, $0x10;
	[tilespmem:s0+$0x1A280] =	vst v7  }
0x215: {  	s18 =	sand.u32 $0xFFFF, s21;
	v7 =	vld [tilespmem:s16+$0xC030]  }
0x216: {  	v42 =	vld [tilespmem:s18+$0xC030]  }
0x217: {  	s17 =	sshrl.u32 s21, $0x10  }
0x218: {  	s19 =	spop (v2sf);
	v43 =	vld [tilespmem:s17+$0xC030]  }
0x219: {  	s20 =	sand.u32 $0xFFFF, s19  }
0x21a: {  	v44 =	vld [tilespmem:s20+$0xC030]  }
0x21b: {  	v7 =	vadd.f32 v42, v7;
	_ =	sdelay $0x1  }
0x21c: {  	v7 =	vadd.f32 v43, v7;
	_ =	sdelay $0x1  }
0x21d: {  	s22 =	sadd.s32 $0x10, s16;
	v7 =	vadd.f32 v44, v7  }
0x21e: {  	s21 =	sand.u32 $0x1FFF8, s22;
	s16 =	sand.u32 $0x7, s16  }
0x21f: {  	s16 =	sor.u32 s16, s21;
	[tilespmem:s0+$0x1A290] =	vst v7  }
0x220: {  	s22 =	sadd.s32 $0x10, s17;
	v7 =	vld [tilespmem:s16+$0xC030]  }
0x221: {  	s17 =	sand.u32 $0x7, s17;
	v45 =	vld [tilespmem:s18+$0xC040];
	s16 =	sand.u32 $0x1FFF8, s22  }
0x222: {  	(v2sf) =	vpush v3, $0xB;
	s16 =	sor.u32 s17, s16  }
0x223: {  	v46 =	vld [tilespmem:s16+$0xC030];
	_ =	sdelay $0x1  }
0x224: {  	v47 =	vld [tilespmem:s20+$0xC040]  }
0x225: {  	v7 =	vadd.f32 v45, v7;
	_ =	sdelay $0x1  }
0x226: {  	v7 =	vadd.f32 v46, v7;
	_ =	sdelay $0x1  }
0x227: {  	v7 =	vadd.f32 v47, v7;
	_ =	sdelay $0x1  }
0x228: {  	s19 =	sshrl.u32 s19, $0x10;
	[tilespmem:s0+$0x1A2A0] =	vst v7  }
0x229: {  	v7 =	vld [tilespmem:s19+$0x13350]  }
0x22a: {  	(v2sf) =	vpush v6, $0xC;
	_ =	sdelay $0x2  }
0x22b: {  	s20 =	spop (v2sf)  }
0x22c: {  	s21 =	sand.u32 $0xFFFF, s20;
	[tilespmem:s0+$0x1A2A8] =	vst v7  }
0x22d: {  	v7 =	vld [tilespmem:s21+$0x146B0];
	_ =	sdelay $0x4  }
0x22e: {  	s16 =	sshrl.u32 s20, $0x10;
	[tilespmem:s0+$0x1A2B8] =	vst v7  }
0x22f: {  	v7 =	vld [tilespmem:s16+$0x191B0];
	_ =	sdelay $0x3  }
0x230: {  	s16 =	spop (v2sf)  }
0x231: {  	s22 =	sand.u32 $0xFFFF, s16;
	[tilespmem:s0+$0x1A2C8] =	vst v7  }
0x232: {  	v7 =	vld [tilespmem:s22+$0x0];
	_ =	sdelay $0x1  }
0x233: {  	(v2sf) =	vpush v5, $0xC  }
0x234: {  	s19 =	sadd.s32 $0x10, s22  }
0x235: {  	s20 =	sand.u32 $0x7, s16;
	s18 =	sand.u32 $0x1FFF8, s19  }
0x236: {  	s18 =	sor.u32 s20, s18;
	[tilespmem:s0+$0x1A2E0] =	vst v7  }
0x237: {  	(v2sf) =	vpush v4, $0xC;
	v7 =	vld [tilespmem:s18+$0x0];
	_ =	sdelay $0x2  }
0x238: {  	s17 =	sadd.s32 $0x20, s22  }
0x239: {  	s17 =	sand.u32 $0x1FFF8, s17  }
0x23a: {  	s17 =	sor.u32 s20, s17;
	[tilespmem:s0+$0x1A2F0] =	vst v7  }
0x23b: {  	v7 =	vld [tilespmem:s17+$0x0];
	_ =	sdelay $0x4  }
0x23c: {  	s21 =	spop (v2sf);
	s16 =	sshrl.u32 s16, $0x10;
	[tilespmem:s0+$0x1A300] =	vst v7  }
0x23d: {  	s18 =	sand.u32 $0xFFFF, s21;
	v7 =	vld [tilespmem:s16+$0xC030]  }
0x23e: {  	v48 =	vld [tilespmem:s18+$0xC030]  }
0x23f: {  	s17 =	sshrl.u32 s21, $0x10  }
0x240: {  	s19 =	spop (v2sf);
	v49 =	vld [tilespmem:s17+$0xC030]  }
0x241: {  	s20 =	sand.u32 $0xFFFF, s19  }
0x242: {  	v50 =	vld [tilespmem:s20+$0xC030]  }
0x243: {  	v7 =	vadd.f32 v48, v7;
	_ =	sdelay $0x1  }
0x244: {  	v7 =	vadd.f32 v49, v7;
	_ =	sdelay $0x1  }
0x245: {  	s22 =	sadd.s32 $0x10, s16;
	v7 =	vadd.f32 v50, v7  }
0x246: {  	s21 =	sand.u32 $0x1FFF8, s22;
	s16 =	sand.u32 $0x7, s16  }
0x247: {  	s16 =	sor.u32 s16, s21;
	[tilespmem:s0+$0x1A310] =	vst v7  }
0x248: {  	s22 =	sadd.s32 $0x10, s17;
	v7 =	vld [tilespmem:s16+$0xC030]  }
0x249: {  	s17 =	sand.u32 $0x7, s17;
	v51 =	vld [tilespmem:s18+$0xC040];
	s16 =	sand.u32 $0x1FFF8, s22  }
0x24a: {  	(v2sf) =	vpush v3, $0xC;
	s16 =	sor.u32 s17, s16  }
0x24b: {  	v52 =	vld [tilespmem:s16+$0xC030];
	_ =	sdelay $0x1  }
0x24c: {  	v53 =	vld [tilespmem:s20+$0xC040]  }
0x24d: {  	v7 =	vadd.f32 v51, v7;
	_ =	sdelay $0x1  }
0x24e: {  	v7 =	vadd.f32 v52, v7;
	_ =	sdelay $0x1  }
0x24f: {  	v7 =	vadd.f32 v53, v7;
	_ =	sdelay $0x1  }
0x250: {  	s19 =	sshrl.u32 s19, $0x10;
	[tilespmem:s0+$0x1A320] =	vst v7  }
0x251: {  	v7 =	vld [tilespmem:s19+$0x13350]  }
0x252: {  	(v2sf) =	vpush v6, $0xD;
	_ =	sdelay $0x2  }
0x253: {  	s20 =	spop (v2sf)  }
0x254: {  	s21 =	sand.u32 $0xFFFF, s20;
	[tilespmem:s0+$0x1A328] =	vst v7  }
0x255: {  	v7 =	vld [tilespmem:s21+$0x146B0];
	_ =	sdelay $0x4  }
0x256: {  	s16 =	sshrl.u32 s20, $0x10;
	[tilespmem:s0+$0x1A338] =	vst v7  }
0x257: {  	v7 =	vld [tilespmem:s16+$0x191B0];
	_ =	sdelay $0x3  }
0x258: {  	s16 =	spop (v2sf)  }
0x259: {  	s22 =	sand.u32 $0xFFFF, s16;
	[tilespmem:s0+$0x1A348] =	vst v7  }
0x25a: {  	v7 =	vld [tilespmem:s22+$0x0];
	_ =	sdelay $0x1  }
0x25b: {  	(v2sf) =	vpush v5, $0xD  }
0x25c: {  	s19 =	sadd.s32 $0x10, s22  }
0x25d: {  	s20 =	sand.u32 $0x7, s16;
	s18 =	sand.u32 $0x1FFF8, s19  }
0x25e: {  	s18 =	sor.u32 s20, s18;
	[tilespmem:s0+$0x1A360] =	vst v7  }
0x25f: {  	(v2sf) =	vpush v4, $0xD;
	v7 =	vld [tilespmem:s18+$0x0];
	_ =	sdelay $0x2  }
0x260: {  	s17 =	sadd.s32 $0x20, s22  }
0x261: {  	s17 =	sand.u32 $0x1FFF8, s17  }
0x262: {  	s17 =	sor.u32 s20, s17;
	[tilespmem:s0+$0x1A370] =	vst v7  }
0x263: {  	v7 =	vld [tilespmem:s17+$0x0];
	_ =	sdelay $0x4  }
0x264: {  	s21 =	spop (v2sf);
	s16 =	sshrl.u32 s16, $0x10;
	[tilespmem:s0+$0x1A380] =	vst v7  }
0x265: {  	s18 =	sand.u32 $0xFFFF, s21;
	v7 =	vld [tilespmem:s16+$0xC030]  }
0x266: {  	v54 =	vld [tilespmem:s18+$0xC030]  }
0x267: {  	s17 =	sshrl.u32 s21, $0x10  }
0x268: {  	s19 =	spop (v2sf);
	v55 =	vld [tilespmem:s17+$0xC030]  }
0x269: {  	s20 =	sand.u32 $0xFFFF, s19  }
0x26a: {  	v56 =	vld [tilespmem:s20+$0xC030]  }
0x26b: {  	v7 =	vadd.f32 v54, v7;
	_ =	sdelay $0x1  }
0x26c: {  	v7 =	vadd.f32 v55, v7;
	_ =	sdelay $0x1  }
0x26d: {  	s22 =	sadd.s32 $0x10, s16;
	v7 =	vadd.f32 v56, v7  }
0x26e: {  	s21 =	sand.u32 $0x1FFF8, s22;
	s16 =	sand.u32 $0x7, s16  }
0x26f: {  	s16 =	sor.u32 s16, s21;
	[tilespmem:s0+$0x1A390] =	vst v7  }
0x270: {  	s22 =	sadd.s32 $0x10, s17;
	v7 =	vld [tilespmem:s16+$0xC030]  }
0x271: {  	s17 =	sand.u32 $0x7, s17;
	v57 =	vld [tilespmem:s18+$0xC040];
	s16 =	sand.u32 $0x1FFF8, s22  }
0x272: {  	(v2sf) =	vpush v3, $0xD;
	s16 =	sor.u32 s17, s16  }
0x273: {  	v58 =	vld [tilespmem:s16+$0xC030];
	_ =	sdelay $0x1  }
0x274: {  	v59 =	vld [tilespmem:s20+$0xC040]  }
0x275: {  	v7 =	vadd.f32 v57, v7;
	_ =	sdelay $0x1  }
0x276: {  	v7 =	vadd.f32 v58, v7;
	_ =	sdelay $0x1  }
0x277: {  	v7 =	vadd.f32 v59, v7;
	_ =	sdelay $0x1  }
0x278: {  	s19 =	sshrl.u32 s19, $0x10;
	[tilespmem:s0+$0x1A3A0] =	vst v7  }
0x279: {  	v7 =	vld [tilespmem:s19+$0x13350]  }
0x27a: {  	(v2sf) =	vpush v6, $0xE;
	_ =	sdelay $0x2  }
0x27b: {  	s20 =	spop (v2sf)  }
0x27c: {  	s21 =	sand.u32 $0xFFFF, s20;
	[tilespmem:s0+$0x1A3A8] =	vst v7  }
0x27d: {  	v7 =	vld [tilespmem:s21+$0x146B0];
	_ =	sdelay $0x4  }
0x27e: {  	s16 =	sshrl.u32 s20, $0x10;
	[tilespmem:s0+$0x1A3B8] =	vst v7  }
0x27f: {  	v7 =	vld [tilespmem:s16+$0x191B0];
	_ =	sdelay $0x3  }
0x280: {  	s16 =	spop (v2sf)  }
0x281: {  	s22 =	sand.u32 $0xFFFF, s16;
	[tilespmem:s0+$0x1A3C8] =	vst v7  }
0x282: {  	v7 =	vld [tilespmem:s22+$0x0];
	_ =	sdelay $0x1  }
0x283: {  	(v2sf) =	vpush v5, $0xE  }
0x284: {  	s19 =	sadd.s32 $0x10, s22  }
0x285: {  	s20 =	sand.u32 $0x7, s16;
	s18 =	sand.u32 $0x1FFF8, s19  }
0x286: {  	s18 =	sor.u32 s20, s18;
	[tilespmem:s0+$0x1A3E0] =	vst v7  }
0x287: {  	(v2sf) =	vpush v4, $0xE;
	v7 =	vld [tilespmem:s18+$0x0];
	_ =	sdelay $0x2  }
0x288: {  	s17 =	sadd.s32 $0x20, s22  }
0x289: {  	s17 =	sand.u32 $0x1FFF8, s17  }
0x28a: {  	s17 =	sor.u32 s20, s17;
	[tilespmem:s0+$0x1A3F0] =	vst v7  }
0x28b: {  	v7 =	vld [tilespmem:s17+$0x0];
	_ =	sdelay $0x4  }
0x28c: {  	s21 =	spop (v2sf);
	s16 =	sshrl.u32 s16, $0x10;
	[tilespmem:s0+$0x1A400] =	vst v7  }
0x28d: {  	s18 =	sand.u32 $0xFFFF, s21;
	v7 =	vld [tilespmem:s16+$0xC030]  }
0x28e: {  	v60 =	vld [tilespmem:s18+$0xC030]  }
0x28f: {  	s17 =	sshrl.u32 s21, $0x10  }
0x290: {  	s19 =	spop (v2sf);
	v61 =	vld [tilespmem:s17+$0xC030]  }
0x291: {  	s20 =	sand.u32 $0xFFFF, s19  }
0x292: {  	v62 =	vld [tilespmem:s20+$0xC030]  }
0x293: {  	v7 =	vadd.f32 v60, v7;
	_ =	sdelay $0x1  }
0x294: {  	v7 =	vadd.f32 v61, v7;
	_ =	sdelay $0x1  }
0x295: {  	s22 =	sadd.s32 $0x10, s16;
	v7 =	vadd.f32 v62, v7  }
0x296: {  	s21 =	sand.u32 $0x1FFF8, s22;
	s16 =	sand.u32 $0x7, s16  }
0x297: {  	s16 =	sor.u32 s16, s21;
	[tilespmem:s0+$0x1A410] =	vst v7  }
0x298: {  	s22 =	sadd.s32 $0x10, s17;
	v7 =	vld [tilespmem:s16+$0xC030]  }
0x299: {  	s17 =	sand.u32 $0x7, s17;
	v63 =	vld [tilespmem:s18+$0xC040];
	s16 =	sand.u32 $0x1FFF8, s22  }
0x29a: {  	(v2sf) =	vpush v3, $0xE;
	s16 =	sor.u32 s17, s16  }
0x29b: {  	v12 =	vld [tilespmem:s16+$0xC030];
	_ =	sdelay $0x1  }
0x29c: {  	v13 =	vld [tilespmem:s20+$0xC040]  }
0x29d: {  	v7 =	vadd.f32 v63, v7;
	_ =	sdelay $0x1  }
0x29e: {  	v7 =	vadd.f32 v12, v7;
	_ =	sdelay $0x1  }
0x29f: {  	v7 =	vadd.f32 v13, v7;
	_ =	sdelay $0x1  }
0x2a0: {  	s19 =	sshrl.u32 s19, $0x10;
	[tilespmem:s0+$0x1A420] =	vst v7  }
0x2a1: {  	v7 =	vld [tilespmem:s19+$0x13350]  }
0x2a2: {  	(v2sf) =	vpush v6, $0xF;
	_ =	sdelay $0x2  }
0x2a3: {  	s20 =	spop (v2sf)  }
0x2a4: {  	s21 =	sand.u32 $0xFFFF, s20;
	[tilespmem:s0+$0x1A428] =	vst v7  }
0x2a5: {  	v14 =	vld [tilespmem:s21+$0x146B0];
	_ =	sdelay $0x4  }
0x2a6: {  	s16 =	sshrl.u32 s20, $0x10;
	[tilespmem:s0+$0x1A438] =	vst v14  }
0x2a7: {  	v6 =	vld [tilespmem:s16+$0x191B0];
	_ =	sdelay $0x3  }
0x2a8: {  	s16 =	spop (v2sf)  }
0x2a9: {  	s22 =	sand.u32 $0xFFFF, s16;
	[tilespmem:s0+$0x1A448] =	vst v6  }
0x2aa: {  	v6 =	vld [tilespmem:s22+$0x0];
	_ =	sdelay $0x1  }
0x2ab: {  	(v2sf) =	vpush v5, $0xF  }
0x2ac: {  	s19 =	sadd.s32 $0x10, s22  }
0x2ad: {  	s20 =	sand.u32 $0x7, s16;
	s18 =	sand.u32 $0x1FFF8, s19  }
0x2ae: {  	s18 =	sor.u32 s20, s18;
	[tilespmem:s0+$0x1A460] =	vst v6  }
0x2af: {  	(v2sf) =	vpush v4, $0xF;
	v15 =	vld [tilespmem:s18+$0x0]  }
0x2b0: {  	(v2sf) =	vpush v3, $0xF;
	_ =	sdelay $0x1  }
0x2b1: {  	s17 =	sadd.s32 $0x20, s22  }
0x2b2: {  	s17 =	sand.u32 $0x1FFF8, s17  }
0x2b3: {  	s17 =	sor.u32 s20, s17;
	[tilespmem:s0+$0x1A470] =	vst v15  }
0x2b4: {  	v3 =	vld [tilespmem:s17+$0x0];
	_ =	sdelay $0x4  }
0x2b5: {  	s21 =	spop (v2sf);
	s16 =	sshrl.u32 s16, $0x10;
	[tilespmem:s0+$0x1A480] =	vst v3  }
0x2b6: {  	s18 =	sand.u32 $0xFFFF, s21;
	v3 =	vld [tilespmem:s16+$0xC030]  }
0x2b7: {  	v4 =	vld [tilespmem:s18+$0xC030]  }
0x2b8: {  	s17 =	sshrl.u32 s21, $0x10  }
0x2b9: {  	s19 =	spop (v2sf);
	v16 =	vld [tilespmem:s17+$0xC030]  }
0x2ba: {  	s20 =	spop (v2sf);
	s21 =	sand.u32 $0xFFFF, s19  }
0x2bb: {  	v6 =	vld [tilespmem:s21+$0xC030]  }
0x2bc: {  	v3 =	vadd.f32 v4, v3;
	_ =	sdelay $0x1  }
0x2bd: {  	v3 =	vadd.f32 v16, v3;
	_ =	sdelay $0x1  }
0x2be: {  	s22 =	sadd.s32 $0x10, s16;
	v3 =	vadd.f32 v6, v3  }
0x2bf: {  	s22 =	sand.u32 $0x1FFF8, s22;
	s16 =	sand.u32 $0x7, s16  }
0x2c0: {  	s16 =	sor.u32 s16, s22;
	[tilespmem:s0+$0x1A490] =	vst v3  }
0x2c1: {  	s22 =	sadd.s32 $0x10, s17;
	v3 =	vld [tilespmem:s16+$0xC030]  }
0x2c2: {  	s17 =	sand.u32 $0x7, s17;
	v17 =	vld [tilespmem:s18+$0xC040];
	s16 =	sand.u32 $0x1FFF8, s22  }
0x2c3: {  	s16 =	sor.u32 s17, s16  }
0x2c4: {  	v18 =	vld [tilespmem:s16+$0xC030];
	_ =	sdelay $0x1  }
0x2c5: {  	v19 =	vld [tilespmem:s21+$0xC040]  }
0x2c6: {  	v3 =	vadd.f32 v17, v3;
	_ =	sdelay $0x1  }
0x2c7: {  	v3 =	vadd.f32 v18, v3;
	_ =	sdelay $0x1  }
0x2c8: {  	v3 =	vadd.f32 v19, v3;
	_ =	sdelay $0x1  }
0x2c9: {  	s18 =	sshrl.u32 s19, $0x10;
	[tilespmem:s0+$0x1A4A0] =	vst v3  }
0x2ca: {  	v3 =	vld [tilespmem:s18+$0x13350];
	_ =	sdelay $0x4  }
0x2cb: {  	s19 =	sand.u32 $0xFFFF, s20;
	[tilespmem:s0+$0x1A4A8] =	vst v3  }
0x2cc: {  	v3 =	vld [tilespmem:s19+$0x146B0];
	_ =	sdelay $0x4  }
0x2cd: {  	s20 =	sshrl.u32 s20, $0x10;
	[tilespmem:s0+$0x1A4B8] =	vst v3  }
0x2ce: {  	v3 =	vld [tilespmem:s20+$0x191B0];
	_ =	sdelay $0x4  }
0x2cf: {  	[tilespmem:s0+$0x1A4C8] =	vst v3  }
0x2d0: {  	v6 =	vld [tilespmem:s15+$0x192F0];
	_ =	sdelay $0x4  }
0x2d1: {  	(v2sf) =	vpush v6, $0x0;
	_ =	sdelay $0xa  }
0x2d2: {  	v21 =	vor.u32 s0, v2;
	v20 =	vld [tilespmem:s15+$0x19AF0];
	_ =	sdelay $0x2  }
0x2d3: {  	v5 =	vld [tilespmem:s15+$0x194F0]  }
0x2d4: {  	v4 =	vld [tilespmem:s15+$0x196F0];
	s21 =	spop (v2sf)  }
0x2d5: {  	v3 =	vld [tilespmem:s15+$0x198F0];
	[tilespmem:v21+s25+$0x0] =	vst.idx.msk $0xffff, v20;
	s22 =	sand.u32 $0xFFFF, s21  }
0x2d6: {  	v7 =	vld [tilespmem:s22+$0x0];
	_ =	sdelay $0x1  }
0x2d7: {  	(v2sf) =	vpush v5, $0x0  }
0x2d8: {  	s18 =	sadd.s32 $0x10, s22  }
0x2d9: {  	s19 =	sand.u32 $0x7, s21;
	s17 =	sand.u32 $0x1FFF8, s18  }
0x2da: {  	s17 =	sor.u32 s19, s17;
	[tilespmem:s0+$0x1A4E0] =	vst v7  }
0x2db: {  	(v2sf) =	vpush v4, $0x0;
	v7 =	vld [tilespmem:s17+$0x0];
	_ =	sdelay $0x2  }
0x2dc: {  	s16 =	sadd.s32 $0x20, s22  }
0x2dd: {  	s16 =	sand.u32 $0x1FFF8, s16  }
0x2de: {  	s16 =	sor.u32 s19, s16;
	[tilespmem:s0+$0x1A4F0] =	vst v7  }
0x2df: {  	v7 =	vld [tilespmem:s16+$0x0];
	_ =	sdelay $0x4  }
0x2e0: {  	s20 =	spop (v2sf);
	s15 =	sshrl.u32 s21, $0x10;
	[tilespmem:s0+$0x1A500] =	vst v7  }
0x2e1: {  	s17 =	sand.u32 $0xFFFF, s20;
	v7 =	vld [tilespmem:s15+$0xC030]  }
0x2e2: {  	v8 =	vld [tilespmem:s17+$0xC030]  }
0x2e3: {  	s16 =	sshrl.u32 s20, $0x10  }
0x2e4: {  	s18 =	spop (v2sf);
	v22 =	vld [tilespmem:s16+$0xC030]  }
0x2e5: {  	s19 =	sand.u32 $0xFFFF, s18  }
0x2e6: {  	v23 =	vld [tilespmem:s19+$0xC030]  }
0x2e7: {  	v7 =	vadd.f32 v8, v7;
	_ =	sdelay $0x1  }
0x2e8: {  	v7 =	vadd.f32 v22, v7;
	_ =	sdelay $0x1  }
0x2e9: {  	s21 =	sadd.s32 $0x10, s15;
	v7 =	vadd.f32 v23, v7  }
0x2ea: {  	s20 =	sand.u32 $0x1FFF8, s21;
	s15 =	sand.u32 $0x7, s15  }
0x2eb: {  	s15 =	sor.u32 s15, s20;
	[tilespmem:s0+$0x1A510] =	vst v7  }
0x2ec: {  	s22 =	sadd.s32 $0x10, s16;
	v7 =	vld [tilespmem:s15+$0xC030]  }
0x2ed: {  	s16 =	sand.u32 $0x7, s16;
	v24 =	vld [tilespmem:s17+$0xC040];
	s15 =	sand.u32 $0x1FFF8, s22  }
0x2ee: {  	(v2sf) =	vpush v3, $0x0;
	s15 =	sor.u32 s16, s15  }
0x2ef: {  	v25 =	vld [tilespmem:s15+$0xC030];
	_ =	sdelay $0x1  }
0x2f0: {  	v26 =	vld [tilespmem:s19+$0xC040]  }
0x2f1: {  	v7 =	vadd.f32 v24, v7;
	_ =	sdelay $0x1  }
0x2f2: {  	v7 =	vadd.f32 v25, v7;
	_ =	sdelay $0x1  }
0x2f3: {  	v7 =	vadd.f32 v26, v7;
	_ =	sdelay $0x1  }
0x2f4: {  	s18 =	sshrl.u32 s18, $0x10;
	[tilespmem:s0+$0x1A520] =	vst v7  }
0x2f5: {  	v7 =	vld [tilespmem:s18+$0x13350]  }
0x2f6: {  	(v2sf) =	vpush v6, $0x1;
	_ =	sdelay $0x2  }
0x2f7: {  	s19 =	spop (v2sf)  }
0x2f8: {  	s20 =	sand.u32 $0xFFFF, s19;
	[tilespmem:s0+$0x1A528] =	vst v7  }
0x2f9: {  	v7 =	vld [tilespmem:s20+$0x146B0];
	_ =	sdelay $0x4  }
0x2fa: {  	s15 =	sshrl.u32 s19, $0x10;
	[tilespmem:s0+$0x1A538] =	vst v7  }
0x2fb: {  	v7 =	vld [tilespmem:s15+$0x191B0];
	_ =	sdelay $0x3  }
0x2fc: {  	s21 =	spop (v2sf)  }
0x2fd: {  	s22 =	sand.u32 $0xFFFF, s21;
	[tilespmem:s0+$0x1A548] =	vst v7  }
0x2fe: {  	v7 =	vld [tilespmem:s22+$0x0];
	_ =	sdelay $0x1  }
0x2ff: {  	(v2sf) =	vpush v5, $0x1  }
0x300: {  	s18 =	sadd.s32 $0x10, s22  }
0x301: {  	s19 =	sand.u32 $0x7, s21;
	s17 =	sand.u32 $0x1FFF8, s18  }
0x302: {  	s17 =	sor.u32 s19, s17;
	[tilespmem:s0+$0x1A560] =	vst v7  }
0x303: {  	(v2sf) =	vpush v4, $0x1;
	v7 =	vld [tilespmem:s17+$0x0];
	_ =	sdelay $0x2  }
0x304: {  	s16 =	sadd.s32 $0x20, s22  }
0x305: {  	s16 =	sand.u32 $0x1FFF8, s16  }
0x306: {  	s16 =	sor.u32 s19, s16;
	[tilespmem:s0+$0x1A570] =	vst v7  }
0x307: {  	v7 =	vld [tilespmem:s16+$0x0];
	_ =	sdelay $0x4  }
0x308: {  	s20 =	spop (v2sf);
	s15 =	sshrl.u32 s21, $0x10;
	[tilespmem:s0+$0x1A580] =	vst v7  }
0x309: {  	s17 =	sand.u32 $0xFFFF, s20;
	v7 =	vld [tilespmem:s15+$0xC030]  }
0x30a: {  	v27 =	vld [tilespmem:s17+$0xC030]  }
0x30b: {  	s16 =	sshrl.u32 s20, $0x10  }
0x30c: {  	s18 =	spop (v2sf);
	v28 =	vld [tilespmem:s16+$0xC030]  }
0x30d: {  	s19 =	sand.u32 $0xFFFF, s18  }
0x30e: {  	v29 =	vld [tilespmem:s19+$0xC030]  }
0x30f: {  	v7 =	vadd.f32 v27, v7;
	_ =	sdelay $0x1  }
0x310: {  	v7 =	vadd.f32 v28, v7;
	_ =	sdelay $0x1  }
0x311: {  	s21 =	sadd.s32 $0x10, s15;
	v7 =	vadd.f32 v29, v7  }
0x312: {  	s20 =	sand.u32 $0x1FFF8, s21;
	s15 =	sand.u32 $0x7, s15  }
0x313: {  	s15 =	sor.u32 s15, s20;
	[tilespmem:s0+$0x1A590] =	vst v7  }
0x314: {  	s22 =	sadd.s32 $0x10, s16;
	v7 =	vld [tilespmem:s15+$0xC030]  }
0x315: {  	s16 =	sand.u32 $0x7, s16;
	v30 =	vld [tilespmem:s17+$0xC040];
	s15 =	sand.u32 $0x1FFF8, s22  }
0x316: {  	(v2sf) =	vpush v3, $0x1;
	s15 =	sor.u32 s16, s15  }
0x317: {  	v31 =	vld [tilespmem:s15+$0xC030];
	_ =	sdelay $0x1  }
0x318: {  	v32 =	vld [tilespmem:s19+$0xC040]  }
0x319: {  	v7 =	vadd.f32 v30, v7;
	_ =	sdelay $0x1  }
0x31a: {  	v7 =	vadd.f32 v31, v7;
	_ =	sdelay $0x1  }
0x31b: {  	v7 =	vadd.f32 v32, v7;
	_ =	sdelay $0x1  }
0x31c: {  	s18 =	sshrl.u32 s18, $0x10;
	[tilespmem:s0+$0x1A5A0] =	vst v7  }
0x31d: {  	v7 =	vld [tilespmem:s18+$0x13350]  }
0x31e: {  	(v2sf) =	vpush v6, $0x2;
	_ =	sdelay $0x2  }
0x31f: {  	s19 =	spop (v2sf)  }
0x320: {  	s20 =	sand.u32 $0xFFFF, s19;
	[tilespmem:s0+$0x1A5A8] =	vst v7  }
0x321: {  	v7 =	vld [tilespmem:s20+$0x146B0];
	_ =	sdelay $0x4  }
0x322: {  	s15 =	sshrl.u32 s19, $0x10;
	[tilespmem:s0+$0x1A5B8] =	vst v7  }
0x323: {  	v7 =	vld [tilespmem:s15+$0x191B0];
	_ =	sdelay $0x3  }
0x324: {  	s21 =	spop (v2sf)  }
0x325: {  	s22 =	sand.u32 $0xFFFF, s21;
	[tilespmem:s0+$0x1A5C8] =	vst v7  }
0x326: {  	v7 =	vld [tilespmem:s22+$0x0];
	_ =	sdelay $0x1  }
0x327: {  	(v2sf) =	vpush v5, $0x2  }
0x328: {  	s18 =	sadd.s32 $0x10, s22  }
0x329: {  	s19 =	sand.u32 $0x7, s21;
	s17 =	sand.u32 $0x1FFF8, s18  }
0x32a: {  	s17 =	sor.u32 s19, s17;
	[tilespmem:s0+$0x1A5E0] =	vst v7  }
0x32b: {  	(v2sf) =	vpush v4, $0x2;
	v7 =	vld [tilespmem:s17+$0x0];
	_ =	sdelay $0x2  }
0x32c: {  	s16 =	sadd.s32 $0x20, s22  }
0x32d: {  	s16 =	sand.u32 $0x1FFF8, s16  }
0x32e: {  	s16 =	sor.u32 s19, s16;
	[tilespmem:s0+$0x1A5F0] =	vst v7  }
0x32f: {  	v7 =	vld [tilespmem:s16+$0x0];
	_ =	sdelay $0x4  }
0x330: {  	s20 =	spop (v2sf);
	s15 =	sshrl.u32 s21, $0x10;
	[tilespmem:s0+$0x1A600] =	vst v7  }
0x331: {  	s17 =	sand.u32 $0xFFFF, s20;
	v7 =	vld [tilespmem:s15+$0xC030]  }
0x332: {  	v33 =	vld [tilespmem:s17+$0xC030]  }
0x333: {  	s16 =	sshrl.u32 s20, $0x10  }
0x334: {  	s18 =	spop (v2sf);
	v34 =	vld [tilespmem:s16+$0xC030]  }
0x335: {  	s19 =	sand.u32 $0xFFFF, s18  }
0x336: {  	v35 =	vld [tilespmem:s19+$0xC030]  }
0x337: {  	v7 =	vadd.f32 v33, v7;
	_ =	sdelay $0x1  }
0x338: {  	v7 =	vadd.f32 v34, v7;
	_ =	sdelay $0x1  }
0x339: {  	s21 =	sadd.s32 $0x10, s15;
	v7 =	vadd.f32 v35, v7  }
0x33a: {  	s20 =	sand.u32 $0x1FFF8, s21;
	s15 =	sand.u32 $0x7, s15  }
0x33b: {  	s15 =	sor.u32 s15, s20;
	[tilespmem:s0+$0x1A610] =	vst v7  }
0x33c: {  	s22 =	sadd.s32 $0x10, s16;
	v7 =	vld [tilespmem:s15+$0xC030]  }
0x33d: {  	s16 =	sand.u32 $0x7, s16;
	v36 =	vld [tilespmem:s17+$0xC040];
	s15 =	sand.u32 $0x1FFF8, s22  }
0x33e: {  	(v2sf) =	vpush v3, $0x2;
	s15 =	sor.u32 s16, s15  }
0x33f: {  	v37 =	vld [tilespmem:s15+$0xC030];
	_ =	sdelay $0x1  }
0x340: {  	v38 =	vld [tilespmem:s19+$0xC040]  }
0x341: {  	v7 =	vadd.f32 v36, v7;
	_ =	sdelay $0x1  }
0x342: {  	v7 =	vadd.f32 v37, v7;
	_ =	sdelay $0x1  }
0x343: {  	v7 =	vadd.f32 v38, v7;
	_ =	sdelay $0x1  }
0x344: {  	s18 =	sshrl.u32 s18, $0x10;
	[tilespmem:s0+$0x1A620] =	vst v7  }
0x345: {  	v7 =	vld [tilespmem:s18+$0x13350]  }
0x346: {  	(v2sf) =	vpush v6, $0x3;
	_ =	sdelay $0x2  }
0x347: {  	s19 =	spop (v2sf)  }
0x348: {  	s20 =	sand.u32 $0xFFFF, s19;
	[tilespmem:s0+$0x1A628] =	vst v7  }
0x349: {  	v7 =	vld [tilespmem:s20+$0x146B0];
	_ =	sdelay $0x4  }
0x34a: {  	s15 =	sshrl.u32 s19, $0x10;
	[tilespmem:s0+$0x1A638] =	vst v7  }
0x34b: {  	v7 =	vld [tilespmem:s15+$0x191B0];
	_ =	sdelay $0x3  }
0x34c: {  	s21 =	spop (v2sf)  }
0x34d: {  	s22 =	sand.u32 $0xFFFF, s21;
	[tilespmem:s0+$0x1A648] =	vst v7  }
0x34e: {  	v7 =	vld [tilespmem:s22+$0x0];
	_ =	sdelay $0x1  }
0x34f: {  	(v2sf) =	vpush v5, $0x3  }
0x350: {  	s18 =	sadd.s32 $0x10, s22  }
0x351: {  	s19 =	sand.u32 $0x7, s21;
	s17 =	sand.u32 $0x1FFF8, s18  }
0x352: {  	s17 =	sor.u32 s19, s17;
	[tilespmem:s0+$0x1A660] =	vst v7  }
0x353: {  	(v2sf) =	vpush v4, $0x3;
	v7 =	vld [tilespmem:s17+$0x0];
	_ =	sdelay $0x2  }
0x354: {  	s16 =	sadd.s32 $0x20, s22  }
0x355: {  	s16 =	sand.u32 $0x1FFF8, s16  }
0x356: {  	s16 =	sor.u32 s19, s16;
	[tilespmem:s0+$0x1A670] =	vst v7  }
0x357: {  	v7 =	vld [tilespmem:s16+$0x0];
	_ =	sdelay $0x4  }
0x358: {  	s20 =	spop (v2sf);
	s15 =	sshrl.u32 s21, $0x10;
	[tilespmem:s0+$0x1A680] =	vst v7  }
0x359: {  	s17 =	sand.u32 $0xFFFF, s20;
	v7 =	vld [tilespmem:s15+$0xC030]  }
0x35a: {  	v39 =	vld [tilespmem:s17+$0xC030]  }
0x35b: {  	s16 =	sshrl.u32 s20, $0x10  }
0x35c: {  	s18 =	spop (v2sf);
	v40 =	vld [tilespmem:s16+$0xC030]  }
0x35d: {  	s19 =	sand.u32 $0xFFFF, s18  }
0x35e: {  	v41 =	vld [tilespmem:s19+$0xC030]  }
0x35f: {  	v7 =	vadd.f32 v39, v7;
	_ =	sdelay $0x1  }
0x360: {  	v7 =	vadd.f32 v40, v7;
	_ =	sdelay $0x1  }
0x361: {  	s21 =	sadd.s32 $0x10, s15;
	v7 =	vadd.f32 v41, v7  }
0x362: {  	s20 =	sand.u32 $0x1FFF8, s21;
	s15 =	sand.u32 $0x7, s15  }
0x363: {  	s15 =	sor.u32 s15, s20;
	[tilespmem:s0+$0x1A690] =	vst v7  }
0x364: {  	s22 =	sadd.s32 $0x10, s16;
	v7 =	vld [tilespmem:s15+$0xC030]  }
0x365: {  	s16 =	sand.u32 $0x7, s16;
	v42 =	vld [tilespmem:s17+$0xC040];
	s15 =	sand.u32 $0x1FFF8, s22  }
0x366: {  	(v2sf) =	vpush v3, $0x3;
	s15 =	sor.u32 s16, s15  }
0x367: {  	v43 =	vld [tilespmem:s15+$0xC030];
	_ =	sdelay $0x1  }
0x368: {  	v44 =	vld [tilespmem:s19+$0xC040]  }
0x369: {  	v7 =	vadd.f32 v42, v7;
	_ =	sdelay $0x1  }
0x36a: {  	v7 =	vadd.f32 v43, v7;
	_ =	sdelay $0x1  }
0x36b: {  	v7 =	vadd.f32 v44, v7;
	_ =	sdelay $0x1  }
0x36c: {  	s18 =	sshrl.u32 s18, $0x10;
	[tilespmem:s0+$0x1A6A0] =	vst v7  }
0x36d: {  	v7 =	vld [tilespmem:s18+$0x13350]  }
0x36e: {  	(v2sf) =	vpush v6, $0x4;
	_ =	sdelay $0x2  }
0x36f: {  	s19 =	spop (v2sf)  }
0x370: {  	s20 =	sand.u32 $0xFFFF, s19;
	[tilespmem:s0+$0x1A6A8] =	vst v7  }
0x371: {  	v7 =	vld [tilespmem:s20+$0x146B0];
	_ =	sdelay $0x4  }
0x372: {  	s15 =	sshrl.u32 s19, $0x10;
	[tilespmem:s0+$0x1A6B8] =	vst v7  }
0x373: {  	v7 =	vld [tilespmem:s15+$0x191B0];
	_ =	sdelay $0x3  }
0x374: {  	s21 =	spop (v2sf)  }
0x375: {  	s22 =	sand.u32 $0xFFFF, s21;
	[tilespmem:s0+$0x1A6C8] =	vst v7  }
0x376: {  	v7 =	vld [tilespmem:s22+$0x0];
	_ =	sdelay $0x1  }
0x377: {  	(v2sf) =	vpush v5, $0x4  }
0x378: {  	s18 =	sadd.s32 $0x10, s22  }
0x379: {  	s19 =	sand.u32 $0x7, s21;
	s17 =	sand.u32 $0x1FFF8, s18  }
0x37a: {  	s17 =	sor.u32 s19, s17;
	[tilespmem:s0+$0x1A6E0] =	vst v7  }
0x37b: {  	(v2sf) =	vpush v4, $0x4;
	v7 =	vld [tilespmem:s17+$0x0];
	_ =	sdelay $0x2  }
0x37c: {  	s16 =	sadd.s32 $0x20, s22  }
0x37d: {  	s16 =	sand.u32 $0x1FFF8, s16  }
0x37e: {  	s16 =	sor.u32 s19, s16;
	[tilespmem:s0+$0x1A6F0] =	vst v7  }
0x37f: {  	v7 =	vld [tilespmem:s16+$0x0];
	_ =	sdelay $0x4  }
0x380: {  	s20 =	spop (v2sf);
	s15 =	sshrl.u32 s21, $0x10;
	[tilespmem:s0+$0x1A700] =	vst v7  }
0x381: {  	s17 =	sand.u32 $0xFFFF, s20;
	v7 =	vld [tilespmem:s15+$0xC030]  }
0x382: {  	v45 =	vld [tilespmem:s17+$0xC030]  }
0x383: {  	s16 =	sshrl.u32 s20, $0x10  }
0x384: {  	s18 =	spop (v2sf);
	v46 =	vld [tilespmem:s16+$0xC030]  }
0x385: {  	s19 =	sand.u32 $0xFFFF, s18  }
0x386: {  	v47 =	vld [tilespmem:s19+$0xC030]  }
0x387: {  	v7 =	vadd.f32 v45, v7;
	_ =	sdelay $0x1  }
0x388: {  	v7 =	vadd.f32 v46, v7;
	_ =	sdelay $0x1  }
0x389: {  	s21 =	sadd.s32 $0x10, s15;
	v7 =	vadd.f32 v47, v7  }
0x38a: {  	s20 =	sand.u32 $0x1FFF8, s21;
	s15 =	sand.u32 $0x7, s15  }
0x38b: {  	s15 =	sor.u32 s15, s20;
	[tilespmem:s0+$0x1A710] =	vst v7  }
0x38c: {  	s22 =	sadd.s32 $0x10, s16;
	v7 =	vld [tilespmem:s15+$0xC030]  }
0x38d: {  	s16 =	sand.u32 $0x7, s16;
	v48 =	vld [tilespmem:s17+$0xC040];
	s15 =	sand.u32 $0x1FFF8, s22  }
0x38e: {  	(v2sf) =	vpush v3, $0x4;
	s15 =	sor.u32 s16, s15  }
0x38f: {  	v49 =	vld [tilespmem:s15+$0xC030];
	_ =	sdelay $0x1  }
0x390: {  	v50 =	vld [tilespmem:s19+$0xC040]  }
0x391: {  	v7 =	vadd.f32 v48, v7;
	_ =	sdelay $0x1  }
0x392: {  	v7 =	vadd.f32 v49, v7;
	_ =	sdelay $0x1  }
0x393: {  	v7 =	vadd.f32 v50, v7;
	_ =	sdelay $0x1  }
0x394: {  	s18 =	sshrl.u32 s18, $0x10;
	[tilespmem:s0+$0x1A720] =	vst v7  }
0x395: {  	v7 =	vld [tilespmem:s18+$0x13350]  }
0x396: {  	(v2sf) =	vpush v6, $0x5;
	_ =	sdelay $0x2  }
0x397: {  	s19 =	spop (v2sf)  }
0x398: {  	s20 =	sand.u32 $0xFFFF, s19;
	[tilespmem:s0+$0x1A728] =	vst v7  }
0x399: {  	v7 =	vld [tilespmem:s20+$0x146B0];
	_ =	sdelay $0x4  }
0x39a: {  	s15 =	sshrl.u32 s19, $0x10;
	[tilespmem:s0+$0x1A738] =	vst v7  }
0x39b: {  	v7 =	vld [tilespmem:s15+$0x191B0];
	_ =	sdelay $0x3  }
0x39c: {  	s21 =	spop (v2sf)  }
0x39d: {  	s22 =	sand.u32 $0xFFFF, s21;
	[tilespmem:s0+$0x1A748] =	vst v7  }
0x39e: {  	v7 =	vld [tilespmem:s22+$0x0];
	_ =	sdelay $0x1  }
0x39f: {  	(v2sf) =	vpush v5, $0x5  }
0x3a0: {  	s18 =	sadd.s32 $0x10, s22  }
0x3a1: {  	s19 =	sand.u32 $0x7, s21;
	s17 =	sand.u32 $0x1FFF8, s18  }
0x3a2: {  	s17 =	sor.u32 s19, s17;
	[tilespmem:s0+$0x1A760] =	vst v7  }
0x3a3: {  	(v2sf) =	vpush v4, $0x5;
	v7 =	vld [tilespmem:s17+$0x0];
	_ =	sdelay $0x2  }
0x3a4: {  	s16 =	sadd.s32 $0x20, s22  }
0x3a5: {  	s16 =	sand.u32 $0x1FFF8, s16  }
0x3a6: {  	s16 =	sor.u32 s19, s16;
	[tilespmem:s0+$0x1A770] =	vst v7  }
0x3a7: {  	v7 =	vld [tilespmem:s16+$0x0];
	_ =	sdelay $0x4  }
0x3a8: {  	s20 =	spop (v2sf);
	s15 =	sshrl.u32 s21, $0x10;
	[tilespmem:s0+$0x1A780] =	vst v7  }
0x3a9: {  	s17 =	sand.u32 $0xFFFF, s20;
	v7 =	vld [tilespmem:s15+$0xC030]  }
0x3aa: {  	v51 =	vld [tilespmem:s17+$0xC030]  }
0x3ab: {  	s16 =	sshrl.u32 s20, $0x10  }
0x3ac: {  	s18 =	spop (v2sf);
	v52 =	vld [tilespmem:s16+$0xC030]  }
0x3ad: {  	s19 =	sand.u32 $0xFFFF, s18  }
0x3ae: {  	v53 =	vld [tilespmem:s19+$0xC030]  }
0x3af: {  	v7 =	vadd.f32 v51, v7;
	_ =	sdelay $0x1  }
0x3b0: {  	v7 =	vadd.f32 v52, v7;
	_ =	sdelay $0x1  }
0x3b1: {  	s21 =	sadd.s32 $0x10, s15;
	v7 =	vadd.f32 v53, v7  }
0x3b2: {  	s20 =	sand.u32 $0x1FFF8, s21;
	s15 =	sand.u32 $0x7, s15  }
0x3b3: {  	s15 =	sor.u32 s15, s20;
	[tilespmem:s0+$0x1A790] =	vst v7  }
0x3b4: {  	s22 =	sadd.s32 $0x10, s16;
	v7 =	vld [tilespmem:s15+$0xC030]  }
0x3b5: {  	s16 =	sand.u32 $0x7, s16;
	v54 =	vld [tilespmem:s17+$0xC040];
	s15 =	sand.u32 $0x1FFF8, s22  }
0x3b6: {  	(v2sf) =	vpush v3, $0x5;
	s15 =	sor.u32 s16, s15  }
0x3b7: {  	v55 =	vld [tilespmem:s15+$0xC030];
	_ =	sdelay $0x1  }
0x3b8: {  	v56 =	vld [tilespmem:s19+$0xC040]  }
0x3b9: {  	v7 =	vadd.f32 v54, v7;
	_ =	sdelay $0x1  }
0x3ba: {  	v7 =	vadd.f32 v55, v7;
	_ =	sdelay $0x1  }
0x3bb: {  	v7 =	vadd.f32 v56, v7;
	_ =	sdelay $0x1  }
0x3bc: {  	s18 =	sshrl.u32 s18, $0x10;
	[tilespmem:s0+$0x1A7A0] =	vst v7  }
0x3bd: {  	v7 =	vld [tilespmem:s18+$0x13350]  }
0x3be: {  	(v2sf) =	vpush v6, $0x6;
	_ =	sdelay $0x2  }
0x3bf: {  	s19 =	spop (v2sf)  }
0x3c0: {  	s20 =	sand.u32 $0xFFFF, s19;
	[tilespmem:s0+$0x1A7A8] =	vst v7  }
0x3c1: {  	v7 =	vld [tilespmem:s20+$0x146B0];
	_ =	sdelay $0x4  }
0x3c2: {  	s15 =	sshrl.u32 s19, $0x10;
	[tilespmem:s0+$0x1A7B8] =	vst v7  }
0x3c3: {  	v7 =	vld [tilespmem:s15+$0x191B0];
	_ =	sdelay $0x3  }
0x3c4: {  	s21 =	spop (v2sf)  }
0x3c5: {  	s22 =	sand.u32 $0xFFFF, s21;
	[tilespmem:s0+$0x1A7C8] =	vst v7  }
0x3c6: {  	v7 =	vld [tilespmem:s22+$0x0];
	_ =	sdelay $0x1  }
0x3c7: {  	(v2sf) =	vpush v5, $0x6  }
0x3c8: {  	s18 =	sadd.s32 $0x10, s22  }
0x3c9: {  	s19 =	sand.u32 $0x7, s21;
	s17 =	sand.u32 $0x1FFF8, s18  }
0x3ca: {  	s17 =	sor.u32 s19, s17;
	[tilespmem:s0+$0x1A7E0] =	vst v7  }
0x3cb: {  	(v2sf) =	vpush v4, $0x6;
	v7 =	vld [tilespmem:s17+$0x0];
	_ =	sdelay $0x2  }
0x3cc: {  	s16 =	sadd.s32 $0x20, s22  }
0x3cd: {  	s16 =	sand.u32 $0x1FFF8, s16  }
0x3ce: {  	s16 =	sor.u32 s19, s16;
	[tilespmem:s0+$0x1A7F0] =	vst v7  }
0x3cf: {  	v7 =	vld [tilespmem:s16+$0x0];
	_ =	sdelay $0x4  }
0x3d0: {  	s20 =	spop (v2sf);
	s15 =	sshrl.u32 s21, $0x10;
	[tilespmem:s0+$0x1A800] =	vst v7  }
0x3d1: {  	s17 =	sand.u32 $0xFFFF, s20;
	v7 =	vld [tilespmem:s15+$0xC030]  }
0x3d2: {  	v57 =	vld [tilespmem:s17+$0xC030]  }
0x3d3: {  	s16 =	sshrl.u32 s20, $0x10  }
0x3d4: {  	s18 =	spop (v2sf);
	v58 =	vld [tilespmem:s16+$0xC030]  }
0x3d5: {  	s19 =	sand.u32 $0xFFFF, s18  }
0x3d6: {  	v59 =	vld [tilespmem:s19+$0xC030]  }
0x3d7: {  	v7 =	vadd.f32 v57, v7;
	_ =	sdelay $0x1  }
0x3d8: {  	v7 =	vadd.f32 v58, v7;
	_ =	sdelay $0x1  }
0x3d9: {  	s21 =	sadd.s32 $0x10, s15;
	v7 =	vadd.f32 v59, v7  }
0x3da: {  	s20 =	sand.u32 $0x1FFF8, s21;
	s15 =	sand.u32 $0x7, s15  }
0x3db: {  	s15 =	sor.u32 s15, s20;
	[tilespmem:s0+$0x1A810] =	vst v7  }
0x3dc: {  	s22 =	sadd.s32 $0x10, s16;
	v7 =	vld [tilespmem:s15+$0xC030]  }
0x3dd: {  	s16 =	sand.u32 $0x7, s16;
	v60 =	vld [tilespmem:s17+$0xC040];
	s15 =	sand.u32 $0x1FFF8, s22  }
0x3de: {  	(v2sf) =	vpush v3, $0x6;
	s15 =	sor.u32 s16, s15  }
0x3df: {  	v61 =	vld [tilespmem:s15+$0xC030];
	_ =	sdelay $0x1  }
0x3e0: {  	v62 =	vld [tilespmem:s19+$0xC040]  }
0x3e1: {  	v7 =	vadd.f32 v60, v7;
	_ =	sdelay $0x1  }
0x3e2: {  	v7 =	vadd.f32 v61, v7;
	_ =	sdelay $0x1  }
0x3e3: {  	v7 =	vadd.f32 v62, v7;
	_ =	sdelay $0x1  }
0x3e4: {  	s18 =	sshrl.u32 s18, $0x10;
	[tilespmem:s0+$0x1A820] =	vst v7  }
0x3e5: {  	v7 =	vld [tilespmem:s18+$0x13350]  }
0x3e6: {  	(v2sf) =	vpush v6, $0x7;
	_ =	sdelay $0x2  }
0x3e7: {  	s19 =	spop (v2sf)  }
0x3e8: {  	s20 =	sand.u32 $0xFFFF, s19;
	[tilespmem:s0+$0x1A828] =	vst v7  }
0x3e9: {  	v7 =	vld [tilespmem:s20+$0x146B0];
	_ =	sdelay $0x4  }
0x3ea: {  	s15 =	sshrl.u32 s19, $0x10;
	[tilespmem:s0+$0x1A838] =	vst v7  }
0x3eb: {  	v7 =	vld [tilespmem:s15+$0x191B0];
	_ =	sdelay $0x3  }
0x3ec: {  	s21 =	spop (v2sf)  }
0x3ed: {  	s22 =	sand.u32 $0xFFFF, s21;
	[tilespmem:s0+$0x1A848] =	vst v7  }
0x3ee: {  	v7 =	vld [tilespmem:s22+$0x0];
	_ =	sdelay $0x1  }
0x3ef: {  	(v2sf) =	vpush v5, $0x7  }
0x3f0: {  	s18 =	sadd.s32 $0x10, s22  }
0x3f1: {  	s19 =	sand.u32 $0x7, s21;
	s17 =	sand.u32 $0x1FFF8, s18  }
0x3f2: {  	s17 =	sor.u32 s19, s17;
	[tilespmem:s0+$0x1A860] =	vst v7  }
0x3f3: {  	(v2sf) =	vpush v4, $0x7;
	v7 =	vld [tilespmem:s17+$0x0];
	_ =	sdelay $0x2  }
0x3f4: {  	s16 =	sadd.s32 $0x20, s22  }
0x3f5: {  	s16 =	sand.u32 $0x1FFF8, s16  }
0x3f6: {  	s16 =	sor.u32 s19, s16;
	[tilespmem:s0+$0x1A870] =	vst v7  }
0x3f7: {  	v7 =	vld [tilespmem:s16+$0x0];
	_ =	sdelay $0x4  }
0x3f8: {  	s20 =	spop (v2sf);
	s15 =	sshrl.u32 s21, $0x10;
	[tilespmem:s0+$0x1A880] =	vst v7  }
0x3f9: {  	s17 =	sand.u32 $0xFFFF, s20;
	v7 =	vld [tilespmem:s15+$0xC030]  }
0x3fa: {  	v63 =	vld [tilespmem:s17+$0xC030]  }
0x3fb: {  	s16 =	sshrl.u32 s20, $0x10  }
0x3fc: {  	s18 =	spop (v2sf);
	v12 =	vld [tilespmem:s16+$0xC030]  }
0x3fd: {  	s19 =	sand.u32 $0xFFFF, s18  }
0x3fe: {  	v13 =	vld [tilespmem:s19+$0xC030]  }
0x3ff: {  	v7 =	vadd.f32 v63, v7;
	_ =	sdelay $0x1  }
0x400: {  	v7 =	vadd.f32 v12, v7;
	_ =	sdelay $0x1  }
0x401: {  	s21 =	sadd.s32 $0x10, s15;
	v7 =	vadd.f32 v13, v7  }
0x402: {  	s20 =	sand.u32 $0x1FFF8, s21;
	s15 =	sand.u32 $0x7, s15  }
0x403: {  	s15 =	sor.u32 s15, s20;
	[tilespmem:s0+$0x1A890] =	vst v7  }
0x404: {  	s22 =	sadd.s32 $0x10, s16;
	v7 =	vld [tilespmem:s15+$0xC030]  }
0x405: {  	s16 =	sand.u32 $0x7, s16;
	v14 =	vld [tilespmem:s17+$0xC040];
	s15 =	sand.u32 $0x1FFF8, s22  }
0x406: {  	(v2sf) =	vpush v3, $0x7;
	s15 =	sor.u32 s16, s15  }
0x407: {  	v15 =	vld [tilespmem:s15+$0xC030];
	_ =	sdelay $0x1  }
0x408: {  	v16 =	vld [tilespmem:s19+$0xC040]  }
0x409: {  	v7 =	vadd.f32 v14, v7;
	_ =	sdelay $0x1  }
0x40a: {  	v7 =	vadd.f32 v15, v7;
	_ =	sdelay $0x1  }
0x40b: {  	v7 =	vadd.f32 v16, v7;
	_ =	sdelay $0x1  }
0x40c: {  	s18 =	sshrl.u32 s18, $0x10;
	[tilespmem:s0+$0x1A8A0] =	vst v7  }
0x40d: {  	v7 =	vld [tilespmem:s18+$0x13350]  }
0x40e: {  	(v2sf) =	vpush v6, $0x8;
	_ =	sdelay $0x2  }
0x40f: {  	s19 =	spop (v2sf)  }
0x410: {  	s20 =	sand.u32 $0xFFFF, s19;
	[tilespmem:s0+$0x1A8A8] =	vst v7  }
0x411: {  	v7 =	vld [tilespmem:s20+$0x146B0];
	_ =	sdelay $0x4  }
0x412: {  	s15 =	sshrl.u32 s19, $0x10;
	[tilespmem:s0+$0x1A8B8] =	vst v7  }
0x413: {  	v7 =	vld [tilespmem:s15+$0x191B0];
	_ =	sdelay $0x3  }
0x414: {  	s21 =	spop (v2sf)  }
0x415: {  	s22 =	sand.u32 $0xFFFF, s21;
	[tilespmem:s0+$0x1A8C8] =	vst v7  }
0x416: {  	v7 =	vld [tilespmem:s22+$0x0];
	_ =	sdelay $0x1  }
0x417: {  	(v2sf) =	vpush v5, $0x8  }
0x418: {  	s18 =	sadd.s32 $0x10, s22  }
0x419: {  	s19 =	sand.u32 $0x7, s21;
	s17 =	sand.u32 $0x1FFF8, s18  }
0x41a: {  	s17 =	sor.u32 s19, s17;
	[tilespmem:s0+$0x1A8E0] =	vst v7  }
0x41b: {  	(v2sf) =	vpush v4, $0x8;
	v7 =	vld [tilespmem:s17+$0x0];
	_ =	sdelay $0x2  }
0x41c: {  	s16 =	sadd.s32 $0x20, s22  }
0x41d: {  	s16 =	sand.u32 $0x1FFF8, s16  }
0x41e: {  	s16 =	sor.u32 s19, s16;
	[tilespmem:s0+$0x1A8F0] =	vst v7  }
0x41f: {  	v7 =	vld [tilespmem:s16+$0x0];
	_ =	sdelay $0x4  }
0x420: {  	s20 =	spop (v2sf);
	s15 =	sshrl.u32 s21, $0x10;
	[tilespmem:s0+$0x1A900] =	vst v7  }
0x421: {  	s17 =	sand.u32 $0xFFFF, s20;
	v7 =	vld [tilespmem:s15+$0xC030]  }
0x422: {  	v17 =	vld [tilespmem:s17+$0xC030]  }
0x423: {  	s16 =	sshrl.u32 s20, $0x10  }
0x424: {  	s18 =	spop (v2sf);
	v18 =	vld [tilespmem:s16+$0xC030]  }
0x425: {  	s19 =	sand.u32 $0xFFFF, s18  }
0x426: {  	v19 =	vld [tilespmem:s19+$0xC030]  }
0x427: {  	v7 =	vadd.f32 v17, v7;
	_ =	sdelay $0x1  }
0x428: {  	v7 =	vadd.f32 v18, v7;
	_ =	sdelay $0x1  }
0x429: {  	s21 =	sadd.s32 $0x10, s15;
	v7 =	vadd.f32 v19, v7  }
0x42a: {  	s20 =	sand.u32 $0x1FFF8, s21;
	s15 =	sand.u32 $0x7, s15  }
0x42b: {  	s15 =	sor.u32 s15, s20;
	[tilespmem:s0+$0x1A910] =	vst v7  }
0x42c: {  	s22 =	sadd.s32 $0x10, s16;
	v7 =	vld [tilespmem:s15+$0xC030]  }
0x42d: {  	s16 =	sand.u32 $0x7, s16;
	v20 =	vld [tilespmem:s17+$0xC040];
	s15 =	sand.u32 $0x1FFF8, s22  }
0x42e: {  	(v2sf) =	vpush v3, $0x8;
	s15 =	sor.u32 s16, s15  }
0x42f: {  	v21 =	vld [tilespmem:s15+$0xC030];
	_ =	sdelay $0x1  }
0x430: {  	v22 =	vld [tilespmem:s19+$0xC040]  }
0x431: {  	v7 =	vadd.f32 v20, v7;
	_ =	sdelay $0x1  }
0x432: {  	v7 =	vadd.f32 v21, v7;
	_ =	sdelay $0x1  }
0x433: {  	v7 =	vadd.f32 v22, v7;
	_ =	sdelay $0x1  }
0x434: {  	s18 =	sshrl.u32 s18, $0x10;
	[tilespmem:s0+$0x1A920] =	vst v7  }
0x435: {  	v7 =	vld [tilespmem:s18+$0x13350]  }
0x436: {  	(v2sf) =	vpush v6, $0x9;
	_ =	sdelay $0x2  }
0x437: {  	s19 =	spop (v2sf)  }
0x438: {  	s20 =	sand.u32 $0xFFFF, s19;
	[tilespmem:s0+$0x1A928] =	vst v7  }
0x439: {  	v7 =	vld [tilespmem:s20+$0x146B0];
	_ =	sdelay $0x4  }
0x43a: {  	s15 =	sshrl.u32 s19, $0x10;
	[tilespmem:s0+$0x1A938] =	vst v7  }
0x43b: {  	v7 =	vld [tilespmem:s15+$0x191B0];
	_ =	sdelay $0x3  }
0x43c: {  	s21 =	spop (v2sf)  }
0x43d: {  	s22 =	sand.u32 $0xFFFF, s21;
	[tilespmem:s0+$0x1A948] =	vst v7  }
0x43e: {  	v7 =	vld [tilespmem:s22+$0x0];
	_ =	sdelay $0x1  }
0x43f: {  	(v2sf) =	vpush v5, $0x9  }
0x440: {  	s18 =	sadd.s32 $0x10, s22  }
0x441: {  	s19 =	sand.u32 $0x7, s21;
	s17 =	sand.u32 $0x1FFF8, s18  }
0x442: {  	s17 =	sor.u32 s19, s17;
	[tilespmem:s0+$0x1A960] =	vst v7  }
0x443: {  	(v2sf) =	vpush v4, $0x9;
	v7 =	vld [tilespmem:s17+$0x0];
	_ =	sdelay $0x2  }
0x444: {  	s16 =	sadd.s32 $0x20, s22  }
0x445: {  	s16 =	sand.u32 $0x1FFF8, s16  }
0x446: {  	s16 =	sor.u32 s19, s16;
	[tilespmem:s0+$0x1A970] =	vst v7  }
0x447: {  	v7 =	vld [tilespmem:s16+$0x0];
	_ =	sdelay $0x4  }
0x448: {  	s20 =	spop (v2sf);
	s15 =	sshrl.u32 s21, $0x10;
	[tilespmem:s0+$0x1A980] =	vst v7  }
0x449: {  	s17 =	sand.u32 $0xFFFF, s20;
	v7 =	vld [tilespmem:s15+$0xC030]  }
0x44a: {  	v23 =	vld [tilespmem:s17+$0xC030]  }
0x44b: {  	s16 =	sshrl.u32 s20, $0x10  }
0x44c: {  	s18 =	spop (v2sf);
	v24 =	vld [tilespmem:s16+$0xC030]  }
0x44d: {  	s19 =	sand.u32 $0xFFFF, s18  }
0x44e: {  	v25 =	vld [tilespmem:s19+$0xC030]  }
0x44f: {  	v7 =	vadd.f32 v23, v7;
	_ =	sdelay $0x1  }
0x450: {  	v7 =	vadd.f32 v24, v7;
	_ =	sdelay $0x1  }
0x451: {  	s21 =	sadd.s32 $0x10, s15;
	v7 =	vadd.f32 v25, v7  }
0x452: {  	s20 =	sand.u32 $0x1FFF8, s21;
	s15 =	sand.u32 $0x7, s15  }
0x453: {  	s15 =	sor.u32 s15, s20;
	[tilespmem:s0+$0x1A990] =	vst v7  }
0x454: {  	s22 =	sadd.s32 $0x10, s16;
	v7 =	vld [tilespmem:s15+$0xC030]  }
0x455: {  	s16 =	sand.u32 $0x7, s16;
	v26 =	vld [tilespmem:s17+$0xC040];
	s15 =	sand.u32 $0x1FFF8, s22  }
0x456: {  	(v2sf) =	vpush v3, $0x9;
	s15 =	sor.u32 s16, s15  }
0x457: {  	v27 =	vld [tilespmem:s15+$0xC030];
	_ =	sdelay $0x1  }
0x458: {  	v28 =	vld [tilespmem:s19+$0xC040]  }
0x459: {  	v7 =	vadd.f32 v26, v7;
	_ =	sdelay $0x1  }
0x45a: {  	v7 =	vadd.f32 v27, v7;
	_ =	sdelay $0x1  }
0x45b: {  	v7 =	vadd.f32 v28, v7;
	_ =	sdelay $0x1  }
0x45c: {  	s18 =	sshrl.u32 s18, $0x10;
	[tilespmem:s0+$0x1A9A0] =	vst v7  }
0x45d: {  	v7 =	vld [tilespmem:s18+$0x13350]  }
0x45e: {  	(v2sf) =	vpush v6, $0xA;
	_ =	sdelay $0x2  }
0x45f: {  	s19 =	spop (v2sf)  }
0x460: {  	s20 =	sand.u32 $0xFFFF, s19;
	[tilespmem:s0+$0x1A9A8] =	vst v7  }
0x461: {  	v7 =	vld [tilespmem:s20+$0x146B0];
	_ =	sdelay $0x4  }
0x462: {  	s15 =	sshrl.u32 s19, $0x10;
	[tilespmem:s0+$0x1A9B8] =	vst v7  }
0x463: {  	v7 =	vld [tilespmem:s15+$0x191B0];
	_ =	sdelay $0x3  }
0x464: {  	s21 =	spop (v2sf)  }
0x465: {  	s22 =	sand.u32 $0xFFFF, s21;
	[tilespmem:s0+$0x1A9C8] =	vst v7  }
0x466: {  	v7 =	vld [tilespmem:s22+$0x0];
	_ =	sdelay $0x1  }
0x467: {  	(v2sf) =	vpush v5, $0xA  }
0x468: {  	s18 =	sadd.s32 $0x10, s22  }
0x469: {  	s19 =	sand.u32 $0x7, s21;
	s17 =	sand.u32 $0x1FFF8, s18  }
0x46a: {  	s17 =	sor.u32 s19, s17;
	[tilespmem:s0+$0x1A9E0] =	vst v7  }
0x46b: {  	(v2sf) =	vpush v4, $0xA;
	v7 =	vld [tilespmem:s17+$0x0];
	_ =	sdelay $0x2  }
0x46c: {  	s16 =	sadd.s32 $0x20, s22  }
0x46d: {  	s16 =	sand.u32 $0x1FFF8, s16  }
0x46e: {  	s16 =	sor.u32 s19, s16;
	[tilespmem:s0+$0x1A9F0] =	vst v7  }
0x46f: {  	v7 =	vld [tilespmem:s16+$0x0];
	_ =	sdelay $0x4  }
0x470: {  	s20 =	spop (v2sf);
	s15 =	sshrl.u32 s21, $0x10;
	[tilespmem:s0+$0x1AA00] =	vst v7  }
0x471: {  	s17 =	sand.u32 $0xFFFF, s20;
	v7 =	vld [tilespmem:s15+$0xC030]  }
0x472: {  	v29 =	vld [tilespmem:s17+$0xC030]  }
0x473: {  	s16 =	sshrl.u32 s20, $0x10  }
0x474: {  	s18 =	spop (v2sf);
	v30 =	vld [tilespmem:s16+$0xC030]  }
0x475: {  	s19 =	sand.u32 $0xFFFF, s18  }
0x476: {  	v31 =	vld [tilespmem:s19+$0xC030]  }
0x477: {  	v7 =	vadd.f32 v29, v7;
	_ =	sdelay $0x1  }
0x478: {  	v7 =	vadd.f32 v30, v7;
	_ =	sdelay $0x1  }
0x479: {  	s21 =	sadd.s32 $0x10, s15;
	v7 =	vadd.f32 v31, v7  }
0x47a: {  	s20 =	sand.u32 $0x1FFF8, s21;
	s15 =	sand.u32 $0x7, s15  }
0x47b: {  	s15 =	sor.u32 s15, s20;
	[tilespmem:s0+$0x1AA10] =	vst v7  }
0x47c: {  	s22 =	sadd.s32 $0x10, s16;
	v7 =	vld [tilespmem:s15+$0xC030]  }
0x47d: {  	s16 =	sand.u32 $0x7, s16;
	v32 =	vld [tilespmem:s17+$0xC040];
	s15 =	sand.u32 $0x1FFF8, s22  }
0x47e: {  	(v2sf) =	vpush v3, $0xA;
	s15 =	sor.u32 s16, s15  }
0x47f: {  	v33 =	vld [tilespmem:s15+$0xC030];
	_ =	sdelay $0x1  }
0x480: {  	v34 =	vld [tilespmem:s19+$0xC040]  }
0x481: {  	v7 =	vadd.f32 v32, v7;
	_ =	sdelay $0x1  }
0x482: {  	v7 =	vadd.f32 v33, v7;
	_ =	sdelay $0x1  }
0x483: {  	v7 =	vadd.f32 v34, v7;
	_ =	sdelay $0x1  }
0x484: {  	s18 =	sshrl.u32 s18, $0x10;
	[tilespmem:s0+$0x1AA20] =	vst v7  }
0x485: {  	v7 =	vld [tilespmem:s18+$0x13350]  }
0x486: {  	(v2sf) =	vpush v6, $0xB;
	_ =	sdelay $0x2  }
0x487: {  	s19 =	spop (v2sf)  }
0x488: {  	s20 =	sand.u32 $0xFFFF, s19;
	[tilespmem:s0+$0x1AA28] =	vst v7  }
0x489: {  	v7 =	vld [tilespmem:s20+$0x146B0];
	_ =	sdelay $0x4  }
0x48a: {  	s15 =	sshrl.u32 s19, $0x10;
	[tilespmem:s0+$0x1AA38] =	vst v7  }
0x48b: {  	v7 =	vld [tilespmem:s15+$0x191B0];
	_ =	sdelay $0x3  }
0x48c: {  	s21 =	spop (v2sf)  }
0x48d: {  	s22 =	sand.u32 $0xFFFF, s21;
	[tilespmem:s0+$0x1AA48] =	vst v7  }
0x48e: {  	v7 =	vld [tilespmem:s22+$0x0];
	_ =	sdelay $0x1  }
0x48f: {  	(v2sf) =	vpush v5, $0xB  }
0x490: {  	s18 =	sadd.s32 $0x10, s22  }
0x491: {  	s19 =	sand.u32 $0x7, s21;
	s17 =	sand.u32 $0x1FFF8, s18  }
0x492: {  	s17 =	sor.u32 s19, s17;
	[tilespmem:s0+$0x1AA60] =	vst v7  }
0x493: {  	(v2sf) =	vpush v4, $0xB;
	v7 =	vld [tilespmem:s17+$0x0];
	_ =	sdelay $0x2  }
0x494: {  	s16 =	sadd.s32 $0x20, s22  }
0x495: {  	s16 =	sand.u32 $0x1FFF8, s16  }
0x496: {  	s16 =	sor.u32 s19, s16;
	[tilespmem:s0+$0x1AA70] =	vst v7  }
0x497: {  	v7 =	vld [tilespmem:s16+$0x0];
	_ =	sdelay $0x4  }
0x498: {  	s20 =	spop (v2sf);
	s15 =	sshrl.u32 s21, $0x10;
	[tilespmem:s0+$0x1AA80] =	vst v7  }
0x499: {  	s17 =	sand.u32 $0xFFFF, s20;
	v7 =	vld [tilespmem:s15+$0xC030]  }
0x49a: {  	v35 =	vld [tilespmem:s17+$0xC030]  }
0x49b: {  	s16 =	sshrl.u32 s20, $0x10  }
0x49c: {  	s18 =	spop (v2sf);
	v36 =	vld [tilespmem:s16+$0xC030]  }
0x49d: {  	s19 =	sand.u32 $0xFFFF, s18  }
0x49e: {  	v37 =	vld [tilespmem:s19+$0xC030]  }
0x49f: {  	v7 =	vadd.f32 v35, v7;
	_ =	sdelay $0x1  }
0x4a0: {  	v7 =	vadd.f32 v36, v7;
	_ =	sdelay $0x1  }
0x4a1: {  	s21 =	sadd.s32 $0x10, s15;
	v7 =	vadd.f32 v37, v7  }
0x4a2: {  	s20 =	sand.u32 $0x1FFF8, s21;
	s15 =	sand.u32 $0x7, s15  }
0x4a3: {  	s15 =	sor.u32 s15, s20;
	[tilespmem:s0+$0x1AA90] =	vst v7  }
0x4a4: {  	s22 =	sadd.s32 $0x10, s16;
	v7 =	vld [tilespmem:s15+$0xC030]  }
0x4a5: {  	s16 =	sand.u32 $0x7, s16;
	v38 =	vld [tilespmem:s17+$0xC040];
	s15 =	sand.u32 $0x1FFF8, s22  }
0x4a6: {  	(v2sf) =	vpush v3, $0xB;
	s15 =	sor.u32 s16, s15  }
0x4a7: {  	v39 =	vld [tilespmem:s15+$0xC030];
	_ =	sdelay $0x1  }
0x4a8: {  	v40 =	vld [tilespmem:s19+$0xC040]  }
0x4a9: {  	v7 =	vadd.f32 v38, v7;
	_ =	sdelay $0x1  }
0x4aa: {  	v7 =	vadd.f32 v39, v7;
	_ =	sdelay $0x1  }
0x4ab: {  	v7 =	vadd.f32 v40, v7;
	_ =	sdelay $0x1  }
0x4ac: {  	s18 =	sshrl.u32 s18, $0x10;
	[tilespmem:s0+$0x1AAA0] =	vst v7  }
0x4ad: {  	v7 =	vld [tilespmem:s18+$0x13350]  }
0x4ae: {  	(v2sf) =	vpush v6, $0xC;
	_ =	sdelay $0x2  }
0x4af: {  	s19 =	spop (v2sf)  }
0x4b0: {  	s20 =	sand.u32 $0xFFFF, s19;
	[tilespmem:s0+$0x1AAA8] =	vst v7  }
0x4b1: {  	v7 =	vld [tilespmem:s20+$0x146B0];
	_ =	sdelay $0x4  }
0x4b2: {  	s15 =	sshrl.u32 s19, $0x10;
	[tilespmem:s0+$0x1AAB8] =	vst v7  }
0x4b3: {  	v7 =	vld [tilespmem:s15+$0x191B0];
	_ =	sdelay $0x3  }
0x4b4: {  	s21 =	spop (v2sf)  }
0x4b5: {  	s22 =	sand.u32 $0xFFFF, s21;
	[tilespmem:s0+$0x1AAC8] =	vst v7  }
0x4b6: {  	v7 =	vld [tilespmem:s22+$0x0];
	_ =	sdelay $0x1  }
0x4b7: {  	(v2sf) =	vpush v5, $0xC  }
0x4b8: {  	s18 =	sadd.s32 $0x10, s22  }
0x4b9: {  	s19 =	sand.u32 $0x7, s21;
	s17 =	sand.u32 $0x1FFF8, s18  }
0x4ba: {  	s17 =	sor.u32 s19, s17;
	[tilespmem:s0+$0x1AAE0] =	vst v7  }
0x4bb: {  	(v2sf) =	vpush v4, $0xC;
	v7 =	vld [tilespmem:s17+$0x0];
	_ =	sdelay $0x2  }
0x4bc: {  	s16 =	sadd.s32 $0x20, s22  }
0x4bd: {  	s16 =	sand.u32 $0x1FFF8, s16  }
0x4be: {  	s16 =	sor.u32 s19, s16;
	[tilespmem:s0+$0x1AAF0] =	vst v7  }
0x4bf: {  	v7 =	vld [tilespmem:s16+$0x0];
	_ =	sdelay $0x4  }
0x4c0: {  	s20 =	spop (v2sf);
	s15 =	sshrl.u32 s21, $0x10;
	[tilespmem:s0+$0x1AB00] =	vst v7  }
0x4c1: {  	s17 =	sand.u32 $0xFFFF, s20;
	v7 =	vld [tilespmem:s15+$0xC030]  }
0x4c2: {  	v41 =	vld [tilespmem:s17+$0xC030]  }
0x4c3: {  	s16 =	sshrl.u32 s20, $0x10  }
0x4c4: {  	s18 =	spop (v2sf);
	v42 =	vld [tilespmem:s16+$0xC030]  }
0x4c5: {  	s19 =	sand.u32 $0xFFFF, s18  }
0x4c6: {  	v43 =	vld [tilespmem:s19+$0xC030]  }
0x4c7: {  	v7 =	vadd.f32 v41, v7;
	_ =	sdelay $0x1  }
0x4c8: {  	v7 =	vadd.f32 v42, v7;
	_ =	sdelay $0x1  }
0x4c9: {  	s21 =	sadd.s32 $0x10, s15;
	v7 =	vadd.f32 v43, v7  }
0x4ca: {  	s20 =	sand.u32 $0x1FFF8, s21;
	s15 =	sand.u32 $0x7, s15  }
0x4cb: {  	s15 =	sor.u32 s15, s20;
	[tilespmem:s0+$0x1AB10] =	vst v7  }
0x4cc: {  	s22 =	sadd.s32 $0x10, s16;
	v7 =	vld [tilespmem:s15+$0xC030]  }
0x4cd: {  	s16 =	sand.u32 $0x7, s16;
	v44 =	vld [tilespmem:s17+$0xC040];
	s15 =	sand.u32 $0x1FFF8, s22  }
0x4ce: {  	(v2sf) =	vpush v3, $0xC;
	s15 =	sor.u32 s16, s15  }
0x4cf: {  	v45 =	vld [tilespmem:s15+$0xC030];
	_ =	sdelay $0x1  }
0x4d0: {  	v46 =	vld [tilespmem:s19+$0xC040]  }
0x4d1: {  	v7 =	vadd.f32 v44, v7;
	_ =	sdelay $0x1  }
0x4d2: {  	v7 =	vadd.f32 v45, v7;
	_ =	sdelay $0x1  }
0x4d3: {  	v7 =	vadd.f32 v46, v7;
	_ =	sdelay $0x1  }
0x4d4: {  	s18 =	sshrl.u32 s18, $0x10;
	[tilespmem:s0+$0x1AB20] =	vst v7  }
0x4d5: {  	v7 =	vld [tilespmem:s18+$0x13350]  }
0x4d6: {  	(v2sf) =	vpush v6, $0xD;
	_ =	sdelay $0x2  }
0x4d7: {  	s19 =	spop (v2sf)  }
0x4d8: {  	s20 =	sand.u32 $0xFFFF, s19;
	[tilespmem:s0+$0x1AB28] =	vst v7  }
0x4d9: {  	v7 =	vld [tilespmem:s20+$0x146B0];
	_ =	sdelay $0x4  }
0x4da: {  	s15 =	sshrl.u32 s19, $0x10;
	[tilespmem:s0+$0x1AB38] =	vst v7  }
0x4db: {  	v7 =	vld [tilespmem:s15+$0x191B0];
	_ =	sdelay $0x3  }
0x4dc: {  	s21 =	spop (v2sf)  }
0x4dd: {  	s22 =	sand.u32 $0xFFFF, s21;
	[tilespmem:s0+$0x1AB48] =	vst v7  }
0x4de: {  	v7 =	vld [tilespmem:s22+$0x0];
	_ =	sdelay $0x1  }
0x4df: {  	(v2sf) =	vpush v5, $0xD  }
0x4e0: {  	s18 =	sadd.s32 $0x10, s22  }
0x4e1: {  	s19 =	sand.u32 $0x7, s21;
	s17 =	sand.u32 $0x1FFF8, s18  }
0x4e2: {  	s17 =	sor.u32 s19, s17;
	[tilespmem:s0+$0x1AB60] =	vst v7  }
0x4e3: {  	(v2sf) =	vpush v4, $0xD;
	v7 =	vld [tilespmem:s17+$0x0];
	_ =	sdelay $0x2  }
0x4e4: {  	s16 =	sadd.s32 $0x20, s22  }
0x4e5: {  	s16 =	sand.u32 $0x1FFF8, s16  }
0x4e6: {  	s16 =	sor.u32 s19, s16;
	[tilespmem:s0+$0x1AB70] =	vst v7  }
0x4e7: {  	v7 =	vld [tilespmem:s16+$0x0];
	_ =	sdelay $0x4  }
0x4e8: {  	s20 =	spop (v2sf);
	s15 =	sshrl.u32 s21, $0x10;
	[tilespmem:s0+$0x1AB80] =	vst v7  }
0x4e9: {  	s17 =	sand.u32 $0xFFFF, s20;
	v7 =	vld [tilespmem:s15+$0xC030]  }
0x4ea: {  	v47 =	vld [tilespmem:s17+$0xC030]  }
0x4eb: {  	s16 =	sshrl.u32 s20, $0x10  }
0x4ec: {  	s18 =	spop (v2sf);
	v48 =	vld [tilespmem:s16+$0xC030]  }
0x4ed: {  	s19 =	sand.u32 $0xFFFF, s18  }
0x4ee: {  	v49 =	vld [tilespmem:s19+$0xC030]  }
0x4ef: {  	v7 =	vadd.f32 v47, v7;
	_ =	sdelay $0x1  }
0x4f0: {  	v7 =	vadd.f32 v48, v7;
	_ =	sdelay $0x1  }
0x4f1: {  	s21 =	sadd.s32 $0x10, s15;
	v7 =	vadd.f32 v49, v7  }
0x4f2: {  	s20 =	sand.u32 $0x1FFF8, s21;
	s15 =	sand.u32 $0x7, s15  }
0x4f3: {  	s15 =	sor.u32 s15, s20;
	[tilespmem:s0+$0x1AB90] =	vst v7  }
0x4f4: {  	s22 =	sadd.s32 $0x10, s16;
	v7 =	vld [tilespmem:s15+$0xC030]  }
0x4f5: {  	s16 =	sand.u32 $0x7, s16;
	v50 =	vld [tilespmem:s17+$0xC040];
	s15 =	sand.u32 $0x1FFF8, s22  }
0x4f6: {  	(v2sf) =	vpush v3, $0xD;
	s15 =	sor.u32 s16, s15  }
0x4f7: {  	v51 =	vld [tilespmem:s15+$0xC030];
	_ =	sdelay $0x1  }
0x4f8: {  	v52 =	vld [tilespmem:s19+$0xC040]  }
0x4f9: {  	v7 =	vadd.f32 v50, v7;
	_ =	sdelay $0x1  }
0x4fa: {  	v7 =	vadd.f32 v51, v7;
	_ =	sdelay $0x1  }
0x4fb: {  	v7 =	vadd.f32 v52, v7;
	_ =	sdelay $0x1  }
0x4fc: {  	s18 =	sshrl.u32 s18, $0x10;
	[tilespmem:s0+$0x1ABA0] =	vst v7  }
0x4fd: {  	v7 =	vld [tilespmem:s18+$0x13350]  }
0x4fe: {  	(v2sf) =	vpush v6, $0xE;
	_ =	sdelay $0x2  }
0x4ff: {  	s19 =	spop (v2sf)  }
0x500: {  	s20 =	sand.u32 $0xFFFF, s19;
	[tilespmem:s0+$0x1ABA8] =	vst v7  }
0x501: {  	v7 =	vld [tilespmem:s20+$0x146B0];
	_ =	sdelay $0x4  }
0x502: {  	s15 =	sshrl.u32 s19, $0x10;
	[tilespmem:s0+$0x1ABB8] =	vst v7  }
0x503: {  	v7 =	vld [tilespmem:s15+$0x191B0];
	_ =	sdelay $0x3  }
0x504: {  	s21 =	spop (v2sf)  }
0x505: {  	s22 =	sand.u32 $0xFFFF, s21;
	[tilespmem:s0+$0x1ABC8] =	vst v7  }
0x506: {  	v7 =	vld [tilespmem:s22+$0x0];
	_ =	sdelay $0x1  }
0x507: {  	(v2sf) =	vpush v5, $0xE  }
0x508: {  	s18 =	sadd.s32 $0x10, s22  }
0x509: {  	s19 =	sand.u32 $0x7, s21;
	s17 =	sand.u32 $0x1FFF8, s18  }
0x50a: {  	s17 =	sor.u32 s19, s17;
	[tilespmem:s0+$0x1ABE0] =	vst v7  }
0x50b: {  	(v2sf) =	vpush v4, $0xE;
	v7 =	vld [tilespmem:s17+$0x0];
	_ =	sdelay $0x2  }
0x50c: {  	s16 =	sadd.s32 $0x20, s22  }
0x50d: {  	s16 =	sand.u32 $0x1FFF8, s16  }
0x50e: {  	s16 =	sor.u32 s19, s16;
	[tilespmem:s0+$0x1ABF0] =	vst v7  }
0x50f: {  	v7 =	vld [tilespmem:s16+$0x0];
	_ =	sdelay $0x4  }
0x510: {  	s20 =	spop (v2sf);
	s15 =	sshrl.u32 s21, $0x10;
	[tilespmem:s0+$0x1AC00] =	vst v7  }
0x511: {  	s17 =	sand.u32 $0xFFFF, s20;
	v7 =	vld [tilespmem:s15+$0xC030]  }
0x512: {  	v53 =	vld [tilespmem:s17+$0xC030]  }
0x513: {  	s16 =	sshrl.u32 s20, $0x10  }
0x514: {  	s18 =	spop (v2sf);
	v54 =	vld [tilespmem:s16+$0xC030]  }
0x515: {  	s19 =	sand.u32 $0xFFFF, s18  }
0x516: {  	v55 =	vld [tilespmem:s19+$0xC030]  }
0x517: {  	v7 =	vadd.f32 v53, v7;
	_ =	sdelay $0x1  }
0x518: {  	v7 =	vadd.f32 v54, v7;
	_ =	sdelay $0x1  }
0x519: {  	s21 =	sadd.s32 $0x10, s15;
	v7 =	vadd.f32 v55, v7  }
0x51a: {  	s20 =	sand.u32 $0x1FFF8, s21;
	s15 =	sand.u32 $0x7, s15  }
0x51b: {  	s15 =	sor.u32 s15, s20;
	[tilespmem:s0+$0x1AC10] =	vst v7  }
0x51c: {  	s22 =	sadd.s32 $0x10, s16;
	v7 =	vld [tilespmem:s15+$0xC030]  }
0x51d: {  	s16 =	sand.u32 $0x7, s16;
	v56 =	vld [tilespmem:s17+$0xC040];
	s15 =	sand.u32 $0x1FFF8, s22  }
0x51e: {  	(v2sf) =	vpush v3, $0xE;
	s15 =	sor.u32 s16, s15  }
0x51f: {  	v57 =	vld [tilespmem:s15+$0xC030];
	_ =	sdelay $0x1  }
0x520: {  	v58 =	vld [tilespmem:s19+$0xC040]  }
0x521: {  	v7 =	vadd.f32 v56, v7;
	_ =	sdelay $0x1  }
0x522: {  	v7 =	vadd.f32 v57, v7;
	_ =	sdelay $0x1  }
0x523: {  	v7 =	vadd.f32 v58, v7;
	_ =	sdelay $0x1  }
0x524: {  	s18 =	sshrl.u32 s18, $0x10;
	[tilespmem:s0+$0x1AC20] =	vst v7  }
0x525: {  	v7 =	vld [tilespmem:s18+$0x13350]  }
0x526: {  	(v2sf) =	vpush v6, $0xF;
	_ =	sdelay $0x2  }
0x527: {  	s19 =	spop (v2sf)  }
0x528: {  	s20 =	sand.u32 $0xFFFF, s19;
	[tilespmem:s0+$0x1AC28] =	vst v7  }
0x529: {  	v59 =	vld [tilespmem:s20+$0x146B0];
	_ =	sdelay $0x4  }
0x52a: {  	s15 =	sshrl.u32 s19, $0x10;
	[tilespmem:s0+$0x1AC38] =	vst v59  }
0x52b: {  	v6 =	vld [tilespmem:s15+$0x191B0];
	_ =	sdelay $0x3  }
0x52c: {  	s21 =	spop (v2sf)  }
0x52d: {  	s22 =	sand.u32 $0xFFFF, s21;
	[tilespmem:s0+$0x1AC48] =	vst v6  }
0x52e: {  	v6 =	vld [tilespmem:s22+$0x0];
	_ =	sdelay $0x1  }
0x52f: {  	(v2sf) =	vpush v5, $0xF  }
0x530: {  	s18 =	sadd.s32 $0x10, s22  }
0x531: {  	s19 =	sand.u32 $0x7, s21;
	s17 =	sand.u32 $0x1FFF8, s18  }
0x532: {  	s17 =	sor.u32 s19, s17;
	[tilespmem:s0+$0x1AC60] =	vst v6  }
0x533: {  	(v2sf) =	vpush v4, $0xF;
	v60 =	vld [tilespmem:s17+$0x0];
	_ =	sdelay $0x2  }
0x534: {  	s16 =	sadd.s32 $0x20, s22  }
0x535: {  	s16 =	sand.u32 $0x1FFF8, s16  }
0x536: {  	s16 =	sor.u32 s19, s16;
	[tilespmem:s0+$0x1AC70] =	vst v60  }
0x537: {  	v4 =	vld [tilespmem:s16+$0x0];
	_ =	sdelay $0x4  }
0x538: {  	s20 =	spop (v2sf);
	s15 =	sshrl.u32 s21, $0x10;
	[tilespmem:s0+$0x1AC80] =	vst v4  }
0x539: {  	s17 =	sand.u32 $0xFFFF, s20;
	v4 =	vld [tilespmem:s15+$0xC030]  }
0x53a: {  	v61 =	vld [tilespmem:s17+$0xC030]  }
0x53b: {  	s16 =	sshrl.u32 s20, $0x10  }
0x53c: {  	s18 =	spop (v2sf);
	v6 =	vld [tilespmem:s16+$0xC030]  }
0x53d: {  	s19 =	sand.u32 $0xFFFF, s18  }
0x53e: {  	v7 =	vld [tilespmem:s19+$0xC030]  }
0x53f: {  	v4 =	vadd.f32 v61, v4;
	_ =	sdelay $0x1  }
0x540: {  	v4 =	vadd.f32 v6, v4;
	_ =	sdelay $0x1  }
0x541: {  	s21 =	sadd.s32 $0x10, s15;
	v4 =	vadd.f32 v7, v4  }
0x542: {  	s20 =	sand.u32 $0x1FFF8, s21;
	s15 =	sand.u32 $0x7, s15  }
0x543: {  	s15 =	sor.u32 s15, s20;
	[tilespmem:s0+$0x1AC90] =	vst v4  }
0x544: {  	s22 =	sadd.s32 $0x10, s16;
	v4 =	vld [tilespmem:s15+$0xC030]  }
0x545: {  	s16 =	sand.u32 $0x7, s16;
	v62 =	vld [tilespmem:s17+$0xC040];
	s15 =	sand.u32 $0x1FFF8, s22  }
0x546: {  	(v2sf) =	vpush v3, $0xF;
	s15 =	sor.u32 s16, s15  }
0x547: {  	v3 =	vld [tilespmem:s15+$0xC030];
	_ =	sdelay $0x1  }
0x548: {  	v63 =	vld [tilespmem:s19+$0xC040]  }
0x549: {  	v4 =	vadd.f32 v62, v4;
	_ =	sdelay $0x1  }
0x54a: {  	v3 =	vadd.f32 v3, v4;
	_ =	sdelay $0x1  }
0x54b: {  	v3 =	vadd.f32 v63, v3;
	_ =	sdelay $0x1  }
0x54c: {  	s19 =	sshrl.u32 s18, $0x10;
	[tilespmem:s0+$0x1ACA0] =	vst v3  }
0x54d: {  	v3 =	vld [tilespmem:s19+$0x13350];
	_ =	sdelay $0x3  }
0x54e: {  	s20 =	spop (v2sf)  }
0x54f: {  	s21 =	sand.u32 $0xFFFF, s20;
	[tilespmem:s0+$0x1ACA8] =	vst v3  }
0x550: {  	v3 =	vld [tilespmem:s21+$0x146B0];
	_ =	sdelay $0x4  }
0x551: {  	s15 =	sshrl.u32 s20, $0x10;
	[tilespmem:s0+$0x1ACB8] =	vst v3  }
0x552: {  	v3 =	vld [tilespmem:s15+$0x191B0]  }
0x553: {  	s31 =	sadd.s32 $0x80, s31  }
0x554: {  	p0 =	sne.s32 s31, $0x800  }
.Ltmp1:
0x555: {  	_ = 	snop;
	(pc) =	sbr.rel @p0 .LBB2_4-.Ltmp1, $4  }
0x556: {  	_ = 	snop  }
0x557: {  	s22 =	sadd.s32 $0x19CE0, s0;
	[tilespmem:s0+$0x1ACC8] =	vst v3  }
0x558: {  	[hbm4b:s30+s2] =	stream.linear.scatter [tilespmem:s22], [sflag:$0x2], $0x1000, $0x38;
	[tilespmem:$0x1BCE0] =	vst v63  }
0x559: {  	s1 =	sadd.s32 $0x1, s1;
	s29 =	sadd.s32 $0x1000, s29;
	s30 =	sadd.s32 $0x200, s30  }
0x55a: {  	s28 =	sadd.s32 $0x1, s28  }
0x55b: {  	_ =	swait.ge [sflag:s26], $0x1000;
	p0 =	sne.s32 s28, s13  }
.Ltmp2:
0x55c: {  	[sflag:s26] =	ssyncset.done $0x0;
	(pc) =	sbr.rel @p0 .LBB2_1-.Ltmp2, $4  }
0x55d: {  	[sflag:s26] =	ssyncadd.s32 $0xFFFFF000  }
0x55e: {  	_ =	swait.ge [sflag:s26], $0x1000  }
0x55f: {  	[sflag:s26] =	ssyncset.done $0x0  }
0x560: {  	[sflag:s26] =	ssyncadd.s32 $0xFFFFF000  }
0x561: {  	_ =	sfence.sel $0x180000  }
0x562: {  	[bflag:$0x0] =	sbarrier.arrive $0xFFFF  }
0x563: {  	_ =	strace $0x90000047  }
0x564: {  	s0 =	stileid.u32;
	[bflag:$0x2] =	sbarrier.arrive $0xFFFF  }
0x565: {  	p0 =	sne.s32 s0, $0x0;
	s0 =	rddreg [dreg:$0x2]  }
0x566: {  	s0 =	sadd.s32 @!p0 $0x100000, s0  }
0x567: {  	[sflag:s0] =	ssyncadd.tile.s32 @!p0 $0x1;
	_ =	shalt  }
.Lfunc_end2:
_tile_overlayer_lowered:
.L_overlay_start_2:
0x568: {  	(tag) =	ssettag $0x2  }
0x569: {  	s0 =	rddreg [dreg:$0x0];
	s2 =	stileid.u32  }
0x56a: {  	s1 =	rddreg [dreg:$0x1];
	p0 =	sne.s32 s2, $0x0  }
0x56b: {  	s3 =	rddreg [dreg:$0x2];
	[bflag:$0x3] =	sbarrier.arrive $0xFFFF;
	s2 =	simm.s32 @!p0 $0x1C03  }
0x56c: {  	[timem:s3], [sflag:s2] =	dma.local @!p0 [hbm:s0], s1  }
0x56d: {  	s0 =	simm.s32 @!p0 $0x3  }
0x56e: {  	_ =	swait.ge @!p0 [sflag:s0], s1  }
0x56f: {  	s1 =	ssub.s32 @!p0 $0x0, s1;
	[sflag:s0] =	ssyncset.done @!p0 $0x0  }
0x570: {  	[sflag:s0] =	ssyncadd.s32 @!p0 s1  }
0x571: {  	[bflag:$0x3] =	sbarrier.arrive $0xFFFF  }
0x572: {  	_ =	shalt  }

</sc_bundles>
